<compile_context>
chip_gen: v7x
topology: tpu7x:2x2x1
jax: 0.10.2.dev20260603
libtpu: 0.0.44.dev20260713+nightly
codegen_flags: <defaults>
</compile_context>

<pallas_src>
import functools

import jax
import jax.numpy as jnp
from jax import lax
from jax.experimental import pallas as pl
from jax.experimental.pallas import tpu as pltpu, tpu_sc as plsc

N_STATES_TOTAL = 1000000
N_ACTIONS = 16
Y_DIM = 32
BATCH = 16384

_CHUNK = 512
_MAIN_STATES = (N_STATES_TOTAL // _CHUNK) * _CHUNK
_N_CHUNKS = _MAIN_STATES // _CHUNK
_TAIL = N_STATES_TOTAL - _MAIN_STATES

_info = plsc.get_sparse_core_info()
_NC, _NS = _info.num_cores, _info.num_subcores
_NW = _NC * _NS
_BASE_CHUNKS = _N_CHUNKS // _NW
_EXTRA = _N_CHUNKS - _BASE_CHUNKS * _NW

_POS_BITS = 14
_RING = 4
_IDXBUF = 2048

_mesh = plsc.VectorSubcoreMesh(core_axis_name="c", subcore_axis_name="s")


@functools.partial(
    pl.kernel,
    mesh=_mesh,
    compiler_params=pltpu.CompilerParams(needs_layout_passes=False),
    out_type=jax.ShapeDtypeStruct((BATCH + 16, 128), jnp.float32),
    scratch_types=[
        pltpu.VMEM((_IDXBUF,), jnp.int32),
        pltpu.VMEM((BATCH + 16,), jnp.int32),
        pltpu.VMEM((BATCH + 16,), jnp.int32),
        pltpu.VMEM((3, N_ACTIONS, _CHUNK), jnp.float32),
        pltpu.VMEM((3, Y_DIM, _CHUNK), jnp.float32),
        pltpu.VMEM((N_ACTIONS, 128), jnp.float32),
        pltpu.VMEM((Y_DIM, 128), jnp.float32),
        pltpu.VMEM((_RING, 16, 128), jnp.float32),
        pltpu.VMEM((16,), jnp.int32),
        pltpu.SemaphoreType.DMA,
        pltpu.SemaphoreType.DMA,
        pltpu.SemaphoreType.DMA,
    ],
)
def _scan_gather(state_hbm, pol_t, y_t, tail_pol, tail_y, big_out,
                 idx_v, cap_v, sel_v, pbuf, ybuf, tpbuf, tybuf, ring,
                 cnt_ref, sem_p, sem_y, sem_s):
    wid = lax.axis_index("s") * _NC + lax.axis_index("c")
    lo_chunk = wid * _BASE_CHUNKS + jnp.minimum(wid, _EXTRA)
    n_chunks = _BASE_CHUNKS + jnp.where(wid < _EXTRA, 1, 0)
    hi_chunk = lo_chunk + n_chunks
    lo_state = lo_chunk * _CHUNK
    hi_state = jnp.where(wid == _NW - 1, N_STATES_TOTAL, hi_chunk * _CHUNK)
    tail_lo_local = _MAIN_STATES - lo_state

    def pol_dma(c, p):
        return pltpu.make_async_copy(
            pol_t.at[:, pl.ds(c * _CHUNK, _CHUNK)], pbuf.at[p], sem_p)

    def y_dma(c, p):
        return pltpu.make_async_copy(
            y_t.at[:, pl.ds(c * _CHUNK, _CHUNK)], ybuf.at[p], sem_y)

    pol_dma(lo_chunk, 0).start()
    y_dma(lo_chunk, 0).start()
    pol_dma(lo_chunk + 1, 1).start()
    y_dma(lo_chunk + 1, 1).start()

    pltpu.sync_copy(tail_pol, tpbuf)
    pltpu.sync_copy(tail_y, tybuf)

    lanes = lax.iota(jnp.int32, 16)

    cnt_ref[...] = jnp.zeros((16,), jnp.int32)

    def scan_piece(piece, carry):
        pltpu.sync_copy(state_hbm.at[pl.ds(piece * _IDXBUF, _IDXBUF)], idx_v)

        def scan_body(g, c):
            v = idx_v[pl.ds(g * 16, 16)]
            m = (v >= lo_state) & (v < hi_state)
            packed = (((v - lo_state) << _POS_BITS)
                      | (piece * _IDXBUF + g * 16 + lanes))
            mi = jnp.where(m, 1, 0)
            cv = cnt_ref[...]
            plsc.store_scatter(cap_v, [cv + plsc.cumsum(mi) - 1], packed,
                               mask=m)
            cnt_ref[...] = cv + jnp.sum(mi)
            return c

        return lax.fori_loop(0, _IDXBUF // 16, scan_body, carry)

    lax.fori_loop(0, BATCH // _IDXBUF, scan_piece, 0)
    cnt = cnt_ref[...][0]
    n_groups = (cnt + 15) >> 4

    def gather_emit(g2, fired, sel_cnt, chunk_lo, pol_src, y_src):
        u = sel_v[pl.ds(g2 * 16, 16)]
        m = (g2 * 16 + lanes) < sel_cnt
        lc = jnp.where(m, (u >> _POS_BITS) - chunk_lo, 0)
        pos = jnp.where(m, u & (BATCH - 1), BATCH + lanes)
        slot = lax.rem(fired, _RING)

        @pl.when(fired >= _RING)
        def _():
            pltpu.make_async_copy(
                big_out.at[pl.ds(0, 16)], ring.at[slot], sem_s).wait()

        for a in range(N_ACTIONS):
            v = plsc.load_gather(
                pol_src, [jnp.full((16,), a, jnp.int32), lc], mask=m)
            plsc.store_scatter(
                ring.at[slot], [lanes, jnp.full((16,), a, jnp.int32)], v,
                mask=m)
        for a in range(Y_DIM):
            v = plsc.load_gather(
                y_src, [jnp.full((16,), a, jnp.int32), lc], mask=m)
            plsc.store_scatter(
                ring.at[slot], [lanes, jnp.full((16,), N_ACTIONS + a,
                                                jnp.int32)], v, mask=m)
        pltpu.async_copy(ring.at[slot], big_out.at[pos], sem_s)
        return fired + 1

    def chunk_body(c, fired):
        p = lax.rem(c - lo_chunk, 3)
        pol_dma(c, p).wait()
        y_dma(c, p).wait()

        @pl.when(c + 2 < hi_chunk)
        def _():
            p2 = lax.rem(c + 2 - lo_chunk, 3)
            pol_dma(c + 2, p2).start()
            y_dma(c + 2, p2).start()

        chunk_lo = (c - lo_chunk) * _CHUNK

        cnt_ref[...] = jnp.zeros((16,), jnp.int32)

        def compact_body(g, cc):
            u = cap_v[pl.ds(g * 16, 16)]
            lc = (u >> _POS_BITS) - chunk_lo
            m = ((g * 16 + lanes) < cnt) & (lc >= 0) & (lc < _CHUNK)
            mi = jnp.where(m, 1, 0)
            sv = cnt_ref[...]
            plsc.store_scatter(sel_v, [sv + plsc.cumsum(mi) - 1], u, mask=m)
            cnt_ref[...] = sv + jnp.sum(mi)
            return cc

        lax.fori_loop(0, n_groups, compact_body, 0)
        sel_cnt = cnt_ref[...][0]
        ns = (sel_cnt + 15) >> 4

        def g2_body(g2, f):
            return gather_emit(g2, f, sel_cnt, chunk_lo, pbuf.at[p],
                               ybuf.at[p])

        return lax.fori_loop(0, ns, g2_body, fired)

    fired = lax.fori_loop(lo_chunk, hi_chunk, chunk_body, jnp.int32(0))

    cnt_ref[...] = jnp.zeros((16,), jnp.int32)

    def tail_compact(g, cc):
        u = cap_v[pl.ds(g * 16, 16)]
        lc = (u >> _POS_BITS) - tail_lo_local
        m = ((g * 16 + lanes) < cnt) & (lc >= 0)
        mi = jnp.where(m, 1, 0)
        sv = cnt_ref[...]
        plsc.store_scatter(sel_v, [sv + plsc.cumsum(mi) - 1], u, mask=m)
        cnt_ref[...] = sv + jnp.sum(mi)
        return cc

    lax.fori_loop(0, n_groups, tail_compact, 0)
    tail_cnt = cnt_ref[...][0]
    tail_ns = (tail_cnt + 15) >> 4

    def tail_g2(g2, f):
        return gather_emit(g2, f, tail_cnt, tail_lo_local, tpbuf, tybuf)

    fired = lax.fori_loop(0, tail_ns, tail_g2, fired)

    def drain_body(i, _):
        pltpu.make_async_copy(
            big_out.at[pl.ds(0, 16)], ring.at[lax.rem(i, _RING)], sem_s).wait()
        return 0

    lax.fori_loop(0, jnp.minimum(fired, _RING), drain_body, 0)


def kernel(state, policy, y):
    tail_pol = jnp.pad(policy[_MAIN_STATES:], ((0, 128 - _TAIL), (0, 0))).T
    tail_y = jnp.pad(y[_MAIN_STATES:], ((0, 128 - _TAIL), (0, 0))).T
    big = _scan_gather(state, policy.T, y.T, tail_pol, tail_y)
    return big[:BATCH, :N_ACTIONS], big[:BATCH, N_ACTIONS:N_ACTIONS + Y_DIM]

# --- scband reference (transcript-rebuilt; emitter-appended) ---
"""Pipeline reference for scband-tabular-30434138260089 (READ-ONLY COPY).

The authoritative reference and input builder live on the scoring server;
editing this copy changes nothing except your own understanding.
"""

import jax, jax.numpy as jnp
import numpy as np

N_STATES = 1000000
N_ACTIONS = 16
Y_DIM = 32
BATCH = 16384


def setup_inputs(seed: int = 0) -> dict:
    key = jax.random.key(seed)
    k1, k2, k3 = jax.random.split(key, 3)
    policy = jax.random.normal(k1, (N_STATES, N_ACTIONS), dtype=jnp.float32)
    y = jax.random.normal(k2, (N_STATES, Y_DIM), dtype=jnp.float32)
    state = jax.random.randint(k3, (BATCH,), 0, N_STATES, dtype=jnp.int32)
    return {"state": state, "policy": policy, "y": y}


def reference(state, policy, y):
    # torch.index_select(self.policy, 0, state) -> row gather
    pol_sel = jnp.take(policy, state, axis=0)
    y_sel = jnp.take(y, state, axis=0)
    return (pol_sel, y_sel)

if __name__ == "__main__":
    import jax
    _d = setup_inputs()
    print(jax.jit(kernel)(*tuple(_d.values())))

</pallas_src>

<mosaic_0001>
#map = affine_map<(d0, d1) -> (0)>
#map1 = affine_map<(d0, d1) -> (0, 0)>
module attributes {stable_mosaic.version = 14 : i64} {
  func.func @_scan_gather(%arg0: i32, %arg1: i32, %arg2: memref<16384xi32, #tpu.memory_space<hbm>>, %arg3: memref<16x1000000xf32, #tpu.memory_space<hbm>>, %arg4: memref<32x1000000xf32, #tpu.memory_space<hbm>>, %arg5: memref<16x128xf32, #tpu.memory_space<hbm>>, %arg6: memref<32x128xf32, #tpu.memory_space<hbm>>, %arg7: memref<16400x128xf32, #tpu.memory_space<hbm>>, %arg8: memref<2048xi32, #tpu.memory_space<vmem>>, %arg9: memref<16400xi32, #tpu.memory_space<vmem>>, %arg10: memref<16400xi32, #tpu.memory_space<vmem>>, %arg11: memref<3x16x512xf32, #tpu.memory_space<vmem>>, %arg12: memref<3x32x512xf32, #tpu.memory_space<vmem>>, %arg13: memref<16x128xf32, #tpu.memory_space<vmem>>, %arg14: memref<32x128xf32, #tpu.memory_space<vmem>>, %arg15: memref<4x16x128xf32, #tpu.memory_space<vmem>>, %arg16: memref<16xi32, #tpu.memory_space<vmem>>, %arg17: memref<!tpu.dma_semaphore, #tpu.memory_space<semaphore_mem>>, %arg18: memref<!tpu.dma_semaphore, #tpu.memory_space<semaphore_mem>>, %arg19: memref<!tpu.dma_semaphore, #tpu.memory_space<semaphore_mem>>) attributes {dimension_semantics = [#tpu.dimension_semantics<core_parallel>, #tpu.dimension_semantics<subcore_parallel>], iteration_bounds = array<i64: 2, 16>, scalar_prefetch = 0 : i64, scratch_operands = 12 : i64, tpu.core_type = #tpu.core_type<sc_vector_subcore>, window_params = [{transform_indices = #map}, {transform_indices = #map1}, {transform_indices = #map1}, {transform_indices = #map1}, {transform_indices = #map1}, {transform_indices = #map1}]} {
    %mul3A = arith.constant 2 : i32
    %mul3A_0 = arith.muli %arg1, %mul3A : i32
    %add3A = arith.addi %mul3A_0, %arg0 : i32
    %mul3A_1 = arith.constant 61 : i32
    %mul3A_2 = arith.muli %add3A, %mul3A_1 : i32
    %min3A = arith.constant 1 : i32
    %min3A_3 = arith.minsi %add3A, %min3A : i32
    %add3A_4 = arith.addi %mul3A_2, %min3A_3 : i32
    %lt3A = arith.constant 1 : i32
    %lt3A_5 = arith.cmpi slt, %add3A, %lt3A : i32
    %jit3A = arith.constant 1 : i32
    %jit3A_6 = arith.constant 0 : i32
    %select_n3A = arith.select %lt3A_5, %jit3A, %jit3A_6 : i32
    %add3A_7 = arith.constant 61 : i32
    %add3A_8 = arith.addi %add3A_7, %select_n3A : i32
    %add3A_9 = arith.addi %add3A_4, %add3A_8 : i32
    %mul3A_10 = arith.constant 512 : i32
    %mul3A_11 = arith.muli %add3A_4, %mul3A_10 : i32
    %eq3A = arith.constant 31 : i32
    %eq3A_12 = arith.cmpi eq, %add3A, %eq3A : i32
    %mul3A_13 = arith.constant 512 : i32
    %mul3A_14 = arith.muli %add3A_9, %mul3A_13 : i32
    %jit3A_15 = arith.constant 1000000 : i32
    %select_n3A_16 = arith.select %eq3A_12, %jit3A_15, %mul3A_14 : i32
    %sub3A = arith.constant 999936 : i32
    %sub3A_17 = arith.subi %sub3A, %mul3A_11 : i32
    %mul3A_18 = arith.constant 512 : i32
    %mul3A_19 = arith.muli %add3A_4, %mul3A_18 : i32
    %dma_start3A = arith.constant 0 : i32
    %dma_start3A_20 = arith.constant 0 : i32
    %dma_start3A_21 = arith.constant 0 : i32
    %dma_start3A_22 = tpu.memref_slice %arg11[%dma_start3A, %dma_start3A_20, %dma_start3A_21] : memref<3x16x512xf32, #tpu.memory_space<vmem>> -> memref<1x16x512xf32, #tpu.memory_space<vmem>>
    %dma_start3A_23 = tpu.memref_squeeze %dma_start3A_22 : memref<1x16x512xf32, #tpu.memory_space<vmem>> -> memref<16x512xf32, #tpu.memory_space<vmem>>
    %dma_start3A_24 = arith.constant 0 : i32
    %dma_start3A_25 = tpu.memref_slice %arg3[%dma_start3A_24, %mul3A_19] : memref<16x1000000xf32, #tpu.memory_space<hbm>> -> memref<16x512xf32, #tpu.memory_space<hbm>>
    %dma_start3A_26 = arith.constant 0 : i32
    %dma_start3A_27 = arith.constant 0 : i32
    %dma_start3A_28 = tpu.memref_slice %arg11[%dma_start3A, %dma_start3A_26, %dma_start3A_27] : memref<3x16x512xf32, #tpu.memory_space<vmem>> -> memref<1x16x512xf32, #tpu.memory_space<vmem>>
    %dma_start3A_29 = tpu.memref_squeeze %dma_start3A_28 : memref<1x16x512xf32, #tpu.memory_space<vmem>> -> memref<16x512xf32, #tpu.memory_space<vmem>>
    %dma_start3A_30 = arith.constant 0 : i32
    %dma_start3A_31 = tpu.memref_slice %arg3[%dma_start3A_30, %mul3A_19] : memref<16x1000000xf32, #tpu.memory_space<hbm>> -> memref<16x512xf32, #tpu.memory_space<hbm>>
    tpu.enqueue_dma source(%dma_start3A_31 : memref<16x512xf32, #tpu.memory_space<hbm>>) target(%dma_start3A_29 : memref<16x512xf32, #tpu.memory_space<vmem>>) target_semaphore(%arg17 : memref<!tpu.dma_semaphore, #tpu.memory_space<semaphore_mem>>)
    %mul3A_32 = arith.constant 512 : i32
    %mul3A_33 = arith.muli %add3A_4, %mul3A_32 : i32
    %dma_start3A_34 = arith.constant 0 : i32
    %dma_start3A_35 = arith.constant 0 : i32
    %dma_start3A_36 = arith.constant 0 : i32
    %dma_start3A_37 = tpu.memref_slice %arg12[%dma_start3A_34, %dma_start3A_35, %dma_start3A_36] : memref<3x32x512xf32, #tpu.memory_space<vmem>> -> memref<1x32x512xf32, #tpu.memory_space<vmem>>
    %dma_start3A_38 = tpu.memref_squeeze %dma_start3A_37 : memref<1x32x512xf32, #tpu.memory_space<vmem>> -> memref<32x512xf32, #tpu.memory_space<vmem>>
    %dma_start3A_39 = arith.constant 0 : i32
    %dma_start3A_40 = tpu.memref_slice %arg4[%dma_start3A_39, %mul3A_33] : memref<32x1000000xf32, #tpu.memory_space<hbm>> -> memref<32x512xf32, #tpu.memory_space<hbm>>
    %dma_start3A_41 = arith.constant 0 : i32
    %dma_start3A_42 = arith.constant 0 : i32
    %dma_start3A_43 = tpu.memref_slice %arg12[%dma_start3A_34, %dma_start3A_41, %dma_start3A_42] : memref<3x32x512xf32, #tpu.memory_space<vmem>> -> memref<1x32x512xf32, #tpu.memory_space<vmem>>
    %dma_start3A_44 = tpu.memref_squeeze %dma_start3A_43 : memref<1x32x512xf32, #tpu.memory_space<vmem>> -> memref<32x512xf32, #tpu.memory_space<vmem>>
    %dma_start3A_45 = arith.constant 0 : i32
    %dma_start3A_46 = tpu.memref_slice %arg4[%dma_start3A_45, %mul3A_33] : memref<32x1000000xf32, #tpu.memory_space<hbm>> -> memref<32x512xf32, #tpu.memory_space<hbm>>
    tpu.enqueue_dma source(%dma_start3A_46 : memref<32x512xf32, #tpu.memory_space<hbm>>) target(%dma_start3A_44 : memref<32x512xf32, #tpu.memory_space<vmem>>) target_semaphore(%arg18 : memref<!tpu.dma_semaphore, #tpu.memory_space<semaphore_mem>>)
    %add3A_47 = arith.constant 1 : i32
    %add3A_48 = arith.addi %add3A_4, %add3A_47 : i32
    %mul3A_49 = arith.constant 512 : i32
    %mul3A_50 = arith.muli %add3A_48, %mul3A_49 : i32
    %dma_start3A_51 = arith.constant 1 : i32
    %dma_start3A_52 = arith.constant 0 : i32
    %dma_start3A_53 = arith.constant 0 : i32
    %dma_start3A_54 = tpu.memref_slice %arg11[%dma_start3A_51, %dma_start3A_52, %dma_start3A_53] : memref<3x16x512xf32, #tpu.memory_space<vmem>> -> memref<1x16x512xf32, #tpu.memory_space<vmem>>
    %dma_start3A_55 = tpu.memref_squeeze %dma_start3A_54 : memref<1x16x512xf32, #tpu.memory_space<vmem>> -> memref<16x512xf32, #tpu.memory_space<vmem>>
    %dma_start3A_56 = arith.constant 0 : i32
    %dma_start3A_57 = tpu.memref_slice %arg3[%dma_start3A_56, %mul3A_50] : memref<16x1000000xf32, #tpu.memory_space<hbm>> -> memref<16x512xf32, #tpu.memory_space<hbm>>
    %dma_start3A_58 = arith.constant 0 : i32
    %dma_start3A_59 = arith.constant 0 : i32
    %dma_start3A_60 = tpu.memref_slice %arg11[%dma_start3A_51, %dma_start3A_58, %dma_start3A_59] : memref<3x16x512xf32, #tpu.memory_space<vmem>> -> memref<1x16x512xf32, #tpu.memory_space<vmem>>
    %dma_start3A_61 = tpu.memref_squeeze %dma_start3A_60 : memref<1x16x512xf32, #tpu.memory_space<vmem>> -> memref<16x512xf32, #tpu.memory_space<vmem>>
    %dma_start3A_62 = arith.constant 0 : i32
    %dma_start3A_63 = tpu.memref_slice %arg3[%dma_start3A_62, %mul3A_50] : memref<16x1000000xf32, #tpu.memory_space<hbm>> -> memref<16x512xf32, #tpu.memory_space<hbm>>
    tpu.enqueue_dma source(%dma_start3A_63 : memref<16x512xf32, #tpu.memory_space<hbm>>) target(%dma_start3A_61 : memref<16x512xf32, #tpu.memory_space<vmem>>) target_semaphore(%arg17 : memref<!tpu.dma_semaphore, #tpu.memory_space<semaphore_mem>>)
    %add3A_64 = arith.constant 1 : i32
    %add3A_65 = arith.addi %add3A_4, %add3A_64 : i32
    %mul3A_66 = arith.constant 512 : i32
    %mul3A_67 = arith.muli %add3A_65, %mul3A_66 : i32
    %dma_start3A_68 = arith.constant 1 : i32
    %dma_start3A_69 = arith.constant 0 : i32
    %dma_start3A_70 = arith.constant 0 : i32
    %dma_start3A_71 = tpu.memref_slice %arg12[%dma_start3A_68, %dma_start3A_69, %dma_start3A_70] : memref<3x32x512xf32, #tpu.memory_space<vmem>> -> memref<1x32x512xf32, #tpu.memory_space<vmem>>
    %dma_start3A_72 = tpu.memref_squeeze %dma_start3A_71 : memref<1x32x512xf32, #tpu.memory_space<vmem>> -> memref<32x512xf32, #tpu.memory_space<vmem>>
    %dma_start3A_73 = arith.constant 0 : i32
    %dma_start3A_74 = tpu.memref_slice %arg4[%dma_start3A_73, %mul3A_67] : memref<32x1000000xf32, #tpu.memory_space<hbm>> -> memref<32x512xf32, #tpu.memory_space<hbm>>
    %dma_start3A_75 = arith.constant 0 : i32
    %dma_start3A_76 = arith.constant 0 : i32
    %dma_start3A_77 = tpu.memref_slice %arg12[%dma_start3A_68, %dma_start3A_75, %dma_start3A_76] : memref<3x32x512xf32, #tpu.memory_space<vmem>> -> memref<1x32x512xf32, #tpu.memory_space<vmem>>
    %dma_start3A_78 = tpu.memref_squeeze %dma_start3A_77 : memref<1x32x512xf32, #tpu.memory_space<vmem>> -> memref<32x512xf32, #tpu.memory_space<vmem>>
    %dma_start3A_79 = arith.constant 0 : i32
    %dma_start3A_80 = tpu.memref_slice %arg4[%dma_start3A_79, %mul3A_67] : memref<32x1000000xf32, #tpu.memory_space<hbm>> -> memref<32x512xf32, #tpu.memory_space<hbm>>
    tpu.enqueue_dma source(%dma_start3A_80 : memref<32x512xf32, #tpu.memory_space<hbm>>) target(%dma_start3A_78 : memref<32x512xf32, #tpu.memory_space<vmem>>) target_semaphore(%arg18 : memref<!tpu.dma_semaphore, #tpu.memory_space<semaphore_mem>>)
    "tpu.region"() ({
      %run_scoped3A = tpu.sem_alloc : memref<!tpu.dma_semaphore, #tpu.memory_space<semaphore_mem>>
      tpu.enqueue_dma source(%arg5 : memref<16x128xf32, #tpu.memory_space<hbm>>) target(%arg13 : memref<16x128xf32, #tpu.memory_space<vmem>>) target_semaphore(%run_scoped3A : memref<!tpu.dma_semaphore, #tpu.memory_space<semaphore_mem>>)
      tpu.wait_dma2 semaphore(%run_scoped3A : memref<!tpu.dma_semaphore, #tpu.memory_space<semaphore_mem>>) src(%arg5 : memref<16x128xf32, #tpu.memory_space<hbm>>) dst(%arg13 : memref<16x128xf32, #tpu.memory_space<vmem>>)
      tpu.yield
    }) : () -> ()
    "tpu.region"() ({
      %run_scoped3A = tpu.sem_alloc : memref<!tpu.dma_semaphore, #tpu.memory_space<semaphore_mem>>
      tpu.enqueue_dma source(%arg6 : memref<32x128xf32, #tpu.memory_space<hbm>>) target(%arg14 : memref<32x128xf32, #tpu.memory_space<vmem>>) target_semaphore(%run_scoped3A : memref<!tpu.dma_semaphore, #tpu.memory_space<semaphore_mem>>)
      tpu.wait_dma2 semaphore(%run_scoped3A : memref<!tpu.dma_semaphore, #tpu.memory_space<semaphore_mem>>) src(%arg6 : memref<32x128xf32, #tpu.memory_space<hbm>>) dst(%arg14 : memref<32x128xf32, #tpu.memory_space<vmem>>)
      tpu.yield
    }) : () -> ()
    %iota3A = tpu.iota {dimensions = array<i32: 0>} : vector<16xi32>
    %broadcast_in_dim3A = arith.constant 0 : i32
    %broadcast_in_dim3A_81 = vector.broadcast %broadcast_in_dim3A : i32 to vector<16xi32>
    %swap3A = arith.constant 0 : index
    %swap3A_82 = tpu.vector_load %arg16[%swap3A] {strides = array<i32>} : memref<16xi32, #tpu.memory_space<vmem>>, vector<16xi32>,
    tpu.vector_store %arg16[%swap3A], %broadcast_in_dim3A_81 {strides = array<i32>} : memref<16xi32, #tpu.memory_space<vmem>>, vector<16xi32>,
    %scan3A = arith.constant 0 : i32
    %scan3A_83 = arith.constant 0 : i32
    %scan3A_84 = arith.constant 8 : i32
    %scan3A_85 = arith.addi %scan3A_83, %scan3A_84 : i32
    %scan3A_86 = arith.constant 1 : i32
    scf.for %scan3A_149 = %scan3A_83 to %scan3A_85 step %scan3A_86  : i32 {
      %mul3A_150 = arith.constant 2048 : i32
      %mul3A_151 = arith.muli %scan3A_149, %mul3A_150 : i32
      "tpu.region"() ({
        %run_scoped3A = tpu.sem_alloc : memref<!tpu.dma_semaphore, #tpu.memory_space<semaphore_mem>>
        %dma_start3A_157 = tpu.memref_slice %arg2[%mul3A_151] : memref<16384xi32, #tpu.memory_space<hbm>> -> memref<2048xi32, #tpu.memory_space<hbm>>
        %dma_start3A_158 = tpu.memref_slice %arg2[%mul3A_151] : memref<16384xi32, #tpu.memory_space<hbm>> -> memref<2048xi32, #tpu.memory_space<hbm>>
        tpu.enqueue_dma source(%dma_start3A_158 : memref<2048xi32, #tpu.memory_space<hbm>>) target(%arg8 : memref<2048xi32, #tpu.memory_space<vmem>>) target_semaphore(%run_scoped3A : memref<!tpu.dma_semaphore, #tpu.memory_space<semaphore_mem>>)
        %dma_wait3A = tpu.memref_slice %arg2[%mul3A_151] : memref<16384xi32, #tpu.memory_space<hbm>> -> memref<2048xi32, #tpu.memory_space<hbm>>
        %dma_wait3A_159 = tpu.memref_slice %arg2[%mul3A_151] : memref<16384xi32, #tpu.memory_space<hbm>> -> memref<2048xi32, #tpu.memory_space<hbm>>
        tpu.wait_dma2 semaphore(%run_scoped3A : memref<!tpu.dma_semaphore, #tpu.memory_space<semaphore_mem>>) src(%dma_wait3A_159 : memref<2048xi32, #tpu.memory_space<hbm>>) dst(%arg8 : memref<2048xi32, #tpu.memory_space<vmem>>)
        tpu.yield
      }) : () -> ()
      %scan3A_152 = arith.constant 0 : i32
      %scan3A_153 = arith.constant 128 : i32
      %scan3A_154 = arith.addi %scan3A_152, %scan3A_153 : i32
      %scan3A_155 = arith.constant 1 : i32
      scf.for %scan3A_157 = %scan3A_152 to %scan3A_154 step %scan3A_155  : i32 {
        %mul3A_158 = arith.constant 16 : i32
        %mul3A_159 = arith.muli %scan3A_157, %mul3A_158 : i32
        %get3A_160 = arith.index_cast %mul3A_159 : i32 to index
        %get3A_161 = tpu.vector_load %arg8[%get3A_160] {strides = array<i32>} : memref<2048xi32, #tpu.memory_space<vmem>>, vector<16xi32>,
        %ge3A = vector.broadcast %mul3A_11 : i32 to vector<16xi32>
        %ge3A_162 = arith.cmpi sge, %get3A_161, %ge3A : vector<16xi32>
        %lt3A_163 = vector.broadcast %select_n3A_16 : i32 to vector<16xi32>
        %lt3A_164 = arith.cmpi slt, %get3A_161, %lt3A_163 : vector<16xi32>
        %and3A = arith.andi %ge3A_162, %lt3A_164 : vector<16xi1>
        %sub3A_165 = vector.broadcast %mul3A_11 : i32 to vector<16xi32>
        %sub3A_166 = arith.subi %get3A_161, %sub3A_165 : vector<16xi32>
        %shift_left3A = arith.constant 14 : i32
        %shift_left3A_167 = vector.broadcast %shift_left3A : i32 to vector<16xi32>
        %shift_left3A_168 = arith.shli %sub3A_166, %shift_left3A_167 : vector<16xi32>
        %mul3A_169 = arith.constant 2048 : i32
        %mul3A_170 = arith.muli %scan3A_149, %mul3A_169 : i32
        %mul3A_171 = arith.constant 16 : i32
        %mul3A_172 = arith.muli %scan3A_157, %mul3A_171 : i32
        %add3A_173 = arith.addi %mul3A_170, %mul3A_172 : i32
        %add3A_174 = vector.broadcast %add3A_173 : i32 to vector<16xi32>
        %add3A_175 = arith.addi %add3A_174, %iota3A : vector<16xi32>
        %or3A = arith.ori %shift_left3A_168, %add3A_175 : vector<16xi32>
        %jit3A_176 = arith.constant 1 : i32
        %jit3A_177 = arith.constant 0 : i32
        %broadcast_in_dim3A_178 = vector.broadcast %jit3A_176 : i32 to vector<16xi32>
        %broadcast_in_dim3A_179 = vector.broadcast %jit3A_177 : i32 to vector<16xi32>
        %select_n3A_180 = arith.select %and3A, %broadcast_in_dim3A_178, %broadcast_in_dim3A_179 : vector<16xi1>, vector<16xi32>
        %get3A_181 = arith.constant 0 : index
        %get3A_182 = tpu.vector_load %arg16[%get3A_181] {strides = array<i32>} : memref<16xi32, #tpu.memory_space<vmem>>, vector<16xi32>,
        %broadcast_in_dim3A_183 = arith.constant true
        %broadcast_in_dim3A_184 = vector.broadcast %broadcast_in_dim3A_183 : i1 to vector<16xi1>
        %masked_cumsum3A = tpu.scan <sum>, %select_n3A_180 masked %broadcast_in_dim3A_184 : vector<16xi32>, vector<16xi1> -> vector<16xi32>
        %add3A_185 = arith.addi %get3A_182, %masked_cumsum3A : vector<16xi32>
        %sub3A_186 = arith.constant 1 : i32
        %sub3A_187 = vector.broadcast %sub3A_186 : i32 to vector<16xi32>
        %sub3A_188 = arith.subi %add3A_185, %sub3A_187 : vector<16xi32>
        tpu.vector_store_idx %arg9[%sub3A_188], %or3A masked %and3A : memref<16400xi32, #tpu.memory_space<vmem>>[vector<16xi32>], vector<16xi32>, vector<16xi1>
        %reduce_sum3A = arith.constant true
        %reduce_sum3A_189 = vector.broadcast %reduce_sum3A : i1 to vector<16xi1>
        %reduce_sum3A_190 = tpu.scan <sum>, %select_n3A_180 masked %reduce_sum3A_189 : vector<16xi32>, vector<16xi1> -> vector<16xi32>
        %reduce_sum3A_191 = vector.extract %reduce_sum3A_190[15] : i32 from vector<16xi32>
        %add3A_192 = vector.broadcast %reduce_sum3A_191 : i32 to vector<16xi32>
        %add3A_193 = arith.addi %get3A_182, %add3A_192 : vector<16xi32>
        %swap3A_194 = arith.constant 0 : index
        %swap3A_195 = tpu.vector_load %arg16[%swap3A_194] {strides = array<i32>} : memref<16xi32, #tpu.memory_space<vmem>>, vector<16xi32>,
        tpu.vector_store %arg16[%swap3A_194], %add3A_193 {strides = array<i32>} : memref<16xi32, #tpu.memory_space<vmem>>, vector<16xi32>,
      }
      %scan3A_156 = arith.constant 128 : i32
    }
    %scan3A_87 = arith.constant 8 : i32
    %get3A = arith.constant 0 : index
    %get3A_88 = tpu.vector_load %arg16[%get3A] {strides = array<i32>} : memref<16xi32, #tpu.memory_space<vmem>>, vector<16xi32>,
    %slice3A = vector.extract_strided_slice %get3A_88 {offsets = [0], sizes = [1], strides = [1]} : vector<16xi32> to vector<1xi32>
    %squeeze3A = vector.extract %slice3A[0] : i32 from vector<1xi32>
    %add3A_89 = arith.constant 15 : i32
    %add3A_90 = arith.addi %squeeze3A, %add3A_89 : i32
    %shift_right_arithmetic3A = arith.constant 4 : i32
    %shift_right_arithmetic3A_91 = arith.shrsi %add3A_90, %shift_right_arithmetic3A : i32
    %while3A = arith.constant 0 : i32
    %while3A_92 = arith.subi %add3A_9, %add3A_4 : i32
    %while3A_93 = arith.addi %add3A_4, %while3A_92 : i32
    %while3A_94 = arith.constant 1 : i32
    %while3A_95 = arith.divsi %while3A_92, %while3A_94 : i32
    %while3A_96 = arith.muli %while3A_95, %while3A_94 : i32
    %while3A_97 = arith.addi %add3A_4, %while3A_96 : i32
    %while3A_98 = arith.constant 1 : i32
    %while3A_99 = scf.for %while3A_149 = %add3A_4 to %while3A_97 step %while3A_98 iter_args(%while3A_150 = %while3A) -> (i32)  : i32 {
      %sub3A_151 = arith.subi %while3A_149, %add3A_4 : i32
      %rem3A = arith.constant 3 : i32
      %rem3A_152 = arith.remsi %sub3A_151, %rem3A : i32
      %mul3A_153 = arith.constant 512 : i32
      %mul3A_154 = arith.muli %while3A_149, %mul3A_153 : i32
      %dma_wait3A = arith.constant 0 : i32
      %dma_wait3A_155 = arith.constant 0 : i32
      %dma_wait3A_156 = tpu.memref_slice %arg11[%rem3A_152, %dma_wait3A, %dma_wait3A_155] : memref<3x16x512xf32, #tpu.memory_space<vmem>> -> memref<1x16x512xf32, #tpu.memory_space<vmem>>
      %dma_wait3A_157 = tpu.memref_squeeze %dma_wait3A_156 : memref<1x16x512xf32, #tpu.memory_space<vmem>> -> memref<16x512xf32, #tpu.memory_space<vmem>>
      %dma_wait3A_158 = arith.constant 0 : i32
      %dma_wait3A_159 = tpu.memref_slice %arg3[%dma_wait3A_158, %mul3A_154] : memref<16x1000000xf32, #tpu.memory_space<hbm>> -> memref<16x512xf32, #tpu.memory_space<hbm>>
      %dma_wait3A_160 = arith.constant 0 : i32
      %dma_wait3A_161 = arith.constant 0 : i32
      %dma_wait3A_162 = tpu.memref_slice %arg11[%rem3A_152, %dma_wait3A_160, %dma_wait3A_161] : memref<3x16x512xf32, #tpu.memory_space<vmem>> -> memref<1x16x512xf32, #tpu.memory_space<vmem>>
      %dma_wait3A_163 = tpu.memref_squeeze %dma_wait3A_162 : memref<1x16x512xf32, #tpu.memory_space<vmem>> -> memref<16x512xf32, #tpu.memory_space<vmem>>
      %dma_wait3A_164 = arith.constant 0 : i32
      %dma_wait3A_165 = tpu.memref_slice %arg3[%dma_wait3A_164, %mul3A_154] : memref<16x1000000xf32, #tpu.memory_space<hbm>> -> memref<16x512xf32, #tpu.memory_space<hbm>>
      tpu.wait_dma2 semaphore(%arg17 : memref<!tpu.dma_semaphore, #tpu.memory_space<semaphore_mem>>) src(%dma_wait3A_165 : memref<16x512xf32, #tpu.memory_space<hbm>>) dst(%dma_wait3A_163 : memref<16x512xf32, #tpu.memory_space<vmem>>)
      %mul3A_166 = arith.constant 512 : i32
      %mul3A_167 = arith.muli %while3A_149, %mul3A_166 : i32
      %dma_wait3A_168 = arith.constant 0 : i32
      %dma_wait3A_169 = arith.constant 0 : i32
      %dma_wait3A_170 = tpu.memref_slice %arg12[%rem3A_152, %dma_wait3A_168, %dma_wait3A_169] : memref<3x32x512xf32, #tpu.memory_space<vmem>> -> memref<1x32x512xf32, #tpu.memory_space<vmem>>
      %dma_wait3A_171 = tpu.memref_squeeze %dma_wait3A_170 : memref<1x32x512xf32, #tpu.memory_space<vmem>> -> memref<32x512xf32, #tpu.memory_space<vmem>>
      %dma_wait3A_172 = arith.constant 0 : i32
      %dma_wait3A_173 = tpu.memref_slice %arg4[%dma_wait3A_172, %mul3A_167] : memref<32x1000000xf32, #tpu.memory_space<hbm>> -> memref<32x512xf32, #tpu.memory_space<hbm>>
      %dma_wait3A_174 = arith.constant 0 : i32
      %dma_wait3A_175 = arith.constant 0 : i32
      %dma_wait3A_176 = tpu.memref_slice %arg12[%rem3A_152, %dma_wait3A_174, %dma_wait3A_175] : memref<3x32x512xf32, #tpu.memory_space<vmem>> -> memref<1x32x512xf32, #tpu.memory_space<vmem>>
      %dma_wait3A_177 = tpu.memref_squeeze %dma_wait3A_176 : memref<1x32x512xf32, #tpu.memory_space<vmem>> -> memref<32x512xf32, #tpu.memory_space<vmem>>
      %dma_wait3A_178 = arith.constant 0 : i32
      %dma_wait3A_179 = tpu.memref_slice %arg4[%dma_wait3A_178, %mul3A_167] : memref<32x1000000xf32, #tpu.memory_space<hbm>> -> memref<32x512xf32, #tpu.memory_space<hbm>>
      tpu.wait_dma2 semaphore(%arg18 : memref<!tpu.dma_semaphore, #tpu.memory_space<semaphore_mem>>) src(%dma_wait3A_179 : memref<32x512xf32, #tpu.memory_space<hbm>>) dst(%dma_wait3A_177 : memref<32x512xf32, #tpu.memory_space<vmem>>)
      %add3A_180 = arith.constant 2 : i32
      %add3A_181 = arith.addi %while3A_149, %add3A_180 : i32
      %lt3A_182 = arith.cmpi slt, %add3A_181, %add3A_9 : i32
      %convert_element_type3A = arith.extui %lt3A_182 : i1 to i32
      %cond3A = arith.constant 0 : i32
      %cond3A_183 = arith.cmpi ne, %convert_element_type3A, %cond3A : i32
      scf.if %cond3A_183 {
        %add3A_220 = arith.constant 2 : i32
        %add3A_221 = arith.addi %while3A_149, %add3A_220 : i32
        %sub3A_222 = arith.subi %add3A_221, %add3A_4 : i32
        %rem3A_223 = arith.constant 3 : i32
        %rem3A_224 = arith.remsi %sub3A_222, %rem3A_223 : i32
        %add3A_225 = arith.constant 2 : i32
        %add3A_226 = arith.addi %while3A_149, %add3A_225 : i32
        %mul3A_227 = arith.constant 512 : i32
        %mul3A_228 = arith.muli %add3A_226, %mul3A_227 : i32
        %dma_start3A_229 = arith.constant 0 : i32
        %dma_start3A_230 = arith.constant 0 : i32
        %dma_start3A_231 = tpu.memref_slice %arg11[%rem3A_224, %dma_start3A_229, %dma_start3A_230] : memref<3x16x512xf32, #tpu.memory_space<vmem>> -> memref<1x16x512xf32, #tpu.memory_space<vmem>>
        %dma_start3A_232 = tpu.memref_squeeze %dma_start3A_231 : memref<1x16x512xf32, #tpu.memory_space<vmem>> -> memref<16x512xf32, #tpu.memory_space<vmem>>
        %dma_start3A_233 = arith.constant 0 : i32
        %dma_start3A_234 = tpu.memref_slice %arg3[%dma_start3A_233, %mul3A_228] : memref<16x1000000xf32, #tpu.memory_space<hbm>> -> memref<16x512xf32, #tpu.memory_space<hbm>>
        %dma_start3A_235 = arith.constant 0 : i32
        %dma_start3A_236 = arith.constant 0 : i32
        %dma_start3A_237 = tpu.memref_slice %arg11[%rem3A_224, %dma_start3A_235, %dma_start3A_236] : memref<3x16x512xf32, #tpu.memory_space<vmem>> -> memref<1x16x512xf32, #tpu.memory_space<vmem>>
        %dma_start3A_238 = tpu.memref_squeeze %dma_start3A_237 : memref<1x16x512xf32, #tpu.memory_space<vmem>> -> memref<16x512xf32, #tpu.memory_space<vmem>>
        %dma_start3A_239 = arith.constant 0 : i32
        %dma_start3A_240 = tpu.memref_slice %arg3[%dma_start3A_239, %mul3A_228] : memref<16x1000000xf32, #tpu.memory_space<hbm>> -> memref<16x512xf32, #tpu.memory_space<hbm>>
        tpu.enqueue_dma source(%dma_start3A_240 : memref<16x512xf32, #tpu.memory_space<hbm>>) target(%dma_start3A_238 : memref<16x512xf32, #tpu.memory_space<vmem>>) target_semaphore(%arg17 : memref<!tpu.dma_semaphore, #tpu.memory_space<semaphore_mem>>)
        %add3A_241 = arith.constant 2 : i32
        %add3A_242 = arith.addi %while3A_149, %add3A_241 : i32
        %mul3A_243 = arith.constant 512 : i32
        %mul3A_244 = arith.muli %add3A_242, %mul3A_243 : i32
        %dma_start3A_245 = arith.constant 0 : i32
        %dma_start3A_246 = arith.constant 0 : i32
        %dma_start3A_247 = tpu.memref_slice %arg12[%rem3A_224, %dma_start3A_245, %dma_start3A_246] : memref<3x32x512xf32, #tpu.memory_space<vmem>> -> memref<1x32x512xf32, #tpu.memory_space<vmem>>
        %dma_start3A_248 = tpu.memref_squeeze %dma_start3A_247 : memref<1x32x512xf32, #tpu.memory_space<vmem>> -> memref<32x512xf32, #tpu.memory_space<vmem>>
        %dma_start3A_249 = arith.constant 0 : i32
        %dma_start3A_250 = tpu.memref_slice %arg4[%dma_start3A_249, %mul3A_244] : memref<32x1000000xf32, #tpu.memory_space<hbm>> -> memref<32x512xf32, #tpu.memory_space<hbm>>
        %dma_start3A_251 = arith.constant 0 : i32
        %dma_start3A_252 = arith.constant 0 : i32
        %dma_start3A_253 = tpu.memref_slice %arg12[%rem3A_224, %dma_start3A_251, %dma_start3A_252] : memref<3x32x512xf32, #tpu.memory_space<vmem>> -> memref<1x32x512xf32, #tpu.memory_space<vmem>>
        %dma_start3A_254 = tpu.memref_squeeze %dma_start3A_253 : memref<1x32x512xf32, #tpu.memory_space<vmem>> -> memref<32x512xf32, #tpu.memory_space<vmem>>
        %dma_start3A_255 = arith.constant 0 : i32
        %dma_start3A_256 = tpu.memref_slice %arg4[%dma_start3A_255, %mul3A_244] : memref<32x1000000xf32, #tpu.memory_space<hbm>> -> memref<32x512xf32, #tpu.memory_space<hbm>>
        tpu.enqueue_dma source(%dma_start3A_256 : memref<32x512xf32, #tpu.memory_space<hbm>>) target(%dma_start3A_254 : memref<32x512xf32, #tpu.memory_space<vmem>>) target_semaphore(%arg18 : memref<!tpu.dma_semaphore, #tpu.memory_space<semaphore_mem>>)
      } else {
      }
      %sub3A_184 = arith.subi %while3A_149, %add3A_4 : i32
      %mul3A_185 = arith.constant 512 : i32
      %mul3A_186 = arith.muli %sub3A_184, %mul3A_185 : i32
      %broadcast_in_dim3A_187 = arith.constant 0 : i32
      %broadcast_in_dim3A_188 = vector.broadcast %broadcast_in_dim3A_187 : i32 to vector<16xi32>
      %swap3A_189 = arith.constant 0 : index
      %swap3A_190 = tpu.vector_load %arg16[%swap3A_189] {strides = array<i32>} : memref<16xi32, #tpu.memory_space<vmem>>, vector<16xi32>,
      tpu.vector_store %arg16[%swap3A_189], %broadcast_in_dim3A_188 {strides = array<i32>} : memref<16xi32, #tpu.memory_space<vmem>>, vector<16xi32>,
      %while3A_191 = arith.constant 0 : i32
      %while3A_192 = arith.constant 0 : i32
      %while3A_193 = arith.subi %shift_right_arithmetic3A_91, %while3A_192 : i32
      %while3A_194 = arith.addi %while3A_192, %while3A_193 : i32
      %while3A_195 = arith.constant 1 : i32
      %while3A_196 = arith.divsi %while3A_193, %while3A_195 : i32
      %while3A_197 = arith.muli %while3A_196, %while3A_195 : i32
      %while3A_198 = arith.addi %while3A_192, %while3A_197 : i32
      %while3A_199 = arith.constant 1 : i32
      scf.for %while3A_220 = %while3A_192 to %while3A_198 step %while3A_199  : i32 {
        %mul3A_221 = arith.constant 16 : i32
        %mul3A_222 = arith.muli %while3A_220, %mul3A_221 : i32
        %get3A_223 = arith.index_cast %mul3A_222 : i32 to index
        %get3A_224 = tpu.vector_load %arg9[%get3A_223] {strides = array<i32>} : memref<16400xi32, #tpu.memory_space<vmem>>, vector<16xi32>,
        %shift_right_arithmetic3A_225 = arith.constant 14 : i32
        %shift_right_arithmetic3A_226 = vector.broadcast %shift_right_arithmetic3A_225 : i32 to vector<16xi32>
        %shift_right_arithmetic3A_227 = arith.shrsi %get3A_224, %shift_right_arithmetic3A_226 : vector<16xi32>
        %sub3A_228 = vector.broadcast %mul3A_186 : i32 to vector<16xi32>
        %sub3A_229 = arith.subi %shift_right_arithmetic3A_227, %sub3A_228 : vector<16xi32>
        %mul3A_230 = arith.constant 16 : i32
        %mul3A_231 = arith.muli %while3A_220, %mul3A_230 : i32
        %add3A_232 = vector.broadcast %mul3A_231 : i32 to vector<16xi32>
        %add3A_233 = arith.addi %add3A_232, %iota3A : vector<16xi32>
        %lt3A_234 = vector.broadcast %squeeze3A : i32 to vector<16xi32>
        %lt3A_235 = arith.cmpi slt, %add3A_233, %lt3A_234 : vector<16xi32>
        %ge3A = arith.constant 0 : i32
        %ge3A_236 = vector.broadcast %ge3A : i32 to vector<16xi32>
        %ge3A_237 = arith.cmpi sge, %sub3A_229, %ge3A_236 : vector<16xi32>
        %and3A = arith.andi %lt3A_235, %ge3A_237 : vector<16xi1>
        %lt3A_238 = arith.constant 512 : i32
        %lt3A_239 = vector.broadcast %lt3A_238 : i32 to vector<16xi32>
        %lt3A_240 = arith.cmpi slt, %sub3A_229, %lt3A_239 : vector<16xi32>
        %and3A_241 = arith.andi %and3A, %lt3A_240 : vector<16xi1>
        %jit3A_242 = arith.constant 1 : i32
        %jit3A_243 = arith.constant 0 : i32
        %broadcast_in_dim3A_244 = vector.broadcast %jit3A_242 : i32 to vector<16xi32>
        %broadcast_in_dim3A_245 = vector.broadcast %jit3A_243 : i32 to vector<16xi32>
        %select_n3A_246 = arith.select %and3A_241, %broadcast_in_dim3A_244, %broadcast_in_dim3A_245 : vector<16xi1>, vector<16xi32>
        %get3A_247 = arith.constant 0 : index
        %get3A_248 = tpu.vector_load %arg16[%get3A_247] {strides = array<i32>} : memref<16xi32, #tpu.memory_space<vmem>>, vector<16xi32>,
        %broadcast_in_dim3A_249 = arith.constant true
        %broadcast_in_dim3A_250 = vector.broadcast %broadcast_in_dim3A_249 : i1 to vector<16xi1>
        %masked_cumsum3A = tpu.scan <sum>, %select_n3A_246 masked %broadcast_in_dim3A_250 : vector<16xi32>, vector<16xi1> -> vector<16xi32>
        %add3A_251 = arith.addi %get3A_248, %masked_cumsum3A : vector<16xi32>
        %sub3A_252 = arith.constant 1 : i32
        %sub3A_253 = vector.broadcast %sub3A_252 : i32 to vector<16xi32>
        %sub3A_254 = arith.subi %add3A_251, %sub3A_253 : vector<16xi32>
        tpu.vector_store_idx %arg10[%sub3A_254], %get3A_224 masked %and3A_241 : memref<16400xi32, #tpu.memory_space<vmem>>[vector<16xi32>], vector<16xi32>, vector<16xi1>
        %reduce_sum3A = arith.constant true
        %reduce_sum3A_255 = vector.broadcast %reduce_sum3A : i1 to vector<16xi1>
        %reduce_sum3A_256 = tpu.scan <sum>, %select_n3A_246 masked %reduce_sum3A_255 : vector<16xi32>, vector<16xi1> -> vector<16xi32>
        %reduce_sum3A_257 = vector.extract %reduce_sum3A_256[15] : i32 from vector<16xi32>
        %add3A_258 = vector.broadcast %reduce_sum3A_257 : i32 to vector<16xi32>
        %add3A_259 = arith.addi %get3A_248, %add3A_258 : vector<16xi32>
        %swap3A_260 = arith.constant 0 : index
        %swap3A_261 = tpu.vector_load %arg16[%swap3A_260] {strides = array<i32>} : memref<16xi32, #tpu.memory_space<vmem>>, vector<16xi32>,
        tpu.vector_store %arg16[%swap3A_260], %add3A_259 {strides = array<i32>} : memref<16xi32, #tpu.memory_space<vmem>>, vector<16xi32>,
      }
      %while3A_200 = arith.constant 1 : i32
      scf.for %while3A_220 = %while3A_198 to %while3A_194 step %while3A_200  : i32 {
        %mul3A_221 = arith.constant 16 : i32
        %mul3A_222 = arith.muli %while3A_220, %mul3A_221 : i32
        %get3A_223 = arith.index_cast %mul3A_222 : i32 to index
        %get3A_224 = tpu.vector_load %arg9[%get3A_223] {strides = array<i32>} : memref<16400xi32, #tpu.memory_space<vmem>>, vector<16xi32>,
        %shift_right_arithmetic3A_225 = arith.constant 14 : i32
        %shift_right_arithmetic3A_226 = vector.broadcast %shift_right_arithmetic3A_225 : i32 to vector<16xi32>
        %shift_right_arithmetic3A_227 = arith.shrsi %get3A_224, %shift_right_arithmetic3A_226 : vector<16xi32>
        %sub3A_228 = vector.broadcast %mul3A_186 : i32 to vector<16xi32>
        %sub3A_229 = arith.subi %shift_right_arithmetic3A_227, %sub3A_228 : vector<16xi32>
        %mul3A_230 = arith.constant 16 : i32
        %mul3A_231 = arith.muli %while3A_220, %mul3A_230 : i32
        %add3A_232 = vector.broadcast %mul3A_231 : i32 to vector<16xi32>
        %add3A_233 = arith.addi %add3A_232, %iota3A : vector<16xi32>
        %lt3A_234 = vector.broadcast %squeeze3A : i32 to vector<16xi32>
        %lt3A_235 = arith.cmpi slt, %add3A_233, %lt3A_234 : vector<16xi32>
        %ge3A = arith.constant 0 : i32
        %ge3A_236 = vector.broadcast %ge3A : i32 to vector<16xi32>
        %ge3A_237 = arith.cmpi sge, %sub3A_229, %ge3A_236 : vector<16xi32>
        %and3A = arith.andi %lt3A_235, %ge3A_237 : vector<16xi1>
        %lt3A_238 = arith.constant 512 : i32
        %lt3A_239 = vector.broadcast %lt3A_238 : i32 to vector<16xi32>
        %lt3A_240 = arith.cmpi slt, %sub3A_229, %lt3A_239 : vector<16xi32>
        %and3A_241 = arith.andi %and3A, %lt3A_240 : vector<16xi1>
        %jit3A_242 = arith.constant 1 : i32
        %jit3A_243 = arith.constant 0 : i32
        %broadcast_in_dim3A_244 = vector.broadcast %jit3A_242 : i32 to vector<16xi32>
        %broadcast_in_dim3A_245 = vector.broadcast %jit3A_243 : i32 to vector<16xi32>
        %select_n3A_246 = arith.select %and3A_241, %broadcast_in_dim3A_244, %broadcast_in_dim3A_245 : vector<16xi1>, vector<16xi32>
        %get3A_247 = arith.constant 0 : index
        %get3A_248 = tpu.vector_load %arg16[%get3A_247] {strides = array<i32>} : memref<16xi32, #tpu.memory_space<vmem>>, vector<16xi32>,
        %broadcast_in_dim3A_249 = arith.constant true
        %broadcast_in_dim3A_250 = vector.broadcast %broadcast_in_dim3A_249 : i1 to vector<16xi1>
        %masked_cumsum3A = tpu.scan <sum>, %select_n3A_246 masked %broadcast_in_dim3A_250 : vector<16xi32>, vector<16xi1> -> vector<16xi32>
        %add3A_251 = arith.addi %get3A_248, %masked_cumsum3A : vector<16xi32>
        %sub3A_252 = arith.constant 1 : i32
        %sub3A_253 = vector.broadcast %sub3A_252 : i32 to vector<16xi32>
        %sub3A_254 = arith.subi %add3A_251, %sub3A_253 : vector<16xi32>
        tpu.vector_store_idx %arg10[%sub3A_254], %get3A_224 masked %and3A_241 : memref<16400xi32, #tpu.memory_space<vmem>>[vector<16xi32>], vector<16xi32>, vector<16xi1>
        %reduce_sum3A = arith.constant true
        %reduce_sum3A_255 = vector.broadcast %reduce_sum3A : i1 to vector<16xi1>
        %reduce_sum3A_256 = tpu.scan <sum>, %select_n3A_246 masked %reduce_sum3A_255 : vector<16xi32>, vector<16xi1> -> vector<16xi32>
        %reduce_sum3A_257 = vector.extract %reduce_sum3A_256[15] : i32 from vector<16xi32>
        %add3A_258 = vector.broadcast %reduce_sum3A_257 : i32 to vector<16xi32>
        %add3A_259 = arith.addi %get3A_248, %add3A_258 : vector<16xi32>
        %swap3A_260 = arith.constant 0 : index
        %swap3A_261 = tpu.vector_load %arg16[%swap3A_260] {strides = array<i32>} : memref<16xi32, #tpu.memory_space<vmem>>, vector<16xi32>,
        tpu.vector_store %arg16[%swap3A_260], %add3A_259 {strides = array<i32>} : memref<16xi32, #tpu.memory_space<vmem>>, vector<16xi32>,
      }
      %get3A_201 = arith.constant 0 : index
      %get3A_202 = tpu.vector_load %arg16[%get3A_201] {strides = array<i32>} : memref<16xi32, #tpu.memory_space<vmem>>, vector<16xi32>,
      %slice3A_203 = vector.extract_strided_slice %get3A_202 {offsets = [0], sizes = [1], strides = [1]} : vector<16xi32> to vector<1xi32>
      %squeeze3A_204 = vector.extract %slice3A_203[0] : i32 from vector<1xi32>
      %add3A_205 = arith.constant 15 : i32
      %add3A_206 = arith.addi %squeeze3A_204, %add3A_205 : i32
      %shift_right_arithmetic3A_207 = arith.constant 4 : i32
      %shift_right_arithmetic3A_208 = arith.shrsi %add3A_206, %shift_right_arithmetic3A_207 : i32
      %while3A_209 = arith.constant 0 : i32
      %while3A_210 = arith.subi %shift_right_arithmetic3A_208, %while3A_209 : i32
      %while3A_211 = arith.addi %while3A_209, %while3A_210 : i32
      %while3A_212 = arith.constant 1 : i32
      %while3A_213 = arith.divsi %while3A_210, %while3A_212 : i32
      %while3A_214 = arith.muli %while3A_213, %while3A_212 : i32
      %while3A_215 = arith.addi %while3A_209, %while3A_214 : i32
      %while3A_216 = arith.constant 1 : i32
      %while3A_217 = scf.for %while3A_220 = %while3A_209 to %while3A_215 step %while3A_216 iter_args(%while3A_221 = %while3A_150) -> (i32)  : i32 {
        %mul3A_222 = arith.constant 16 : i32
        %mul3A_223 = arith.muli %while3A_220, %mul3A_222 : i32
        %get3A_224 = arith.index_cast %mul3A_223 : i32 to index
        %get3A_225 = tpu.vector_load %arg10[%get3A_224] {strides = array<i32>} : memref<16400xi32, #tpu.memory_space<vmem>>, vector<16xi32>,
        %mul3A_226 = arith.constant 16 : i32
        %mul3A_227 = arith.muli %while3A_220, %mul3A_226 : i32
        %add3A_228 = vector.broadcast %mul3A_227 : i32 to vector<16xi32>
        %add3A_229 = arith.addi %add3A_228, %iota3A : vector<16xi32>
        %lt3A_230 = vector.broadcast %squeeze3A_204 : i32 to vector<16xi32>
        %lt3A_231 = arith.cmpi slt, %add3A_229, %lt3A_230 : vector<16xi32>
        %shift_right_arithmetic3A_232 = arith.constant 14 : i32
        %shift_right_arithmetic3A_233 = vector.broadcast %shift_right_arithmetic3A_232 : i32 to vector<16xi32>
        %shift_right_arithmetic3A_234 = arith.shrsi %get3A_225, %shift_right_arithmetic3A_233 : vector<16xi32>
        %sub3A_235 = vector.broadcast %mul3A_186 : i32 to vector<16xi32>
        %sub3A_236 = arith.subi %shift_right_arithmetic3A_234, %sub3A_235 : vector<16xi32>
        %jit3A_237 = arith.constant 0 : i32
        %broadcast_in_dim3A_238 = vector.broadcast %jit3A_237 : i32 to vector<16xi32>
        %select_n3A_239 = arith.select %lt3A_231, %sub3A_236, %broadcast_in_dim3A_238 : vector<16xi1>, vector<16xi32>
        %and3A = arith.constant 16383 : i32
        %and3A_240 = vector.broadcast %and3A : i32 to vector<16xi32>
        %and3A_241 = arith.andi %get3A_225, %and3A_240 : vector<16xi32>
        %add3A_242 = arith.constant 16384 : i32
        %add3A_243 = vector.broadcast %add3A_242 : i32 to vector<16xi32>
        %add3A_244 = arith.addi %add3A_243, %iota3A : vector<16xi32>
        %select_n3A_245 = arith.select %lt3A_231, %and3A_241, %add3A_244 : vector<16xi1>, vector<16xi32>
        %rem3A_246 = arith.constant 4 : i32
        %rem3A_247 = arith.remsi %while3A_221, %rem3A_246 : i32
        %ge3A = arith.constant 4 : i32
        %ge3A_248 = arith.cmpi sge, %while3A_221, %ge3A : i32
        %convert_element_type3A_249 = arith.extui %ge3A_248 : i1 to i32
        %cond3A_250 = arith.constant 0 : i32
        %cond3A_251 = arith.cmpi ne, %convert_element_type3A_249, %cond3A_250 : i32
        scf.if %cond3A_251 {
          %dma_wait3A_883 = arith.constant 0 : i32
          %dma_wait3A_884 = arith.constant 0 : i32
          %dma_wait3A_885 = tpu.memref_slice %arg15[%rem3A_247, %dma_wait3A_883, %dma_wait3A_884] : memref<4x16x128xf32, #tpu.memory_space<vmem>> -> memref<1x16x128xf32, #tpu.memory_space<vmem>>
          %dma_wait3A_886 = tpu.memref_squeeze %dma_wait3A_885 : memref<1x16x128xf32, #tpu.memory_space<vmem>> -> memref<16x128xf32, #tpu.memory_space<vmem>>
          %dma_wait3A_887 = arith.constant 0 : i32
          %dma_wait3A_888 = arith.constant 0 : i32
          %dma_wait3A_889 = tpu.memref_slice %arg7[%dma_wait3A_887, %dma_wait3A_888] : memref<16400x128xf32, #tpu.memory_space<hbm>> -> memref<16x128xf32, #tpu.memory_space<hbm>>
          %dma_wait3A_890 = arith.constant 0 : i32
          %dma_wait3A_891 = arith.constant 0 : i32
          %dma_wait3A_892 = tpu.memref_slice %arg15[%rem3A_247, %dma_wait3A_890, %dma_wait3A_891] : memref<4x16x128xf32, #tpu.memory_space<vmem>> -> memref<1x16x128xf32, #tpu.memory_space<vmem>>
          %dma_wait3A_893 = tpu.memref_squeeze %dma_wait3A_892 : memref<1x16x128xf32, #tpu.memory_space<vmem>> -> memref<16x128xf32, #tpu.memory_space<vmem>>
          %dma_wait3A_894 = arith.constant 0 : i32
          %dma_wait3A_895 = arith.constant 0 : i32
          %dma_wait3A_896 = tpu.memref_slice %arg7[%dma_wait3A_894, %dma_wait3A_895] : memref<16400x128xf32, #tpu.memory_space<hbm>> -> memref<16x128xf32, #tpu.memory_space<hbm>>
          tpu.wait_dma2 semaphore(%arg19 : memref<!tpu.dma_semaphore, #tpu.memory_space<semaphore_mem>>) src(%dma_wait3A_896 : memref<16x128xf32, #tpu.memory_space<hbm>>) dst(%dma_wait3A_893 : memref<16x128xf32, #tpu.memory_space<vmem>>)
        } else {
        }
        %broadcast_in_dim3A_252 = arith.constant 0 : i32
        %broadcast_in_dim3A_253 = vector.broadcast %broadcast_in_dim3A_252 : i32 to vector<16xi32>
        %gather3A = arith.constant 0 : i32
        %gather3A_254 = arith.constant 0 : i32
        %gather3A_255 = tpu.memref_slice %arg11[%rem3A_152, %gather3A, %gather3A_254] : memref<3x16x512xf32, #tpu.memory_space<vmem>> -> memref<1x16x512xf32, #tpu.memory_space<vmem>>
        %gather3A_256 = tpu.memref_squeeze %gather3A_255 : memref<1x16x512xf32, #tpu.memory_space<vmem>> -> memref<16x512xf32, #tpu.memory_space<vmem>>
        %gather3A_257 = tpu.vector_load_idx %gather3A_256[%broadcast_in_dim3A_253, %select_n3A_239] masked %lt3A_231 : memref<16x512xf32, #tpu.memory_space<vmem>>[vector<16xi32>, vector<16xi32>], vector<16xf32>, vector<16xi1>
        %broadcast_in_dim3A_258 = arith.constant 0 : i32
        %broadcast_in_dim3A_259 = vector.broadcast %broadcast_in_dim3A_258 : i32 to vector<16xi32>
        %scatter3A = arith.constant 0 : i32
        %scatter3A_260 = arith.constant 0 : i32
        %scatter3A_261 = tpu.memref_slice %arg15[%rem3A_247, %scatter3A, %scatter3A_260] : memref<4x16x128xf32, #tpu.memory_space<vmem>> -> memref<1x16x128xf32, #tpu.memory_space<vmem>>
        %scatter3A_262 = tpu.memref_squeeze %scatter3A_261 : memref<1x16x128xf32, #tpu.memory_space<vmem>> -> memref<16x128xf32, #tpu.memory_space<vmem>>
        tpu.vector_store_idx %scatter3A_262[%iota3A, %broadcast_in_dim3A_259], %gather3A_257 masked %lt3A_231 : memref<16x128xf32, #tpu.memory_space<vmem>>[vector<16xi32>, vector<16xi32>], vector<16xf32>, vector<16xi1>
        %broadcast_in_dim3A_263 = arith.constant 1 : i32
        %broadcast_in_dim3A_264 = vector.broadcast %broadcast_in_dim3A_263 : i32 to vector<16xi32>
        %gather3A_265 = arith.constant 0 : i32
        %gather3A_266 = arith.constant 0 : i32
        %gather3A_267 = tpu.memref_slice %arg11[%rem3A_152, %gather3A_265, %gather3A_266] : memref<3x16x512xf32, #tpu.memory_space<vmem>> -> memref<1x16x512xf32, #tpu.memory_space<vmem>>
        %gather3A_268 = tpu.memref_squeeze %gather3A_267 : memref<1x16x512xf32, #tpu.memory_space<vmem>> -> memref<16x512xf32, #tpu.memory_space<vmem>>
        %gather3A_269 = tpu.vector_load_idx %gather3A_268[%broadcast_in_dim3A_264, %select_n3A_239] masked %lt3A_231 : memref<16x512xf32, #tpu.memory_space<vmem>>[vector<16xi32>, vector<16xi32>], vector<16xf32>, vector<16xi1>
        %broadcast_in_dim3A_270 = arith.constant 1 : i32
        %broadcast_in_dim3A_271 = vector.broadcast %broadcast_in_dim3A_270 : i32 to vector<16xi32>
        %scatter3A_272 = arith.constant 0 : i32
        %scatter3A_273 = arith.constant 0 : i32
        %scatter3A_274 = tpu.memref_slice %arg15[%rem3A_247, %scatter3A_272, %scatter3A_273] : memref<4x16x128xf32, #tpu.memory_space<vmem>> -> memref<1x16x128xf32, #tpu.memory_space<vmem>>
        %scatter3A_275 = tpu.memref_squeeze %scatter3A_274 : memref<1x16x128xf32, #tpu.memory_space<vmem>> -> memref<16x128xf32, #tpu.memory_space<vmem>>
        tpu.vector_store_idx %scatter3A_275[%iota3A, %broadcast_in_dim3A_271], %gather3A_269 masked %lt3A_231 : memref<16x128xf32, #tpu.memory_space<vmem>>[vector<16xi32>, vector<16xi32>], vector<16xf32>, vector<16xi1>
        %broadcast_in_dim3A_276 = arith.constant 2 : i32
        %broadcast_in_dim3A_277 = vector.broadcast %broadcast_in_dim3A_276 : i32 to vector<16xi32>
        %gather3A_278 = arith.constant 0 : i32
        %gather3A_279 = arith.constant 0 : i32
        %gather3A_280 = tpu.memref_slice %arg11[%rem3A_152, %gather3A_278, %gather3A_279] : memref<3x16x512xf32, #tpu.memory_space<vmem>> -> memref<1x16x512xf32, #tpu.memory_space<vmem>>
        %gather3A_281 = tpu.memref_squeeze %gather3A_280 : memref<1x16x512xf32, #tpu.memory_space<vmem>> -> memref<16x512xf32, #tpu.memory_space<vmem>>
        %gather3A_282 = tpu.vector_load_idx %gather3A_281[%broadcast_in_dim3A_277, %select_n3A_239] masked %lt3A_231 : memref<16x512xf32, #tpu.memory_space<vmem>>[vector<16xi32>, vector<16xi32>], vector<16xf32>, vector<16xi1>
        %broadcast_in_dim3A_283 = arith.constant 2 : i32
        %broadcast_in_dim3A_284 = vector.broadcast %broadcast_in_dim3A_283 : i32 to vector<16xi32>
        %scatter3A_285 = arith.constant 0 : i32
        %scatter3A_286 = arith.constant 0 : i32
        %scatter3A_287 = tpu.memref_slice %arg15[%rem3A_247, %scatter3A_285, %scatter3A_286] : memref<4x16x128xf32, #tpu.memory_space<vmem>> -> memref<1x16x128xf32, #tpu.memory_space<vmem>>
        %scatter3A_288 = tpu.memref_squeeze %scatter3A_287 : memref<1x16x128xf32, #tpu.memory_space<vmem>> -> memref<16x128xf32, #tpu.memory_space<vmem>>
        tpu.vector_store_idx %scatter3A_288[%iota3A, %broadcast_in_dim3A_284], %gather3A_282 masked %lt3A_231 : memref<16x128xf32, #tpu.memory_space<vmem>>[vector<16xi32>, vector<16xi32>], vector<16xf32>, vector<16xi1>
        %broadcast_in_dim3A_289 = arith.constant 3 : i32
        %broadcast_in_dim3A_290 = vector.broadcast %broadcast_in_dim3A_289 : i32 to vector<16xi32>
        %gather3A_291 = arith.constant 0 : i32
        %gather3A_292 = arith.constant 0 : i32
        %gather3A_293 = tpu.memref_slice %arg11[%rem3A_152, %gather3A_291, %gather3A_292] : memref<3x16x512xf32, #tpu.memory_space<vmem>> -> memref<1x16x512xf32, #tpu.memory_space<vmem>>
        %gather3A_294 = tpu.memref_squeeze %gather3A_293 : memref<1x16x512xf32, #tpu.memory_space<vmem>> -> memref<16x512xf32, #tpu.memory_space<vmem>>
        %gather3A_295 = tpu.vector_load_idx %gather3A_294[%broadcast_in_dim3A_290, %select_n3A_239] masked %lt3A_231 : memref<16x512xf32, #tpu.memory_space<vmem>>[vector<16xi32>, vector<16xi32>], vector<16xf32>, vector<16xi1>
        %broadcast_in_dim3A_296 = arith.constant 3 : i32
        %broadcast_in_dim3A_297 = vector.broadcast %broadcast_in_dim3A_296 : i32 to vector<16xi32>
        %scatter3A_298 = arith.constant 0 : i32
        %scatter3A_299 = arith.constant 0 : i32
        %scatter3A_300 = tpu.memref_slice %arg15[%rem3A_247, %scatter3A_298, %scatter3A_299] : memref<4x16x128xf32, #tpu.memory_space<vmem>> -> memref<1x16x128xf32, #tpu.memory_space<vmem>>
        %scatter3A_301 = tpu.memref_squeeze %scatter3A_300 : memref<1x16x128xf32, #tpu.memory_space<vmem>> -> memref<16x128xf32, #tpu.memory_space<vmem>>
        tpu.vector_store_idx %scatter3A_301[%iota3A, %broadcast_in_dim3A_297], %gather3A_295 masked %lt3A_231 : memref<16x128xf32, #tpu.memory_space<vmem>>[vector<16xi32>, vector<16xi32>], vector<16xf32>, vector<16xi1>
        %broadcast_in_dim3A_302 = arith.constant 4 : i32
        %broadcast_in_dim3A_303 = vector.broadcast %broadcast_in_dim3A_302 : i32 to vector<16xi32>
        %gather3A_304 = arith.constant 0 : i32
        %gather3A_305 = arith.constant 0 : i32
        %gather3A_306 = tpu.memref_slice %arg11[%rem3A_152, %gather3A_304, %gather3A_305] : memref<3x16x512xf32, #tpu.memory_space<vmem>> -> memref<1x16x512xf32, #tpu.memory_space<vmem>>
        %gather3A_307 = tpu.memref_squeeze %gather3A_306 : memref<1x16x512xf32, #tpu.memory_space<vmem>> -> memref<16x512xf32, #tpu.memory_space<vmem>>
        %gather3A_308 = tpu.vector_load_idx %gather3A_307[%broadcast_in_dim3A_303, %select_n3A_239] masked %lt3A_231 : memref<16x512xf32, #tpu.memory_space<vmem>>[vector<16xi32>, vector<16xi32>], vector<16xf32>, vector<16xi1>
        %broadcast_in_dim3A_309 = arith.constant 4 : i32
        %broadcast_in_dim3A_310 = vector.broadcast %broadcast_in_dim3A_309 : i32 to vector<16xi32>
        %scatter3A_311 = arith.constant 0 : i32
        %scatter3A_312 = arith.constant 0 : i32
        %scatter3A_313 = tpu.memref_slice %arg15[%rem3A_247, %scatter3A_311, %scatter3A_312] : memref<4x16x128xf32, #tpu.memory_space<vmem>> -> memref<1x16x128xf32, #tpu.memory_space<vmem>>
        %scatter3A_314 = tpu.memref_squeeze %scatter3A_313 : memref<1x16x128xf32, #tpu.memory_space<vmem>> -> memref<16x128xf32, #tpu.memory_space<vmem>>
        tpu.vector_store_idx %scatter3A_314[%iota3A, %broadcast_in_dim3A_310], %gather3A_308 masked %lt3A_231 : memref<16x128xf32, #tpu.memory_space<vmem>>[vector<16xi32>, vector<16xi32>], vector<16xf32>, vector<16xi1>
        %broadcast_in_dim3A_315 = arith.constant 5 : i32
        %broadcast_in_dim3A_316 = vector.broadcast %broadcast_in_dim3A_315 : i32 to vector<16xi32>
        %gather3A_317 = arith.constant 0 : i32
        %gather3A_318 = arith.constant 0 : i32
        %gather3A_319 = tpu.memref_slice %arg11[%rem3A_152, %gather3A_317, %gather3A_318] : memref<3x16x512xf32, #tpu.memory_space<vmem>> -> memref<1x16x512xf32, #tpu.memory_space<vmem>>
        %gather3A_320 = tpu.memref_squeeze %gather3A_319 : memref<1x16x512xf32, #tpu.memory_space<vmem>> -> memref<16x512xf32, #tpu.memory_space<vmem>>
        %gather3A_321 = tpu.vector_load_idx %gather3A_320[%broadcast_in_dim3A_316, %select_n3A_239] masked %lt3A_231 : memref<16x512xf32, #tpu.memory_space<vmem>>[vector<16xi32>, vector<16xi32>], vector<16xf32>, vector<16xi1>
        %broadcast_in_dim3A_322 = arith.constant 5 : i32
        %broadcast_in_dim3A_323 = vector.broadcast %broadcast_in_dim3A_322 : i32 to vector<16xi32>
        %scatter3A_324 = arith.constant 0 : i32
        %scatter3A_325 = arith.constant 0 : i32
        %scatter3A_326 = tpu.memref_slice %arg15[%rem3A_247, %scatter3A_324, %scatter3A_325] : memref<4x16x128xf32, #tpu.memory_space<vmem>> -> memref<1x16x128xf32, #tpu.memory_space<vmem>>
        %scatter3A_327 = tpu.memref_squeeze %scatter3A_326 : memref<1x16x128xf32, #tpu.memory_space<vmem>> -> memref<16x128xf32, #tpu.memory_space<vmem>>
        tpu.vector_store_idx %scatter3A_327[%iota3A, %broadcast_in_dim3A_323], %gather3A_321 masked %lt3A_231 : memref<16x128xf32, #tpu.memory_space<vmem>>[vector<16xi32>, vector<16xi32>], vector<16xf32>, vector<16xi1>
        %broadcast_in_dim3A_328 = arith.constant 6 : i32
        %broadcast_in_dim3A_329 = vector.broadcast %broadcast_in_dim3A_328 : i32 to vector<16xi32>
        %gather3A_330 = arith.constant 0 : i32
        %gather3A_331 = arith.constant 0 : i32
        %gather3A_332 = tpu.memref_slice %arg11[%rem3A_152, %gather3A_330, %gather3A_331] : memref<3x16x512xf32, #tpu.memory_space<vmem>> -> memref<1x16x512xf32, #tpu.memory_space<vmem>>
        %gather3A_333 = tpu.memref_squeeze %gather3A_332 : memref<1x16x512xf32, #tpu.memory_space<vmem>> -> memref<16x512xf32, #tpu.memory_space<vmem>>
        %gather3A_334 = tpu.vector_load_idx %gather3A_333[%broadcast_in_dim3A_329, %select_n3A_239] masked %lt3A_231 : memref<16x512xf32, #tpu.memory_space<vmem>>[vector<16xi32>, vector<16xi32>], vector<16xf32>, vector<16xi1>
        %broadcast_in_dim3A_335 = arith.constant 6 : i32
        %broadcast_in_dim3A_336 = vector.broadcast %broadcast_in_dim3A_335 : i32 to vector<16xi32>
        %scatter3A_337 = arith.constant 0 : i32
        %scatter3A_338 = arith.constant 0 : i32
        %scatter3A_339 = tpu.memref_slice %arg15[%rem3A_247, %scatter3A_337, %scatter3A_338] : memref<4x16x128xf32, #tpu.memory_space<vmem>> -> memref<1x16x128xf32, #tpu.memory_space<vmem>>
        %scatter3A_340 = tpu.memref_squeeze %scatter3A_339 : memref<1x16x128xf32, #tpu.memory_space<vmem>> -> memref<16x128xf32, #tpu.memory_space<vmem>>
        tpu.vector_store_idx %scatter3A_340[%iota3A, %broadcast_in_dim3A_336], %gather3A_334 masked %lt3A_231 : memref<16x128xf32, #tpu.memory_space<vmem>>[vector<16xi32>, vector<16xi32>], vector<16xf32>, vector<16xi1>
        %broadcast_in_dim3A_341 = arith.constant 7 : i32
        %broadcast_in_dim3A_342 = vector.broadcast %broadcast_in_dim3A_341 : i32 to vector<16xi32>
        %gather3A_343 = arith.constant 0 : i32
        %gather3A_344 = arith.constant 0 : i32
        %gather3A_345 = tpu.memref_slice %arg11[%rem3A_152, %gather3A_343, %gather3A_344] : memref<3x16x512xf32, #tpu.memory_space<vmem>> -> memref<1x16x512xf32, #tpu.memory_space<vmem>>
        %gather3A_346 = tpu.memref_squeeze %gather3A_345 : memref<1x16x512xf32, #tpu.memory_space<vmem>> -> memref<16x512xf32, #tpu.memory_space<vmem>>
        %gather3A_347 = tpu.vector_load_idx %gather3A_346[%broadcast_in_dim3A_342, %select_n3A_239] masked %lt3A_231 : memref<16x512xf32, #tpu.memory_space<vmem>>[vector<16xi32>, vector<16xi32>], vector<16xf32>, vector<16xi1>
        %broadcast_in_dim3A_348 = arith.constant 7 : i32
        %broadcast_in_dim3A_349 = vector.broadcast %broadcast_in_dim3A_348 : i32 to vector<16xi32>
        %scatter3A_350 = arith.constant 0 : i32
        %scatter3A_351 = arith.constant 0 : i32
        %scatter3A_352 = tpu.memref_slice %arg15[%rem3A_247, %scatter3A_350, %scatter3A_351] : memref<4x16x128xf32, #tpu.memory_space<vmem>> -> memref<1x16x128xf32, #tpu.memory_space<vmem>>
        %scatter3A_353 = tpu.memref_squeeze %scatter3A_352 : memref<1x16x128xf32, #tpu.memory_space<vmem>> -> memref<16x128xf32, #tpu.memory_space<vmem>>
        tpu.vector_store_idx %scatter3A_353[%iota3A, %broadcast_in_dim3A_349], %gather3A_347 masked %lt3A_231 : memref<16x128xf32, #tpu.memory_space<vmem>>[vector<16xi32>, vector<16xi32>], vector<16xf32>, vector<16xi1>
        %broadcast_in_dim3A_354 = arith.constant 8 : i32
        %broadcast_in_dim3A_355 = vector.broadcast %broadcast_in_dim3A_354 : i32 to vector<16xi32>
        %gather3A_356 = arith.constant 0 : i32
        %gather3A_357 = arith.constant 0 : i32
        %gather3A_358 = tpu.memref_slice %arg11[%rem3A_152, %gather3A_356, %gather3A_357] : memref<3x16x512xf32, #tpu.memory_space<vmem>> -> memref<1x16x512xf32, #tpu.memory_space<vmem>>
        %gather3A_359 = tpu.memref_squeeze %gather3A_358 : memref<1x16x512xf32, #tpu.memory_space<vmem>> -> memref<16x512xf32, #tpu.memory_space<vmem>>
        %gather3A_360 = tpu.vector_load_idx %gather3A_359[%broadcast_in_dim3A_355, %select_n3A_239] masked %lt3A_231 : memref<16x512xf32, #tpu.memory_space<vmem>>[vector<16xi32>, vector<16xi32>], vector<16xf32>, vector<16xi1>
        %broadcast_in_dim3A_361 = arith.constant 8 : i32
        %broadcast_in_dim3A_362 = vector.broadcast %broadcast_in_dim3A_361 : i32 to vector<16xi32>
        %scatter3A_363 = arith.constant 0 : i32
        %scatter3A_364 = arith.constant 0 : i32
        %scatter3A_365 = tpu.memref_slice %arg15[%rem3A_247, %scatter3A_363, %scatter3A_364] : memref<4x16x128xf32, #tpu.memory_space<vmem>> -> memref<1x16x128xf32, #tpu.memory_space<vmem>>
        %scatter3A_366 = tpu.memref_squeeze %scatter3A_365 : memref<1x16x128xf32, #tpu.memory_space<vmem>> -> memref<16x128xf32, #tpu.memory_space<vmem>>
        tpu.vector_store_idx %scatter3A_366[%iota3A, %broadcast_in_dim3A_362], %gather3A_360 masked %lt3A_231 : memref<16x128xf32, #tpu.memory_space<vmem>>[vector<16xi32>, vector<16xi32>], vector<16xf32>, vector<16xi1>
        %broadcast_in_dim3A_367 = arith.constant 9 : i32
        %broadcast_in_dim3A_368 = vector.broadcast %broadcast_in_dim3A_367 : i32 to vector<16xi32>
        %gather3A_369 = arith.constant 0 : i32
        %gather3A_370 = arith.constant 0 : i32
        %gather3A_371 = tpu.memref_slice %arg11[%rem3A_152, %gather3A_369, %gather3A_370] : memref<3x16x512xf32, #tpu.memory_space<vmem>> -> memref<1x16x512xf32, #tpu.memory_space<vmem>>
        %gather3A_372 = tpu.memref_squeeze %gather3A_371 : memref<1x16x512xf32, #tpu.memory_space<vmem>> -> memref<16x512xf32, #tpu.memory_space<vmem>>
        %gather3A_373 = tpu.vector_load_idx %gather3A_372[%broadcast_in_dim3A_368, %select_n3A_239] masked %lt3A_231 : memref<16x512xf32, #tpu.memory_space<vmem>>[vector<16xi32>, vector<16xi32>], vector<16xf32>, vector<16xi1>
        %broadcast_in_dim3A_374 = arith.constant 9 : i32
        %broadcast_in_dim3A_375 = vector.broadcast %broadcast_in_dim3A_374 : i32 to vector<16xi32>
        %scatter3A_376 = arith.constant 0 : i32
        %scatter3A_377 = arith.constant 0 : i32
        %scatter3A_378 = tpu.memref_slice %arg15[%rem3A_247, %scatter3A_376, %scatter3A_377] : memref<4x16x128xf32, #tpu.memory_space<vmem>> -> memref<1x16x128xf32, #tpu.memory_space<vmem>>
        %scatter3A_379 = tpu.memref_squeeze %scatter3A_378 : memref<1x16x128xf32, #tpu.memory_space<vmem>> -> memref<16x128xf32, #tpu.memory_space<vmem>>
        tpu.vector_store_idx %scatter3A_379[%iota3A, %broadcast_in_dim3A_375], %gather3A_373 masked %lt3A_231 : memref<16x128xf32, #tpu.memory_space<vmem>>[vector<16xi32>, vector<16xi32>], vector<16xf32>, vector<16xi1>
        %broadcast_in_dim3A_380 = arith.constant 10 : i32
        %broadcast_in_dim3A_381 = vector.broadcast %broadcast_in_dim3A_380 : i32 to vector<16xi32>
        %gather3A_382 = arith.constant 0 : i32
        %gather3A_383 = arith.constant 0 : i32
        %gather3A_384 = tpu.memref_slice %arg11[%rem3A_152, %gather3A_382, %gather3A_383] : memref<3x16x512xf32, #tpu.memory_space<vmem>> -> memref<1x16x512xf32, #tpu.memory_space<vmem>>
        %gather3A_385 = tpu.memref_squeeze %gather3A_384 : memref<1x16x512xf32, #tpu.memory_space<vmem>> -> memref<16x512xf32, #tpu.memory_space<vmem>>
        %gather3A_386 = tpu.vector_load_idx %gather3A_385[%broadcast_in_dim3A_381, %select_n3A_239] masked %lt3A_231 : memref<16x512xf32, #tpu.memory_space<vmem>>[vector<16xi32>, vector<16xi32>], vector<16xf32>, vector<16xi1>
        %broadcast_in_dim3A_387 = arith.constant 10 : i32
        %broadcast_in_dim3A_388 = vector.broadcast %broadcast_in_dim3A_387 : i32 to vector<16xi32>
        %scatter3A_389 = arith.constant 0 : i32
        %scatter3A_390 = arith.constant 0 : i32
        %scatter3A_391 = tpu.memref_slice %arg15[%rem3A_247, %scatter3A_389, %scatter3A_390] : memref<4x16x128xf32, #tpu.memory_space<vmem>> -> memref<1x16x128xf32, #tpu.memory_space<vmem>>
        %scatter3A_392 = tpu.memref_squeeze %scatter3A_391 : memref<1x16x128xf32, #tpu.memory_space<vmem>> -> memref<16x128xf32, #tpu.memory_space<vmem>>
        tpu.vector_store_idx %scatter3A_392[%iota3A, %broadcast_in_dim3A_388], %gather3A_386 masked %lt3A_231 : memref<16x128xf32, #tpu.memory_space<vmem>>[vector<16xi32>, vector<16xi32>], vector<16xf32>, vector<16xi1>
        %broadcast_in_dim3A_393 = arith.constant 11 : i32
        %broadcast_in_dim3A_394 = vector.broadcast %broadcast_in_dim3A_393 : i32 to vector<16xi32>
        %gather3A_395 = arith.constant 0 : i32
        %gather3A_396 = arith.constant 0 : i32
        %gather3A_397 = tpu.memref_slice %arg11[%rem3A_152, %gather3A_395, %gather3A_396] : memref<3x16x512xf32, #tpu.memory_space<vmem>> -> memref<1x16x512xf32, #tpu.memory_space<vmem>>
        %gather3A_398 = tpu.memref_squeeze %gather3A_397 : memref<1x16x512xf32, #tpu.memory_space<vmem>> -> memref<16x512xf32, #tpu.memory_space<vmem>>
        %gather3A_399 = tpu.vector_load_idx %gather3A_398[%broadcast_in_dim3A_394, %select_n3A_239] masked %lt3A_231 : memref<16x512xf32, #tpu.memory_space<vmem>>[vector<16xi32>, vector<16xi32>], vector<16xf32>, vector<16xi1>
        %broadcast_in_dim3A_400 = arith.constant 11 : i32
        %broadcast_in_dim3A_401 = vector.broadcast %broadcast_in_dim3A_400 : i32 to vector<16xi32>
        %scatter3A_402 = arith.constant 0 : i32
        %scatter3A_403 = arith.constant 0 : i32
        %scatter3A_404 = tpu.memref_slice %arg15[%rem3A_247, %scatter3A_402, %scatter3A_403] : memref<4x16x128xf32, #tpu.memory_space<vmem>> -> memref<1x16x128xf32, #tpu.memory_space<vmem>>
        %scatter3A_405 = tpu.memref_squeeze %scatter3A_404 : memref<1x16x128xf32, #tpu.memory_space<vmem>> -> memref<16x128xf32, #tpu.memory_space<vmem>>
        tpu.vector_store_idx %scatter3A_405[%iota3A, %broadcast_in_dim3A_401], %gather3A_399 masked %lt3A_231 : memref<16x128xf32, #tpu.memory_space<vmem>>[vector<16xi32>, vector<16xi32>], vector<16xf32>, vector<16xi1>
        %broadcast_in_dim3A_406 = arith.constant 12 : i32
        %broadcast_in_dim3A_407 = vector.broadcast %broadcast_in_dim3A_406 : i32 to vector<16xi32>
        %gather3A_408 = arith.constant 0 : i32
        %gather3A_409 = arith.constant 0 : i32
        %gather3A_410 = tpu.memref_slice %arg11[%rem3A_152, %gather3A_408, %gather3A_409] : memref<3x16x512xf32, #tpu.memory_space<vmem>> -> memref<1x16x512xf32, #tpu.memory_space<vmem>>
        %gather3A_411 = tpu.memref_squeeze %gather3A_410 : memref<1x16x512xf32, #tpu.memory_space<vmem>> -> memref<16x512xf32, #tpu.memory_space<vmem>>
        %gather3A_412 = tpu.vector_load_idx %gather3A_411[%broadcast_in_dim3A_407, %select_n3A_239] masked %lt3A_231 : memref<16x512xf32, #tpu.memory_space<vmem>>[vector<16xi32>, vector<16xi32>], vector<16xf32>, vector<16xi1>
        %broadcast_in_dim3A_413 = arith.constant 12 : i32
        %broadcast_in_dim3A_414 = vector.broadcast %broadcast_in_dim3A_413 : i32 to vector<16xi32>
        %scatter3A_415 = arith.constant 0 : i32
        %scatter3A_416 = arith.constant 0 : i32
        %scatter3A_417 = tpu.memref_slice %arg15[%rem3A_247, %scatter3A_415, %scatter3A_416] : memref<4x16x128xf32, #tpu.memory_space<vmem>> -> memref<1x16x128xf32, #tpu.memory_space<vmem>>
        %scatter3A_418 = tpu.memref_squeeze %scatter3A_417 : memref<1x16x128xf32, #tpu.memory_space<vmem>> -> memref<16x128xf32, #tpu.memory_space<vmem>>
        tpu.vector_store_idx %scatter3A_418[%iota3A, %broadcast_in_dim3A_414], %gather3A_412 masked %lt3A_231 : memref<16x128xf32, #tpu.memory_space<vmem>>[vector<16xi32>, vector<16xi32>], vector<16xf32>, vector<16xi1>
        %broadcast_in_dim3A_419 = arith.constant 13 : i32
        %broadcast_in_dim3A_420 = vector.broadcast %broadcast_in_dim3A_419 : i32 to vector<16xi32>
        %gather3A_421 = arith.constant 0 : i32
        %gather3A_422 = arith.constant 0 : i32
        %gather3A_423 = tpu.memref_slice %arg11[%rem3A_152, %gather3A_421, %gather3A_422] : memref<3x16x512xf32, #tpu.memory_space<vmem>> -> memref<1x16x512xf32, #tpu.memory_space<vmem>>
        %gather3A_424 = tpu.memref_squeeze %gather3A_423 : memref<1x16x512xf32, #tpu.memory_space<vmem>> -> memref<16x512xf32, #tpu.memory_space<vmem>>
        %gather3A_425 = tpu.vector_load_idx %gather3A_424[%broadcast_in_dim3A_420, %select_n3A_239] masked %lt3A_231 : memref<16x512xf32, #tpu.memory_space<vmem>>[vector<16xi32>, vector<16xi32>], vector<16xf32>, vector<16xi1>
        %broadcast_in_dim3A_426 = arith.constant 13 : i32
        %broadcast_in_dim3A_427 = vector.broadcast %broadcast_in_dim3A_426 : i32 to vector<16xi32>
        %scatter3A_428 = arith.constant 0 : i32
        %scatter3A_429 = arith.constant 0 : i32
        %scatter3A_430 = tpu.memref_slice %arg15[%rem3A_247, %scatter3A_428, %scatter3A_429] : memref<4x16x128xf32, #tpu.memory_space<vmem>> -> memref<1x16x128xf32, #tpu.memory_space<vmem>>
        %scatter3A_431 = tpu.memref_squeeze %scatter3A_430 : memref<1x16x128xf32, #tpu.memory_space<vmem>> -> memref<16x128xf32, #tpu.memory_space<vmem>>
        tpu.vector_store_idx %scatter3A_431[%iota3A, %broadcast_in_dim3A_427], %gather3A_425 masked %lt3A_231 : memref<16x128xf32, #tpu.memory_space<vmem>>[vector<16xi32>, vector<16xi32>], vector<16xf32>, vector<16xi1>
        %broadcast_in_dim3A_432 = arith.constant 14 : i32
        %broadcast_in_dim3A_433 = vector.broadcast %broadcast_in_dim3A_432 : i32 to vector<16xi32>
        %gather3A_434 = arith.constant 0 : i32
        %gather3A_435 = arith.constant 0 : i32
        %gather3A_436 = tpu.memref_slice %arg11[%rem3A_152, %gather3A_434, %gather3A_435] : memref<3x16x512xf32, #tpu.memory_space<vmem>> -> memref<1x16x512xf32, #tpu.memory_space<vmem>>
        %gather3A_437 = tpu.memref_squeeze %gather3A_436 : memref<1x16x512xf32, #tpu.memory_space<vmem>> -> memref<16x512xf32, #tpu.memory_space<vmem>>
        %gather3A_438 = tpu.vector_load_idx %gather3A_437[%broadcast_in_dim3A_433, %select_n3A_239] masked %lt3A_231 : memref<16x512xf32, #tpu.memory_space<vmem>>[vector<16xi32>, vector<16xi32>], vector<16xf32>, vector<16xi1>
        %broadcast_in_dim3A_439 = arith.constant 14 : i32
        %broadcast_in_dim3A_440 = vector.broadcast %broadcast_in_dim3A_439 : i32 to vector<16xi32>
        %scatter3A_441 = arith.constant 0 : i32
        %scatter3A_442 = arith.constant 0 : i32
        %scatter3A_443 = tpu.memref_slice %arg15[%rem3A_247, %scatter3A_441, %scatter3A_442] : memref<4x16x128xf32, #tpu.memory_space<vmem>> -> memref<1x16x128xf32, #tpu.memory_space<vmem>>
        %scatter3A_444 = tpu.memref_squeeze %scatter3A_443 : memref<1x16x128xf32, #tpu.memory_space<vmem>> -> memref<16x128xf32, #tpu.memory_space<vmem>>
        tpu.vector_store_idx %scatter3A_444[%iota3A, %broadcast_in_dim3A_440], %gather3A_438 masked %lt3A_231 : memref<16x128xf32, #tpu.memory_space<vmem>>[vector<16xi32>, vector<16xi32>], vector<16xf32>, vector<16xi1>
        %broadcast_in_dim3A_445 = arith.constant 15 : i32
        %broadcast_in_dim3A_446 = vector.broadcast %broadcast_in_dim3A_445 : i32 to vector<16xi32>
        %gather3A_447 = arith.constant 0 : i32
        %gather3A_448 = arith.constant 0 : i32
        %gather3A_449 = tpu.memref_slice %arg11[%rem3A_152, %gather3A_447, %gather3A_448] : memref<3x16x512xf32, #tpu.memory_space<vmem>> -> memref<1x16x512xf32, #tpu.memory_space<vmem>>
        %gather3A_450 = tpu.memref_squeeze %gather3A_449 : memref<1x16x512xf32, #tpu.memory_space<vmem>> -> memref<16x512xf32, #tpu.memory_space<vmem>>
        %gather3A_451 = tpu.vector_load_idx %gather3A_450[%broadcast_in_dim3A_446, %select_n3A_239] masked %lt3A_231 : memref<16x512xf32, #tpu.memory_space<vmem>>[vector<16xi32>, vector<16xi32>], vector<16xf32>, vector<16xi1>
        %broadcast_in_dim3A_452 = arith.constant 15 : i32
        %broadcast_in_dim3A_453 = vector.broadcast %broadcast_in_dim3A_452 : i32 to vector<16xi32>
        %scatter3A_454 = arith.constant 0 : i32
        %scatter3A_455 = arith.constant 0 : i32
        %scatter3A_456 = tpu.memref_slice %arg15[%rem3A_247, %scatter3A_454, %scatter3A_455] : memref<4x16x128xf32, #tpu.memory_space<vmem>> -> memref<1x16x128xf32, #tpu.memory_space<vmem>>
        %scatter3A_457 = tpu.memref_squeeze %scatter3A_456 : memref<1x16x128xf32, #tpu.memory_space<vmem>> -> memref<16x128xf32, #tpu.memory_space<vmem>>
        tpu.vector_store_idx %scatter3A_457[%iota3A, %broadcast_in_dim3A_453], %gather3A_451 masked %lt3A_231 : memref<16x128xf32, #tpu.memory_space<vmem>>[vector<16xi32>, vector<16xi32>], vector<16xf32>, vector<16xi1>
        %broadcast_in_dim3A_458 = arith.constant 0 : i32
        %broadcast_in_dim3A_459 = vector.broadcast %broadcast_in_dim3A_458 : i32 to vector<16xi32>
        %gather3A_460 = arith.constant 0 : i32
        %gather3A_461 = arith.constant 0 : i32
        %gather3A_462 = tpu.memref_slice %arg12[%rem3A_152, %gather3A_460, %gather3A_461] : memref<3x32x512xf32, #tpu.memory_space<vmem>> -> memref<1x32x512xf32, #tpu.memory_space<vmem>>
        %gather3A_463 = tpu.memref_squeeze %gather3A_462 : memref<1x32x512xf32, #tpu.memory_space<vmem>> -> memref<32x512xf32, #tpu.memory_space<vmem>>
        %gather3A_464 = tpu.vector_load_idx %gather3A_463[%broadcast_in_dim3A_459, %select_n3A_239] masked %lt3A_231 : memref<32x512xf32, #tpu.memory_space<vmem>>[vector<16xi32>, vector<16xi32>], vector<16xf32>, vector<16xi1>
        %broadcast_in_dim3A_465 = arith.constant 16 : i32
        %broadcast_in_dim3A_466 = vector.broadcast %broadcast_in_dim3A_465 : i32 to vector<16xi32>
        %scatter3A_467 = arith.constant 0 : i32
        %scatter3A_468 = arith.constant 0 : i32
        %scatter3A_469 = tpu.memref_slice %arg15[%rem3A_247, %scatter3A_467, %scatter3A_468] : memref<4x16x128xf32, #tpu.memory_space<vmem>> -> memref<1x16x128xf32, #tpu.memory_space<vmem>>
        %scatter3A_470 = tpu.memref_squeeze %scatter3A_469 : memref<1x16x128xf32, #tpu.memory_space<vmem>> -> memref<16x128xf32, #tpu.memory_space<vmem>>
        tpu.vector_store_idx %scatter3A_470[%iota3A, %broadcast_in_dim3A_466], %gather3A_464 masked %lt3A_231 : memref<16x128xf32, #tpu.memory_space<vmem>>[vector<16xi32>, vector<16xi32>], vector<16xf32>, vector<16xi1>
        %broadcast_in_dim3A_471 = arith.constant 1 : i32
        %broadcast_in_dim3A_472 = vector.broadcast %broadcast_in_dim3A_471 : i32 to vector<16xi32>
        %gather3A_473 = arith.constant 0 : i32
        %gather3A_474 = arith.constant 0 : i32
        %gather3A_475 = tpu.memref_slice %arg12[%rem3A_152, %gather3A_473, %gather3A_474] : memref<3x32x512xf32, #tpu.memory_space<vmem>> -> memref<1x32x512xf32, #tpu.memory_space<vmem>>
        %gather3A_476 = tpu.memref_squeeze %gather3A_475 : memref<1x32x512xf32, #tpu.memory_space<vmem>> -> memref<32x512xf32, #tpu.memory_space<vmem>>
        %gather3A_477 = tpu.vector_load_idx %gather3A_476[%broadcast_in_dim3A_472, %select_n3A_239] masked %lt3A_231 : memref<32x512xf32, #tpu.memory_space<vmem>>[vector<16xi32>, vector<16xi32>], vector<16xf32>, vector<16xi1>
        %broadcast_in_dim3A_478 = arith.constant 17 : i32
        %broadcast_in_dim3A_479 = vector.broadcast %broadcast_in_dim3A_478 : i32 to vector<16xi32>
        %scatter3A_480 = arith.constant 0 : i32
        %scatter3A_481 = arith.constant 0 : i32
        %scatter3A_482 = tpu.memref_slice %arg15[%rem3A_247, %scatter3A_480, %scatter3A_481] : memref<4x16x128xf32, #tpu.memory_space<vmem>> -> memref<1x16x128xf32, #tpu.memory_space<vmem>>
        %scatter3A_483 = tpu.memref_squeeze %scatter3A_482 : memref<1x16x128xf32, #tpu.memory_space<vmem>> -> memref<16x128xf32, #tpu.memory_space<vmem>>
        tpu.vector_store_idx %scatter3A_483[%iota3A, %broadcast_in_dim3A_479], %gather3A_477 masked %lt3A_231 : memref<16x128xf32, #tpu.memory_space<vmem>>[vector<16xi32>, vector<16xi32>], vector<16xf32>, vector<16xi1>
        %broadcast_in_dim3A_484 = arith.constant 2 : i32
        %broadcast_in_dim3A_485 = vector.broadcast %broadcast_in_dim3A_484 : i32 to vector<16xi32>
        %gather3A_486 = arith.constant 0 : i32
        %gather3A_487 = arith.constant 0 : i32
        %gather3A_488 = tpu.memref_slice %arg12[%rem3A_152, %gather3A_486, %gather3A_487] : memref<3x32x512xf32, #tpu.memory_space<vmem>> -> memref<1x32x512xf32, #tpu.memory_space<vmem>>
        %gather3A_489 = tpu.memref_squeeze %gather3A_488 : memref<1x32x512xf32, #tpu.memory_space<vmem>> -> memref<32x512xf32, #tpu.memory_space<vmem>>
        %gather3A_490 = tpu.vector_load_idx %gather3A_489[%broadcast_in_dim3A_485, %select_n3A_239] masked %lt3A_231 : memref<32x512xf32, #tpu.memory_space<vmem>>[vector<16xi32>, vector<16xi32>], vector<16xf32>, vector<16xi1>
        %broadcast_in_dim3A_491 = arith.constant 18 : i32
        %broadcast_in_dim3A_492 = vector.broadcast %broadcast_in_dim3A_491 : i32 to vector<16xi32>
        %scatter3A_493 = arith.constant 0 : i32
        %scatter3A_494 = arith.constant 0 : i32
        %scatter3A_495 = tpu.memref_slice %arg15[%rem3A_247, %scatter3A_493, %scatter3A_494] : memref<4x16x128xf32, #tpu.memory_space<vmem>> -> memref<1x16x128xf32, #tpu.memory_space<vmem>>
        %scatter3A_496 = tpu.memref_squeeze %scatter3A_495 : memref<1x16x128xf32, #tpu.memory_space<vmem>> -> memref<16x128xf32, #tpu.memory_space<vmem>>
        tpu.vector_store_idx %scatter3A_496[%iota3A, %broadcast_in_dim3A_492], %gather3A_490 masked %lt3A_231 : memref<16x128xf32, #tpu.memory_space<vmem>>[vector<16xi32>, vector<16xi32>], vector<16xf32>, vector<16xi1>
        %broadcast_in_dim3A_497 = arith.constant 3 : i32
        %broadcast_in_dim3A_498 = vector.broadcast %broadcast_in_dim3A_497 : i32 to vector<16xi32>
        %gather3A_499 = arith.constant 0 : i32
        %gather3A_500 = arith.constant 0 : i32
        %gather3A_501 = tpu.memref_slice %arg12[%rem3A_152, %gather3A_499, %gather3A_500] : memref<3x32x512xf32, #tpu.memory_space<vmem>> -> memref<1x32x512xf32, #tpu.memory_space<vmem>>
        %gather3A_502 = tpu.memref_squeeze %gather3A_501 : memref<1x32x512xf32, #tpu.memory_space<vmem>> -> memref<32x512xf32, #tpu.memory_space<vmem>>
        %gather3A_503 = tpu.vector_load_idx %gather3A_502[%broadcast_in_dim3A_498, %select_n3A_239] masked %lt3A_231 : memref<32x512xf32, #tpu.memory_space<vmem>>[vector<16xi32>, vector<16xi32>], vector<16xf32>, vector<16xi1>
        %broadcast_in_dim3A_504 = arith.constant 19 : i32
        %broadcast_in_dim3A_505 = vector.broadcast %broadcast_in_dim3A_504 : i32 to vector<16xi32>
        %scatter3A_506 = arith.constant 0 : i32
        %scatter3A_507 = arith.constant 0 : i32
        %scatter3A_508 = tpu.memref_slice %arg15[%rem3A_247, %scatter3A_506, %scatter3A_507] : memref<4x16x128xf32, #tpu.memory_space<vmem>> -> memref<1x16x128xf32, #tpu.memory_space<vmem>>
        %scatter3A_509 = tpu.memref_squeeze %scatter3A_508 : memref<1x16x128xf32, #tpu.memory_space<vmem>> -> memref<16x128xf32, #tpu.memory_space<vmem>>
        tpu.vector_store_idx %scatter3A_509[%iota3A, %broadcast_in_dim3A_505], %gather3A_503 masked %lt3A_231 : memref<16x128xf32, #tpu.memory_space<vmem>>[vector<16xi32>, vector<16xi32>], vector<16xf32>, vector<16xi1>
        %broadcast_in_dim3A_510 = arith.constant 4 : i32
        %broadcast_in_dim3A_511 = vector.broadcast %broadcast_in_dim3A_510 : i32 to vector<16xi32>
        %gather3A_512 = arith.constant 0 : i32
        %gather3A_513 = arith.constant 0 : i32
        %gather3A_514 = tpu.memref_slice %arg12[%rem3A_152, %gather3A_512, %gather3A_513] : memref<3x32x512xf32, #tpu.memory_space<vmem>> -> memref<1x32x512xf32, #tpu.memory_space<vmem>>
        %gather3A_515 = tpu.memref_squeeze %gather3A_514 : memref<1x32x512xf32, #tpu.memory_space<vmem>> -> memref<32x512xf32, #tpu.memory_space<vmem>>
        %gather3A_516 = tpu.vector_load_idx %gather3A_515[%broadcast_in_dim3A_511, %select_n3A_239] masked %lt3A_231 : memref<32x512xf32, #tpu.memory_space<vmem>>[vector<16xi32>, vector<16xi32>], vector<16xf32>, vector<16xi1>
        %broadcast_in_dim3A_517 = arith.constant 20 : i32
        %broadcast_in_dim3A_518 = vector.broadcast %broadcast_in_dim3A_517 : i32 to vector<16xi32>
        %scatter3A_519 = arith.constant 0 : i32
        %scatter3A_520 = arith.constant 0 : i32
        %scatter3A_521 = tpu.memref_slice %arg15[%rem3A_247, %scatter3A_519, %scatter3A_520] : memref<4x16x128xf32, #tpu.memory_space<vmem>> -> memref<1x16x128xf32, #tpu.memory_space<vmem>>
        %scatter3A_522 = tpu.memref_squeeze %scatter3A_521 : memref<1x16x128xf32, #tpu.memory_space<vmem>> -> memref<16x128xf32, #tpu.memory_space<vmem>>
        tpu.vector_store_idx %scatter3A_522[%iota3A, %broadcast_in_dim3A_518], %gather3A_516 masked %lt3A_231 : memref<16x128xf32, #tpu.memory_space<vmem>>[vector<16xi32>, vector<16xi32>], vector<16xf32>, vector<16xi1>
        %broadcast_in_dim3A_523 = arith.constant 5 : i32
        %broadcast_in_dim3A_524 = vector.broadcast %broadcast_in_dim3A_523 : i32 to vector<16xi32>
        %gather3A_525 = arith.constant 0 : i32
        %gather3A_526 = arith.constant 0 : i32
        %gather3A_527 = tpu.memref_slice %arg12[%rem3A_152, %gather3A_525, %gather3A_526] : memref<3x32x512xf32, #tpu.memory_space<vmem>> -> memref<1x32x512xf32, #tpu.memory_space<vmem>>
        %gather3A_528 = tpu.memref_squeeze %gather3A_527 : memref<1x32x512xf32, #tpu.memory_space<vmem>> -> memref<32x512xf32, #tpu.memory_space<vmem>>
        %gather3A_529 = tpu.vector_load_idx %gather3A_528[%broadcast_in_dim3A_524, %select_n3A_239] masked %lt3A_231 : memref<32x512xf32, #tpu.memory_space<vmem>>[vector<16xi32>, vector<16xi32>], vector<16xf32>, vector<16xi1>
        %broadcast_in_dim3A_530 = arith.constant 21 : i32
        %broadcast_in_dim3A_531 = vector.broadcast %broadcast_in_dim3A_530 : i32 to vector<16xi32>
        %scatter3A_532 = arith.constant 0 : i32
        %scatter3A_533 = arith.constant 0 : i32
        %scatter3A_534 = tpu.memref_slice %arg15[%rem3A_247, %scatter3A_532, %scatter3A_533] : memref<4x16x128xf32, #tpu.memory_space<vmem>> -> memref<1x16x128xf32, #tpu.memory_space<vmem>>
        %scatter3A_535 = tpu.memref_squeeze %scatter3A_534 : memref<1x16x128xf32, #tpu.memory_space<vmem>> -> memref<16x128xf32, #tpu.memory_space<vmem>>
        tpu.vector_store_idx %scatter3A_535[%iota3A, %broadcast_in_dim3A_531], %gather3A_529 masked %lt3A_231 : memref<16x128xf32, #tpu.memory_space<vmem>>[vector<16xi32>, vector<16xi32>], vector<16xf32>, vector<16xi1>
        %broadcast_in_dim3A_536 = arith.constant 6 : i32
        %broadcast_in_dim3A_537 = vector.broadcast %broadcast_in_dim3A_536 : i32 to vector<16xi32>
        %gather3A_538 = arith.constant 0 : i32
        %gather3A_539 = arith.constant 0 : i32
        %gather3A_540 = tpu.memref_slice %arg12[%rem3A_152, %gather3A_538, %gather3A_539] : memref<3x32x512xf32, #tpu.memory_space<vmem>> -> memref<1x32x512xf32, #tpu.memory_space<vmem>>
        %gather3A_541 = tpu.memref_squeeze %gather3A_540 : memref<1x32x512xf32, #tpu.memory_space<vmem>> -> memref<32x512xf32, #tpu.memory_space<vmem>>
        %gather3A_542 = tpu.vector_load_idx %gather3A_541[%broadcast_in_dim3A_537, %select_n3A_239] masked %lt3A_231 : memref<32x512xf32, #tpu.memory_space<vmem>>[vector<16xi32>, vector<16xi32>], vector<16xf32>, vector<16xi1>
        %broadcast_in_dim3A_543 = arith.constant 22 : i32
        %broadcast_in_dim3A_544 = vector.broadcast %broadcast_in_dim3A_543 : i32 to vector<16xi32>
        %scatter3A_545 = arith.constant 0 : i32
        %scatter3A_546 = arith.constant 0 : i32
        %scatter3A_547 = tpu.memref_slice %arg15[%rem3A_247, %scatter3A_545, %scatter3A_546] : memref<4x16x128xf32, #tpu.memory_space<vmem>> -> memref<1x16x128xf32, #tpu.memory_space<vmem>>
        %scatter3A_548 = tpu.memref_squeeze %scatter3A_547 : memref<1x16x128xf32, #tpu.memory_space<vmem>> -> memref<16x128xf32, #tpu.memory_space<vmem>>
        tpu.vector_store_idx %scatter3A_548[%iota3A, %broadcast_in_dim3A_544], %gather3A_542 masked %lt3A_231 : memref<16x128xf32, #tpu.memory_space<vmem>>[vector<16xi32>, vector<16xi32>], vector<16xf32>, vector<16xi1>
        %broadcast_in_dim3A_549 = arith.constant 7 : i32
        %broadcast_in_dim3A_550 = vector.broadcast %broadcast_in_dim3A_549 : i32 to vector<16xi32>
        %gather3A_551 = arith.constant 0 : i32
        %gather3A_552 = arith.constant 0 : i32
        %gather3A_553 = tpu.memref_slice %arg12[%rem3A_152, %gather3A_551, %gather3A_552] : memref<3x32x512xf32, #tpu.memory_space<vmem>> -> memref<1x32x512xf32, #tpu.memory_space<vmem>>
        %gather3A_554 = tpu.memref_squeeze %gather3A_553 : memref<1x32x512xf32, #tpu.memory_space<vmem>> -> memref<32x512xf32, #tpu.memory_space<vmem>>
        %gather3A_555 = tpu.vector_load_idx %gather3A_554[%broadcast_in_dim3A_550, %select_n3A_239] masked %lt3A_231 : memref<32x512xf32, #tpu.memory_space<vmem>>[vector<16xi32>, vector<16xi32>], vector<16xf32>, vector<16xi1>
        %broadcast_in_dim3A_556 = arith.constant 23 : i32
        %broadcast_in_dim3A_557 = vector.broadcast %broadcast_in_dim3A_556 : i32 to vector<16xi32>
        %scatter3A_558 = arith.constant 0 : i32
        %scatter3A_559 = arith.constant 0 : i32
        %scatter3A_560 = tpu.memref_slice %arg15[%rem3A_247, %scatter3A_558, %scatter3A_559] : memref<4x16x128xf32, #tpu.memory_space<vmem>> -> memref<1x16x128xf32, #tpu.memory_space<vmem>>
        %scatter3A_561 = tpu.memref_squeeze %scatter3A_560 : memref<1x16x128xf32, #tpu.memory_space<vmem>> -> memref<16x128xf32, #tpu.memory_space<vmem>>
        tpu.vector_store_idx %scatter3A_561[%iota3A, %broadcast_in_dim3A_557], %gather3A_555 masked %lt3A_231 : memref<16x128xf32, #tpu.memory_space<vmem>>[vector<16xi32>, vector<16xi32>], vector<16xf32>, vector<16xi1>
        %broadcast_in_dim3A_562 = arith.constant 8 : i32
        %broadcast_in_dim3A_563 = vector.broadcast %broadcast_in_dim3A_562 : i32 to vector<16xi32>
        %gather3A_564 = arith.constant 0 : i32
        %gather3A_565 = arith.constant 0 : i32
        %gather3A_566 = tpu.memref_slice %arg12[%rem3A_152, %gather3A_564, %gather3A_565] : memref<3x32x512xf32, #tpu.memory_space<vmem>> -> memref<1x32x512xf32, #tpu.memory_space<vmem>>
        %gather3A_567 = tpu.memref_squeeze %gather3A_566 : memref<1x32x512xf32, #tpu.memory_space<vmem>> -> memref<32x512xf32, #tpu.memory_space<vmem>>
        %gather3A_568 = tpu.vector_load_idx %gather3A_567[%broadcast_in_dim3A_563, %select_n3A_239] masked %lt3A_231 : memref<32x512xf32, #tpu.memory_space<vmem>>[vector<16xi32>, vector<16xi32>], vector<16xf32>, vector<16xi1>
        %broadcast_in_dim3A_569 = arith.constant 24 : i32
        %broadcast_in_dim3A_570 = vector.broadcast %broadcast_in_dim3A_569 : i32 to vector<16xi32>
        %scatter3A_571 = arith.constant 0 : i32
        %scatter3A_572 = arith.constant 0 : i32
        %scatter3A_573 = tpu.memref_slice %arg15[%rem3A_247, %scatter3A_571, %scatter3A_572] : memref<4x16x128xf32, #tpu.memory_space<vmem>> -> memref<1x16x128xf32, #tpu.memory_space<vmem>>
        %scatter3A_574 = tpu.memref_squeeze %scatter3A_573 : memref<1x16x128xf32, #tpu.memory_space<vmem>> -> memref<16x128xf32, #tpu.memory_space<vmem>>
        tpu.vector_store_idx %scatter3A_574[%iota3A, %broadcast_in_dim3A_570], %gather3A_568 masked %lt3A_231 : memref<16x128xf32, #tpu.memory_space<vmem>>[vector<16xi32>, vector<16xi32>], vector<16xf32>, vector<16xi1>
        %broadcast_in_dim3A_575 = arith.constant 9 : i32
        %broadcast_in_dim3A_576 = vector.broadcast %broadcast_in_dim3A_575 : i32 to vector<16xi32>
        %gather3A_577 = arith.constant 0 : i32
        %gather3A_578 = arith.constant 0 : i32
        %gather3A_579 = tpu.memref_slice %arg12[%rem3A_152, %gather3A_577, %gather3A_578] : memref<3x32x512xf32, #tpu.memory_space<vmem>> -> memref<1x32x512xf32, #tpu.memory_space<vmem>>
        %gather3A_580 = tpu.memref_squeeze %gather3A_579 : memref<1x32x512xf32, #tpu.memory_space<vmem>> -> memref<32x512xf32, #tpu.memory_space<vmem>>
        %gather3A_581 = tpu.vector_load_idx %gather3A_580[%broadcast_in_dim3A_576, %select_n3A_239] masked %lt3A_231 : memref<32x512xf32, #tpu.memory_space<vmem>>[vector<16xi32>, vector<16xi32>], vector<16xf32>, vector<16xi1>
        %broadcast_in_dim3A_582 = arith.constant 25 : i32
        %broadcast_in_dim3A_583 = vector.broadcast %broadcast_in_dim3A_582 : i32 to vector<16xi32>
        %scatter3A_584 = arith.constant 0 : i32
        %scatter3A_585 = arith.constant 0 : i32
        %scatter3A_586 = tpu.memref_slice %arg15[%rem3A_247, %scatter3A_584, %scatter3A_585] : memref<4x16x128xf32, #tpu.memory_space<vmem>> -> memref<1x16x128xf32, #tpu.memory_space<vmem>>
        %scatter3A_587 = tpu.memref_squeeze %scatter3A_586 : memref<1x16x128xf32, #tpu.memory_space<vmem>> -> memref<16x128xf32, #tpu.memory_space<vmem>>
        tpu.vector_store_idx %scatter3A_587[%iota3A, %broadcast_in_dim3A_583], %gather3A_581 masked %lt3A_231 : memref<16x128xf32, #tpu.memory_space<vmem>>[vector<16xi32>, vector<16xi32>], vector<16xf32>, vector<16xi1>
        %broadcast_in_dim3A_588 = arith.constant 10 : i32
        %broadcast_in_dim3A_589 = vector.broadcast %broadcast_in_dim3A_588 : i32 to vector<16xi32>
        %gather3A_590 = arith.constant 0 : i32
        %gather3A_591 = arith.constant 0 : i32
        %gather3A_592 = tpu.memref_slice %arg12[%rem3A_152, %gather3A_590, %gather3A_591] : memref<3x32x512xf32, #tpu.memory_space<vmem>> -> memref<1x32x512xf32, #tpu.memory_space<vmem>>
        %gather3A_593 = tpu.memref_squeeze %gather3A_592 : memref<1x32x512xf32, #tpu.memory_space<vmem>> -> memref<32x512xf32, #tpu.memory_space<vmem>>
        %gather3A_594 = tpu.vector_load_idx %gather3A_593[%broadcast_in_dim3A_589, %select_n3A_239] masked %lt3A_231 : memref<32x512xf32, #tpu.memory_space<vmem>>[vector<16xi32>, vector<16xi32>], vector<16xf32>, vector<16xi1>
        %broadcast_in_dim3A_595 = arith.constant 26 : i32
        %broadcast_in_dim3A_596 = vector.broadcast %broadcast_in_dim3A_595 : i32 to vector<16xi32>
        %scatter3A_597 = arith.constant 0 : i32
        %scatter3A_598 = arith.constant 0 : i32
        %scatter3A_599 = tpu.memref_slice %arg15[%rem3A_247, %scatter3A_597, %scatter3A_598] : memref<4x16x128xf32, #tpu.memory_space<vmem>> -> memref<1x16x128xf32, #tpu.memory_space<vmem>>
        %scatter3A_600 = tpu.memref_squeeze %scatter3A_599 : memref<1x16x128xf32, #tpu.memory_space<vmem>> -> memref<16x128xf32, #tpu.memory_space<vmem>>
        tpu.vector_store_idx %scatter3A_600[%iota3A, %broadcast_in_dim3A_596], %gather3A_594 masked %lt3A_231 : memref<16x128xf32, #tpu.memory_space<vmem>>[vector<16xi32>, vector<16xi32>], vector<16xf32>, vector<16xi1>
        %broadcast_in_dim3A_601 = arith.constant 11 : i32
        %broadcast_in_dim3A_602 = vector.broadcast %broadcast_in_dim3A_601 : i32 to vector<16xi32>
        %gather3A_603 = arith.constant 0 : i32
        %gather3A_604 = arith.constant 0 : i32
        %gather3A_605 = tpu.memref_slice %arg12[%rem3A_152, %gather3A_603, %gather3A_604] : memref<3x32x512xf32, #tpu.memory_space<vmem>> -> memref<1x32x512xf32, #tpu.memory_space<vmem>>
        %gather3A_606 = tpu.memref_squeeze %gather3A_605 : memref<1x32x512xf32, #tpu.memory_space<vmem>> -> memref<32x512xf32, #tpu.memory_space<vmem>>
        %gather3A_607 = tpu.vector_load_idx %gather3A_606[%broadcast_in_dim3A_602, %select_n3A_239] masked %lt3A_231 : memref<32x512xf32, #tpu.memory_space<vmem>>[vector<16xi32>, vector<16xi32>], vector<16xf32>, vector<16xi1>
        %broadcast_in_dim3A_608 = arith.constant 27 : i32
        %broadcast_in_dim3A_609 = vector.broadcast %broadcast_in_dim3A_608 : i32 to vector<16xi32>
        %scatter3A_610 = arith.constant 0 : i32
        %scatter3A_611 = arith.constant 0 : i32
        %scatter3A_612 = tpu.memref_slice %arg15[%rem3A_247, %scatter3A_610, %scatter3A_611] : memref<4x16x128xf32, #tpu.memory_space<vmem>> -> memref<1x16x128xf32, #tpu.memory_space<vmem>>
        %scatter3A_613 = tpu.memref_squeeze %scatter3A_612 : memref<1x16x128xf32, #tpu.memory_space<vmem>> -> memref<16x128xf32, #tpu.memory_space<vmem>>
        tpu.vector_store_idx %scatter3A_613[%iota3A, %broadcast_in_dim3A_609], %gather3A_607 masked %lt3A_231 : memref<16x128xf32, #tpu.memory_space<vmem>>[vector<16xi32>, vector<16xi32>], vector<16xf32>, vector<16xi1>
        %broadcast_in_dim3A_614 = arith.constant 12 : i32
        %broadcast_in_dim3A_615 = vector.broadcast %broadcast_in_dim3A_614 : i32 to vector<16xi32>
        %gather3A_616 = arith.constant 0 : i32
        %gather3A_617 = arith.constant 0 : i32
        %gather3A_618 = tpu.memref_slice %arg12[%rem3A_152, %gather3A_616, %gather3A_617] : memref<3x32x512xf32, #tpu.memory_space<vmem>> -> memref<1x32x512xf32, #tpu.memory_space<vmem>>
        %gather3A_619 = tpu.memref_squeeze %gather3A_618 : memref<1x32x512xf32, #tpu.memory_space<vmem>> -> memref<32x512xf32, #tpu.memory_space<vmem>>
        %gather3A_620 = tpu.vector_load_idx %gather3A_619[%broadcast_in_dim3A_615, %select_n3A_239] masked %lt3A_231 : memref<32x512xf32, #tpu.memory_space<vmem>>[vector<16xi32>, vector<16xi32>], vector<16xf32>, vector<16xi1>
        %broadcast_in_dim3A_621 = arith.constant 28 : i32
        %broadcast_in_dim3A_622 = vector.broadcast %broadcast_in_dim3A_621 : i32 to vector<16xi32>
        %scatter3A_623 = arith.constant 0 : i32
        %scatter3A_624 = arith.constant 0 : i32
        %scatter3A_625 = tpu.memref_slice %arg15[%rem3A_247, %scatter3A_623, %scatter3A_624] : memref<4x16x128xf32, #tpu.memory_space<vmem>> -> memref<1x16x128xf32, #tpu.memory_space<vmem>>
        %scatter3A_626 = tpu.memref_squeeze %scatter3A_625 : memref<1x16x128xf32, #tpu.memory_space<vmem>> -> memref<16x128xf32, #tpu.memory_space<vmem>>
        tpu.vector_store_idx %scatter3A_626[%iota3A, %broadcast_in_dim3A_622], %gather3A_620 masked %lt3A_231 : memref<16x128xf32, #tpu.memory_space<vmem>>[vector<16xi32>, vector<16xi32>], vector<16xf32>, vector<16xi1>
        %broadcast_in_dim3A_627 = arith.constant 13 : i32
        %broadcast_in_dim3A_628 = vector.broadcast %broadcast_in_dim3A_627 : i32 to vector<16xi32>
        %gather3A_629 = arith.constant 0 : i32
        %gather3A_630 = arith.constant 0 : i32
        %gather3A_631 = tpu.memref_slice %arg12[%rem3A_152, %gather3A_629, %gather3A_630] : memref<3x32x512xf32, #tpu.memory_space<vmem>> -> memref<1x32x512xf32, #tpu.memory_space<vmem>>
        %gather3A_632 = tpu.memref_squeeze %gather3A_631 : memref<1x32x512xf32, #tpu.memory_space<vmem>> -> memref<32x512xf32, #tpu.memory_space<vmem>>
        %gather3A_633 = tpu.vector_load_idx %gather3A_632[%broadcast_in_dim3A_628, %select_n3A_239] masked %lt3A_231 : memref<32x512xf32, #tpu.memory_space<vmem>>[vector<16xi32>, vector<16xi32>], vector<16xf32>, vector<16xi1>
        %broadcast_in_dim3A_634 = arith.constant 29 : i32
        %broadcast_in_dim3A_635 = vector.broadcast %broadcast_in_dim3A_634 : i32 to vector<16xi32>
        %scatter3A_636 = arith.constant 0 : i32
        %scatter3A_637 = arith.constant 0 : i32
        %scatter3A_638 = tpu.memref_slice %arg15[%rem3A_247, %scatter3A_636, %scatter3A_637] : memref<4x16x128xf32, #tpu.memory_space<vmem>> -> memref<1x16x128xf32, #tpu.memory_space<vmem>>
        %scatter3A_639 = tpu.memref_squeeze %scatter3A_638 : memref<1x16x128xf32, #tpu.memory_space<vmem>> -> memref<16x128xf32, #tpu.memory_space<vmem>>
        tpu.vector_store_idx %scatter3A_639[%iota3A, %broadcast_in_dim3A_635], %gather3A_633 masked %lt3A_231 : memref<16x128xf32, #tpu.memory_space<vmem>>[vector<16xi32>, vector<16xi32>], vector<16xf32>, vector<16xi1>
        %broadcast_in_dim3A_640 = arith.constant 14 : i32
        %broadcast_in_dim3A_641 = vector.broadcast %broadcast_in_dim3A_640 : i32 to vector<16xi32>
        %gather3A_642 = arith.constant 0 : i32
        %gather3A_643 = arith.constant 0 : i32
        %gather3A_644 = tpu.memref_slice %arg12[%rem3A_152, %gather3A_642, %gather3A_643] : memref<3x32x512xf32, #tpu.memory_space<vmem>> -> memref<1x32x512xf32, #tpu.memory_space<vmem>>
        %gather3A_645 = tpu.memref_squeeze %gather3A_644 : memref<1x32x512xf32, #tpu.memory_space<vmem>> -> memref<32x512xf32, #tpu.memory_space<vmem>>
        %gather3A_646 = tpu.vector_load_idx %gather3A_645[%broadcast_in_dim3A_641, %select_n3A_239] masked %lt3A_231 : memref<32x512xf32, #tpu.memory_space<vmem>>[vector<16xi32>, vector<16xi32>], vector<16xf32>, vector<16xi1>
        %broadcast_in_dim3A_647 = arith.constant 30 : i32
        %broadcast_in_dim3A_648 = vector.broadcast %broadcast_in_dim3A_647 : i32 to vector<16xi32>
        %scatter3A_649 = arith.constant 0 : i32
        %scatter3A_650 = arith.constant 0 : i32
        %scatter3A_651 = tpu.memref_slice %arg15[%rem3A_247, %scatter3A_649, %scatter3A_650] : memref<4x16x128xf32, #tpu.memory_space<vmem>> -> memref<1x16x128xf32, #tpu.memory_space<vmem>>
        %scatter3A_652 = tpu.memref_squeeze %scatter3A_651 : memref<1x16x128xf32, #tpu.memory_space<vmem>> -> memref<16x128xf32, #tpu.memory_space<vmem>>
        tpu.vector_store_idx %scatter3A_652[%iota3A, %broadcast_in_dim3A_648], %gather3A_646 masked %lt3A_231 : memref<16x128xf32, #tpu.memory_space<vmem>>[vector<16xi32>, vector<16xi32>], vector<16xf32>, vector<16xi1>
        %broadcast_in_dim3A_653 = arith.constant 15 : i32
        %broadcast_in_dim3A_654 = vector.broadcast %broadcast_in_dim3A_653 : i32 to vector<16xi32>
        %gather3A_655 = arith.constant 0 : i32
        %gather3A_656 = arith.constant 0 : i32
        %gather3A_657 = tpu.memref_slice %arg12[%rem3A_152, %gather3A_655, %gather3A_656] : memref<3x32x512xf32, #tpu.memory_space<vmem>> -> memref<1x32x512xf32, #tpu.memory_space<vmem>>
        %gather3A_658 = tpu.memref_squeeze %gather3A_657 : memref<1x32x512xf32, #tpu.memory_space<vmem>> -> memref<32x512xf32, #tpu.memory_space<vmem>>
        %gather3A_659 = tpu.vector_load_idx %gather3A_658[%broadcast_in_dim3A_654, %select_n3A_239] masked %lt3A_231 : memref<32x512xf32, #tpu.memory_space<vmem>>[vector<16xi32>, vector<16xi32>], vector<16xf32>, vector<16xi1>
        %broadcast_in_dim3A_660 = arith.constant 31 : i32
        %broadcast_in_dim3A_661 = vector.broadcast %broadcast_in_dim3A_660 : i32 to vector<16xi32>
        %scatter3A_662 = arith.constant 0 : i32
        %scatter3A_663 = arith.constant 0 : i32
        %scatter3A_664 = tpu.memref_slice %arg15[%rem3A_247, %scatter3A_662, %scatter3A_663] : memref<4x16x128xf32, #tpu.memory_space<vmem>> -> memref<1x16x128xf32, #tpu.memory_space<vmem>>
        %scatter3A_665 = tpu.memref_squeeze %scatter3A_664 : memref<1x16x128xf32, #tpu.memory_space<vmem>> -> memref<16x128xf32, #tpu.memory_space<vmem>>
        tpu.vector_store_idx %scatter3A_665[%iota3A, %broadcast_in_dim3A_661], %gather3A_659 masked %lt3A_231 : memref<16x128xf32, #tpu.memory_space<vmem>>[vector<16xi32>, vector<16xi32>], vector<16xf32>, vector<16xi1>
        %broadcast_in_dim3A_666 = arith.constant 16 : i32
        %broadcast_in_dim3A_667 = vector.broadcast %broadcast_in_dim3A_666 : i32 to vector<16xi32>
        %gather3A_668 = arith.constant 0 : i32
        %gather3A_669 = arith.constant 0 : i32
        %gather3A_670 = tpu.memref_slice %arg12[%rem3A_152, %gather3A_668, %gather3A_669] : memref<3x32x512xf32, #tpu.memory_space<vmem>> -> memref<1x32x512xf32, #tpu.memory_space<vmem>>
        %gather3A_671 = tpu.memref_squeeze %gather3A_670 : memref<1x32x512xf32, #tpu.memory_space<vmem>> -> memref<32x512xf32, #tpu.memory_space<vmem>>
        %gather3A_672 = tpu.vector_load_idx %gather3A_671[%broadcast_in_dim3A_667, %select_n3A_239] masked %lt3A_231 : memref<32x512xf32, #tpu.memory_space<vmem>>[vector<16xi32>, vector<16xi32>], vector<16xf32>, vector<16xi1>
        %broadcast_in_dim3A_673 = arith.constant 32 : i32
        %broadcast_in_dim3A_674 = vector.broadcast %broadcast_in_dim3A_673 : i32 to vector<16xi32>
        %scatter3A_675 = arith.constant 0 : i32
        %scatter3A_676 = arith.constant 0 : i32
        %scatter3A_677 = tpu.memref_slice %arg15[%rem3A_247, %scatter3A_675, %scatter3A_676] : memref<4x16x128xf32, #tpu.memory_space<vmem>> -> memref<1x16x128xf32, #tpu.memory_space<vmem>>
        %scatter3A_678 = tpu.memref_squeeze %scatter3A_677 : memref<1x16x128xf32, #tpu.memory_space<vmem>> -> memref<16x128xf32, #tpu.memory_space<vmem>>
        tpu.vector_store_idx %scatter3A_678[%iota3A, %broadcast_in_dim3A_674], %gather3A_672 masked %lt3A_231 : memref<16x128xf32, #tpu.memory_space<vmem>>[vector<16xi32>, vector<16xi32>], vector<16xf32>, vector<16xi1>
        %broadcast_in_dim3A_679 = arith.constant 17 : i32
        %broadcast_in_dim3A_680 = vector.broadcast %broadcast_in_dim3A_679 : i32 to vector<16xi32>
        %gather3A_681 = arith.constant 0 : i32
        %gather3A_682 = arith.constant 0 : i32
        %gather3A_683 = tpu.memref_slice %arg12[%rem3A_152, %gather3A_681, %gather3A_682] : memref<3x32x512xf32, #tpu.memory_space<vmem>> -> memref<1x32x512xf32, #tpu.memory_space<vmem>>
        %gather3A_684 = tpu.memref_squeeze %gather3A_683 : memref<1x32x512xf32, #tpu.memory_space<vmem>> -> memref<32x512xf32, #tpu.memory_space<vmem>>
        %gather3A_685 = tpu.vector_load_idx %gather3A_684[%broadcast_in_dim3A_680, %select_n3A_239] masked %lt3A_231 : memref<32x512xf32, #tpu.memory_space<vmem>>[vector<16xi32>, vector<16xi32>], vector<16xf32>, vector<16xi1>
        %broadcast_in_dim3A_686 = arith.constant 33 : i32
        %broadcast_in_dim3A_687 = vector.broadcast %broadcast_in_dim3A_686 : i32 to vector<16xi32>
        %scatter3A_688 = arith.constant 0 : i32
        %scatter3A_689 = arith.constant 0 : i32
        %scatter3A_690 = tpu.memref_slice %arg15[%rem3A_247, %scatter3A_688, %scatter3A_689] : memref<4x16x128xf32, #tpu.memory_space<vmem>> -> memref<1x16x128xf32, #tpu.memory_space<vmem>>
        %scatter3A_691 = tpu.memref_squeeze %scatter3A_690 : memref<1x16x128xf32, #tpu.memory_space<vmem>> -> memref<16x128xf32, #tpu.memory_space<vmem>>
        tpu.vector_store_idx %scatter3A_691[%iota3A, %broadcast_in_dim3A_687], %gather3A_685 masked %lt3A_231 : memref<16x128xf32, #tpu.memory_space<vmem>>[vector<16xi32>, vector<16xi32>], vector<16xf32>, vector<16xi1>
        %broadcast_in_dim3A_692 = arith.constant 18 : i32
        %broadcast_in_dim3A_693 = vector.broadcast %broadcast_in_dim3A_692 : i32 to vector<16xi32>
        %gather3A_694 = arith.constant 0 : i32
        %gather3A_695 = arith.constant 0 : i32
        %gather3A_696 = tpu.memref_slice %arg12[%rem3A_152, %gather3A_694, %gather3A_695] : memref<3x32x512xf32, #tpu.memory_space<vmem>> -> memref<1x32x512xf32, #tpu.memory_space<vmem>>
        %gather3A_697 = tpu.memref_squeeze %gather3A_696 : memref<1x32x512xf32, #tpu.memory_space<vmem>> -> memref<32x512xf32, #tpu.memory_space<vmem>>
        %gather3A_698 = tpu.vector_load_idx %gather3A_697[%broadcast_in_dim3A_693, %select_n3A_239] masked %lt3A_231 : memref<32x512xf32, #tpu.memory_space<vmem>>[vector<16xi32>, vector<16xi32>], vector<16xf32>, vector<16xi1>
        %broadcast_in_dim3A_699 = arith.constant 34 : i32
        %broadcast_in_dim3A_700 = vector.broadcast %broadcast_in_dim3A_699 : i32 to vector<16xi32>
        %scatter3A_701 = arith.constant 0 : i32
        %scatter3A_702 = arith.constant 0 : i32
        %scatter3A_703 = tpu.memref_slice %arg15[%rem3A_247, %scatter3A_701, %scatter3A_702] : memref<4x16x128xf32, #tpu.memory_space<vmem>> -> memref<1x16x128xf32, #tpu.memory_space<vmem>>
        %scatter3A_704 = tpu.memref_squeeze %scatter3A_703 : memref<1x16x128xf32, #tpu.memory_space<vmem>> -> memref<16x128xf32, #tpu.memory_space<vmem>>
        tpu.vector_store_idx %scatter3A_704[%iota3A, %broadcast_in_dim3A_700], %gather3A_698 masked %lt3A_231 : memref<16x128xf32, #tpu.memory_space<vmem>>[vector<16xi32>, vector<16xi32>], vector<16xf32>, vector<16xi1>
        %broadcast_in_dim3A_705 = arith.constant 19 : i32
        %broadcast_in_dim3A_706 = vector.broadcast %broadcast_in_dim3A_705 : i32 to vector<16xi32>
        %gather3A_707 = arith.constant 0 : i32
        %gather3A_708 = arith.constant 0 : i32
        %gather3A_709 = tpu.memref_slice %arg12[%rem3A_152, %gather3A_707, %gather3A_708] : memref<3x32x512xf32, #tpu.memory_space<vmem>> -> memref<1x32x512xf32, #tpu.memory_space<vmem>>
        %gather3A_710 = tpu.memref_squeeze %gather3A_709 : memref<1x32x512xf32, #tpu.memory_space<vmem>> -> memref<32x512xf32, #tpu.memory_space<vmem>>
        %gather3A_711 = tpu.vector_load_idx %gather3A_710[%broadcast_in_dim3A_706, %select_n3A_239] masked %lt3A_231 : memref<32x512xf32, #tpu.memory_space<vmem>>[vector<16xi32>, vector<16xi32>], vector<16xf32>, vector<16xi1>
        %broadcast_in_dim3A_712 = arith.constant 35 : i32
        %broadcast_in_dim3A_713 = vector.broadcast %broadcast_in_dim3A_712 : i32 to vector<16xi32>
        %scatter3A_714 = arith.constant 0 : i32
        %scatter3A_715 = arith.constant 0 : i32
        %scatter3A_716 = tpu.memref_slice %arg15[%rem3A_247, %scatter3A_714, %scatter3A_715] : memref<4x16x128xf32, #tpu.memory_space<vmem>> -> memref<1x16x128xf32, #tpu.memory_space<vmem>>
        %scatter3A_717 = tpu.memref_squeeze %scatter3A_716 : memref<1x16x128xf32, #tpu.memory_space<vmem>> -> memref<16x128xf32, #tpu.memory_space<vmem>>
        tpu.vector_store_idx %scatter3A_717[%iota3A, %broadcast_in_dim3A_713], %gather3A_711 masked %lt3A_231 : memref<16x128xf32, #tpu.memory_space<vmem>>[vector<16xi32>, vector<16xi32>], vector<16xf32>, vector<16xi1>
        %broadcast_in_dim3A_718 = arith.constant 20 : i32
        %broadcast_in_dim3A_719 = vector.broadcast %broadcast_in_dim3A_718 : i32 to vector<16xi32>
        %gather3A_720 = arith.constant 0 : i32
        %gather3A_721 = arith.constant 0 : i32
        %gather3A_722 = tpu.memref_slice %arg12[%rem3A_152, %gather3A_720, %gather3A_721] : memref<3x32x512xf32, #tpu.memory_space<vmem>> -> memref<1x32x512xf32, #tpu.memory_space<vmem>>
        %gather3A_723 = tpu.memref_squeeze %gather3A_722 : memref<1x32x512xf32, #tpu.memory_space<vmem>> -> memref<32x512xf32, #tpu.memory_space<vmem>>
        %gather3A_724 = tpu.vector_load_idx %gather3A_723[%broadcast_in_dim3A_719, %select_n3A_239] masked %lt3A_231 : memref<32x512xf32, #tpu.memory_space<vmem>>[vector<16xi32>, vector<16xi32>], vector<16xf32>, vector<16xi1>
        %broadcast_in_dim3A_725 = arith.constant 36 : i32
        %broadcast_in_dim3A_726 = vector.broadcast %broadcast_in_dim3A_725 : i32 to vector<16xi32>
        %scatter3A_727 = arith.constant 0 : i32
        %scatter3A_728 = arith.constant 0 : i32
        %scatter3A_729 = tpu.memref_slice %arg15[%rem3A_247, %scatter3A_727, %scatter3A_728] : memref<4x16x128xf32, #tpu.memory_space<vmem>> -> memref<1x16x128xf32, #tpu.memory_space<vmem>>
        %scatter3A_730 = tpu.memref_squeeze %scatter3A_729 : memref<1x16x128xf32, #tpu.memory_space<vmem>> -> memref<16x128xf32, #tpu.memory_space<vmem>>
        tpu.vector_store_idx %scatter3A_730[%iota3A, %broadcast_in_dim3A_726], %gather3A_724 masked %lt3A_231 : memref<16x128xf32, #tpu.memory_space<vmem>>[vector<16xi32>, vector<16xi32>], vector<16xf32>, vector<16xi1>
        %broadcast_in_dim3A_731 = arith.constant 21 : i32
        %broadcast_in_dim3A_732 = vector.broadcast %broadcast_in_dim3A_731 : i32 to vector<16xi32>
        %gather3A_733 = arith.constant 0 : i32
        %gather3A_734 = arith.constant 0 : i32
        %gather3A_735 = tpu.memref_slice %arg12[%rem3A_152, %gather3A_733, %gather3A_734] : memref<3x32x512xf32, #tpu.memory_space<vmem>> -> memref<1x32x512xf32, #tpu.memory_space<vmem>>
        %gather3A_736 = tpu.memref_squeeze %gather3A_735 : memref<1x32x512xf32, #tpu.memory_space<vmem>> -> memref<32x512xf32, #tpu.memory_space<vmem>>
        %gather3A_737 = tpu.vector_load_idx %gather3A_736[%broadcast_in_dim3A_732, %select_n3A_239] masked %lt3A_231 : memref<32x512xf32, #tpu.memory_space<vmem>>[vector<16xi32>, vector<16xi32>], vector<16xf32>, vector<16xi1>
        %broadcast_in_dim3A_738 = arith.constant 37 : i32
        %broadcast_in_dim3A_739 = vector.broadcast %broadcast_in_dim3A_738 : i32 to vector<16xi32>
        %scatter3A_740 = arith.constant 0 : i32
        %scatter3A_741 = arith.constant 0 : i32
        %scatter3A_742 = tpu.memref_slice %arg15[%rem3A_247, %scatter3A_740, %scatter3A_741] : memref<4x16x128xf32, #tpu.memory_space<vmem>> -> memref<1x16x128xf32, #tpu.memory_space<vmem>>
        %scatter3A_743 = tpu.memref_squeeze %scatter3A_742 : memref<1x16x128xf32, #tpu.memory_space<vmem>> -> memref<16x128xf32, #tpu.memory_space<vmem>>
        tpu.vector_store_idx %scatter3A_743[%iota3A, %broadcast_in_dim3A_739], %gather3A_737 masked %lt3A_231 : memref<16x128xf32, #tpu.memory_space<vmem>>[vector<16xi32>, vector<16xi32>], vector<16xf32>, vector<16xi1>
        %broadcast_in_dim3A_744 = arith.constant 22 : i32
        %broadcast_in_dim3A_745 = vector.broadcast %broadcast_in_dim3A_744 : i32 to vector<16xi32>
        %gather3A_746 = arith.constant 0 : i32
        %gather3A_747 = arith.constant 0 : i32
        %gather3A_748 = tpu.memref_slice %arg12[%rem3A_152, %gather3A_746, %gather3A_747] : memref<3x32x512xf32, #tpu.memory_space<vmem>> -> memref<1x32x512xf32, #tpu.memory_space<vmem>>
        %gather3A_749 = tpu.memref_squeeze %gather3A_748 : memref<1x32x512xf32, #tpu.memory_space<vmem>> -> memref<32x512xf32, #tpu.memory_space<vmem>>
        %gather3A_750 = tpu.vector_load_idx %gather3A_749[%broadcast_in_dim3A_745, %select_n3A_239] masked %lt3A_231 : memref<32x512xf32, #tpu.memory_space<vmem>>[vector<16xi32>, vector<16xi32>], vector<16xf32>, vector<16xi1>
        %broadcast_in_dim3A_751 = arith.constant 38 : i32
        %broadcast_in_dim3A_752 = vector.broadcast %broadcast_in_dim3A_751 : i32 to vector<16xi32>
        %scatter3A_753 = arith.constant 0 : i32
        %scatter3A_754 = arith.constant 0 : i32
        %scatter3A_755 = tpu.memref_slice %arg15[%rem3A_247, %scatter3A_753, %scatter3A_754] : memref<4x16x128xf32, #tpu.memory_space<vmem>> -> memref<1x16x128xf32, #tpu.memory_space<vmem>>
        %scatter3A_756 = tpu.memref_squeeze %scatter3A_755 : memref<1x16x128xf32, #tpu.memory_space<vmem>> -> memref<16x128xf32, #tpu.memory_space<vmem>>
        tpu.vector_store_idx %scatter3A_756[%iota3A, %broadcast_in_dim3A_752], %gather3A_750 masked %lt3A_231 : memref<16x128xf32, #tpu.memory_space<vmem>>[vector<16xi32>, vector<16xi32>], vector<16xf32>, vector<16xi1>
        %broadcast_in_dim3A_757 = arith.constant 23 : i32
        %broadcast_in_dim3A_758 = vector.broadcast %broadcast_in_dim3A_757 : i32 to vector<16xi32>
        %gather3A_759 = arith.constant 0 : i32
        %gather3A_760 = arith.constant 0 : i32
        %gather3A_761 = tpu.memref_slice %arg12[%rem3A_152, %gather3A_759, %gather3A_760] : memref<3x32x512xf32, #tpu.memory_space<vmem>> -> memref<1x32x512xf32, #tpu.memory_space<vmem>>
        %gather3A_762 = tpu.memref_squeeze %gather3A_761 : memref<1x32x512xf32, #tpu.memory_space<vmem>> -> memref<32x512xf32, #tpu.memory_space<vmem>>
        %gather3A_763 = tpu.vector_load_idx %gather3A_762[%broadcast_in_dim3A_758, %select_n3A_239] masked %lt3A_231 : memref<32x512xf32, #tpu.memory_space<vmem>>[vector<16xi32>, vector<16xi32>], vector<16xf32>, vector<16xi1>
        %broadcast_in_dim3A_764 = arith.constant 39 : i32
        %broadcast_in_dim3A_765 = vector.broadcast %broadcast_in_dim3A_764 : i32 to vector<16xi32>
        %scatter3A_766 = arith.constant 0 : i32
        %scatter3A_767 = arith.constant 0 : i32
        %scatter3A_768 = tpu.memref_slice %arg15[%rem3A_247, %scatter3A_766, %scatter3A_767] : memref<4x16x128xf32, #tpu.memory_space<vmem>> -> memref<1x16x128xf32, #tpu.memory_space<vmem>>
        %scatter3A_769 = tpu.memref_squeeze %scatter3A_768 : memref<1x16x128xf32, #tpu.memory_space<vmem>> -> memref<16x128xf32, #tpu.memory_space<vmem>>
        tpu.vector_store_idx %scatter3A_769[%iota3A, %broadcast_in_dim3A_765], %gather3A_763 masked %lt3A_231 : memref<16x128xf32, #tpu.memory_space<vmem>>[vector<16xi32>, vector<16xi32>], vector<16xf32>, vector<16xi1>
        %broadcast_in_dim3A_770 = arith.constant 24 : i32
        %broadcast_in_dim3A_771 = vector.broadcast %broadcast_in_dim3A_770 : i32 to vector<16xi32>
        %gather3A_772 = arith.constant 0 : i32
        %gather3A_773 = arith.constant 0 : i32
        %gather3A_774 = tpu.memref_slice %arg12[%rem3A_152, %gather3A_772, %gather3A_773] : memref<3x32x512xf32, #tpu.memory_space<vmem>> -> memref<1x32x512xf32, #tpu.memory_space<vmem>>
        %gather3A_775 = tpu.memref_squeeze %gather3A_774 : memref<1x32x512xf32, #tpu.memory_space<vmem>> -> memref<32x512xf32, #tpu.memory_space<vmem>>
        %gather3A_776 = tpu.vector_load_idx %gather3A_775[%broadcast_in_dim3A_771, %select_n3A_239] masked %lt3A_231 : memref<32x512xf32, #tpu.memory_space<vmem>>[vector<16xi32>, vector<16xi32>], vector<16xf32>, vector<16xi1>
        %broadcast_in_dim3A_777 = arith.constant 40 : i32
        %broadcast_in_dim3A_778 = vector.broadcast %broadcast_in_dim3A_777 : i32 to vector<16xi32>
        %scatter3A_779 = arith.constant 0 : i32
        %scatter3A_780 = arith.constant 0 : i32
        %scatter3A_781 = tpu.memref_slice %arg15[%rem3A_247, %scatter3A_779, %scatter3A_780] : memref<4x16x128xf32, #tpu.memory_space<vmem>> -> memref<1x16x128xf32, #tpu.memory_space<vmem>>
        %scatter3A_782 = tpu.memref_squeeze %scatter3A_781 : memref<1x16x128xf32, #tpu.memory_space<vmem>> -> memref<16x128xf32, #tpu.memory_space<vmem>>
        tpu.vector_store_idx %scatter3A_782[%iota3A, %broadcast_in_dim3A_778], %gather3A_776 masked %lt3A_231 : memref<16x128xf32, #tpu.memory_space<vmem>>[vector<16xi32>, vector<16xi32>], vector<16xf32>, vector<16xi1>
        %broadcast_in_dim3A_783 = arith.constant 25 : i32
        %broadcast_in_dim3A_784 = vector.broadcast %broadcast_in_dim3A_783 : i32 to vector<16xi32>
        %gather3A_785 = arith.constant 0 : i32
        %gather3A_786 = arith.constant 0 : i32
        %gather3A_787 = tpu.memref_slice %arg12[%rem3A_152, %gather3A_785, %gather3A_786] : memref<3x32x512xf32, #tpu.memory_space<vmem>> -> memref<1x32x512xf32, #tpu.memory_space<vmem>>
        %gather3A_788 = tpu.memref_squeeze %gather3A_787 : memref<1x32x512xf32, #tpu.memory_space<vmem>> -> memref<32x512xf32, #tpu.memory_space<vmem>>
        %gather3A_789 = tpu.vector_load_idx %gather3A_788[%broadcast_in_dim3A_784, %select_n3A_239] masked %lt3A_231 : memref<32x512xf32, #tpu.memory_space<vmem>>[vector<16xi32>, vector<16xi32>], vector<16xf32>, vector<16xi1>
        %broadcast_in_dim3A_790 = arith.constant 41 : i32
        %broadcast_in_dim3A_791 = vector.broadcast %broadcast_in_dim3A_790 : i32 to vector<16xi32>
        %scatter3A_792 = arith.constant 0 : i32
        %scatter3A_793 = arith.constant 0 : i32
        %scatter3A_794 = tpu.memref_slice %arg15[%rem3A_247, %scatter3A_792, %scatter3A_793] : memref<4x16x128xf32, #tpu.memory_space<vmem>> -> memref<1x16x128xf32, #tpu.memory_space<vmem>>
        %scatter3A_795 = tpu.memref_squeeze %scatter3A_794 : memref<1x16x128xf32, #tpu.memory_space<vmem>> -> memref<16x128xf32, #tpu.memory_space<vmem>>
        tpu.vector_store_idx %scatter3A_795[%iota3A, %broadcast_in_dim3A_791], %gather3A_789 masked %lt3A_231 : memref<16x128xf32, #tpu.memory_space<vmem>>[vector<16xi32>, vector<16xi32>], vector<16xf32>, vector<16xi1>
        %broadcast_in_dim3A_796 = arith.constant 26 : i32
        %broadcast_in_dim3A_797 = vector.broadcast %broadcast_in_dim3A_796 : i32 to vector<16xi32>
        %gather3A_798 = arith.constant 0 : i32
        %gather3A_799 = arith.constant 0 : i32
        %gather3A_800 = tpu.memref_slice %arg12[%rem3A_152, %gather3A_798, %gather3A_799] : memref<3x32x512xf32, #tpu.memory_space<vmem>> -> memref<1x32x512xf32, #tpu.memory_space<vmem>>
        %gather3A_801 = tpu.memref_squeeze %gather3A_800 : memref<1x32x512xf32, #tpu.memory_space<vmem>> -> memref<32x512xf32, #tpu.memory_space<vmem>>
        %gather3A_802 = tpu.vector_load_idx %gather3A_801[%broadcast_in_dim3A_797, %select_n3A_239] masked %lt3A_231 : memref<32x512xf32, #tpu.memory_space<vmem>>[vector<16xi32>, vector<16xi32>], vector<16xf32>, vector<16xi1>
        %broadcast_in_dim3A_803 = arith.constant 42 : i32
        %broadcast_in_dim3A_804 = vector.broadcast %broadcast_in_dim3A_803 : i32 to vector<16xi32>
        %scatter3A_805 = arith.constant 0 : i32
        %scatter3A_806 = arith.constant 0 : i32
        %scatter3A_807 = tpu.memref_slice %arg15[%rem3A_247, %scatter3A_805, %scatter3A_806] : memref<4x16x128xf32, #tpu.memory_space<vmem>> -> memref<1x16x128xf32, #tpu.memory_space<vmem>>
        %scatter3A_808 = tpu.memref_squeeze %scatter3A_807 : memref<1x16x128xf32, #tpu.memory_space<vmem>> -> memref<16x128xf32, #tpu.memory_space<vmem>>
        tpu.vector_store_idx %scatter3A_808[%iota3A, %broadcast_in_dim3A_804], %gather3A_802 masked %lt3A_231 : memref<16x128xf32, #tpu.memory_space<vmem>>[vector<16xi32>, vector<16xi32>], vector<16xf32>, vector<16xi1>
        %broadcast_in_dim3A_809 = arith.constant 27 : i32
        %broadcast_in_dim3A_810 = vector.broadcast %broadcast_in_dim3A_809 : i32 to vector<16xi32>
        %gather3A_811 = arith.constant 0 : i32
        %gather3A_812 = arith.constant 0 : i32
        %gather3A_813 = tpu.memref_slice %arg12[%rem3A_152, %gather3A_811, %gather3A_812] : memref<3x32x512xf32, #tpu.memory_space<vmem>> -> memref<1x32x512xf32, #tpu.memory_space<vmem>>
        %gather3A_814 = tpu.memref_squeeze %gather3A_813 : memref<1x32x512xf32, #tpu.memory_space<vmem>> -> memref<32x512xf32, #tpu.memory_space<vmem>>
        %gather3A_815 = tpu.vector_load_idx %gather3A_814[%broadcast_in_dim3A_810, %select_n3A_239] masked %lt3A_231 : memref<32x512xf32, #tpu.memory_space<vmem>>[vector<16xi32>, vector<16xi32>], vector<16xf32>, vector<16xi1>
        %broadcast_in_dim3A_816 = arith.constant 43 : i32
        %broadcast_in_dim3A_817 = vector.broadcast %broadcast_in_dim3A_816 : i32 to vector<16xi32>
        %scatter3A_818 = arith.constant 0 : i32
        %scatter3A_819 = arith.constant 0 : i32
        %scatter3A_820 = tpu.memref_slice %arg15[%rem3A_247, %scatter3A_818, %scatter3A_819] : memref<4x16x128xf32, #tpu.memory_space<vmem>> -> memref<1x16x128xf32, #tpu.memory_space<vmem>>
        %scatter3A_821 = tpu.memref_squeeze %scatter3A_820 : memref<1x16x128xf32, #tpu.memory_space<vmem>> -> memref<16x128xf32, #tpu.memory_space<vmem>>
        tpu.vector_store_idx %scatter3A_821[%iota3A, %broadcast_in_dim3A_817], %gather3A_815 masked %lt3A_231 : memref<16x128xf32, #tpu.memory_space<vmem>>[vector<16xi32>, vector<16xi32>], vector<16xf32>, vector<16xi1>
        %broadcast_in_dim3A_822 = arith.constant 28 : i32
        %broadcast_in_dim3A_823 = vector.broadcast %broadcast_in_dim3A_822 : i32 to vector<16xi32>
        %gather3A_824 = arith.constant 0 : i32
        %gather3A_825 = arith.constant 0 : i32
        %gather3A_826 = tpu.memref_slice %arg12[%rem3A_152, %gather3A_824, %gather3A_825] : memref<3x32x512xf32, #tpu.memory_space<vmem>> -> memref<1x32x512xf32, #tpu.memory_space<vmem>>
        %gather3A_827 = tpu.memref_squeeze %gather3A_826 : memref<1x32x512xf32, #tpu.memory_space<vmem>> -> memref<32x512xf32, #tpu.memory_space<vmem>>
        %gather3A_828 = tpu.vector_load_idx %gather3A_827[%broadcast_in_dim3A_823, %select_n3A_239] masked %lt3A_231 : memref<32x512xf32, #tpu.memory_space<vmem>>[vector<16xi32>, vector<16xi32>], vector<16xf32>, vector<16xi1>
        %broadcast_in_dim3A_829 = arith.constant 44 : i32
        %broadcast_in_dim3A_830 = vector.broadcast %broadcast_in_dim3A_829 : i32 to vector<16xi32>
        %scatter3A_831 = arith.constant 0 : i32
        %scatter3A_832 = arith.constant 0 : i32
        %scatter3A_833 = tpu.memref_slice %arg15[%rem3A_247, %scatter3A_831, %scatter3A_832] : memref<4x16x128xf32, #tpu.memory_space<vmem>> -> memref<1x16x128xf32, #tpu.memory_space<vmem>>
        %scatter3A_834 = tpu.memref_squeeze %scatter3A_833 : memref<1x16x128xf32, #tpu.memory_space<vmem>> -> memref<16x128xf32, #tpu.memory_space<vmem>>
        tpu.vector_store_idx %scatter3A_834[%iota3A, %broadcast_in_dim3A_830], %gather3A_828 masked %lt3A_231 : memref<16x128xf32, #tpu.memory_space<vmem>>[vector<16xi32>, vector<16xi32>], vector<16xf32>, vector<16xi1>
        %broadcast_in_dim3A_835 = arith.constant 29 : i32
        %broadcast_in_dim3A_836 = vector.broadcast %broadcast_in_dim3A_835 : i32 to vector<16xi32>
        %gather3A_837 = arith.constant 0 : i32
        %gather3A_838 = arith.constant 0 : i32
        %gather3A_839 = tpu.memref_slice %arg12[%rem3A_152, %gather3A_837, %gather3A_838] : memref<3x32x512xf32, #tpu.memory_space<vmem>> -> memref<1x32x512xf32, #tpu.memory_space<vmem>>
        %gather3A_840 = tpu.memref_squeeze %gather3A_839 : memref<1x32x512xf32, #tpu.memory_space<vmem>> -> memref<32x512xf32, #tpu.memory_space<vmem>>
        %gather3A_841 = tpu.vector_load_idx %gather3A_840[%broadcast_in_dim3A_836, %select_n3A_239] masked %lt3A_231 : memref<32x512xf32, #tpu.memory_space<vmem>>[vector<16xi32>, vector<16xi32>], vector<16xf32>, vector<16xi1>
        %broadcast_in_dim3A_842 = arith.constant 45 : i32
        %broadcast_in_dim3A_843 = vector.broadcast %broadcast_in_dim3A_842 : i32 to vector<16xi32>
        %scatter3A_844 = arith.constant 0 : i32
        %scatter3A_845 = arith.constant 0 : i32
        %scatter3A_846 = tpu.memref_slice %arg15[%rem3A_247, %scatter3A_844, %scatter3A_845] : memref<4x16x128xf32, #tpu.memory_space<vmem>> -> memref<1x16x128xf32, #tpu.memory_space<vmem>>
        %scatter3A_847 = tpu.memref_squeeze %scatter3A_846 : memref<1x16x128xf32, #tpu.memory_space<vmem>> -> memref<16x128xf32, #tpu.memory_space<vmem>>
        tpu.vector_store_idx %scatter3A_847[%iota3A, %broadcast_in_dim3A_843], %gather3A_841 masked %lt3A_231 : memref<16x128xf32, #tpu.memory_space<vmem>>[vector<16xi32>, vector<16xi32>], vector<16xf32>, vector<16xi1>
        %broadcast_in_dim3A_848 = arith.constant 30 : i32
        %broadcast_in_dim3A_849 = vector.broadcast %broadcast_in_dim3A_848 : i32 to vector<16xi32>
        %gather3A_850 = arith.constant 0 : i32
        %gather3A_851 = arith.constant 0 : i32
        %gather3A_852 = tpu.memref_slice %arg12[%rem3A_152, %gather3A_850, %gather3A_851] : memref<3x32x512xf32, #tpu.memory_space<vmem>> -> memref<1x32x512xf32, #tpu.memory_space<vmem>>
        %gather3A_853 = tpu.memref_squeeze %gather3A_852 : memref<1x32x512xf32, #tpu.memory_space<vmem>> -> memref<32x512xf32, #tpu.memory_space<vmem>>
        %gather3A_854 = tpu.vector_load_idx %gather3A_853[%broadcast_in_dim3A_849, %select_n3A_239] masked %lt3A_231 : memref<32x512xf32, #tpu.memory_space<vmem>>[vector<16xi32>, vector<16xi32>], vector<16xf32>, vector<16xi1>
        %broadcast_in_dim3A_855 = arith.constant 46 : i32
        %broadcast_in_dim3A_856 = vector.broadcast %broadcast_in_dim3A_855 : i32 to vector<16xi32>
        %scatter3A_857 = arith.constant 0 : i32
        %scatter3A_858 = arith.constant 0 : i32
        %scatter3A_859 = tpu.memref_slice %arg15[%rem3A_247, %scatter3A_857, %scatter3A_858] : memref<4x16x128xf32, #tpu.memory_space<vmem>> -> memref<1x16x128xf32, #tpu.memory_space<vmem>>
        %scatter3A_860 = tpu.memref_squeeze %scatter3A_859 : memref<1x16x128xf32, #tpu.memory_space<vmem>> -> memref<16x128xf32, #tpu.memory_space<vmem>>
        tpu.vector_store_idx %scatter3A_860[%iota3A, %broadcast_in_dim3A_856], %gather3A_854 masked %lt3A_231 : memref<16x128xf32, #tpu.memory_space<vmem>>[vector<16xi32>, vector<16xi32>], vector<16xf32>, vector<16xi1>
        %broadcast_in_dim3A_861 = arith.constant 31 : i32
        %broadcast_in_dim3A_862 = vector.broadcast %broadcast_in_dim3A_861 : i32 to vector<16xi32>
        %gather3A_863 = arith.constant 0 : i32
        %gather3A_864 = arith.constant 0 : i32
        %gather3A_865 = tpu.memref_slice %arg12[%rem3A_152, %gather3A_863, %gather3A_864] : memref<3x32x512xf32, #tpu.memory_space<vmem>> -> memref<1x32x512xf32, #tpu.memory_space<vmem>>
        %gather3A_866 = tpu.memref_squeeze %gather3A_865 : memref<1x32x512xf32, #tpu.memory_space<vmem>> -> memref<32x512xf32, #tpu.memory_space<vmem>>
        %gather3A_867 = tpu.vector_load_idx %gather3A_866[%broadcast_in_dim3A_862, %select_n3A_239] masked %lt3A_231 : memref<32x512xf32, #tpu.memory_space<vmem>>[vector<16xi32>, vector<16xi32>], vector<16xf32>, vector<16xi1>
        %broadcast_in_dim3A_868 = arith.constant 47 : i32
        %broadcast_in_dim3A_869 = vector.broadcast %broadcast_in_dim3A_868 : i32 to vector<16xi32>
        %scatter3A_870 = arith.constant 0 : i32
        %scatter3A_871 = arith.constant 0 : i32
        %scatter3A_872 = tpu.memref_slice %arg15[%rem3A_247, %scatter3A_870, %scatter3A_871] : memref<4x16x128xf32, #tpu.memory_space<vmem>> -> memref<1x16x128xf32, #tpu.memory_space<vmem>>
        %scatter3A_873 = tpu.memref_squeeze %scatter3A_872 : memref<1x16x128xf32, #tpu.memory_space<vmem>> -> memref<16x128xf32, #tpu.memory_space<vmem>>
        tpu.vector_store_idx %scatter3A_873[%iota3A, %broadcast_in_dim3A_869], %gather3A_867 masked %lt3A_231 : memref<16x128xf32, #tpu.memory_space<vmem>>[vector<16xi32>, vector<16xi32>], vector<16xf32>, vector<16xi1>
        %dma_start3A_874 = arith.constant 0 : i32
        %dma_start3A_875 = arith.constant 0 : i32
        %dma_start3A_876 = tpu.memref_slice %arg15[%rem3A_247, %dma_start3A_874, %dma_start3A_875] : memref<4x16x128xf32, #tpu.memory_space<vmem>> -> memref<1x16x128xf32, #tpu.memory_space<vmem>>
        %dma_start3A_877 = tpu.memref_squeeze %dma_start3A_876 : memref<1x16x128xf32, #tpu.memory_space<vmem>> -> memref<16x128xf32, #tpu.memory_space<vmem>>
        %dma_start3A_878 = arith.constant 0 : i32
        %dma_start3A_879 = arith.constant 0 : i32
        %dma_start3A_880 = tpu.memref_slice %arg7[%dma_start3A_878, %dma_start3A_879] : memref<16400x128xf32, #tpu.memory_space<hbm>> -> memref<16400x128xf32, #tpu.memory_space<hbm>>
        tpu.enqueue_indirect_dma source(%dma_start3A_877 : memref<16x128xf32, #tpu.memory_space<vmem>>) target(%dma_start3A_880 : memref<16400x128xf32, #tpu.memory_space<hbm>>) offsets(%select_n3A_245 : vector<16xi32>) semaphore(%arg19 : memref<!tpu.dma_semaphore, #tpu.memory_space<semaphore_mem>>)
        %add3A_881 = arith.constant 1 : i32
        %add3A_882 = arith.addi %while3A_221, %add3A_881 : i32
        scf.yield %add3A_882 : i32
      }
      %while3A_218 = arith.constant 1 : i32
      %while3A_219 = scf.for %while3A_220 = %while3A_215 to %while3A_211 step %while3A_218 iter_args(%while3A_221 = %while3A_217) -> (i32)  : i32 {
        %mul3A_222 = arith.constant 16 : i32
        %mul3A_223 = arith.muli %while3A_220, %mul3A_222 : i32
        %get3A_224 = arith.index_cast %mul3A_223 : i32 to index
        %get3A_225 = tpu.vector_load %arg10[%get3A_224] {strides = array<i32>} : memref<16400xi32, #tpu.memory_space<vmem>>, vector<16xi32>,
        %mul3A_226 = arith.constant 16 : i32
        %mul3A_227 = arith.muli %while3A_220, %mul3A_226 : i32
        %add3A_228 = vector.broadcast %mul3A_227 : i32 to vector<16xi32>
        %add3A_229 = arith.addi %add3A_228, %iota3A : vector<16xi32>
        %lt3A_230 = vector.broadcast %squeeze3A_204 : i32 to vector<16xi32>
        %lt3A_231 = arith.cmpi slt, %add3A_229, %lt3A_230 : vector<16xi32>
        %shift_right_arithmetic3A_232 = arith.constant 14 : i32
        %shift_right_arithmetic3A_233 = vector.broadcast %shift_right_arithmetic3A_232 : i32 to vector<16xi32>
        %shift_right_arithmetic3A_234 = arith.shrsi %get3A_225, %shift_right_arithmetic3A_233 : vector<16xi32>
        %sub3A_235 = vector.broadcast %mul3A_186 : i32 to vector<16xi32>
        %sub3A_236 = arith.subi %shift_right_arithmetic3A_234, %sub3A_235 : vector<16xi32>
        %jit3A_237 = arith.constant 0 : i32
        %broadcast_in_dim3A_238 = vector.broadcast %jit3A_237 : i32 to vector<16xi32>
        %select_n3A_239 = arith.select %lt3A_231, %sub3A_236, %broadcast_in_dim3A_238 : vector<16xi1>, vector<16xi32>
        %and3A = arith.constant 16383 : i32
        %and3A_240 = vector.broadcast %and3A : i32 to vector<16xi32>
        %and3A_241 = arith.andi %get3A_225, %and3A_240 : vector<16xi32>
        %add3A_242 = arith.constant 16384 : i32
        %add3A_243 = vector.broadcast %add3A_242 : i32 to vector<16xi32>
        %add3A_244 = arith.addi %add3A_243, %iota3A : vector<16xi32>
        %select_n3A_245 = arith.select %lt3A_231, %and3A_241, %add3A_244 : vector<16xi1>, vector<16xi32>
        %rem3A_246 = arith.constant 4 : i32
        %rem3A_247 = arith.remsi %while3A_221, %rem3A_246 : i32
        %ge3A = arith.constant 4 : i32
        %ge3A_248 = arith.cmpi sge, %while3A_221, %ge3A : i32
        %convert_element_type3A_249 = arith.extui %ge3A_248 : i1 to i32
        %cond3A_250 = arith.constant 0 : i32
        %cond3A_251 = arith.cmpi ne, %convert_element_type3A_249, %cond3A_250 : i32
        scf.if %cond3A_251 {
          %dma_wait3A_883 = arith.constant 0 : i32
          %dma_wait3A_884 = arith.constant 0 : i32
          %dma_wait3A_885 = tpu.memref_slice %arg15[%rem3A_247, %dma_wait3A_883, %dma_wait3A_884] : memref<4x16x128xf32, #tpu.memory_space<vmem>> -> memref<1x16x128xf32, #tpu.memory_space<vmem>>
          %dma_wait3A_886 = tpu.memref_squeeze %dma_wait3A_885 : memref<1x16x128xf32, #tpu.memory_space<vmem>> -> memref<16x128xf32, #tpu.memory_space<vmem>>
          %dma_wait3A_887 = arith.constant 0 : i32
          %dma_wait3A_888 = arith.constant 0 : i32
          %dma_wait3A_889 = tpu.memref_slice %arg7[%dma_wait3A_887, %dma_wait3A_888] : memref<16400x128xf32, #tpu.memory_space<hbm>> -> memref<16x128xf32, #tpu.memory_space<hbm>>
          %dma_wait3A_890 = arith.constant 0 : i32
          %dma_wait3A_891 = arith.constant 0 : i32
          %dma_wait3A_892 = tpu.memref_slice %arg15[%rem3A_247, %dma_wait3A_890, %dma_wait3A_891] : memref<4x16x128xf32, #tpu.memory_space<vmem>> -> memref<1x16x128xf32, #tpu.memory_space<vmem>>
          %dma_wait3A_893 = tpu.memref_squeeze %dma_wait3A_892 : memref<1x16x128xf32, #tpu.memory_space<vmem>> -> memref<16x128xf32, #tpu.memory_space<vmem>>
          %dma_wait3A_894 = arith.constant 0 : i32
          %dma_wait3A_895 = arith.constant 0 : i32
          %dma_wait3A_896 = tpu.memref_slice %arg7[%dma_wait3A_894, %dma_wait3A_895] : memref<16400x128xf32, #tpu.memory_space<hbm>> -> memref<16x128xf32, #tpu.memory_space<hbm>>
          tpu.wait_dma2 semaphore(%arg19 : memref<!tpu.dma_semaphore, #tpu.memory_space<semaphore_mem>>) src(%dma_wait3A_896 : memref<16x128xf32, #tpu.memory_space<hbm>>) dst(%dma_wait3A_893 : memref<16x128xf32, #tpu.memory_space<vmem>>)
        } else {
        }
        %broadcast_in_dim3A_252 = arith.constant 0 : i32
        %broadcast_in_dim3A_253 = vector.broadcast %broadcast_in_dim3A_252 : i32 to vector<16xi32>
        %gather3A = arith.constant 0 : i32
        %gather3A_254 = arith.constant 0 : i32
        %gather3A_255 = tpu.memref_slice %arg11[%rem3A_152, %gather3A, %gather3A_254] : memref<3x16x512xf32, #tpu.memory_space<vmem>> -> memref<1x16x512xf32, #tpu.memory_space<vmem>>
        %gather3A_256 = tpu.memref_squeeze %gather3A_255 : memref<1x16x512xf32, #tpu.memory_space<vmem>> -> memref<16x512xf32, #tpu.memory_space<vmem>>
        %gather3A_257 = tpu.vector_load_idx %gather3A_256[%broadcast_in_dim3A_253, %select_n3A_239] masked %lt3A_231 : memref<16x512xf32, #tpu.memory_space<vmem>>[vector<16xi32>, vector<16xi32>], vector<16xf32>, vector<16xi1>
        %broadcast_in_dim3A_258 = arith.constant 0 : i32
        %broadcast_in_dim3A_259 = vector.broadcast %broadcast_in_dim3A_258 : i32 to vector<16xi32>
        %scatter3A = arith.constant 0 : i32
        %scatter3A_260 = arith.constant 0 : i32
        %scatter3A_261 = tpu.memref_slice %arg15[%rem3A_247, %scatter3A, %scatter3A_260] : memref<4x16x128xf32, #tpu.memory_space<vmem>> -> memref<1x16x128xf32, #tpu.memory_space<vmem>>
        %scatter3A_262 = tpu.memref_squeeze %scatter3A_261 : memref<1x16x128xf32, #tpu.memory_space<vmem>> -> memref<16x128xf32, #tpu.memory_space<vmem>>
        tpu.vector_store_idx %scatter3A_262[%iota3A, %broadcast_in_dim3A_259], %gather3A_257 masked %lt3A_231 : memref<16x128xf32, #tpu.memory_space<vmem>>[vector<16xi32>, vector<16xi32>], vector<16xf32>, vector<16xi1>
        %broadcast_in_dim3A_263 = arith.constant 1 : i32
        %broadcast_in_dim3A_264 = vector.broadcast %broadcast_in_dim3A_263 : i32 to vector<16xi32>
        %gather3A_265 = arith.constant 0 : i32
        %gather3A_266 = arith.constant 0 : i32
        %gather3A_267 = tpu.memref_slice %arg11[%rem3A_152, %gather3A_265, %gather3A_266] : memref<3x16x512xf32, #tpu.memory_space<vmem>> -> memref<1x16x512xf32, #tpu.memory_space<vmem>>
        %gather3A_268 = tpu.memref_squeeze %gather3A_267 : memref<1x16x512xf32, #tpu.memory_space<vmem>> -> memref<16x512xf32, #tpu.memory_space<vmem>>
        %gather3A_269 = tpu.vector_load_idx %gather3A_268[%broadcast_in_dim3A_264, %select_n3A_239] masked %lt3A_231 : memref<16x512xf32, #tpu.memory_space<vmem>>[vector<16xi32>, vector<16xi32>], vector<16xf32>, vector<16xi1>
        %broadcast_in_dim3A_270 = arith.constant 1 : i32
        %broadcast_in_dim3A_271 = vector.broadcast %broadcast_in_dim3A_270 : i32 to vector<16xi32>
        %scatter3A_272 = arith.constant 0 : i32
        %scatter3A_273 = arith.constant 0 : i32
        %scatter3A_274 = tpu.memref_slice %arg15[%rem3A_247, %scatter3A_272, %scatter3A_273] : memref<4x16x128xf32, #tpu.memory_space<vmem>> -> memref<1x16x128xf32, #tpu.memory_space<vmem>>
        %scatter3A_275 = tpu.memref_squeeze %scatter3A_274 : memref<1x16x128xf32, #tpu.memory_space<vmem>> -> memref<16x128xf32, #tpu.memory_space<vmem>>
        tpu.vector_store_idx %scatter3A_275[%iota3A, %broadcast_in_dim3A_271], %gather3A_269 masked %lt3A_231 : memref<16x128xf32, #tpu.memory_space<vmem>>[vector<16xi32>, vector<16xi32>], vector<16xf32>, vector<16xi1>
        %broadcast_in_dim3A_276 = arith.constant 2 : i32
        %broadcast_in_dim3A_277 = vector.broadcast %broadcast_in_dim3A_276 : i32 to vector<16xi32>
        %gather3A_278 = arith.constant 0 : i32
        %gather3A_279 = arith.constant 0 : i32
        %gather3A_280 = tpu.memref_slice %arg11[%rem3A_152, %gather3A_278, %gather3A_279] : memref<3x16x512xf32, #tpu.memory_space<vmem>> -> memref<1x16x512xf32, #tpu.memory_space<vmem>>
        %gather3A_281 = tpu.memref_squeeze %gather3A_280 : memref<1x16x512xf32, #tpu.memory_space<vmem>> -> memref<16x512xf32, #tpu.memory_space<vmem>>
        %gather3A_282 = tpu.vector_load_idx %gather3A_281[%broadcast_in_dim3A_277, %select_n3A_239] masked %lt3A_231 : memref<16x512xf32, #tpu.memory_space<vmem>>[vector<16xi32>, vector<16xi32>], vector<16xf32>, vector<16xi1>
        %broadcast_in_dim3A_283 = arith.constant 2 : i32
        %broadcast_in_dim3A_284 = vector.broadcast %broadcast_in_dim3A_283 : i32 to vector<16xi32>
        %scatter3A_285 = arith.constant 0 : i32
        %scatter3A_286 = arith.constant 0 : i32
        %scatter3A_287 = tpu.memref_slice %arg15[%rem3A_247, %scatter3A_285, %scatter3A_286] : memref<4x16x128xf32, #tpu.memory_space<vmem>> -> memref<1x16x128xf32, #tpu.memory_space<vmem>>
        %scatter3A_288 = tpu.memref_squeeze %scatter3A_287 : memref<1x16x128xf32, #tpu.memory_space<vmem>> -> memref<16x128xf32, #tpu.memory_space<vmem>>
        tpu.vector_store_idx %scatter3A_288[%iota3A, %broadcast_in_dim3A_284], %gather3A_282 masked %lt3A_231 : memref<16x128xf32, #tpu.memory_space<vmem>>[vector<16xi32>, vector<16xi32>], vector<16xf32>, vector<16xi1>
        %broadcast_in_dim3A_289 = arith.constant 3 : i32
        %broadcast_in_dim3A_290 = vector.broadcast %broadcast_in_dim3A_289 : i32 to vector<16xi32>
        %gather3A_291 = arith.constant 0 : i32
        %gather3A_292 = arith.constant 0 : i32
        %gather3A_293 = tpu.memref_slice %arg11[%rem3A_152, %gather3A_291, %gather3A_292] : memref<3x16x512xf32, #tpu.memory_space<vmem>> -> memref<1x16x512xf32, #tpu.memory_space<vmem>>
        %gather3A_294 = tpu.memref_squeeze %gather3A_293 : memref<1x16x512xf32, #tpu.memory_space<vmem>> -> memref<16x512xf32, #tpu.memory_space<vmem>>
        %gather3A_295 = tpu.vector_load_idx %gather3A_294[%broadcast_in_dim3A_290, %select_n3A_239] masked %lt3A_231 : memref<16x512xf32, #tpu.memory_space<vmem>>[vector<16xi32>, vector<16xi32>], vector<16xf32>, vector<16xi1>
        %broadcast_in_dim3A_296 = arith.constant 3 : i32
        %broadcast_in_dim3A_297 = vector.broadcast %broadcast_in_dim3A_296 : i32 to vector<16xi32>
        %scatter3A_298 = arith.constant 0 : i32
        %scatter3A_299 = arith.constant 0 : i32
        %scatter3A_300 = tpu.memref_slice %arg15[%rem3A_247, %scatter3A_298, %scatter3A_299] : memref<4x16x128xf32, #tpu.memory_space<vmem>> -> memref<1x16x128xf32, #tpu.memory_space<vmem>>
        %scatter3A_301 = tpu.memref_squeeze %scatter3A_300 : memref<1x16x128xf32, #tpu.memory_space<vmem>> -> memref<16x128xf32, #tpu.memory_space<vmem>>
        tpu.vector_store_idx %scatter3A_301[%iota3A, %broadcast_in_dim3A_297], %gather3A_295 masked %lt3A_231 : memref<16x128xf32, #tpu.memory_space<vmem>>[vector<16xi32>, vector<16xi32>], vector<16xf32>, vector<16xi1>
        %broadcast_in_dim3A_302 = arith.constant 4 : i32
        %broadcast_in_dim3A_303 = vector.broadcast %broadcast_in_dim3A_302 : i32 to vector<16xi32>
        %gather3A_304 = arith.constant 0 : i32
        %gather3A_305 = arith.constant 0 : i32
        %gather3A_306 = tpu.memref_slice %arg11[%rem3A_152, %gather3A_304, %gather3A_305] : memref<3x16x512xf32, #tpu.memory_space<vmem>> -> memref<1x16x512xf32, #tpu.memory_space<vmem>>
        %gather3A_307 = tpu.memref_squeeze %gather3A_306 : memref<1x16x512xf32, #tpu.memory_space<vmem>> -> memref<16x512xf32, #tpu.memory_space<vmem>>
        %gather3A_308 = tpu.vector_load_idx %gather3A_307[%broadcast_in_dim3A_303, %select_n3A_239] masked %lt3A_231 : memref<16x512xf32, #tpu.memory_space<vmem>>[vector<16xi32>, vector<16xi32>], vector<16xf32>, vector<16xi1>
        %broadcast_in_dim3A_309 = arith.constant 4 : i32
        %broadcast_in_dim3A_310 = vector.broadcast %broadcast_in_dim3A_309 : i32 to vector<16xi32>
        %scatter3A_311 = arith.constant 0 : i32
        %scatter3A_312 = arith.constant 0 : i32
        %scatter3A_313 = tpu.memref_slice %arg15[%rem3A_247, %scatter3A_311, %scatter3A_312] : memref<4x16x128xf32, #tpu.memory_space<vmem>> -> memref<1x16x128xf32, #tpu.memory_space<vmem>>
        %scatter3A_314 = tpu.memref_squeeze %scatter3A_313 : memref<1x16x128xf32, #tpu.memory_space<vmem>> -> memref<16x128xf32, #tpu.memory_space<vmem>>
        tpu.vector_store_idx %scatter3A_314[%iota3A, %broadcast_in_dim3A_310], %gather3A_308 masked %lt3A_231 : memref<16x128xf32, #tpu.memory_space<vmem>>[vector<16xi32>, vector<16xi32>], vector<16xf32>, vector<16xi1>
        %broadcast_in_dim3A_315 = arith.constant 5 : i32
        %broadcast_in_dim3A_316 = vector.broadcast %broadcast_in_dim3A_315 : i32 to vector<16xi32>
        %gather3A_317 = arith.constant 0 : i32
        %gather3A_318 = arith.constant 0 : i32
        %gather3A_319 = tpu.memref_slice %arg11[%rem3A_152, %gather3A_317, %gather3A_318] : memref<3x16x512xf32, #tpu.memory_space<vmem>> -> memref<1x16x512xf32, #tpu.memory_space<vmem>>
        %gather3A_320 = tpu.memref_squeeze %gather3A_319 : memref<1x16x512xf32, #tpu.memory_space<vmem>> -> memref<16x512xf32, #tpu.memory_space<vmem>>
        %gather3A_321 = tpu.vector_load_idx %gather3A_320[%broadcast_in_dim3A_316, %select_n3A_239] masked %lt3A_231 : memref<16x512xf32, #tpu.memory_space<vmem>>[vector<16xi32>, vector<16xi32>], vector<16xf32>, vector<16xi1>
        %broadcast_in_dim3A_322 = arith.constant 5 : i32
        %broadcast_in_dim3A_323 = vector.broadcast %broadcast_in_dim3A_322 : i32 to vector<16xi32>
        %scatter3A_324 = arith.constant 0 : i32
        %scatter3A_325 = arith.constant 0 : i32
        %scatter3A_326 = tpu.memref_slice %arg15[%rem3A_247, %scatter3A_324, %scatter3A_325] : memref<4x16x128xf32, #tpu.memory_space<vmem>> -> memref<1x16x128xf32, #tpu.memory_space<vmem>>
        %scatter3A_327 = tpu.memref_squeeze %scatter3A_326 : memref<1x16x128xf32, #tpu.memory_space<vmem>> -> memref<16x128xf32, #tpu.memory_space<vmem>>
        tpu.vector_store_idx %scatter3A_327[%iota3A, %broadcast_in_dim3A_323], %gather3A_321 masked %lt3A_231 : memref<16x128xf32, #tpu.memory_space<vmem>>[vector<16xi32>, vector<16xi32>], vector<16xf32>, vector<16xi1>
        %broadcast_in_dim3A_328 = arith.constant 6 : i32
        %broadcast_in_dim3A_329 = vector.broadcast %broadcast_in_dim3A_328 : i32 to vector<16xi32>
        %gather3A_330 = arith.constant 0 : i32
        %gather3A_331 = arith.constant 0 : i32
        %gather3A_332 = tpu.memref_slice %arg11[%rem3A_152, %gather3A_330, %gather3A_331] : memref<3x16x512xf32, #tpu.memory_space<vmem>> -> memref<1x16x512xf32, #tpu.memory_space<vmem>>
        %gather3A_333 = tpu.memref_squeeze %gather3A_332 : memref<1x16x512xf32, #tpu.memory_space<vmem>> -> memref<16x512xf32, #tpu.memory_space<vmem>>
        %gather3A_334 = tpu.vector_load_idx %gather3A_333[%broadcast_in_dim3A_329, %select_n3A_239] masked %lt3A_231 : memref<16x512xf32, #tpu.memory_space<vmem>>[vector<16xi32>, vector<16xi32>], vector<16xf32>, vector<16xi1>
        %broadcast_in_dim3A_335 = arith.constant 6 : i32
        %broadcast_in_dim3A_336 = vector.broadcast %broadcast_in_dim3A_335 : i32 to vector<16xi32>
        %scatter3A_337 = arith.constant 0 : i32
        %scatter3A_338 = arith.constant 0 : i32
        %scatter3A_339 = tpu.memref_slice %arg15[%rem3A_247, %scatter3A_337, %scatter3A_338] : memref<4x16x128xf32, #tpu.memory_space<vmem>> -> memref<1x16x128xf32, #tpu.memory_space<vmem>>
        %scatter3A_340 = tpu.memref_squeeze %scatter3A_339 : memref<1x16x128xf32, #tpu.memory_space<vmem>> -> memref<16x128xf32, #tpu.memory_space<vmem>>
        tpu.vector_store_idx %scatter3A_340[%iota3A, %broadcast_in_dim3A_336], %gather3A_334 masked %lt3A_231 : memref<16x128xf32, #tpu.memory_space<vmem>>[vector<16xi32>, vector<16xi32>], vector<16xf32>, vector<16xi1>
        %broadcast_in_dim3A_341 = arith.constant 7 : i32
        %broadcast_in_dim3A_342 = vector.broadcast %broadcast_in_dim3A_341 : i32 to vector<16xi32>
        %gather3A_343 = arith.constant 0 : i32
        %gather3A_344 = arith.constant 0 : i32
        %gather3A_345 = tpu.memref_slice %arg11[%rem3A_152, %gather3A_343, %gather3A_344] : memref<3x16x512xf32, #tpu.memory_space<vmem>> -> memref<1x16x512xf32, #tpu.memory_space<vmem>>
        %gather3A_346 = tpu.memref_squeeze %gather3A_345 : memref<1x16x512xf32, #tpu.memory_space<vmem>> -> memref<16x512xf32, #tpu.memory_space<vmem>>
        %gather3A_347 = tpu.vector_load_idx %gather3A_346[%broadcast_in_dim3A_342, %select_n3A_239] masked %lt3A_231 : memref<16x512xf32, #tpu.memory_space<vmem>>[vector<16xi32>, vector<16xi32>], vector<16xf32>, vector<16xi1>
        %broadcast_in_dim3A_348 = arith.constant 7 : i32
        %broadcast_in_dim3A_349 = vector.broadcast %broadcast_in_dim3A_348 : i32 to vector<16xi32>
        %scatter3A_350 = arith.constant 0 : i32
        %scatter3A_351 = arith.constant 0 : i32
        %scatter3A_352 = tpu.memref_slice %arg15[%rem3A_247, %scatter3A_350, %scatter3A_351] : memref<4x16x128xf32, #tpu.memory_space<vmem>> -> memref<1x16x128xf32, #tpu.memory_space<vmem>>
        %scatter3A_353 = tpu.memref_squeeze %scatter3A_352 : memref<1x16x128xf32, #tpu.memory_space<vmem>> -> memref<16x128xf32, #tpu.memory_space<vmem>>
        tpu.vector_store_idx %scatter3A_353[%iota3A, %broadcast_in_dim3A_349], %gather3A_347 masked %lt3A_231 : memref<16x128xf32, #tpu.memory_space<vmem>>[vector<16xi32>, vector<16xi32>], vector<16xf32>, vector<16xi1>
        %broadcast_in_dim3A_354 = arith.constant 8 : i32
        %broadcast_in_dim3A_355 = vector.broadcast %broadcast_in_dim3A_354 : i32 to vector<16xi32>
        %gather3A_356 = arith.constant 0 : i32
        %gather3A_357 = arith.constant 0 : i32
        %gather3A_358 = tpu.memref_slice %arg11[%rem3A_152, %gather3A_356, %gather3A_357] : memref<3x16x512xf32, #tpu.memory_space<vmem>> -> memref<1x16x512xf32, #tpu.memory_space<vmem>>
        %gather3A_359 = tpu.memref_squeeze %gather3A_358 : memref<1x16x512xf32, #tpu.memory_space<vmem>> -> memref<16x512xf32, #tpu.memory_space<vmem>>
        %gather3A_360 = tpu.vector_load_idx %gather3A_359[%broadcast_in_dim3A_355, %select_n3A_239] masked %lt3A_231 : memref<16x512xf32, #tpu.memory_space<vmem>>[vector<16xi32>, vector<16xi32>], vector<16xf32>, vector<16xi1>
        %broadcast_in_dim3A_361 = arith.constant 8 : i32
        %broadcast_in_dim3A_362 = vector.broadcast %broadcast_in_dim3A_361 : i32 to vector<16xi32>
        %scatter3A_363 = arith.constant 0 : i32
        %scatter3A_364 = arith.constant 0 : i32
        %scatter3A_365 = tpu.memref_slice %arg15[%rem3A_247, %scatter3A_363, %scatter3A_364] : memref<4x16x128xf32, #tpu.memory_space<vmem>> -> memref<1x16x128xf32, #tpu.memory_space<vmem>>
        %scatter3A_366 = tpu.memref_squeeze %scatter3A_365 : memref<1x16x128xf32, #tpu.memory_space<vmem>> -> memref<16x128xf32, #tpu.memory_space<vmem>>
        tpu.vector_store_idx %scatter3A_366[%iota3A, %broadcast_in_dim3A_362], %gather3A_360 masked %lt3A_231 : memref<16x128xf32, #tpu.memory_space<vmem>>[vector<16xi32>, vector<16xi32>], vector<16xf32>, vector<16xi1>
        %broadcast_in_dim3A_367 = arith.constant 9 : i32
        %broadcast_in_dim3A_368 = vector.broadcast %broadcast_in_dim3A_367 : i32 to vector<16xi32>
        %gather3A_369 = arith.constant 0 : i32
        %gather3A_370 = arith.constant 0 : i32
        %gather3A_371 = tpu.memref_slice %arg11[%rem3A_152, %gather3A_369, %gather3A_370] : memref<3x16x512xf32, #tpu.memory_space<vmem>> -> memref<1x16x512xf32, #tpu.memory_space<vmem>>
        %gather3A_372 = tpu.memref_squeeze %gather3A_371 : memref<1x16x512xf32, #tpu.memory_space<vmem>> -> memref<16x512xf32, #tpu.memory_space<vmem>>
        %gather3A_373 = tpu.vector_load_idx %gather3A_372[%broadcast_in_dim3A_368, %select_n3A_239] masked %lt3A_231 : memref<16x512xf32, #tpu.memory_space<vmem>>[vector<16xi32>, vector<16xi32>], vector<16xf32>, vector<16xi1>
        %broadcast_in_dim3A_374 = arith.constant 9 : i32
        %broadcast_in_dim3A_375 = vector.broadcast %broadcast_in_dim3A_374 : i32 to vector<16xi32>
        %scatter3A_376 = arith.constant 0 : i32
        %scatter3A_377 = arith.constant 0 : i32
        %scatter3A_378 = tpu.memref_slice %arg15[%rem3A_247, %scatter3A_376, %scatter3A_377] : memref<4x16x128xf32, #tpu.memory_space<vmem>> -> memref<1x16x128xf32, #tpu.memory_space<vmem>>
        %scatter3A_379 = tpu.memref_squeeze %scatter3A_378 : memref<1x16x128xf32, #tpu.memory_space<vmem>> -> memref<16x128xf32, #tpu.memory_space<vmem>>
        tpu.vector_store_idx %scatter3A_379[%iota3A, %broadcast_in_dim3A_375], %gather3A_373 masked %lt3A_231 : memref<16x128xf32, #tpu.memory_space<vmem>>[vector<16xi32>, vector<16xi32>], vector<16xf32>, vector<16xi1>
        %broadcast_in_dim3A_380 = arith.constant 10 : i32
        %broadcast_in_dim3A_381 = vector.broadcast %broadcast_in_dim3A_380 : i32 to vector<16xi32>
        %gather3A_382 = arith.constant 0 : i32
        %gather3A_383 = arith.constant 0 : i32
        %gather3A_384 = tpu.memref_slice %arg11[%rem3A_152, %gather3A_382, %gather3A_383] : memref<3x16x512xf32, #tpu.memory_space<vmem>> -> memref<1x16x512xf32, #tpu.memory_space<vmem>>
        %gather3A_385 = tpu.memref_squeeze %gather3A_384 : memref<1x16x512xf32, #tpu.memory_space<vmem>> -> memref<16x512xf32, #tpu.memory_space<vmem>>
        %gather3A_386 = tpu.vector_load_idx %gather3A_385[%broadcast_in_dim3A_381, %select_n3A_239] masked %lt3A_231 : memref<16x512xf32, #tpu.memory_space<vmem>>[vector<16xi32>, vector<16xi32>], vector<16xf32>, vector<16xi1>
        %broadcast_in_dim3A_387 = arith.constant 10 : i32
        %broadcast_in_dim3A_388 = vector.broadcast %broadcast_in_dim3A_387 : i32 to vector<16xi32>
        %scatter3A_389 = arith.constant 0 : i32
        %scatter3A_390 = arith.constant 0 : i32
        %scatter3A_391 = tpu.memref_slice %arg15[%rem3A_247, %scatter3A_389, %scatter3A_390] : memref<4x16x128xf32, #tpu.memory_space<vmem>> -> memref<1x16x128xf32, #tpu.memory_space<vmem>>
        %scatter3A_392 = tpu.memref_squeeze %scatter3A_391 : memref<1x16x128xf32, #tpu.memory_space<vmem>> -> memref<16x128xf32, #tpu.memory_space<vmem>>
        tpu.vector_store_idx %scatter3A_392[%iota3A, %broadcast_in_dim3A_388], %gather3A_386 masked %lt3A_231 : memref<16x128xf32, #tpu.memory_space<vmem>>[vector<16xi32>, vector<16xi32>], vector<16xf32>, vector<16xi1>
        %broadcast_in_dim3A_393 = arith.constant 11 : i32
        %broadcast_in_dim3A_394 = vector.broadcast %broadcast_in_dim3A_393 : i32 to vector<16xi32>
        %gather3A_395 = arith.constant 0 : i32
        %gather3A_396 = arith.constant 0 : i32
        %gather3A_397 = tpu.memref_slice %arg11[%rem3A_152, %gather3A_395, %gather3A_396] : memref<3x16x512xf32, #tpu.memory_space<vmem>> -> memref<1x16x512xf32, #tpu.memory_space<vmem>>
        %gather3A_398 = tpu.memref_squeeze %gather3A_397 : memref<1x16x512xf32, #tpu.memory_space<vmem>> -> memref<16x512xf32, #tpu.memory_space<vmem>>
        %gather3A_399 = tpu.vector_load_idx %gather3A_398[%broadcast_in_dim3A_394, %select_n3A_239] masked %lt3A_231 : memref<16x512xf32, #tpu.memory_space<vmem>>[vector<16xi32>, vector<16xi32>], vector<16xf32>, vector<16xi1>
        %broadcast_in_dim3A_400 = arith.constant 11 : i32
        %broadcast_in_dim3A_401 = vector.broadcast %broadcast_in_dim3A_400 : i32 to vector<16xi32>
        %scatter3A_402 = arith.constant 0 : i32
        %scatter3A_403 = arith.constant 0 : i32
        %scatter3A_404 = tpu.memref_slice %arg15[%rem3A_247, %scatter3A_402, %scatter3A_403] : memref<4x16x128xf32, #tpu.memory_space<vmem>> -> memref<1x16x128xf32, #tpu.memory_space<vmem>>
        %scatter3A_405 = tpu.memref_squeeze %scatter3A_404 : memref<1x16x128xf32, #tpu.memory_space<vmem>> -> memref<16x128xf32, #tpu.memory_space<vmem>>
        tpu.vector_store_idx %scatter3A_405[%iota3A, %broadcast_in_dim3A_401], %gather3A_399 masked %lt3A_231 : memref<16x128xf32, #tpu.memory_space<vmem>>[vector<16xi32>, vector<16xi32>], vector<16xf32>, vector<16xi1>
        %broadcast_in_dim3A_406 = arith.constant 12 : i32
        %broadcast_in_dim3A_407 = vector.broadcast %broadcast_in_dim3A_406 : i32 to vector<16xi32>
        %gather3A_408 = arith.constant 0 : i32
        %gather3A_409 = arith.constant 0 : i32
        %gather3A_410 = tpu.memref_slice %arg11[%rem3A_152, %gather3A_408, %gather3A_409] : memref<3x16x512xf32, #tpu.memory_space<vmem>> -> memref<1x16x512xf32, #tpu.memory_space<vmem>>
        %gather3A_411 = tpu.memref_squeeze %gather3A_410 : memref<1x16x512xf32, #tpu.memory_space<vmem>> -> memref<16x512xf32, #tpu.memory_space<vmem>>
        %gather3A_412 = tpu.vector_load_idx %gather3A_411[%broadcast_in_dim3A_407, %select_n3A_239] masked %lt3A_231 : memref<16x512xf32, #tpu.memory_space<vmem>>[vector<16xi32>, vector<16xi32>], vector<16xf32>, vector<16xi1>
        %broadcast_in_dim3A_413 = arith.constant 12 : i32
        %broadcast_in_dim3A_414 = vector.broadcast %broadcast_in_dim3A_413 : i32 to vector<16xi32>
        %scatter3A_415 = arith.constant 0 : i32
        %scatter3A_416 = arith.constant 0 : i32
        %scatter3A_417 = tpu.memref_slice %arg15[%rem3A_247, %scatter3A_415, %scatter3A_416] : memref<4x16x128xf32, #tpu.memory_space<vmem>> -> memref<1x16x128xf32, #tpu.memory_space<vmem>>
        %scatter3A_418 = tpu.memref_squeeze %scatter3A_417 : memref<1x16x128xf32, #tpu.memory_space<vmem>> -> memref<16x128xf32, #tpu.memory_space<vmem>>
        tpu.vector_store_idx %scatter3A_418[%iota3A, %broadcast_in_dim3A_414], %gather3A_412 masked %lt3A_231 : memref<16x128xf32, #tpu.memory_space<vmem>>[vector<16xi32>, vector<16xi32>], vector<16xf32>, vector<16xi1>
        %broadcast_in_dim3A_419 = arith.constant 13 : i32
        %broadcast_in_dim3A_420 = vector.broadcast %broadcast_in_dim3A_419 : i32 to vector<16xi32>
        %gather3A_421 = arith.constant 0 : i32
        %gather3A_422 = arith.constant 0 : i32
        %gather3A_423 = tpu.memref_slice %arg11[%rem3A_152, %gather3A_421, %gather3A_422] : memref<3x16x512xf32, #tpu.memory_space<vmem>> -> memref<1x16x512xf32, #tpu.memory_space<vmem>>
        %gather3A_424 = tpu.memref_squeeze %gather3A_423 : memref<1x16x512xf32, #tpu.memory_space<vmem>> -> memref<16x512xf32, #tpu.memory_space<vmem>>
        %gather3A_425 = tpu.vector_load_idx %gather3A_424[%broadcast_in_dim3A_420, %select_n3A_239] masked %lt3A_231 : memref<16x512xf32, #tpu.memory_space<vmem>>[vector<16xi32>, vector<16xi32>], vector<16xf32>, vector<16xi1>
        %broadcast_in_dim3A_426 = arith.constant 13 : i32
        %broadcast_in_dim3A_427 = vector.broadcast %broadcast_in_dim3A_426 : i32 to vector<16xi32>
        %scatter3A_428 = arith.constant 0 : i32
        %scatter3A_429 = arith.constant 0 : i32
        %scatter3A_430 = tpu.memref_slice %arg15[%rem3A_247, %scatter3A_428, %scatter3A_429] : memref<4x16x128xf32, #tpu.memory_space<vmem>> -> memref<1x16x128xf32, #tpu.memory_space<vmem>>
        %scatter3A_431 = tpu.memref_squeeze %scatter3A_430 : memref<1x16x128xf32, #tpu.memory_space<vmem>> -> memref<16x128xf32, #tpu.memory_space<vmem>>
        tpu.vector_store_idx %scatter3A_431[%iota3A, %broadcast_in_dim3A_427], %gather3A_425 masked %lt3A_231 : memref<16x128xf32, #tpu.memory_space<vmem>>[vector<16xi32>, vector<16xi32>], vector<16xf32>, vector<16xi1>
        %broadcast_in_dim3A_432 = arith.constant 14 : i32
        %broadcast_in_dim3A_433 = vector.broadcast %broadcast_in_dim3A_432 : i32 to vector<16xi32>
        %gather3A_434 = arith.constant 0 : i32
        %gather3A_435 = arith.constant 0 : i32
        %gather3A_436 = tpu.memref_slice %arg11[%rem3A_152, %gather3A_434, %gather3A_435] : memref<3x16x512xf32, #tpu.memory_space<vmem>> -> memref<1x16x512xf32, #tpu.memory_space<vmem>>
        %gather3A_437 = tpu.memref_squeeze %gather3A_436 : memref<1x16x512xf32, #tpu.memory_space<vmem>> -> memref<16x512xf32, #tpu.memory_space<vmem>>
        %gather3A_438 = tpu.vector_load_idx %gather3A_437[%broadcast_in_dim3A_433, %select_n3A_239] masked %lt3A_231 : memref<16x512xf32, #tpu.memory_space<vmem>>[vector<16xi32>, vector<16xi32>], vector<16xf32>, vector<16xi1>
        %broadcast_in_dim3A_439 = arith.constant 14 : i32
        %broadcast_in_dim3A_440 = vector.broadcast %broadcast_in_dim3A_439 : i32 to vector<16xi32>
        %scatter3A_441 = arith.constant 0 : i32
        %scatter3A_442 = arith.constant 0 : i32
        %scatter3A_443 = tpu.memref_slice %arg15[%rem3A_247, %scatter3A_441, %scatter3A_442] : memref<4x16x128xf32, #tpu.memory_space<vmem>> -> memref<1x16x128xf32, #tpu.memory_space<vmem>>
        %scatter3A_444 = tpu.memref_squeeze %scatter3A_443 : memref<1x16x128xf32, #tpu.memory_space<vmem>> -> memref<16x128xf32, #tpu.memory_space<vmem>>
        tpu.vector_store_idx %scatter3A_444[%iota3A, %broadcast_in_dim3A_440], %gather3A_438 masked %lt3A_231 : memref<16x128xf32, #tpu.memory_space<vmem>>[vector<16xi32>, vector<16xi32>], vector<16xf32>, vector<16xi1>
        %broadcast_in_dim3A_445 = arith.constant 15 : i32
        %broadcast_in_dim3A_446 = vector.broadcast %broadcast_in_dim3A_445 : i32 to vector<16xi32>
        %gather3A_447 = arith.constant 0 : i32
        %gather3A_448 = arith.constant 0 : i32
        %gather3A_449 = tpu.memref_slice %arg11[%rem3A_152, %gather3A_447, %gather3A_448] : memref<3x16x512xf32, #tpu.memory_space<vmem>> -> memref<1x16x512xf32, #tpu.memory_space<vmem>>
        %gather3A_450 = tpu.memref_squeeze %gather3A_449 : memref<1x16x512xf32, #tpu.memory_space<vmem>> -> memref<16x512xf32, #tpu.memory_space<vmem>>
        %gather3A_451 = tpu.vector_load_idx %gather3A_450[%broadcast_in_dim3A_446, %select_n3A_239] masked %lt3A_231 : memref<16x512xf32, #tpu.memory_space<vmem>>[vector<16xi32>, vector<16xi32>], vector<16xf32>, vector<16xi1>
        %broadcast_in_dim3A_452 = arith.constant 15 : i32
        %broadcast_in_dim3A_453 = vector.broadcast %broadcast_in_dim3A_452 : i32 to vector<16xi32>
        %scatter3A_454 = arith.constant 0 : i32
        %scatter3A_455 = arith.constant 0 : i32
        %scatter3A_456 = tpu.memref_slice %arg15[%rem3A_247, %scatter3A_454, %scatter3A_455] : memref<4x16x128xf32, #tpu.memory_space<vmem>> -> memref<1x16x128xf32, #tpu.memory_space<vmem>>
        %scatter3A_457 = tpu.memref_squeeze %scatter3A_456 : memref<1x16x128xf32, #tpu.memory_space<vmem>> -> memref<16x128xf32, #tpu.memory_space<vmem>>
        tpu.vector_store_idx %scatter3A_457[%iota3A, %broadcast_in_dim3A_453], %gather3A_451 masked %lt3A_231 : memref<16x128xf32, #tpu.memory_space<vmem>>[vector<16xi32>, vector<16xi32>], vector<16xf32>, vector<16xi1>
        %broadcast_in_dim3A_458 = arith.constant 0 : i32
        %broadcast_in_dim3A_459 = vector.broadcast %broadcast_in_dim3A_458 : i32 to vector<16xi32>
        %gather3A_460 = arith.constant 0 : i32
        %gather3A_461 = arith.constant 0 : i32
        %gather3A_462 = tpu.memref_slice %arg12[%rem3A_152, %gather3A_460, %gather3A_461] : memref<3x32x512xf32, #tpu.memory_space<vmem>> -> memref<1x32x512xf32, #tpu.memory_space<vmem>>
        %gather3A_463 = tpu.memref_squeeze %gather3A_462 : memref<1x32x512xf32, #tpu.memory_space<vmem>> -> memref<32x512xf32, #tpu.memory_space<vmem>>
        %gather3A_464 = tpu.vector_load_idx %gather3A_463[%broadcast_in_dim3A_459, %select_n3A_239] masked %lt3A_231 : memref<32x512xf32, #tpu.memory_space<vmem>>[vector<16xi32>, vector<16xi32>], vector<16xf32>, vector<16xi1>
        %broadcast_in_dim3A_465 = arith.constant 16 : i32
        %broadcast_in_dim3A_466 = vector.broadcast %broadcast_in_dim3A_465 : i32 to vector<16xi32>
        %scatter3A_467 = arith.constant 0 : i32
        %scatter3A_468 = arith.constant 0 : i32
        %scatter3A_469 = tpu.memref_slice %arg15[%rem3A_247, %scatter3A_467, %scatter3A_468] : memref<4x16x128xf32, #tpu.memory_space<vmem>> -> memref<1x16x128xf32, #tpu.memory_space<vmem>>
        %scatter3A_470 = tpu.memref_squeeze %scatter3A_469 : memref<1x16x128xf32, #tpu.memory_space<vmem>> -> memref<16x128xf32, #tpu.memory_space<vmem>>
        tpu.vector_store_idx %scatter3A_470[%iota3A, %broadcast_in_dim3A_466], %gather3A_464 masked %lt3A_231 : memref<16x128xf32, #tpu.memory_space<vmem>>[vector<16xi32>, vector<16xi32>], vector<16xf32>, vector<16xi1>
        %broadcast_in_dim3A_471 = arith.constant 1 : i32
        %broadcast_in_dim3A_472 = vector.broadcast %broadcast_in_dim3A_471 : i32 to vector<16xi32>
        %gather3A_473 = arith.constant 0 : i32
        %gather3A_474 = arith.constant 0 : i32
        %gather3A_475 = tpu.memref_slice %arg12[%rem3A_152, %gather3A_473, %gather3A_474] : memref<3x32x512xf32, #tpu.memory_space<vmem>> -> memref<1x32x512xf32, #tpu.memory_space<vmem>>
        %gather3A_476 = tpu.memref_squeeze %gather3A_475 : memref<1x32x512xf32, #tpu.memory_space<vmem>> -> memref<32x512xf32, #tpu.memory_space<vmem>>
        %gather3A_477 = tpu.vector_load_idx %gather3A_476[%broadcast_in_dim3A_472, %select_n3A_239] masked %lt3A_231 : memref<32x512xf32, #tpu.memory_space<vmem>>[vector<16xi32>, vector<16xi32>], vector<16xf32>, vector<16xi1>
        %broadcast_in_dim3A_478 = arith.constant 17 : i32
        %broadcast_in_dim3A_479 = vector.broadcast %broadcast_in_dim3A_478 : i32 to vector<16xi32>
        %scatter3A_480 = arith.constant 0 : i32
        %scatter3A_481 = arith.constant 0 : i32
        %scatter3A_482 = tpu.memref_slice %arg15[%rem3A_247, %scatter3A_480, %scatter3A_481] : memref<4x16x128xf32, #tpu.memory_space<vmem>> -> memref<1x16x128xf32, #tpu.memory_space<vmem>>
        %scatter3A_483 = tpu.memref_squeeze %scatter3A_482 : memref<1x16x128xf32, #tpu.memory_space<vmem>> -> memref<16x128xf32, #tpu.memory_space<vmem>>
        tpu.vector_store_idx %scatter3A_483[%iota3A, %broadcast_in_dim3A_479], %gather3A_477 masked %lt3A_231 : memref<16x128xf32, #tpu.memory_space<vmem>>[vector<16xi32>, vector<16xi32>], vector<16xf32>, vector<16xi1>
        %broadcast_in_dim3A_484 = arith.constant 2 : i32
        %broadcast_in_dim3A_485 = vector.broadcast %broadcast_in_dim3A_484 : i32 to vector<16xi32>
        %gather3A_486 = arith.constant 0 : i32
        %gather3A_487 = arith.constant 0 : i32
        %gather3A_488 = tpu.memref_slice %arg12[%rem3A_152, %gather3A_486, %gather3A_487] : memref<3x32x512xf32, #tpu.memory_space<vmem>> -> memref<1x32x512xf32, #tpu.memory_space<vmem>>
        %gather3A_489 = tpu.memref_squeeze %gather3A_488 : memref<1x32x512xf32, #tpu.memory_space<vmem>> -> memref<32x512xf32, #tpu.memory_space<vmem>>
        %gather3A_490 = tpu.vector_load_idx %gather3A_489[%broadcast_in_dim3A_485, %select_n3A_239] masked %lt3A_231 : memref<32x512xf32, #tpu.memory_space<vmem>>[vector<16xi32>, vector<16xi32>], vector<16xf32>, vector<16xi1>
        %broadcast_in_dim3A_491 = arith.constant 18 : i32
        %broadcast_in_dim3A_492 = vector.broadcast %broadcast_in_dim3A_491 : i32 to vector<16xi32>
        %scatter3A_493 = arith.constant 0 : i32
        %scatter3A_494 = arith.constant 0 : i32
        %scatter3A_495 = tpu.memref_slice %arg15[%rem3A_247, %scatter3A_493, %scatter3A_494] : memref<4x16x128xf32, #tpu.memory_space<vmem>> -> memref<1x16x128xf32, #tpu.memory_space<vmem>>
        %scatter3A_496 = tpu.memref_squeeze %scatter3A_495 : memref<1x16x128xf32, #tpu.memory_space<vmem>> -> memref<16x128xf32, #tpu.memory_space<vmem>>
        tpu.vector_store_idx %scatter3A_496[%iota3A, %broadcast_in_dim3A_492], %gather3A_490 masked %lt3A_231 : memref<16x128xf32, #tpu.memory_space<vmem>>[vector<16xi32>, vector<16xi32>], vector<16xf32>, vector<16xi1>
        %broadcast_in_dim3A_497 = arith.constant 3 : i32
        %broadcast_in_dim3A_498 = vector.broadcast %broadcast_in_dim3A_497 : i32 to vector<16xi32>
        %gather3A_499 = arith.constant 0 : i32
        %gather3A_500 = arith.constant 0 : i32
        %gather3A_501 = tpu.memref_slice %arg12[%rem3A_152, %gather3A_499, %gather3A_500] : memref<3x32x512xf32, #tpu.memory_space<vmem>> -> memref<1x32x512xf32, #tpu.memory_space<vmem>>
        %gather3A_502 = tpu.memref_squeeze %gather3A_501 : memref<1x32x512xf32, #tpu.memory_space<vmem>> -> memref<32x512xf32, #tpu.memory_space<vmem>>
        %gather3A_503 = tpu.vector_load_idx %gather3A_502[%broadcast_in_dim3A_498, %select_n3A_239] masked %lt3A_231 : memref<32x512xf32, #tpu.memory_space<vmem>>[vector<16xi32>, vector<16xi32>], vector<16xf32>, vector<16xi1>
        %broadcast_in_dim3A_504 = arith.constant 19 : i32
        %broadcast_in_dim3A_505 = vector.broadcast %broadcast_in_dim3A_504 : i32 to vector<16xi32>
        %scatter3A_506 = arith.constant 0 : i32
        %scatter3A_507 = arith.constant 0 : i32
        %scatter3A_508 = tpu.memref_slice %arg15[%rem3A_247, %scatter3A_506, %scatter3A_507] : memref<4x16x128xf32, #tpu.memory_space<vmem>> -> memref<1x16x128xf32, #tpu.memory_space<vmem>>
        %scatter3A_509 = tpu.memref_squeeze %scatter3A_508 : memref<1x16x128xf32, #tpu.memory_space<vmem>> -> memref<16x128xf32, #tpu.memory_space<vmem>>
        tpu.vector_store_idx %scatter3A_509[%iota3A, %broadcast_in_dim3A_505], %gather3A_503 masked %lt3A_231 : memref<16x128xf32, #tpu.memory_space<vmem>>[vector<16xi32>, vector<16xi32>], vector<16xf32>, vector<16xi1>
        %broadcast_in_dim3A_510 = arith.constant 4 : i32
        %broadcast_in_dim3A_511 = vector.broadcast %broadcast_in_dim3A_510 : i32 to vector<16xi32>
        %gather3A_512 = arith.constant 0 : i32
        %gather3A_513 = arith.constant 0 : i32
        %gather3A_514 = tpu.memref_slice %arg12[%rem3A_152, %gather3A_512, %gather3A_513] : memref<3x32x512xf32, #tpu.memory_space<vmem>> -> memref<1x32x512xf32, #tpu.memory_space<vmem>>
        %gather3A_515 = tpu.memref_squeeze %gather3A_514 : memref<1x32x512xf32, #tpu.memory_space<vmem>> -> memref<32x512xf32, #tpu.memory_space<vmem>>
        %gather3A_516 = tpu.vector_load_idx %gather3A_515[%broadcast_in_dim3A_511, %select_n3A_239] masked %lt3A_231 : memref<32x512xf32, #tpu.memory_space<vmem>>[vector<16xi32>, vector<16xi32>], vector<16xf32>, vector<16xi1>
        %broadcast_in_dim3A_517 = arith.constant 20 : i32
        %broadcast_in_dim3A_518 = vector.broadcast %broadcast_in_dim3A_517 : i32 to vector<16xi32>
        %scatter3A_519 = arith.constant 0 : i32
        %scatter3A_520 = arith.constant 0 : i32
        %scatter3A_521 = tpu.memref_slice %arg15[%rem3A_247, %scatter3A_519, %scatter3A_520] : memref<4x16x128xf32, #tpu.memory_space<vmem>> -> memref<1x16x128xf32, #tpu.memory_space<vmem>>
        %scatter3A_522 = tpu.memref_squeeze %scatter3A_521 : memref<1x16x128xf32, #tpu.memory_space<vmem>> -> memref<16x128xf32, #tpu.memory_space<vmem>>
        tpu.vector_store_idx %scatter3A_522[%iota3A, %broadcast_in_dim3A_518], %gather3A_516 masked %lt3A_231 : memref<16x128xf32, #tpu.memory_space<vmem>>[vector<16xi32>, vector<16xi32>], vector<16xf32>, vector<16xi1>
        %broadcast_in_dim3A_523 = arith.constant 5 : i32
        %broadcast_in_dim3A_524 = vector.broadcast %broadcast_in_dim3A_523 : i32 to vector<16xi32>
        %gather3A_525 = arith.constant 0 : i32
        %gather3A_526 = arith.constant 0 : i32
        %gather3A_527 = tpu.memref_slice %arg12[%rem3A_152, %gather3A_525, %gather3A_526] : memref<3x32x512xf32, #tpu.memory_space<vmem>> -> memref<1x32x512xf32, #tpu.memory_space<vmem>>
        %gather3A_528 = tpu.memref_squeeze %gather3A_527 : memref<1x32x512xf32, #tpu.memory_space<vmem>> -> memref<32x512xf32, #tpu.memory_space<vmem>>
        %gather3A_529 = tpu.vector_load_idx %gather3A_528[%broadcast_in_dim3A_524, %select_n3A_239] masked %lt3A_231 : memref<32x512xf32, #tpu.memory_space<vmem>>[vector<16xi32>, vector<16xi32>], vector<16xf32>, vector<16xi1>
        %broadcast_in_dim3A_530 = arith.constant 21 : i32
        %broadcast_in_dim3A_531 = vector.broadcast %broadcast_in_dim3A_530 : i32 to vector<16xi32>
        %scatter3A_532 = arith.constant 0 : i32
        %scatter3A_533 = arith.constant 0 : i32
        %scatter3A_534 = tpu.memref_slice %arg15[%rem3A_247, %scatter3A_532, %scatter3A_533] : memref<4x16x128xf32, #tpu.memory_space<vmem>> -> memref<1x16x128xf32, #tpu.memory_space<vmem>>
        %scatter3A_535 = tpu.memref_squeeze %scatter3A_534 : memref<1x16x128xf32, #tpu.memory_space<vmem>> -> memref<16x128xf32, #tpu.memory_space<vmem>>
        tpu.vector_store_idx %scatter3A_535[%iota3A, %broadcast_in_dim3A_531], %gather3A_529 masked %lt3A_231 : memref<16x128xf32, #tpu.memory_space<vmem>>[vector<16xi32>, vector<16xi32>], vector<16xf32>, vector<16xi1>
        %broadcast_in_dim3A_536 = arith.constant 6 : i32
        %broadcast_in_dim3A_537 = vector.broadcast %broadcast_in_dim3A_536 : i32 to vector<16xi32>
        %gather3A_538 = arith.constant 0 : i32
        %gather3A_539 = arith.constant 0 : i32
        %gather3A_540 = tpu.memref_slice %arg12[%rem3A_152, %gather3A_538, %gather3A_539] : memref<3x32x512xf32, #tpu.memory_space<vmem>> -> memref<1x32x512xf32, #tpu.memory_space<vmem>>
        %gather3A_541 = tpu.memref_squeeze %gather3A_540 : memref<1x32x512xf32, #tpu.memory_space<vmem>> -> memref<32x512xf32, #tpu.memory_space<vmem>>
        %gather3A_542 = tpu.vector_load_idx %gather3A_541[%broadcast_in_dim3A_537, %select_n3A_239] masked %lt3A_231 : memref<32x512xf32, #tpu.memory_space<vmem>>[vector<16xi32>, vector<16xi32>], vector<16xf32>, vector<16xi1>
        %broadcast_in_dim3A_543 = arith.constant 22 : i32
        %broadcast_in_dim3A_544 = vector.broadcast %broadcast_in_dim3A_543 : i32 to vector<16xi32>
        %scatter3A_545 = arith.constant 0 : i32
        %scatter3A_546 = arith.constant 0 : i32
        %scatter3A_547 = tpu.memref_slice %arg15[%rem3A_247, %scatter3A_545, %scatter3A_546] : memref<4x16x128xf32, #tpu.memory_space<vmem>> -> memref<1x16x128xf32, #tpu.memory_space<vmem>>
        %scatter3A_548 = tpu.memref_squeeze %scatter3A_547 : memref<1x16x128xf32, #tpu.memory_space<vmem>> -> memref<16x128xf32, #tpu.memory_space<vmem>>
        tpu.vector_store_idx %scatter3A_548[%iota3A, %broadcast_in_dim3A_544], %gather3A_542 masked %lt3A_231 : memref<16x128xf32, #tpu.memory_space<vmem>>[vector<16xi32>, vector<16xi32>], vector<16xf32>, vector<16xi1>
        %broadcast_in_dim3A_549 = arith.constant 7 : i32
        %broadcast_in_dim3A_550 = vector.broadcast %broadcast_in_dim3A_549 : i32 to vector<16xi32>
        %gather3A_551 = arith.constant 0 : i32
        %gather3A_552 = arith.constant 0 : i32
        %gather3A_553 = tpu.memref_slice %arg12[%rem3A_152, %gather3A_551, %gather3A_552] : memref<3x32x512xf32, #tpu.memory_space<vmem>> -> memref<1x32x512xf32, #tpu.memory_space<vmem>>
        %gather3A_554 = tpu.memref_squeeze %gather3A_553 : memref<1x32x512xf32, #tpu.memory_space<vmem>> -> memref<32x512xf32, #tpu.memory_space<vmem>>
        %gather3A_555 = tpu.vector_load_idx %gather3A_554[%broadcast_in_dim3A_550, %select_n3A_239] masked %lt3A_231 : memref<32x512xf32, #tpu.memory_space<vmem>>[vector<16xi32>, vector<16xi32>], vector<16xf32>, vector<16xi1>
        %broadcast_in_dim3A_556 = arith.constant 23 : i32
        %broadcast_in_dim3A_557 = vector.broadcast %broadcast_in_dim3A_556 : i32 to vector<16xi32>
        %scatter3A_558 = arith.constant 0 : i32
        %scatter3A_559 = arith.constant 0 : i32
        %scatter3A_560 = tpu.memref_slice %arg15[%rem3A_247, %scatter3A_558, %scatter3A_559] : memref<4x16x128xf32, #tpu.memory_space<vmem>> -> memref<1x16x128xf32, #tpu.memory_space<vmem>>
        %scatter3A_561 = tpu.memref_squeeze %scatter3A_560 : memref<1x16x128xf32, #tpu.memory_space<vmem>> -> memref<16x128xf32, #tpu.memory_space<vmem>>
        tpu.vector_store_idx %scatter3A_561[%iota3A, %broadcast_in_dim3A_557], %gather3A_555 masked %lt3A_231 : memref<16x128xf32, #tpu.memory_space<vmem>>[vector<16xi32>, vector<16xi32>], vector<16xf32>, vector<16xi1>
        %broadcast_in_dim3A_562 = arith.constant 8 : i32
        %broadcast_in_dim3A_563 = vector.broadcast %broadcast_in_dim3A_562 : i32 to vector<16xi32>
        %gather3A_564 = arith.constant 0 : i32
        %gather3A_565 = arith.constant 0 : i32
        %gather3A_566 = tpu.memref_slice %arg12[%rem3A_152, %gather3A_564, %gather3A_565] : memref<3x32x512xf32, #tpu.memory_space<vmem>> -> memref<1x32x512xf32, #tpu.memory_space<vmem>>
        %gather3A_567 = tpu.memref_squeeze %gather3A_566 : memref<1x32x512xf32, #tpu.memory_space<vmem>> -> memref<32x512xf32, #tpu.memory_space<vmem>>
        %gather3A_568 = tpu.vector_load_idx %gather3A_567[%broadcast_in_dim3A_563, %select_n3A_239] masked %lt3A_231 : memref<32x512xf32, #tpu.memory_space<vmem>>[vector<16xi32>, vector<16xi32>], vector<16xf32>, vector<16xi1>
        %broadcast_in_dim3A_569 = arith.constant 24 : i32
        %broadcast_in_dim3A_570 = vector.broadcast %broadcast_in_dim3A_569 : i32 to vector<16xi32>
        %scatter3A_571 = arith.constant 0 : i32
        %scatter3A_572 = arith.constant 0 : i32
        %scatter3A_573 = tpu.memref_slice %arg15[%rem3A_247, %scatter3A_571, %scatter3A_572] : memref<4x16x128xf32, #tpu.memory_space<vmem>> -> memref<1x16x128xf32, #tpu.memory_space<vmem>>
        %scatter3A_574 = tpu.memref_squeeze %scatter3A_573 : memref<1x16x128xf32, #tpu.memory_space<vmem>> -> memref<16x128xf32, #tpu.memory_space<vmem>>
        tpu.vector_store_idx %scatter3A_574[%iota3A, %broadcast_in_dim3A_570], %gather3A_568 masked %lt3A_231 : memref<16x128xf32, #tpu.memory_space<vmem>>[vector<16xi32>, vector<16xi32>], vector<16xf32>, vector<16xi1>
        %broadcast_in_dim3A_575 = arith.constant 9 : i32
        %broadcast_in_dim3A_576 = vector.broadcast %broadcast_in_dim3A_575 : i32 to vector<16xi32>
        %gather3A_577 = arith.constant 0 : i32
        %gather3A_578 = arith.constant 0 : i32
        %gather3A_579 = tpu.memref_slice %arg12[%rem3A_152, %gather3A_577, %gather3A_578] : memref<3x32x512xf32, #tpu.memory_space<vmem>> -> memref<1x32x512xf32, #tpu.memory_space<vmem>>
        %gather3A_580 = tpu.memref_squeeze %gather3A_579 : memref<1x32x512xf32, #tpu.memory_space<vmem>> -> memref<32x512xf32, #tpu.memory_space<vmem>>
        %gather3A_581 = tpu.vector_load_idx %gather3A_580[%broadcast_in_dim3A_576, %select_n3A_239] masked %lt3A_231 : memref<32x512xf32, #tpu.memory_space<vmem>>[vector<16xi32>, vector<16xi32>], vector<16xf32>, vector<16xi1>
        %broadcast_in_dim3A_582 = arith.constant 25 : i32
        %broadcast_in_dim3A_583 = vector.broadcast %broadcast_in_dim3A_582 : i32 to vector<16xi32>
        %scatter3A_584 = arith.constant 0 : i32
        %scatter3A_585 = arith.constant 0 : i32
        %scatter3A_586 = tpu.memref_slice %arg15[%rem3A_247, %scatter3A_584, %scatter3A_585] : memref<4x16x128xf32, #tpu.memory_space<vmem>> -> memref<1x16x128xf32, #tpu.memory_space<vmem>>
        %scatter3A_587 = tpu.memref_squeeze %scatter3A_586 : memref<1x16x128xf32, #tpu.memory_space<vmem>> -> memref<16x128xf32, #tpu.memory_space<vmem>>
        tpu.vector_store_idx %scatter3A_587[%iota3A, %broadcast_in_dim3A_583], %gather3A_581 masked %lt3A_231 : memref<16x128xf32, #tpu.memory_space<vmem>>[vector<16xi32>, vector<16xi32>], vector<16xf32>, vector<16xi1>
        %broadcast_in_dim3A_588 = arith.constant 10 : i32
        %broadcast_in_dim3A_589 = vector.broadcast %broadcast_in_dim3A_588 : i32 to vector<16xi32>
        %gather3A_590 = arith.constant 0 : i32
        %gather3A_591 = arith.constant 0 : i32
        %gather3A_592 = tpu.memref_slice %arg12[%rem3A_152, %gather3A_590, %gather3A_591] : memref<3x32x512xf32, #tpu.memory_space<vmem>> -> memref<1x32x512xf32, #tpu.memory_space<vmem>>
        %gather3A_593 = tpu.memref_squeeze %gather3A_592 : memref<1x32x512xf32, #tpu.memory_space<vmem>> -> memref<32x512xf32, #tpu.memory_space<vmem>>
        %gather3A_594 = tpu.vector_load_idx %gather3A_593[%broadcast_in_dim3A_589, %select_n3A_239] masked %lt3A_231 : memref<32x512xf32, #tpu.memory_space<vmem>>[vector<16xi32>, vector<16xi32>], vector<16xf32>, vector<16xi1>
        %broadcast_in_dim3A_595 = arith.constant 26 : i32
        %broadcast_in_dim3A_596 = vector.broadcast %broadcast_in_dim3A_595 : i32 to vector<16xi32>
        %scatter3A_597 = arith.constant 0 : i32
        %scatter3A_598 = arith.constant 0 : i32
        %scatter3A_599 = tpu.memref_slice %arg15[%rem3A_247, %scatter3A_597, %scatter3A_598] : memref<4x16x128xf32, #tpu.memory_space<vmem>> -> memref<1x16x128xf32, #tpu.memory_space<vmem>>
        %scatter3A_600 = tpu.memref_squeeze %scatter3A_599 : memref<1x16x128xf32, #tpu.memory_space<vmem>> -> memref<16x128xf32, #tpu.memory_space<vmem>>
        tpu.vector_store_idx %scatter3A_600[%iota3A, %broadcast_in_dim3A_596], %gather3A_594 masked %lt3A_231 : memref<16x128xf32, #tpu.memory_space<vmem>>[vector<16xi32>, vector<16xi32>], vector<16xf32>, vector<16xi1>
        %broadcast_in_dim3A_601 = arith.constant 11 : i32
        %broadcast_in_dim3A_602 = vector.broadcast %broadcast_in_dim3A_601 : i32 to vector<16xi32>
        %gather3A_603 = arith.constant 0 : i32
        %gather3A_604 = arith.constant 0 : i32
        %gather3A_605 = tpu.memref_slice %arg12[%rem3A_152, %gather3A_603, %gather3A_604] : memref<3x32x512xf32, #tpu.memory_space<vmem>> -> memref<1x32x512xf32, #tpu.memory_space<vmem>>
        %gather3A_606 = tpu.memref_squeeze %gather3A_605 : memref<1x32x512xf32, #tpu.memory_space<vmem>> -> memref<32x512xf32, #tpu.memory_space<vmem>>
        %gather3A_607 = tpu.vector_load_idx %gather3A_606[%broadcast_in_dim3A_602, %select_n3A_239] masked %lt3A_231 : memref<32x512xf32, #tpu.memory_space<vmem>>[vector<16xi32>, vector<16xi32>], vector<16xf32>, vector<16xi1>
        %broadcast_in_dim3A_608 = arith.constant 27 : i32
        %broadcast_in_dim3A_609 = vector.broadcast %broadcast_in_dim3A_608 : i32 to vector<16xi32>
        %scatter3A_610 = arith.constant 0 : i32
        %scatter3A_611 = arith.constant 0 : i32
        %scatter3A_612 = tpu.memref_slice %arg15[%rem3A_247, %scatter3A_610, %scatter3A_611] : memref<4x16x128xf32, #tpu.memory_space<vmem>> -> memref<1x16x128xf32, #tpu.memory_space<vmem>>
        %scatter3A_613 = tpu.memref_squeeze %scatter3A_612 : memref<1x16x128xf32, #tpu.memory_space<vmem>> -> memref<16x128xf32, #tpu.memory_space<vmem>>
        tpu.vector_store_idx %scatter3A_613[%iota3A, %broadcast_in_dim3A_609], %gather3A_607 masked %lt3A_231 : memref<16x128xf32, #tpu.memory_space<vmem>>[vector<16xi32>, vector<16xi32>], vector<16xf32>, vector<16xi1>
        %broadcast_in_dim3A_614 = arith.constant 12 : i32
        %broadcast_in_dim3A_615 = vector.broadcast %broadcast_in_dim3A_614 : i32 to vector<16xi32>
        %gather3A_616 = arith.constant 0 : i32
        %gather3A_617 = arith.constant 0 : i32
        %gather3A_618 = tpu.memref_slice %arg12[%rem3A_152, %gather3A_616, %gather3A_617] : memref<3x32x512xf32, #tpu.memory_space<vmem>> -> memref<1x32x512xf32, #tpu.memory_space<vmem>>
        %gather3A_619 = tpu.memref_squeeze %gather3A_618 : memref<1x32x512xf32, #tpu.memory_space<vmem>> -> memref<32x512xf32, #tpu.memory_space<vmem>>
        %gather3A_620 = tpu.vector_load_idx %gather3A_619[%broadcast_in_dim3A_615, %select_n3A_239] masked %lt3A_231 : memref<32x512xf32, #tpu.memory_space<vmem>>[vector<16xi32>, vector<16xi32>], vector<16xf32>, vector<16xi1>
        %broadcast_in_dim3A_621 = arith.constant 28 : i32
        %broadcast_in_dim3A_622 = vector.broadcast %broadcast_in_dim3A_621 : i32 to vector<16xi32>
        %scatter3A_623 = arith.constant 0 : i32
        %scatter3A_624 = arith.constant 0 : i32
        %scatter3A_625 = tpu.memref_slice %arg15[%rem3A_247, %scatter3A_623, %scatter3A_624] : memref<4x16x128xf32, #tpu.memory_space<vmem>> -> memref<1x16x128xf32, #tpu.memory_space<vmem>>
        %scatter3A_626 = tpu.memref_squeeze %scatter3A_625 : memref<1x16x128xf32, #tpu.memory_space<vmem>> -> memref<16x128xf32, #tpu.memory_space<vmem>>
        tpu.vector_store_idx %scatter3A_626[%iota3A, %broadcast_in_dim3A_622], %gather3A_620 masked %lt3A_231 : memref<16x128xf32, #tpu.memory_space<vmem>>[vector<16xi32>, vector<16xi32>], vector<16xf32>, vector<16xi1>
        %broadcast_in_dim3A_627 = arith.constant 13 : i32
        %broadcast_in_dim3A_628 = vector.broadcast %broadcast_in_dim3A_627 : i32 to vector<16xi32>
        %gather3A_629 = arith.constant 0 : i32
        %gather3A_630 = arith.constant 0 : i32
        %gather3A_631 = tpu.memref_slice %arg12[%rem3A_152, %gather3A_629, %gather3A_630] : memref<3x32x512xf32, #tpu.memory_space<vmem>> -> memref<1x32x512xf32, #tpu.memory_space<vmem>>
        %gather3A_632 = tpu.memref_squeeze %gather3A_631 : memref<1x32x512xf32, #tpu.memory_space<vmem>> -> memref<32x512xf32, #tpu.memory_space<vmem>>
        %gather3A_633 = tpu.vector_load_idx %gather3A_632[%broadcast_in_dim3A_628, %select_n3A_239] masked %lt3A_231 : memref<32x512xf32, #tpu.memory_space<vmem>>[vector<16xi32>, vector<16xi32>], vector<16xf32>, vector<16xi1>
        %broadcast_in_dim3A_634 = arith.constant 29 : i32
        %broadcast_in_dim3A_635 = vector.broadcast %broadcast_in_dim3A_634 : i32 to vector<16xi32>
        %scatter3A_636 = arith.constant 0 : i32
        %scatter3A_637 = arith.constant 0 : i32
        %scatter3A_638 = tpu.memref_slice %arg15[%rem3A_247, %scatter3A_636, %scatter3A_637] : memref<4x16x128xf32, #tpu.memory_space<vmem>> -> memref<1x16x128xf32, #tpu.memory_space<vmem>>
        %scatter3A_639 = tpu.memref_squeeze %scatter3A_638 : memref<1x16x128xf32, #tpu.memory_space<vmem>> -> memref<16x128xf32, #tpu.memory_space<vmem>>
        tpu.vector_store_idx %scatter3A_639[%iota3A, %broadcast_in_dim3A_635], %gather3A_633 masked %lt3A_231 : memref<16x128xf32, #tpu.memory_space<vmem>>[vector<16xi32>, vector<16xi32>], vector<16xf32>, vector<16xi1>
        %broadcast_in_dim3A_640 = arith.constant 14 : i32
        %broadcast_in_dim3A_641 = vector.broadcast %broadcast_in_dim3A_640 : i32 to vector<16xi32>
        %gather3A_642 = arith.constant 0 : i32
        %gather3A_643 = arith.constant 0 : i32
        %gather3A_644 = tpu.memref_slice %arg12[%rem3A_152, %gather3A_642, %gather3A_643] : memref<3x32x512xf32, #tpu.memory_space<vmem>> -> memref<1x32x512xf32, #tpu.memory_space<vmem>>
        %gather3A_645 = tpu.memref_squeeze %gather3A_644 : memref<1x32x512xf32, #tpu.memory_space<vmem>> -> memref<32x512xf32, #tpu.memory_space<vmem>>
        %gather3A_646 = tpu.vector_load_idx %gather3A_645[%broadcast_in_dim3A_641, %select_n3A_239] masked %lt3A_231 : memref<32x512xf32, #tpu.memory_space<vmem>>[vector<16xi32>, vector<16xi32>], vector<16xf32>, vector<16xi1>
        %broadcast_in_dim3A_647 = arith.constant 30 : i32
        %broadcast_in_dim3A_648 = vector.broadcast %broadcast_in_dim3A_647 : i32 to vector<16xi32>
        %scatter3A_649 = arith.constant 0 : i32
        %scatter3A_650 = arith.constant 0 : i32
        %scatter3A_651 = tpu.memref_slice %arg15[%rem3A_247, %scatter3A_649, %scatter3A_650] : memref<4x16x128xf32, #tpu.memory_space<vmem>> -> memref<1x16x128xf32, #tpu.memory_space<vmem>>
        %scatter3A_652 = tpu.memref_squeeze %scatter3A_651 : memref<1x16x128xf32, #tpu.memory_space<vmem>> -> memref<16x128xf32, #tpu.memory_space<vmem>>
        tpu.vector_store_idx %scatter3A_652[%iota3A, %broadcast_in_dim3A_648], %gather3A_646 masked %lt3A_231 : memref<16x128xf32, #tpu.memory_space<vmem>>[vector<16xi32>, vector<16xi32>], vector<16xf32>, vector<16xi1>
        %broadcast_in_dim3A_653 = arith.constant 15 : i32
        %broadcast_in_dim3A_654 = vector.broadcast %broadcast_in_dim3A_653 : i32 to vector<16xi32>
        %gather3A_655 = arith.constant 0 : i32
        %gather3A_656 = arith.constant 0 : i32
        %gather3A_657 = tpu.memref_slice %arg12[%rem3A_152, %gather3A_655, %gather3A_656] : memref<3x32x512xf32, #tpu.memory_space<vmem>> -> memref<1x32x512xf32, #tpu.memory_space<vmem>>
        %gather3A_658 = tpu.memref_squeeze %gather3A_657 : memref<1x32x512xf32, #tpu.memory_space<vmem>> -> memref<32x512xf32, #tpu.memory_space<vmem>>
        %gather3A_659 = tpu.vector_load_idx %gather3A_658[%broadcast_in_dim3A_654, %select_n3A_239] masked %lt3A_231 : memref<32x512xf32, #tpu.memory_space<vmem>>[vector<16xi32>, vector<16xi32>], vector<16xf32>, vector<16xi1>
        %broadcast_in_dim3A_660 = arith.constant 31 : i32
        %broadcast_in_dim3A_661 = vector.broadcast %broadcast_in_dim3A_660 : i32 to vector<16xi32>
        %scatter3A_662 = arith.constant 0 : i32
        %scatter3A_663 = arith.constant 0 : i32
        %scatter3A_664 = tpu.memref_slice %arg15[%rem3A_247, %scatter3A_662, %scatter3A_663] : memref<4x16x128xf32, #tpu.memory_space<vmem>> -> memref<1x16x128xf32, #tpu.memory_space<vmem>>
        %scatter3A_665 = tpu.memref_squeeze %scatter3A_664 : memref<1x16x128xf32, #tpu.memory_space<vmem>> -> memref<16x128xf32, #tpu.memory_space<vmem>>
        tpu.vector_store_idx %scatter3A_665[%iota3A, %broadcast_in_dim3A_661], %gather3A_659 masked %lt3A_231 : memref<16x128xf32, #tpu.memory_space<vmem>>[vector<16xi32>, vector<16xi32>], vector<16xf32>, vector<16xi1>
        %broadcast_in_dim3A_666 = arith.constant 16 : i32
        %broadcast_in_dim3A_667 = vector.broadcast %broadcast_in_dim3A_666 : i32 to vector<16xi32>
        %gather3A_668 = arith.constant 0 : i32
        %gather3A_669 = arith.constant 0 : i32
        %gather3A_670 = tpu.memref_slice %arg12[%rem3A_152, %gather3A_668, %gather3A_669] : memref<3x32x512xf32, #tpu.memory_space<vmem>> -> memref<1x32x512xf32, #tpu.memory_space<vmem>>
        %gather3A_671 = tpu.memref_squeeze %gather3A_670 : memref<1x32x512xf32, #tpu.memory_space<vmem>> -> memref<32x512xf32, #tpu.memory_space<vmem>>
        %gather3A_672 = tpu.vector_load_idx %gather3A_671[%broadcast_in_dim3A_667, %select_n3A_239] masked %lt3A_231 : memref<32x512xf32, #tpu.memory_space<vmem>>[vector<16xi32>, vector<16xi32>], vector<16xf32>, vector<16xi1>
        %broadcast_in_dim3A_673 = arith.constant 32 : i32
        %broadcast_in_dim3A_674 = vector.broadcast %broadcast_in_dim3A_673 : i32 to vector<16xi32>
        %scatter3A_675 = arith.constant 0 : i32
        %scatter3A_676 = arith.constant 0 : i32
        %scatter3A_677 = tpu.memref_slice %arg15[%rem3A_247, %scatter3A_675, %scatter3A_676] : memref<4x16x128xf32, #tpu.memory_space<vmem>> -> memref<1x16x128xf32, #tpu.memory_space<vmem>>
        %scatter3A_678 = tpu.memref_squeeze %scatter3A_677 : memref<1x16x128xf32, #tpu.memory_space<vmem>> -> memref<16x128xf32, #tpu.memory_space<vmem>>
        tpu.vector_store_idx %scatter3A_678[%iota3A, %broadcast_in_dim3A_674], %gather3A_672 masked %lt3A_231 : memref<16x128xf32, #tpu.memory_space<vmem>>[vector<16xi32>, vector<16xi32>], vector<16xf32>, vector<16xi1>
        %broadcast_in_dim3A_679 = arith.constant 17 : i32
        %broadcast_in_dim3A_680 = vector.broadcast %broadcast_in_dim3A_679 : i32 to vector<16xi32>
        %gather3A_681 = arith.constant 0 : i32
        %gather3A_682 = arith.constant 0 : i32
        %gather3A_683 = tpu.memref_slice %arg12[%rem3A_152, %gather3A_681, %gather3A_682] : memref<3x32x512xf32, #tpu.memory_space<vmem>> -> memref<1x32x512xf32, #tpu.memory_space<vmem>>
        %gather3A_684 = tpu.memref_squeeze %gather3A_683 : memref<1x32x512xf32, #tpu.memory_space<vmem>> -> memref<32x512xf32, #tpu.memory_space<vmem>>
        %gather3A_685 = tpu.vector_load_idx %gather3A_684[%broadcast_in_dim3A_680, %select_n3A_239] masked %lt3A_231 : memref<32x512xf32, #tpu.memory_space<vmem>>[vector<16xi32>, vector<16xi32>], vector<16xf32>, vector<16xi1>
        %broadcast_in_dim3A_686 = arith.constant 33 : i32
        %broadcast_in_dim3A_687 = vector.broadcast %broadcast_in_dim3A_686 : i32 to vector<16xi32>
        %scatter3A_688 = arith.constant 0 : i32
        %scatter3A_689 = arith.constant 0 : i32
        %scatter3A_690 = tpu.memref_slice %arg15[%rem3A_247, %scatter3A_688, %scatter3A_689] : memref<4x16x128xf32, #tpu.memory_space<vmem>> -> memref<1x16x128xf32, #tpu.memory_space<vmem>>
        %scatter3A_691 = tpu.memref_squeeze %scatter3A_690 : memref<1x16x128xf32, #tpu.memory_space<vmem>> -> memref<16x128xf32, #tpu.memory_space<vmem>>
        tpu.vector_store_idx %scatter3A_691[%iota3A, %broadcast_in_dim3A_687], %gather3A_685 masked %lt3A_231 : memref<16x128xf32, #tpu.memory_space<vmem>>[vector<16xi32>, vector<16xi32>], vector<16xf32>, vector<16xi1>
        %broadcast_in_dim3A_692 = arith.constant 18 : i32
        %broadcast_in_dim3A_693 = vector.broadcast %broadcast_in_dim3A_692 : i32 to vector<16xi32>
        %gather3A_694 = arith.constant 0 : i32
        %gather3A_695 = arith.constant 0 : i32
        %gather3A_696 = tpu.memref_slice %arg12[%rem3A_152, %gather3A_694, %gather3A_695] : memref<3x32x512xf32, #tpu.memory_space<vmem>> -> memref<1x32x512xf32, #tpu.memory_space<vmem>>
        %gather3A_697 = tpu.memref_squeeze %gather3A_696 : memref<1x32x512xf32, #tpu.memory_space<vmem>> -> memref<32x512xf32, #tpu.memory_space<vmem>>
        %gather3A_698 = tpu.vector_load_idx %gather3A_697[%broadcast_in_dim3A_693, %select_n3A_239] masked %lt3A_231 : memref<32x512xf32, #tpu.memory_space<vmem>>[vector<16xi32>, vector<16xi32>], vector<16xf32>, vector<16xi1>
        %broadcast_in_dim3A_699 = arith.constant 34 : i32
        %broadcast_in_dim3A_700 = vector.broadcast %broadcast_in_dim3A_699 : i32 to vector<16xi32>
        %scatter3A_701 = arith.constant 0 : i32
        %scatter3A_702 = arith.constant 0 : i32
        %scatter3A_703 = tpu.memref_slice %arg15[%rem3A_247, %scatter3A_701, %scatter3A_702] : memref<4x16x128xf32, #tpu.memory_space<vmem>> -> memref<1x16x128xf32, #tpu.memory_space<vmem>>
        %scatter3A_704 = tpu.memref_squeeze %scatter3A_703 : memref<1x16x128xf32, #tpu.memory_space<vmem>> -> memref<16x128xf32, #tpu.memory_space<vmem>>
        tpu.vector_store_idx %scatter3A_704[%iota3A, %broadcast_in_dim3A_700], %gather3A_698 masked %lt3A_231 : memref<16x128xf32, #tpu.memory_space<vmem>>[vector<16xi32>, vector<16xi32>], vector<16xf32>, vector<16xi1>
        %broadcast_in_dim3A_705 = arith.constant 19 : i32
        %broadcast_in_dim3A_706 = vector.broadcast %broadcast_in_dim3A_705 : i32 to vector<16xi32>
        %gather3A_707 = arith.constant 0 : i32
        %gather3A_708 = arith.constant 0 : i32
        %gather3A_709 = tpu.memref_slice %arg12[%rem3A_152, %gather3A_707, %gather3A_708] : memref<3x32x512xf32, #tpu.memory_space<vmem>> -> memref<1x32x512xf32, #tpu.memory_space<vmem>>
        %gather3A_710 = tpu.memref_squeeze %gather3A_709 : memref<1x32x512xf32, #tpu.memory_space<vmem>> -> memref<32x512xf32, #tpu.memory_space<vmem>>
        %gather3A_711 = tpu.vector_load_idx %gather3A_710[%broadcast_in_dim3A_706, %select_n3A_239] masked %lt3A_231 : memref<32x512xf32, #tpu.memory_space<vmem>>[vector<16xi32>, vector<16xi32>], vector<16xf32>, vector<16xi1>
        %broadcast_in_dim3A_712 = arith.constant 35 : i32
        %broadcast_in_dim3A_713 = vector.broadcast %broadcast_in_dim3A_712 : i32 to vector<16xi32>
        %scatter3A_714 = arith.constant 0 : i32
        %scatter3A_715 = arith.constant 0 : i32
        %scatter3A_716 = tpu.memref_slice %arg15[%rem3A_247, %scatter3A_714, %scatter3A_715] : memref<4x16x128xf32, #tpu.memory_space<vmem>> -> memref<1x16x128xf32, #tpu.memory_space<vmem>>
        %scatter3A_717 = tpu.memref_squeeze %scatter3A_716 : memref<1x16x128xf32, #tpu.memory_space<vmem>> -> memref<16x128xf32, #tpu.memory_space<vmem>>
        tpu.vector_store_idx %scatter3A_717[%iota3A, %broadcast_in_dim3A_713], %gather3A_711 masked %lt3A_231 : memref<16x128xf32, #tpu.memory_space<vmem>>[vector<16xi32>, vector<16xi32>], vector<16xf32>, vector<16xi1>
        %broadcast_in_dim3A_718 = arith.constant 20 : i32
        %broadcast_in_dim3A_719 = vector.broadcast %broadcast_in_dim3A_718 : i32 to vector<16xi32>
        %gather3A_720 = arith.constant 0 : i32
        %gather3A_721 = arith.constant 0 : i32
        %gather3A_722 = tpu.memref_slice %arg12[%rem3A_152, %gather3A_720, %gather3A_721] : memref<3x32x512xf32, #tpu.memory_space<vmem>> -> memref<1x32x512xf32, #tpu.memory_space<vmem>>
        %gather3A_723 = tpu.memref_squeeze %gather3A_722 : memref<1x32x512xf32, #tpu.memory_space<vmem>> -> memref<32x512xf32, #tpu.memory_space<vmem>>
        %gather3A_724 = tpu.vector_load_idx %gather3A_723[%broadcast_in_dim3A_719, %select_n3A_239] masked %lt3A_231 : memref<32x512xf32, #tpu.memory_space<vmem>>[vector<16xi32>, vector<16xi32>], vector<16xf32>, vector<16xi1>
        %broadcast_in_dim3A_725 = arith.constant 36 : i32
        %broadcast_in_dim3A_726 = vector.broadcast %broadcast_in_dim3A_725 : i32 to vector<16xi32>
        %scatter3A_727 = arith.constant 0 : i32
        %scatter3A_728 = arith.constant 0 : i32
        %scatter3A_729 = tpu.memref_slice %arg15[%rem3A_247, %scatter3A_727, %scatter3A_728] : memref<4x16x128xf32, #tpu.memory_space<vmem>> -> memref<1x16x128xf32, #tpu.memory_space<vmem>>
        %scatter3A_730 = tpu.memref_squeeze %scatter3A_729 : memref<1x16x128xf32, #tpu.memory_space<vmem>> -> memref<16x128xf32, #tpu.memory_space<vmem>>
        tpu.vector_store_idx %scatter3A_730[%iota3A, %broadcast_in_dim3A_726], %gather3A_724 masked %lt3A_231 : memref<16x128xf32, #tpu.memory_space<vmem>>[vector<16xi32>, vector<16xi32>], vector<16xf32>, vector<16xi1>
        %broadcast_in_dim3A_731 = arith.constant 21 : i32
        %broadcast_in_dim3A_732 = vector.broadcast %broadcast_in_dim3A_731 : i32 to vector<16xi32>
        %gather3A_733 = arith.constant 0 : i32
        %gather3A_734 = arith.constant 0 : i32
        %gather3A_735 = tpu.memref_slice %arg12[%rem3A_152, %gather3A_733, %gather3A_734] : memref<3x32x512xf32, #tpu.memory_space<vmem>> -> memref<1x32x512xf32, #tpu.memory_space<vmem>>
        %gather3A_736 = tpu.memref_squeeze %gather3A_735 : memref<1x32x512xf32, #tpu.memory_space<vmem>> -> memref<32x512xf32, #tpu.memory_space<vmem>>
        %gather3A_737 = tpu.vector_load_idx %gather3A_736[%broadcast_in_dim3A_732, %select_n3A_239] masked %lt3A_231 : memref<32x512xf32, #tpu.memory_space<vmem>>[vector<16xi32>, vector<16xi32>], vector<16xf32>, vector<16xi1>
        %broadcast_in_dim3A_738 = arith.constant 37 : i32
        %broadcast_in_dim3A_739 = vector.broadcast %broadcast_in_dim3A_738 : i32 to vector<16xi32>
        %scatter3A_740 = arith.constant 0 : i32
        %scatter3A_741 = arith.constant 0 : i32
        %scatter3A_742 = tpu.memref_slice %arg15[%rem3A_247, %scatter3A_740, %scatter3A_741] : memref<4x16x128xf32, #tpu.memory_space<vmem>> -> memref<1x16x128xf32, #tpu.memory_space<vmem>>
        %scatter3A_743 = tpu.memref_squeeze %scatter3A_742 : memref<1x16x128xf32, #tpu.memory_space<vmem>> -> memref<16x128xf32, #tpu.memory_space<vmem>>
        tpu.vector_store_idx %scatter3A_743[%iota3A, %broadcast_in_dim3A_739], %gather3A_737 masked %lt3A_231 : memref<16x128xf32, #tpu.memory_space<vmem>>[vector<16xi32>, vector<16xi32>], vector<16xf32>, vector<16xi1>
        %broadcast_in_dim3A_744 = arith.constant 22 : i32
        %broadcast_in_dim3A_745 = vector.broadcast %broadcast_in_dim3A_744 : i32 to vector<16xi32>
        %gather3A_746 = arith.constant 0 : i32
        %gather3A_747 = arith.constant 0 : i32
        %gather3A_748 = tpu.memref_slice %arg12[%rem3A_152, %gather3A_746, %gather3A_747] : memref<3x32x512xf32, #tpu.memory_space<vmem>> -> memref<1x32x512xf32, #tpu.memory_space<vmem>>
        %gather3A_749 = tpu.memref_squeeze %gather3A_748 : memref<1x32x512xf32, #tpu.memory_space<vmem>> -> memref<32x512xf32, #tpu.memory_space<vmem>>
        %gather3A_750 = tpu.vector_load_idx %gather3A_749[%broadcast_in_dim3A_745, %select_n3A_239] masked %lt3A_231 : memref<32x512xf32, #tpu.memory_space<vmem>>[vector<16xi32>, vector<16xi32>], vector<16xf32>, vector<16xi1>
        %broadcast_in_dim3A_751 = arith.constant 38 : i32
        %broadcast_in_dim3A_752 = vector.broadcast %broadcast_in_dim3A_751 : i32 to vector<16xi32>
        %scatter3A_753 = arith.constant 0 : i32
        %scatter3A_754 = arith.constant 0 : i32
        %scatter3A_755 = tpu.memref_slice %arg15[%rem3A_247, %scatter3A_753, %scatter3A_754] : memref<4x16x128xf32, #tpu.memory_space<vmem>> -> memref<1x16x128xf32, #tpu.memory_space<vmem>>
        %scatter3A_756 = tpu.memref_squeeze %scatter3A_755 : memref<1x16x128xf32, #tpu.memory_space<vmem>> -> memref<16x128xf32, #tpu.memory_space<vmem>>
        tpu.vector_store_idx %scatter3A_756[%iota3A, %broadcast_in_dim3A_752], %gather3A_750 masked %lt3A_231 : memref<16x128xf32, #tpu.memory_space<vmem>>[vector<16xi32>, vector<16xi32>], vector<16xf32>, vector<16xi1>
        %broadcast_in_dim3A_757 = arith.constant 23 : i32
        %broadcast_in_dim3A_758 = vector.broadcast %broadcast_in_dim3A_757 : i32 to vector<16xi32>
        %gather3A_759 = arith.constant 0 : i32
        %gather3A_760 = arith.constant 0 : i32
        %gather3A_761 = tpu.memref_slice %arg12[%rem3A_152, %gather3A_759, %gather3A_760] : memref<3x32x512xf32, #tpu.memory_space<vmem>> -> memref<1x32x512xf32, #tpu.memory_space<vmem>>
        %gather3A_762 = tpu.memref_squeeze %gather3A_761 : memref<1x32x512xf32, #tpu.memory_space<vmem>> -> memref<32x512xf32, #tpu.memory_space<vmem>>
        %gather3A_763 = tpu.vector_load_idx %gather3A_762[%broadcast_in_dim3A_758, %select_n3A_239] masked %lt3A_231 : memref<32x512xf32, #tpu.memory_space<vmem>>[vector<16xi32>, vector<16xi32>], vector<16xf32>, vector<16xi1>
        %broadcast_in_dim3A_764 = arith.constant 39 : i32
        %broadcast_in_dim3A_765 = vector.broadcast %broadcast_in_dim3A_764 : i32 to vector<16xi32>
        %scatter3A_766 = arith.constant 0 : i32
        %scatter3A_767 = arith.constant 0 : i32
        %scatter3A_768 = tpu.memref_slice %arg15[%rem3A_247, %scatter3A_766, %scatter3A_767] : memref<4x16x128xf32, #tpu.memory_space<vmem>> -> memref<1x16x128xf32, #tpu.memory_space<vmem>>
        %scatter3A_769 = tpu.memref_squeeze %scatter3A_768 : memref<1x16x128xf32, #tpu.memory_space<vmem>> -> memref<16x128xf32, #tpu.memory_space<vmem>>
        tpu.vector_store_idx %scatter3A_769[%iota3A, %broadcast_in_dim3A_765], %gather3A_763 masked %lt3A_231 : memref<16x128xf32, #tpu.memory_space<vmem>>[vector<16xi32>, vector<16xi32>], vector<16xf32>, vector<16xi1>
        %broadcast_in_dim3A_770 = arith.constant 24 : i32
        %broadcast_in_dim3A_771 = vector.broadcast %broadcast_in_dim3A_770 : i32 to vector<16xi32>
        %gather3A_772 = arith.constant 0 : i32
        %gather3A_773 = arith.constant 0 : i32
        %gather3A_774 = tpu.memref_slice %arg12[%rem3A_152, %gather3A_772, %gather3A_773] : memref<3x32x512xf32, #tpu.memory_space<vmem>> -> memref<1x32x512xf32, #tpu.memory_space<vmem>>
        %gather3A_775 = tpu.memref_squeeze %gather3A_774 : memref<1x32x512xf32, #tpu.memory_space<vmem>> -> memref<32x512xf32, #tpu.memory_space<vmem>>
        %gather3A_776 = tpu.vector_load_idx %gather3A_775[%broadcast_in_dim3A_771, %select_n3A_239] masked %lt3A_231 : memref<32x512xf32, #tpu.memory_space<vmem>>[vector<16xi32>, vector<16xi32>], vector<16xf32>, vector<16xi1>
        %broadcast_in_dim3A_777 = arith.constant 40 : i32
        %broadcast_in_dim3A_778 = vector.broadcast %broadcast_in_dim3A_777 : i32 to vector<16xi32>
        %scatter3A_779 = arith.constant 0 : i32
        %scatter3A_780 = arith.constant 0 : i32
        %scatter3A_781 = tpu.memref_slice %arg15[%rem3A_247, %scatter3A_779, %scatter3A_780] : memref<4x16x128xf32, #tpu.memory_space<vmem>> -> memref<1x16x128xf32, #tpu.memory_space<vmem>>
        %scatter3A_782 = tpu.memref_squeeze %scatter3A_781 : memref<1x16x128xf32, #tpu.memory_space<vmem>> -> memref<16x128xf32, #tpu.memory_space<vmem>>
        tpu.vector_store_idx %scatter3A_782[%iota3A, %broadcast_in_dim3A_778], %gather3A_776 masked %lt3A_231 : memref<16x128xf32, #tpu.memory_space<vmem>>[vector<16xi32>, vector<16xi32>], vector<16xf32>, vector<16xi1>
        %broadcast_in_dim3A_783 = arith.constant 25 : i32
        %broadcast_in_dim3A_784 = vector.broadcast %broadcast_in_dim3A_783 : i32 to vector<16xi32>
        %gather3A_785 = arith.constant 0 : i32
        %gather3A_786 = arith.constant 0 : i32
        %gather3A_787 = tpu.memref_slice %arg12[%rem3A_152, %gather3A_785, %gather3A_786] : memref<3x32x512xf32, #tpu.memory_space<vmem>> -> memref<1x32x512xf32, #tpu.memory_space<vmem>>
        %gather3A_788 = tpu.memref_squeeze %gather3A_787 : memref<1x32x512xf32, #tpu.memory_space<vmem>> -> memref<32x512xf32, #tpu.memory_space<vmem>>
        %gather3A_789 = tpu.vector_load_idx %gather3A_788[%broadcast_in_dim3A_784, %select_n3A_239] masked %lt3A_231 : memref<32x512xf32, #tpu.memory_space<vmem>>[vector<16xi32>, vector<16xi32>], vector<16xf32>, vector<16xi1>
        %broadcast_in_dim3A_790 = arith.constant 41 : i32
        %broadcast_in_dim3A_791 = vector.broadcast %broadcast_in_dim3A_790 : i32 to vector<16xi32>
        %scatter3A_792 = arith.constant 0 : i32
        %scatter3A_793 = arith.constant 0 : i32
        %scatter3A_794 = tpu.memref_slice %arg15[%rem3A_247, %scatter3A_792, %scatter3A_793] : memref<4x16x128xf32, #tpu.memory_space<vmem>> -> memref<1x16x128xf32, #tpu.memory_space<vmem>>
        %scatter3A_795 = tpu.memref_squeeze %scatter3A_794 : memref<1x16x128xf32, #tpu.memory_space<vmem>> -> memref<16x128xf32, #tpu.memory_space<vmem>>
        tpu.vector_store_idx %scatter3A_795[%iota3A, %broadcast_in_dim3A_791], %gather3A_789 masked %lt3A_231 : memref<16x128xf32, #tpu.memory_space<vmem>>[vector<16xi32>, vector<16xi32>], vector<16xf32>, vector<16xi1>
        %broadcast_in_dim3A_796 = arith.constant 26 : i32
        %broadcast_in_dim3A_797 = vector.broadcast %broadcast_in_dim3A_796 : i32 to vector<16xi32>
        %gather3A_798 = arith.constant 0 : i32
        %gather3A_799 = arith.constant 0 : i32
        %gather3A_800 = tpu.memref_slice %arg12[%rem3A_152, %gather3A_798, %gather3A_799] : memref<3x32x512xf32, #tpu.memory_space<vmem>> -> memref<1x32x512xf32, #tpu.memory_space<vmem>>
        %gather3A_801 = tpu.memref_squeeze %gather3A_800 : memref<1x32x512xf32, #tpu.memory_space<vmem>> -> memref<32x512xf32, #tpu.memory_space<vmem>>
        %gather3A_802 = tpu.vector_load_idx %gather3A_801[%broadcast_in_dim3A_797, %select_n3A_239] masked %lt3A_231 : memref<32x512xf32, #tpu.memory_space<vmem>>[vector<16xi32>, vector<16xi32>], vector<16xf32>, vector<16xi1>
        %broadcast_in_dim3A_803 = arith.constant 42 : i32
        %broadcast_in_dim3A_804 = vector.broadcast %broadcast_in_dim3A_803 : i32 to vector<16xi32>
        %scatter3A_805 = arith.constant 0 : i32
        %scatter3A_806 = arith.constant 0 : i32
        %scatter3A_807 = tpu.memref_slice %arg15[%rem3A_247, %scatter3A_805, %scatter3A_806] : memref<4x16x128xf32, #tpu.memory_space<vmem>> -> memref<1x16x128xf32, #tpu.memory_space<vmem>>
        %scatter3A_808 = tpu.memref_squeeze %scatter3A_807 : memref<1x16x128xf32, #tpu.memory_space<vmem>> -> memref<16x128xf32, #tpu.memory_space<vmem>>
        tpu.vector_store_idx %scatter3A_808[%iota3A, %broadcast_in_dim3A_804], %gather3A_802 masked %lt3A_231 : memref<16x128xf32, #tpu.memory_space<vmem>>[vector<16xi32>, vector<16xi32>], vector<16xf32>, vector<16xi1>
        %broadcast_in_dim3A_809 = arith.constant 27 : i32
        %broadcast_in_dim3A_810 = vector.broadcast %broadcast_in_dim3A_809 : i32 to vector<16xi32>
        %gather3A_811 = arith.constant 0 : i32
        %gather3A_812 = arith.constant 0 : i32
        %gather3A_813 = tpu.memref_slice %arg12[%rem3A_152, %gather3A_811, %gather3A_812] : memref<3x32x512xf32, #tpu.memory_space<vmem>> -> memref<1x32x512xf32, #tpu.memory_space<vmem>>
        %gather3A_814 = tpu.memref_squeeze %gather3A_813 : memref<1x32x512xf32, #tpu.memory_space<vmem>> -> memref<32x512xf32, #tpu.memory_space<vmem>>
        %gather3A_815 = tpu.vector_load_idx %gather3A_814[%broadcast_in_dim3A_810, %select_n3A_239] masked %lt3A_231 : memref<32x512xf32, #tpu.memory_space<vmem>>[vector<16xi32>, vector<16xi32>], vector<16xf32>, vector<16xi1>
        %broadcast_in_dim3A_816 = arith.constant 43 : i32
        %broadcast_in_dim3A_817 = vector.broadcast %broadcast_in_dim3A_816 : i32 to vector<16xi32>
        %scatter3A_818 = arith.constant 0 : i32
        %scatter3A_819 = arith.constant 0 : i32
        %scatter3A_820 = tpu.memref_slice %arg15[%rem3A_247, %scatter3A_818, %scatter3A_819] : memref<4x16x128xf32, #tpu.memory_space<vmem>> -> memref<1x16x128xf32, #tpu.memory_space<vmem>>
        %scatter3A_821 = tpu.memref_squeeze %scatter3A_820 : memref<1x16x128xf32, #tpu.memory_space<vmem>> -> memref<16x128xf32, #tpu.memory_space<vmem>>
        tpu.vector_store_idx %scatter3A_821[%iota3A, %broadcast_in_dim3A_817], %gather3A_815 masked %lt3A_231 : memref<16x128xf32, #tpu.memory_space<vmem>>[vector<16xi32>, vector<16xi32>], vector<16xf32>, vector<16xi1>
        %broadcast_in_dim3A_822 = arith.constant 28 : i32
        %broadcast_in_dim3A_823 = vector.broadcast %broadcast_in_dim3A_822 : i32 to vector<16xi32>
        %gather3A_824 = arith.constant 0 : i32
        %gather3A_825 = arith.constant 0 : i32
        %gather3A_826 = tpu.memref_slice %arg12[%rem3A_152, %gather3A_824, %gather3A_825] : memref<3x32x512xf32, #tpu.memory_space<vmem>> -> memref<1x32x512xf32, #tpu.memory_space<vmem>>
        %gather3A_827 = tpu.memref_squeeze %gather3A_826 : memref<1x32x512xf32, #tpu.memory_space<vmem>> -> memref<32x512xf32, #tpu.memory_space<vmem>>
        %gather3A_828 = tpu.vector_load_idx %gather3A_827[%broadcast_in_dim3A_823, %select_n3A_239] masked %lt3A_231 : memref<32x512xf32, #tpu.memory_space<vmem>>[vector<16xi32>, vector<16xi32>], vector<16xf32>, vector<16xi1>
        %broadcast_in_dim3A_829 = arith.constant 44 : i32
        %broadcast_in_dim3A_830 = vector.broadcast %broadcast_in_dim3A_829 : i32 to vector<16xi32>
        %scatter3A_831 = arith.constant 0 : i32
        %scatter3A_832 = arith.constant 0 : i32
        %scatter3A_833 = tpu.memref_slice %arg15[%rem3A_247, %scatter3A_831, %scatter3A_832] : memref<4x16x128xf32, #tpu.memory_space<vmem>> -> memref<1x16x128xf32, #tpu.memory_space<vmem>>
        %scatter3A_834 = tpu.memref_squeeze %scatter3A_833 : memref<1x16x128xf32, #tpu.memory_space<vmem>> -> memref<16x128xf32, #tpu.memory_space<vmem>>
        tpu.vector_store_idx %scatter3A_834[%iota3A, %broadcast_in_dim3A_830], %gather3A_828 masked %lt3A_231 : memref<16x128xf32, #tpu.memory_space<vmem>>[vector<16xi32>, vector<16xi32>], vector<16xf32>, vector<16xi1>
        %broadcast_in_dim3A_835 = arith.constant 29 : i32
        %broadcast_in_dim3A_836 = vector.broadcast %broadcast_in_dim3A_835 : i32 to vector<16xi32>
        %gather3A_837 = arith.constant 0 : i32
        %gather3A_838 = arith.constant 0 : i32
        %gather3A_839 = tpu.memref_slice %arg12[%rem3A_152, %gather3A_837, %gather3A_838] : memref<3x32x512xf32, #tpu.memory_space<vmem>> -> memref<1x32x512xf32, #tpu.memory_space<vmem>>
        %gather3A_840 = tpu.memref_squeeze %gather3A_839 : memref<1x32x512xf32, #tpu.memory_space<vmem>> -> memref<32x512xf32, #tpu.memory_space<vmem>>
        %gather3A_841 = tpu.vector_load_idx %gather3A_840[%broadcast_in_dim3A_836, %select_n3A_239] masked %lt3A_231 : memref<32x512xf32, #tpu.memory_space<vmem>>[vector<16xi32>, vector<16xi32>], vector<16xf32>, vector<16xi1>
        %broadcast_in_dim3A_842 = arith.constant 45 : i32
        %broadcast_in_dim3A_843 = vector.broadcast %broadcast_in_dim3A_842 : i32 to vector<16xi32>
        %scatter3A_844 = arith.constant 0 : i32
        %scatter3A_845 = arith.constant 0 : i32
        %scatter3A_846 = tpu.memref_slice %arg15[%rem3A_247, %scatter3A_844, %scatter3A_845] : memref<4x16x128xf32, #tpu.memory_space<vmem>> -> memref<1x16x128xf32, #tpu.memory_space<vmem>>
        %scatter3A_847 = tpu.memref_squeeze %scatter3A_846 : memref<1x16x128xf32, #tpu.memory_space<vmem>> -> memref<16x128xf32, #tpu.memory_space<vmem>>
        tpu.vector_store_idx %scatter3A_847[%iota3A, %broadcast_in_dim3A_843], %gather3A_841 masked %lt3A_231 : memref<16x128xf32, #tpu.memory_space<vmem>>[vector<16xi32>, vector<16xi32>], vector<16xf32>, vector<16xi1>
        %broadcast_in_dim3A_848 = arith.constant 30 : i32
        %broadcast_in_dim3A_849 = vector.broadcast %broadcast_in_dim3A_848 : i32 to vector<16xi32>
        %gather3A_850 = arith.constant 0 : i32
        %gather3A_851 = arith.constant 0 : i32
        %gather3A_852 = tpu.memref_slice %arg12[%rem3A_152, %gather3A_850, %gather3A_851] : memref<3x32x512xf32, #tpu.memory_space<vmem>> -> memref<1x32x512xf32, #tpu.memory_space<vmem>>
        %gather3A_853 = tpu.memref_squeeze %gather3A_852 : memref<1x32x512xf32, #tpu.memory_space<vmem>> -> memref<32x512xf32, #tpu.memory_space<vmem>>
        %gather3A_854 = tpu.vector_load_idx %gather3A_853[%broadcast_in_dim3A_849, %select_n3A_239] masked %lt3A_231 : memref<32x512xf32, #tpu.memory_space<vmem>>[vector<16xi32>, vector<16xi32>], vector<16xf32>, vector<16xi1>
        %broadcast_in_dim3A_855 = arith.constant 46 : i32
        %broadcast_in_dim3A_856 = vector.broadcast %broadcast_in_dim3A_855 : i32 to vector<16xi32>
        %scatter3A_857 = arith.constant 0 : i32
        %scatter3A_858 = arith.constant 0 : i32
        %scatter3A_859 = tpu.memref_slice %arg15[%rem3A_247, %scatter3A_857, %scatter3A_858] : memref<4x16x128xf32, #tpu.memory_space<vmem>> -> memref<1x16x128xf32, #tpu.memory_space<vmem>>
        %scatter3A_860 = tpu.memref_squeeze %scatter3A_859 : memref<1x16x128xf32, #tpu.memory_space<vmem>> -> memref<16x128xf32, #tpu.memory_space<vmem>>
        tpu.vector_store_idx %scatter3A_860[%iota3A, %broadcast_in_dim3A_856], %gather3A_854 masked %lt3A_231 : memref<16x128xf32, #tpu.memory_space<vmem>>[vector<16xi32>, vector<16xi32>], vector<16xf32>, vector<16xi1>
        %broadcast_in_dim3A_861 = arith.constant 31 : i32
        %broadcast_in_dim3A_862 = vector.broadcast %broadcast_in_dim3A_861 : i32 to vector<16xi32>
        %gather3A_863 = arith.constant 0 : i32
        %gather3A_864 = arith.constant 0 : i32
        %gather3A_865 = tpu.memref_slice %arg12[%rem3A_152, %gather3A_863, %gather3A_864] : memref<3x32x512xf32, #tpu.memory_space<vmem>> -> memref<1x32x512xf32, #tpu.memory_space<vmem>>
        %gather3A_866 = tpu.memref_squeeze %gather3A_865 : memref<1x32x512xf32, #tpu.memory_space<vmem>> -> memref<32x512xf32, #tpu.memory_space<vmem>>
        %gather3A_867 = tpu.vector_load_idx %gather3A_866[%broadcast_in_dim3A_862, %select_n3A_239] masked %lt3A_231 : memref<32x512xf32, #tpu.memory_space<vmem>>[vector<16xi32>, vector<16xi32>], vector<16xf32>, vector<16xi1>
        %broadcast_in_dim3A_868 = arith.constant 47 : i32
        %broadcast_in_dim3A_869 = vector.broadcast %broadcast_in_dim3A_868 : i32 to vector<16xi32>
        %scatter3A_870 = arith.constant 0 : i32
        %scatter3A_871 = arith.constant 0 : i32
        %scatter3A_872 = tpu.memref_slice %arg15[%rem3A_247, %scatter3A_870, %scatter3A_871] : memref<4x16x128xf32, #tpu.memory_space<vmem>> -> memref<1x16x128xf32, #tpu.memory_space<vmem>>
        %scatter3A_873 = tpu.memref_squeeze %scatter3A_872 : memref<1x16x128xf32, #tpu.memory_space<vmem>> -> memref<16x128xf32, #tpu.memory_space<vmem>>
        tpu.vector_store_idx %scatter3A_873[%iota3A, %broadcast_in_dim3A_869], %gather3A_867 masked %lt3A_231 : memref<16x128xf32, #tpu.memory_space<vmem>>[vector<16xi32>, vector<16xi32>], vector<16xf32>, vector<16xi1>
        %dma_start3A_874 = arith.constant 0 : i32
        %dma_start3A_875 = arith.constant 0 : i32
        %dma_start3A_876 = tpu.memref_slice %arg15[%rem3A_247, %dma_start3A_874, %dma_start3A_875] : memref<4x16x128xf32, #tpu.memory_space<vmem>> -> memref<1x16x128xf32, #tpu.memory_space<vmem>>
        %dma_start3A_877 = tpu.memref_squeeze %dma_start3A_876 : memref<1x16x128xf32, #tpu.memory_space<vmem>> -> memref<16x128xf32, #tpu.memory_space<vmem>>
        %dma_start3A_878 = arith.constant 0 : i32
        %dma_start3A_879 = arith.constant 0 : i32
        %dma_start3A_880 = tpu.memref_slice %arg7[%dma_start3A_878, %dma_start3A_879] : memref<16400x128xf32, #tpu.memory_space<hbm>> -> memref<16400x128xf32, #tpu.memory_space<hbm>>
        tpu.enqueue_indirect_dma source(%dma_start3A_877 : memref<16x128xf32, #tpu.memory_space<vmem>>) target(%dma_start3A_880 : memref<16400x128xf32, #tpu.memory_space<hbm>>) offsets(%select_n3A_245 : vector<16xi32>) semaphore(%arg19 : memref<!tpu.dma_semaphore, #tpu.memory_space<semaphore_mem>>)
        %add3A_881 = arith.constant 1 : i32
        %add3A_882 = arith.addi %while3A_221, %add3A_881 : i32
        scf.yield %add3A_882 : i32
      }
      scf.yield %while3A_219 : i32
    }
    %while3A_100 = arith.constant 1 : i32
    %while3A_101 = scf.for %while3A_149 = %while3A_97 to %while3A_93 step %while3A_100 iter_args(%while3A_150 = %while3A_99) -> (i32)  : i32 {
      %sub3A_151 = arith.subi %while3A_149, %add3A_4 : i32
      %rem3A = arith.constant 3 : i32
      %rem3A_152 = arith.remsi %sub3A_151, %rem3A : i32
      %mul3A_153 = arith.constant 512 : i32
      %mul3A_154 = arith.muli %while3A_149, %mul3A_153 : i32
      %dma_wait3A = arith.constant 0 : i32
      %dma_wait3A_155 = arith.constant 0 : i32
      %dma_wait3A_156 = tpu.memref_slice %arg11[%rem3A_152, %dma_wait3A, %dma_wait3A_155] : memref<3x16x512xf32, #tpu.memory_space<vmem>> -> memref<1x16x512xf32, #tpu.memory_space<vmem>>
      %dma_wait3A_157 = tpu.memref_squeeze %dma_wait3A_156 : memref<1x16x512xf32, #tpu.memory_space<vmem>> -> memref<16x512xf32, #tpu.memory_space<vmem>>
      %dma_wait3A_158 = arith.constant 0 : i32
      %dma_wait3A_159 = tpu.memref_slice %arg3[%dma_wait3A_158, %mul3A_154] : memref<16x1000000xf32, #tpu.memory_space<hbm>> -> memref<16x512xf32, #tpu.memory_space<hbm>>
      %dma_wait3A_160 = arith.constant 0 : i32
      %dma_wait3A_161 = arith.constant 0 : i32
      %dma_wait3A_162 = tpu.memref_slice %arg11[%rem3A_152, %dma_wait3A_160, %dma_wait3A_161] : memref<3x16x512xf32, #tpu.memory_space<vmem>> -> memref<1x16x512xf32, #tpu.memory_space<vmem>>
      %dma_wait3A_163 = tpu.memref_squeeze %dma_wait3A_162 : memref<1x16x512xf32, #tpu.memory_space<vmem>> -> memref<16x512xf32, #tpu.memory_space<vmem>>
      %dma_wait3A_164 = arith.constant 0 : i32
      %dma_wait3A_165 = tpu.memref_slice %arg3[%dma_wait3A_164, %mul3A_154] : memref<16x1000000xf32, #tpu.memory_space<hbm>> -> memref<16x512xf32, #tpu.memory_space<hbm>>
      tpu.wait_dma2 semaphore(%arg17 : memref<!tpu.dma_semaphore, #tpu.memory_space<semaphore_mem>>) src(%dma_wait3A_165 : memref<16x512xf32, #tpu.memory_space<hbm>>) dst(%dma_wait3A_163 : memref<16x512xf32, #tpu.memory_space<vmem>>)
      %mul3A_166 = arith.constant 512 : i32
      %mul3A_167 = arith.muli %while3A_149, %mul3A_166 : i32
      %dma_wait3A_168 = arith.constant 0 : i32
      %dma_wait3A_169 = arith.constant 0 : i32
      %dma_wait3A_170 = tpu.memref_slice %arg12[%rem3A_152, %dma_wait3A_168, %dma_wait3A_169] : memref<3x32x512xf32, #tpu.memory_space<vmem>> -> memref<1x32x512xf32, #tpu.memory_space<vmem>>
      %dma_wait3A_171 = tpu.memref_squeeze %dma_wait3A_170 : memref<1x32x512xf32, #tpu.memory_space<vmem>> -> memref<32x512xf32, #tpu.memory_space<vmem>>
      %dma_wait3A_172 = arith.constant 0 : i32
      %dma_wait3A_173 = tpu.memref_slice %arg4[%dma_wait3A_172, %mul3A_167] : memref<32x1000000xf32, #tpu.memory_space<hbm>> -> memref<32x512xf32, #tpu.memory_space<hbm>>
      %dma_wait3A_174 = arith.constant 0 : i32
      %dma_wait3A_175 = arith.constant 0 : i32
      %dma_wait3A_176 = tpu.memref_slice %arg12[%rem3A_152, %dma_wait3A_174, %dma_wait3A_175] : memref<3x32x512xf32, #tpu.memory_space<vmem>> -> memref<1x32x512xf32, #tpu.memory_space<vmem>>
      %dma_wait3A_177 = tpu.memref_squeeze %dma_wait3A_176 : memref<1x32x512xf32, #tpu.memory_space<vmem>> -> memref<32x512xf32, #tpu.memory_space<vmem>>
      %dma_wait3A_178 = arith.constant 0 : i32
      %dma_wait3A_179 = tpu.memref_slice %arg4[%dma_wait3A_178, %mul3A_167] : memref<32x1000000xf32, #tpu.memory_space<hbm>> -> memref<32x512xf32, #tpu.memory_space<hbm>>
      tpu.wait_dma2 semaphore(%arg18 : memref<!tpu.dma_semaphore, #tpu.memory_space<semaphore_mem>>) src(%dma_wait3A_179 : memref<32x512xf32, #tpu.memory_space<hbm>>) dst(%dma_wait3A_177 : memref<32x512xf32, #tpu.memory_space<vmem>>)
      %add3A_180 = arith.constant 2 : i32
      %add3A_181 = arith.addi %while3A_149, %add3A_180 : i32
      %lt3A_182 = arith.cmpi slt, %add3A_181, %add3A_9 : i32
      %convert_element_type3A = arith.extui %lt3A_182 : i1 to i32
      %cond3A = arith.constant 0 : i32
      %cond3A_183 = arith.cmpi ne, %convert_element_type3A, %cond3A : i32
      scf.if %cond3A_183 {
        %add3A_220 = arith.constant 2 : i32
        %add3A_221 = arith.addi %while3A_149, %add3A_220 : i32
        %sub3A_222 = arith.subi %add3A_221, %add3A_4 : i32
        %rem3A_223 = arith.constant 3 : i32
        %rem3A_224 = arith.remsi %sub3A_222, %rem3A_223 : i32
        %add3A_225 = arith.constant 2 : i32
        %add3A_226 = arith.addi %while3A_149, %add3A_225 : i32
        %mul3A_227 = arith.constant 512 : i32
        %mul3A_228 = arith.muli %add3A_226, %mul3A_227 : i32
        %dma_start3A_229 = arith.constant 0 : i32
        %dma_start3A_230 = arith.constant 0 : i32
        %dma_start3A_231 = tpu.memref_slice %arg11[%rem3A_224, %dma_start3A_229, %dma_start3A_230] : memref<3x16x512xf32, #tpu.memory_space<vmem>> -> memref<1x16x512xf32, #tpu.memory_space<vmem>>
        %dma_start3A_232 = tpu.memref_squeeze %dma_start3A_231 : memref<1x16x512xf32, #tpu.memory_space<vmem>> -> memref<16x512xf32, #tpu.memory_space<vmem>>
        %dma_start3A_233 = arith.constant 0 : i32
        %dma_start3A_234 = tpu.memref_slice %arg3[%dma_start3A_233, %mul3A_228] : memref<16x1000000xf32, #tpu.memory_space<hbm>> -> memref<16x512xf32, #tpu.memory_space<hbm>>
        %dma_start3A_235 = arith.constant 0 : i32
        %dma_start3A_236 = arith.constant 0 : i32
        %dma_start3A_237 = tpu.memref_slice %arg11[%rem3A_224, %dma_start3A_235, %dma_start3A_236] : memref<3x16x512xf32, #tpu.memory_space<vmem>> -> memref<1x16x512xf32, #tpu.memory_space<vmem>>
        %dma_start3A_238 = tpu.memref_squeeze %dma_start3A_237 : memref<1x16x512xf32, #tpu.memory_space<vmem>> -> memref<16x512xf32, #tpu.memory_space<vmem>>
        %dma_start3A_239 = arith.constant 0 : i32
        %dma_start3A_240 = tpu.memref_slice %arg3[%dma_start3A_239, %mul3A_228] : memref<16x1000000xf32, #tpu.memory_space<hbm>> -> memref<16x512xf32, #tpu.memory_space<hbm>>
        tpu.enqueue_dma source(%dma_start3A_240 : memref<16x512xf32, #tpu.memory_space<hbm>>) target(%dma_start3A_238 : memref<16x512xf32, #tpu.memory_space<vmem>>) target_semaphore(%arg17 : memref<!tpu.dma_semaphore, #tpu.memory_space<semaphore_mem>>)
        %add3A_241 = arith.constant 2 : i32
        %add3A_242 = arith.addi %while3A_149, %add3A_241 : i32
        %mul3A_243 = arith.constant 512 : i32
        %mul3A_244 = arith.muli %add3A_242, %mul3A_243 : i32
        %dma_start3A_245 = arith.constant 0 : i32
        %dma_start3A_246 = arith.constant 0 : i32
        %dma_start3A_247 = tpu.memref_slice %arg12[%rem3A_224, %dma_start3A_245, %dma_start3A_246] : memref<3x32x512xf32, #tpu.memory_space<vmem>> -> memref<1x32x512xf32, #tpu.memory_space<vmem>>
        %dma_start3A_248 = tpu.memref_squeeze %dma_start3A_247 : memref<1x32x512xf32, #tpu.memory_space<vmem>> -> memref<32x512xf32, #tpu.memory_space<vmem>>
        %dma_start3A_249 = arith.constant 0 : i32
        %dma_start3A_250 = tpu.memref_slice %arg4[%dma_start3A_249, %mul3A_244] : memref<32x1000000xf32, #tpu.memory_space<hbm>> -> memref<32x512xf32, #tpu.memory_space<hbm>>
        %dma_start3A_251 = arith.constant 0 : i32
        %dma_start3A_252 = arith.constant 0 : i32
        %dma_start3A_253 = tpu.memref_slice %arg12[%rem3A_224, %dma_start3A_251, %dma_start3A_252] : memref<3x32x512xf32, #tpu.memory_space<vmem>> -> memref<1x32x512xf32, #tpu.memory_space<vmem>>
        %dma_start3A_254 = tpu.memref_squeeze %dma_start3A_253 : memref<1x32x512xf32, #tpu.memory_space<vmem>> -> memref<32x512xf32, #tpu.memory_space<vmem>>
        %dma_start3A_255 = arith.constant 0 : i32
        %dma_start3A_256 = tpu.memref_slice %arg4[%dma_start3A_255, %mul3A_244] : memref<32x1000000xf32, #tpu.memory_space<hbm>> -> memref<32x512xf32, #tpu.memory_space<hbm>>
        tpu.enqueue_dma source(%dma_start3A_256 : memref<32x512xf32, #tpu.memory_space<hbm>>) target(%dma_start3A_254 : memref<32x512xf32, #tpu.memory_space<vmem>>) target_semaphore(%arg18 : memref<!tpu.dma_semaphore, #tpu.memory_space<semaphore_mem>>)
      } else {
      }
      %sub3A_184 = arith.subi %while3A_149, %add3A_4 : i32
      %mul3A_185 = arith.constant 512 : i32
      %mul3A_186 = arith.muli %sub3A_184, %mul3A_185 : i32
      %broadcast_in_dim3A_187 = arith.constant 0 : i32
      %broadcast_in_dim3A_188 = vector.broadcast %broadcast_in_dim3A_187 : i32 to vector<16xi32>
      %swap3A_189 = arith.constant 0 : index
      %swap3A_190 = tpu.vector_load %arg16[%swap3A_189] {strides = array<i32>} : memref<16xi32, #tpu.memory_space<vmem>>, vector<16xi32>,
      tpu.vector_store %arg16[%swap3A_189], %broadcast_in_dim3A_188 {strides = array<i32>} : memref<16xi32, #tpu.memory_space<vmem>>, vector<16xi32>,
      %while3A_191 = arith.constant 0 : i32
      %while3A_192 = arith.constant 0 : i32
      %while3A_193 = arith.subi %shift_right_arithmetic3A_91, %while3A_192 : i32
      %while3A_194 = arith.addi %while3A_192, %while3A_193 : i32
      %while3A_195 = arith.constant 1 : i32
      %while3A_196 = arith.divsi %while3A_193, %while3A_195 : i32
      %while3A_197 = arith.muli %while3A_196, %while3A_195 : i32
      %while3A_198 = arith.addi %while3A_192, %while3A_197 : i32
      %while3A_199 = arith.constant 1 : i32
      scf.for %while3A_220 = %while3A_192 to %while3A_198 step %while3A_199  : i32 {
        %mul3A_221 = arith.constant 16 : i32
        %mul3A_222 = arith.muli %while3A_220, %mul3A_221 : i32
        %get3A_223 = arith.index_cast %mul3A_222 : i32 to index
        %get3A_224 = tpu.vector_load %arg9[%get3A_223] {strides = array<i32>} : memref<16400xi32, #tpu.memory_space<vmem>>, vector<16xi32>,
        %shift_right_arithmetic3A_225 = arith.constant 14 : i32
        %shift_right_arithmetic3A_226 = vector.broadcast %shift_right_arithmetic3A_225 : i32 to vector<16xi32>
        %shift_right_arithmetic3A_227 = arith.shrsi %get3A_224, %shift_right_arithmetic3A_226 : vector<16xi32>
        %sub3A_228 = vector.broadcast %mul3A_186 : i32 to vector<16xi32>
        %sub3A_229 = arith.subi %shift_right_arithmetic3A_227, %sub3A_228 : vector<16xi32>
        %mul3A_230 = arith.constant 16 : i32
        %mul3A_231 = arith.muli %while3A_220, %mul3A_230 : i32
        %add3A_232 = vector.broadcast %mul3A_231 : i32 to vector<16xi32>
        %add3A_233 = arith.addi %add3A_232, %iota3A : vector<16xi32>
        %lt3A_234 = vector.broadcast %squeeze3A : i32 to vector<16xi32>
        %lt3A_235 = arith.cmpi slt, %add3A_233, %lt3A_234 : vector<16xi32>
        %ge3A = arith.constant 0 : i32
        %ge3A_236 = vector.broadcast %ge3A : i32 to vector<16xi32>
        %ge3A_237 = arith.cmpi sge, %sub3A_229, %ge3A_236 : vector<16xi32>
        %and3A = arith.andi %lt3A_235, %ge3A_237 : vector<16xi1>
        %lt3A_238 = arith.constant 512 : i32
        %lt3A_239 = vector.broadcast %lt3A_238 : i32 to vector<16xi32>
        %lt3A_240 = arith.cmpi slt, %sub3A_229, %lt3A_239 : vector<16xi32>
        %and3A_241 = arith.andi %and3A, %lt3A_240 : vector<16xi1>
        %jit3A_242 = arith.constant 1 : i32
        %jit3A_243 = arith.constant 0 : i32
        %broadcast_in_dim3A_244 = vector.broadcast %jit3A_242 : i32 to vector<16xi32>
        %broadcast_in_dim3A_245 = vector.broadcast %jit3A_243 : i32 to vector<16xi32>
        %select_n3A_246 = arith.select %and3A_241, %broadcast_in_dim3A_244, %broadcast_in_dim3A_245 : vector<16xi1>, vector<16xi32>
        %get3A_247 = arith.constant 0 : index
        %get3A_248 = tpu.vector_load %arg16[%get3A_247] {strides = array<i32>} : memref<16xi32, #tpu.memory_space<vmem>>, vector<16xi32>,
        %broadcast_in_dim3A_249 = arith.constant true
        %broadcast_in_dim3A_250 = vector.broadcast %broadcast_in_dim3A_249 : i1 to vector<16xi1>
        %masked_cumsum3A = tpu.scan <sum>, %select_n3A_246 masked %broadcast_in_dim3A_250 : vector<16xi32>, vector<16xi1> -> vector<16xi32>
        %add3A_251 = arith.addi %get3A_248, %masked_cumsum3A : vector<16xi32>
        %sub3A_252 = arith.constant 1 : i32
        %sub3A_253 = vector.broadcast %sub3A_252 : i32 to vector<16xi32>
        %sub3A_254 = arith.subi %add3A_251, %sub3A_253 : vector<16xi32>
        tpu.vector_store_idx %arg10[%sub3A_254], %get3A_224 masked %and3A_241 : memref<16400xi32, #tpu.memory_space<vmem>>[vector<16xi32>], vector<16xi32>, vector<16xi1>
        %reduce_sum3A = arith.constant true
        %reduce_sum3A_255 = vector.broadcast %reduce_sum3A : i1 to vector<16xi1>
        %reduce_sum3A_256 = tpu.scan <sum>, %select_n3A_246 masked %reduce_sum3A_255 : vector<16xi32>, vector<16xi1> -> vector<16xi32>
        %reduce_sum3A_257 = vector.extract %reduce_sum3A_256[15] : i32 from vector<16xi32>
        %add3A_258 = vector.broadcast %reduce_sum3A_257 : i32 to vector<16xi32>
        %add3A_259 = arith.addi %get3A_248, %add3A_258 : vector<16xi32>
        %swap3A_260 = arith.constant 0 : index
        %swap3A_261 = tpu.vector_load %arg16[%swap3A_260] {strides = array<i32>} : memref<16xi32, #tpu.memory_space<vmem>>, vector<16xi32>,
        tpu.vector_store %arg16[%swap3A_260], %add3A_259 {strides = array<i32>} : memref<16xi32, #tpu.memory_space<vmem>>, vector<16xi32>,
      }
      %while3A_200 = arith.constant 1 : i32
      scf.for %while3A_220 = %while3A_198 to %while3A_194 step %while3A_200  : i32 {
        %mul3A_221 = arith.constant 16 : i32
        %mul3A_222 = arith.muli %while3A_220, %mul3A_221 : i32
        %get3A_223 = arith.index_cast %mul3A_222 : i32 to index
        %get3A_224 = tpu.vector_load %arg9[%get3A_223] {strides = array<i32>} : memref<16400xi32, #tpu.memory_space<vmem>>, vector<16xi32>,
        %shift_right_arithmetic3A_225 = arith.constant 14 : i32
        %shift_right_arithmetic3A_226 = vector.broadcast %shift_right_arithmetic3A_225 : i32 to vector<16xi32>
        %shift_right_arithmetic3A_227 = arith.shrsi %get3A_224, %shift_right_arithmetic3A_226 : vector<16xi32>
        %sub3A_228 = vector.broadcast %mul3A_186 : i32 to vector<16xi32>
        %sub3A_229 = arith.subi %shift_right_arithmetic3A_227, %sub3A_228 : vector<16xi32>
        %mul3A_230 = arith.constant 16 : i32
        %mul3A_231 = arith.muli %while3A_220, %mul3A_230 : i32
        %add3A_232 = vector.broadcast %mul3A_231 : i32 to vector<16xi32>
        %add3A_233 = arith.addi %add3A_232, %iota3A : vector<16xi32>
        %lt3A_234 = vector.broadcast %squeeze3A : i32 to vector<16xi32>
        %lt3A_235 = arith.cmpi slt, %add3A_233, %lt3A_234 : vector<16xi32>
        %ge3A = arith.constant 0 : i32
        %ge3A_236 = vector.broadcast %ge3A : i32 to vector<16xi32>
        %ge3A_237 = arith.cmpi sge, %sub3A_229, %ge3A_236 : vector<16xi32>
        %and3A = arith.andi %lt3A_235, %ge3A_237 : vector<16xi1>
        %lt3A_238 = arith.constant 512 : i32
        %lt3A_239 = vector.broadcast %lt3A_238 : i32 to vector<16xi32>
        %lt3A_240 = arith.cmpi slt, %sub3A_229, %lt3A_239 : vector<16xi32>
        %and3A_241 = arith.andi %and3A, %lt3A_240 : vector<16xi1>
        %jit3A_242 = arith.constant 1 : i32
        %jit3A_243 = arith.constant 0 : i32
        %broadcast_in_dim3A_244 = vector.broadcast %jit3A_242 : i32 to vector<16xi32>
        %broadcast_in_dim3A_245 = vector.broadcast %jit3A_243 : i32 to vector<16xi32>
        %select_n3A_246 = arith.select %and3A_241, %broadcast_in_dim3A_244, %broadcast_in_dim3A_245 : vector<16xi1>, vector<16xi32>
        %get3A_247 = arith.constant 0 : index
        %get3A_248 = tpu.vector_load %arg16[%get3A_247] {strides = array<i32>} : memref<16xi32, #tpu.memory_space<vmem>>, vector<16xi32>,
        %broadcast_in_dim3A_249 = arith.constant true
        %broadcast_in_dim3A_250 = vector.broadcast %broadcast_in_dim3A_249 : i1 to vector<16xi1>
        %masked_cumsum3A = tpu.scan <sum>, %select_n3A_246 masked %broadcast_in_dim3A_250 : vector<16xi32>, vector<16xi1> -> vector<16xi32>
        %add3A_251 = arith.addi %get3A_248, %masked_cumsum3A : vector<16xi32>
        %sub3A_252 = arith.constant 1 : i32
        %sub3A_253 = vector.broadcast %sub3A_252 : i32 to vector<16xi32>
        %sub3A_254 = arith.subi %add3A_251, %sub3A_253 : vector<16xi32>
        tpu.vector_store_idx %arg10[%sub3A_254], %get3A_224 masked %and3A_241 : memref<16400xi32, #tpu.memory_space<vmem>>[vector<16xi32>], vector<16xi32>, vector<16xi1>
        %reduce_sum3A = arith.constant true
        %reduce_sum3A_255 = vector.broadcast %reduce_sum3A : i1 to vector<16xi1>
        %reduce_sum3A_256 = tpu.scan <sum>, %select_n3A_246 masked %reduce_sum3A_255 : vector<16xi32>, vector<16xi1> -> vector<16xi32>
        %reduce_sum3A_257 = vector.extract %reduce_sum3A_256[15] : i32 from vector<16xi32>
        %add3A_258 = vector.broadcast %reduce_sum3A_257 : i32 to vector<16xi32>
        %add3A_259 = arith.addi %get3A_248, %add3A_258 : vector<16xi32>
        %swap3A_260 = arith.constant 0 : index
        %swap3A_261 = tpu.vector_load %arg16[%swap3A_260] {strides = array<i32>} : memref<16xi32, #tpu.memory_space<vmem>>, vector<16xi32>,
        tpu.vector_store %arg16[%swap3A_260], %add3A_259 {strides = array<i32>} : memref<16xi32, #tpu.memory_space<vmem>>, vector<16xi32>,
      }
      %get3A_201 = arith.constant 0 : index
      %get3A_202 = tpu.vector_load %arg16[%get3A_201] {strides = array<i32>} : memref<16xi32, #tpu.memory_space<vmem>>, vector<16xi32>,
      %slice3A_203 = vector.extract_strided_slice %get3A_202 {offsets = [0], sizes = [1], strides = [1]} : vector<16xi32> to vector<1xi32>
      %squeeze3A_204 = vector.extract %slice3A_203[0] : i32 from vector<1xi32>
      %add3A_205 = arith.constant 15 : i32
      %add3A_206 = arith.addi %squeeze3A_204, %add3A_205 : i32
      %shift_right_arithmetic3A_207 = arith.constant 4 : i32
      %shift_right_arithmetic3A_208 = arith.shrsi %add3A_206, %shift_right_arithmetic3A_207 : i32
      %while3A_209 = arith.constant 0 : i32
      %while3A_210 = arith.subi %shift_right_arithmetic3A_208, %while3A_209 : i32
      %while3A_211 = arith.addi %while3A_209, %while3A_210 : i32
      %while3A_212 = arith.constant 1 : i32
      %while3A_213 = arith.divsi %while3A_210, %while3A_212 : i32
      %while3A_214 = arith.muli %while3A_213, %while3A_212 : i32
      %while3A_215 = arith.addi %while3A_209, %while3A_214 : i32
      %while3A_216 = arith.constant 1 : i32
      %while3A_217 = scf.for %while3A_220 = %while3A_209 to %while3A_215 step %while3A_216 iter_args(%while3A_221 = %while3A_150) -> (i32)  : i32 {
        %mul3A_222 = arith.constant 16 : i32
        %mul3A_223 = arith.muli %while3A_220, %mul3A_222 : i32
        %get3A_224 = arith.index_cast %mul3A_223 : i32 to index
        %get3A_225 = tpu.vector_load %arg10[%get3A_224] {strides = array<i32>} : memref<16400xi32, #tpu.memory_space<vmem>>, vector<16xi32>,
        %mul3A_226 = arith.constant 16 : i32
        %mul3A_227 = arith.muli %while3A_220, %mul3A_226 : i32
        %add3A_228 = vector.broadcast %mul3A_227 : i32 to vector<16xi32>
        %add3A_229 = arith.addi %add3A_228, %iota3A : vector<16xi32>
        %lt3A_230 = vector.broadcast %squeeze3A_204 : i32 to vector<16xi32>
        %lt3A_231 = arith.cmpi slt, %add3A_229, %lt3A_230 : vector<16xi32>
        %shift_right_arithmetic3A_232 = arith.constant 14 : i32
        %shift_right_arithmetic3A_233 = vector.broadcast %shift_right_arithmetic3A_232 : i32 to vector<16xi32>
        %shift_right_arithmetic3A_234 = arith.shrsi %get3A_225, %shift_right_arithmetic3A_233 : vector<16xi32>
        %sub3A_235 = vector.broadcast %mul3A_186 : i32 to vector<16xi32>
        %sub3A_236 = arith.subi %shift_right_arithmetic3A_234, %sub3A_235 : vector<16xi32>
        %jit3A_237 = arith.constant 0 : i32
        %broadcast_in_dim3A_238 = vector.broadcast %jit3A_237 : i32 to vector<16xi32>
        %select_n3A_239 = arith.select %lt3A_231, %sub3A_236, %broadcast_in_dim3A_238 : vector<16xi1>, vector<16xi32>
        %and3A = arith.constant 16383 : i32
        %and3A_240 = vector.broadcast %and3A : i32 to vector<16xi32>
        %and3A_241 = arith.andi %get3A_225, %and3A_240 : vector<16xi32>
        %add3A_242 = arith.constant 16384 : i32
        %add3A_243 = vector.broadcast %add3A_242 : i32 to vector<16xi32>
        %add3A_244 = arith.addi %add3A_243, %iota3A : vector<16xi32>
        %select_n3A_245 = arith.select %lt3A_231, %and3A_241, %add3A_244 : vector<16xi1>, vector<16xi32>
        %rem3A_246 = arith.constant 4 : i32
        %rem3A_247 = arith.remsi %while3A_221, %rem3A_246 : i32
        %ge3A = arith.constant 4 : i32
        %ge3A_248 = arith.cmpi sge, %while3A_221, %ge3A : i32
        %convert_element_type3A_249 = arith.extui %ge3A_248 : i1 to i32
        %cond3A_250 = arith.constant 0 : i32
        %cond3A_251 = arith.cmpi ne, %convert_element_type3A_249, %cond3A_250 : i32
        scf.if %cond3A_251 {
          %dma_wait3A_883 = arith.constant 0 : i32
          %dma_wait3A_884 = arith.constant 0 : i32
          %dma_wait3A_885 = tpu.memref_slice %arg15[%rem3A_247, %dma_wait3A_883, %dma_wait3A_884] : memref<4x16x128xf32, #tpu.memory_space<vmem>> -> memref<1x16x128xf32, #tpu.memory_space<vmem>>
          %dma_wait3A_886 = tpu.memref_squeeze %dma_wait3A_885 : memref<1x16x128xf32, #tpu.memory_space<vmem>> -> memref<16x128xf32, #tpu.memory_space<vmem>>
          %dma_wait3A_887 = arith.constant 0 : i32
          %dma_wait3A_888 = arith.constant 0 : i32
          %dma_wait3A_889 = tpu.memref_slice %arg7[%dma_wait3A_887, %dma_wait3A_888] : memref<16400x128xf32, #tpu.memory_space<hbm>> -> memref<16x128xf32, #tpu.memory_space<hbm>>
          %dma_wait3A_890 = arith.constant 0 : i32
          %dma_wait3A_891 = arith.constant 0 : i32
          %dma_wait3A_892 = tpu.memref_slice %arg15[%rem3A_247, %dma_wait3A_890, %dma_wait3A_891] : memref<4x16x128xf32, #tpu.memory_space<vmem>> -> memref<1x16x128xf32, #tpu.memory_space<vmem>>
          %dma_wait3A_893 = tpu.memref_squeeze %dma_wait3A_892 : memref<1x16x128xf32, #tpu.memory_space<vmem>> -> memref<16x128xf32, #tpu.memory_space<vmem>>
          %dma_wait3A_894 = arith.constant 0 : i32
          %dma_wait3A_895 = arith.constant 0 : i32
          %dma_wait3A_896 = tpu.memref_slice %arg7[%dma_wait3A_894, %dma_wait3A_895] : memref<16400x128xf32, #tpu.memory_space<hbm>> -> memref<16x128xf32, #tpu.memory_space<hbm>>
          tpu.wait_dma2 semaphore(%arg19 : memref<!tpu.dma_semaphore, #tpu.memory_space<semaphore_mem>>) src(%dma_wait3A_896 : memref<16x128xf32, #tpu.memory_space<hbm>>) dst(%dma_wait3A_893 : memref<16x128xf32, #tpu.memory_space<vmem>>)
        } else {
        }
        %broadcast_in_dim3A_252 = arith.constant 0 : i32
        %broadcast_in_dim3A_253 = vector.broadcast %broadcast_in_dim3A_252 : i32 to vector<16xi32>
        %gather3A = arith.constant 0 : i32
        %gather3A_254 = arith.constant 0 : i32
        %gather3A_255 = tpu.memref_slice %arg11[%rem3A_152, %gather3A, %gather3A_254] : memref<3x16x512xf32, #tpu.memory_space<vmem>> -> memref<1x16x512xf32, #tpu.memory_space<vmem>>
        %gather3A_256 = tpu.memref_squeeze %gather3A_255 : memref<1x16x512xf32, #tpu.memory_space<vmem>> -> memref<16x512xf32, #tpu.memory_space<vmem>>
        %gather3A_257 = tpu.vector_load_idx %gather3A_256[%broadcast_in_dim3A_253, %select_n3A_239] masked %lt3A_231 : memref<16x512xf32, #tpu.memory_space<vmem>>[vector<16xi32>, vector<16xi32>], vector<16xf32>, vector<16xi1>
        %broadcast_in_dim3A_258 = arith.constant 0 : i32
        %broadcast_in_dim3A_259 = vector.broadcast %broadcast_in_dim3A_258 : i32 to vector<16xi32>
        %scatter3A = arith.constant 0 : i32
        %scatter3A_260 = arith.constant 0 : i32
        %scatter3A_261 = tpu.memref_slice %arg15[%rem3A_247, %scatter3A, %scatter3A_260] : memref<4x16x128xf32, #tpu.memory_space<vmem>> -> memref<1x16x128xf32, #tpu.memory_space<vmem>>
        %scatter3A_262 = tpu.memref_squeeze %scatter3A_261 : memref<1x16x128xf32, #tpu.memory_space<vmem>> -> memref<16x128xf32, #tpu.memory_space<vmem>>
        tpu.vector_store_idx %scatter3A_262[%iota3A, %broadcast_in_dim3A_259], %gather3A_257 masked %lt3A_231 : memref<16x128xf32, #tpu.memory_space<vmem>>[vector<16xi32>, vector<16xi32>], vector<16xf32>, vector<16xi1>
        %broadcast_in_dim3A_263 = arith.constant 1 : i32
        %broadcast_in_dim3A_264 = vector.broadcast %broadcast_in_dim3A_263 : i32 to vector<16xi32>
        %gather3A_265 = arith.constant 0 : i32
        %gather3A_266 = arith.constant 0 : i32
        %gather3A_267 = tpu.memref_slice %arg11[%rem3A_152, %gather3A_265, %gather3A_266] : memref<3x16x512xf32, #tpu.memory_space<vmem>> -> memref<1x16x512xf32, #tpu.memory_space<vmem>>
        %gather3A_268 = tpu.memref_squeeze %gather3A_267 : memref<1x16x512xf32, #tpu.memory_space<vmem>> -> memref<16x512xf32, #tpu.memory_space<vmem>>
        %gather3A_269 = tpu.vector_load_idx %gather3A_268[%broadcast_in_dim3A_264, %select_n3A_239] masked %lt3A_231 : memref<16x512xf32, #tpu.memory_space<vmem>>[vector<16xi32>, vector<16xi32>], vector<16xf32>, vector<16xi1>
        %broadcast_in_dim3A_270 = arith.constant 1 : i32
        %broadcast_in_dim3A_271 = vector.broadcast %broadcast_in_dim3A_270 : i32 to vector<16xi32>
        %scatter3A_272 = arith.constant 0 : i32
        %scatter3A_273 = arith.constant 0 : i32
        %scatter3A_274 = tpu.memref_slice %arg15[%rem3A_247, %scatter3A_272, %scatter3A_273] : memref<4x16x128xf32, #tpu.memory_space<vmem>> -> memref<1x16x128xf32, #tpu.memory_space<vmem>>
        %scatter3A_275 = tpu.memref_squeeze %scatter3A_274 : memref<1x16x128xf32, #tpu.memory_space<vmem>> -> memref<16x128xf32, #tpu.memory_space<vmem>>
        tpu.vector_store_idx %scatter3A_275[%iota3A, %broadcast_in_dim3A_271], %gather3A_269 masked %lt3A_231 : memref<16x128xf32, #tpu.memory_space<vmem>>[vector<16xi32>, vector<16xi32>], vector<16xf32>, vector<16xi1>
        %broadcast_in_dim3A_276 = arith.constant 2 : i32
        %broadcast_in_dim3A_277 = vector.broadcast %broadcast_in_dim3A_276 : i32 to vector<16xi32>
        %gather3A_278 = arith.constant 0 : i32
        %gather3A_279 = arith.constant 0 : i32
        %gather3A_280 = tpu.memref_slice %arg11[%rem3A_152, %gather3A_278, %gather3A_279] : memref<3x16x512xf32, #tpu.memory_space<vmem>> -> memref<1x16x512xf32, #tpu.memory_space<vmem>>
        %gather3A_281 = tpu.memref_squeeze %gather3A_280 : memref<1x16x512xf32, #tpu.memory_space<vmem>> -> memref<16x512xf32, #tpu.memory_space<vmem>>
        %gather3A_282 = tpu.vector_load_idx %gather3A_281[%broadcast_in_dim3A_277, %select_n3A_239] masked %lt3A_231 : memref<16x512xf32, #tpu.memory_space<vmem>>[vector<16xi32>, vector<16xi32>], vector<16xf32>, vector<16xi1>
        %broadcast_in_dim3A_283 = arith.constant 2 : i32
        %broadcast_in_dim3A_284 = vector.broadcast %broadcast_in_dim3A_283 : i32 to vector<16xi32>
        %scatter3A_285 = arith.constant 0 : i32
        %scatter3A_286 = arith.constant 0 : i32
        %scatter3A_287 = tpu.memref_slice %arg15[%rem3A_247, %scatter3A_285, %scatter3A_286] : memref<4x16x128xf32, #tpu.memory_space<vmem>> -> memref<1x16x128xf32, #tpu.memory_space<vmem>>
        %scatter3A_288 = tpu.memref_squeeze %scatter3A_287 : memref<1x16x128xf32, #tpu.memory_space<vmem>> -> memref<16x128xf32, #tpu.memory_space<vmem>>
        tpu.vector_store_idx %scatter3A_288[%iota3A, %broadcast_in_dim3A_284], %gather3A_282 masked %lt3A_231 : memref<16x128xf32, #tpu.memory_space<vmem>>[vector<16xi32>, vector<16xi32>], vector<16xf32>, vector<16xi1>
        %broadcast_in_dim3A_289 = arith.constant 3 : i32
        %broadcast_in_dim3A_290 = vector.broadcast %broadcast_in_dim3A_289 : i32 to vector<16xi32>
        %gather3A_291 = arith.constant 0 : i32
        %gather3A_292 = arith.constant 0 : i32
        %gather3A_293 = tpu.memref_slice %arg11[%rem3A_152, %gather3A_291, %gather3A_292] : memref<3x16x512xf32, #tpu.memory_space<vmem>> -> memref<1x16x512xf32, #tpu.memory_space<vmem>>
        %gather3A_294 = tpu.memref_squeeze %gather3A_293 : memref<1x16x512xf32, #tpu.memory_space<vmem>> -> memref<16x512xf32, #tpu.memory_space<vmem>>
        %gather3A_295 = tpu.vector_load_idx %gather3A_294[%broadcast_in_dim3A_290, %select_n3A_239] masked %lt3A_231 : memref<16x512xf32, #tpu.memory_space<vmem>>[vector<16xi32>, vector<16xi32>], vector<16xf32>, vector<16xi1>
        %broadcast_in_dim3A_296 = arith.constant 3 : i32
        %broadcast_in_dim3A_297 = vector.broadcast %broadcast_in_dim3A_296 : i32 to vector<16xi32>
        %scatter3A_298 = arith.constant 0 : i32
        %scatter3A_299 = arith.constant 0 : i32
        %scatter3A_300 = tpu.memref_slice %arg15[%rem3A_247, %scatter3A_298, %scatter3A_299] : memref<4x16x128xf32, #tpu.memory_space<vmem>> -> memref<1x16x128xf32, #tpu.memory_space<vmem>>
        %scatter3A_301 = tpu.memref_squeeze %scatter3A_300 : memref<1x16x128xf32, #tpu.memory_space<vmem>> -> memref<16x128xf32, #tpu.memory_space<vmem>>
        tpu.vector_store_idx %scatter3A_301[%iota3A, %broadcast_in_dim3A_297], %gather3A_295 masked %lt3A_231 : memref<16x128xf32, #tpu.memory_space<vmem>>[vector<16xi32>, vector<16xi32>], vector<16xf32>, vector<16xi1>
        %broadcast_in_dim3A_302 = arith.constant 4 : i32
        %broadcast_in_dim3A_303 = vector.broadcast %broadcast_in_dim3A_302 : i32 to vector<16xi32>
        %gather3A_304 = arith.constant 0 : i32
        %gather3A_305 = arith.constant 0 : i32
        %gather3A_306 = tpu.memref_slice %arg11[%rem3A_152, %gather3A_304, %gather3A_305] : memref<3x16x512xf32, #tpu.memory_space<vmem>> -> memref<1x16x512xf32, #tpu.memory_space<vmem>>
        %gather3A_307 = tpu.memref_squeeze %gather3A_306 : memref<1x16x512xf32, #tpu.memory_space<vmem>> -> memref<16x512xf32, #tpu.memory_space<vmem>>
        %gather3A_308 = tpu.vector_load_idx %gather3A_307[%broadcast_in_dim3A_303, %select_n3A_239] masked %lt3A_231 : memref<16x512xf32, #tpu.memory_space<vmem>>[vector<16xi32>, vector<16xi32>], vector<16xf32>, vector<16xi1>
        %broadcast_in_dim3A_309 = arith.constant 4 : i32
        %broadcast_in_dim3A_310 = vector.broadcast %broadcast_in_dim3A_309 : i32 to vector<16xi32>
        %scatter3A_311 = arith.constant 0 : i32
        %scatter3A_312 = arith.constant 0 : i32
        %scatter3A_313 = tpu.memref_slice %arg15[%rem3A_247, %scatter3A_311, %scatter3A_312] : memref<4x16x128xf32, #tpu.memory_space<vmem>> -> memref<1x16x128xf32, #tpu.memory_space<vmem>>
        %scatter3A_314 = tpu.memref_squeeze %scatter3A_313 : memref<1x16x128xf32, #tpu.memory_space<vmem>> -> memref<16x128xf32, #tpu.memory_space<vmem>>
        tpu.vector_store_idx %scatter3A_314[%iota3A, %broadcast_in_dim3A_310], %gather3A_308 masked %lt3A_231 : memref<16x128xf32, #tpu.memory_space<vmem>>[vector<16xi32>, vector<16xi32>], vector<16xf32>, vector<16xi1>
        %broadcast_in_dim3A_315 = arith.constant 5 : i32
        %broadcast_in_dim3A_316 = vector.broadcast %broadcast_in_dim3A_315 : i32 to vector<16xi32>
        %gather3A_317 = arith.constant 0 : i32
        %gather3A_318 = arith.constant 0 : i32
        %gather3A_319 = tpu.memref_slice %arg11[%rem3A_152, %gather3A_317, %gather3A_318] : memref<3x16x512xf32, #tpu.memory_space<vmem>> -> memref<1x16x512xf32, #tpu.memory_space<vmem>>
        %gather3A_320 = tpu.memref_squeeze %gather3A_319 : memref<1x16x512xf32, #tpu.memory_space<vmem>> -> memref<16x512xf32, #tpu.memory_space<vmem>>
        %gather3A_321 = tpu.vector_load_idx %gather3A_320[%broadcast_in_dim3A_316, %select_n3A_239] masked %lt3A_231 : memref<16x512xf32, #tpu.memory_space<vmem>>[vector<16xi32>, vector<16xi32>], vector<16xf32>, vector<16xi1>
        %broadcast_in_dim3A_322 = arith.constant 5 : i32
        %broadcast_in_dim3A_323 = vector.broadcast %broadcast_in_dim3A_322 : i32 to vector<16xi32>
        %scatter3A_324 = arith.constant 0 : i32
        %scatter3A_325 = arith.constant 0 : i32
        %scatter3A_326 = tpu.memref_slice %arg15[%rem3A_247, %scatter3A_324, %scatter3A_325] : memref<4x16x128xf32, #tpu.memory_space<vmem>> -> memref<1x16x128xf32, #tpu.memory_space<vmem>>
        %scatter3A_327 = tpu.memref_squeeze %scatter3A_326 : memref<1x16x128xf32, #tpu.memory_space<vmem>> -> memref<16x128xf32, #tpu.memory_space<vmem>>
        tpu.vector_store_idx %scatter3A_327[%iota3A, %broadcast_in_dim3A_323], %gather3A_321 masked %lt3A_231 : memref<16x128xf32, #tpu.memory_space<vmem>>[vector<16xi32>, vector<16xi32>], vector<16xf32>, vector<16xi1>
        %broadcast_in_dim3A_328 = arith.constant 6 : i32
        %broadcast_in_dim3A_329 = vector.broadcast %broadcast_in_dim3A_328 : i32 to vector<16xi32>
        %gather3A_330 = arith.constant 0 : i32
        %gather3A_331 = arith.constant 0 : i32
        %gather3A_332 = tpu.memref_slice %arg11[%rem3A_152, %gather3A_330, %gather3A_331] : memref<3x16x512xf32, #tpu.memory_space<vmem>> -> memref<1x16x512xf32, #tpu.memory_space<vmem>>
        %gather3A_333 = tpu.memref_squeeze %gather3A_332 : memref<1x16x512xf32, #tpu.memory_space<vmem>> -> memref<16x512xf32, #tpu.memory_space<vmem>>
        %gather3A_334 = tpu.vector_load_idx %gather3A_333[%broadcast_in_dim3A_329, %select_n3A_239] masked %lt3A_231 : memref<16x512xf32, #tpu.memory_space<vmem>>[vector<16xi32>, vector<16xi32>], vector<16xf32>, vector<16xi1>
        %broadcast_in_dim3A_335 = arith.constant 6 : i32
        %broadcast_in_dim3A_336 = vector.broadcast %broadcast_in_dim3A_335 : i32 to vector<16xi32>
        %scatter3A_337 = arith.constant 0 : i32
        %scatter3A_338 = arith.constant 0 : i32
        %scatter3A_339 = tpu.memref_slice %arg15[%rem3A_247, %scatter3A_337, %scatter3A_338] : memref<4x16x128xf32, #tpu.memory_space<vmem>> -> memref<1x16x128xf32, #tpu.memory_space<vmem>>
        %scatter3A_340 = tpu.memref_squeeze %scatter3A_339 : memref<1x16x128xf32, #tpu.memory_space<vmem>> -> memref<16x128xf32, #tpu.memory_space<vmem>>
        tpu.vector_store_idx %scatter3A_340[%iota3A, %broadcast_in_dim3A_336], %gather3A_334 masked %lt3A_231 : memref<16x128xf32, #tpu.memory_space<vmem>>[vector<16xi32>, vector<16xi32>], vector<16xf32>, vector<16xi1>
        %broadcast_in_dim3A_341 = arith.constant 7 : i32
        %broadcast_in_dim3A_342 = vector.broadcast %broadcast_in_dim3A_341 : i32 to vector<16xi32>
        %gather3A_343 = arith.constant 0 : i32
        %gather3A_344 = arith.constant 0 : i32
        %gather3A_345 = tpu.memref_slice %arg11[%rem3A_152, %gather3A_343, %gather3A_344] : memref<3x16x512xf32, #tpu.memory_space<vmem>> -> memref<1x16x512xf32, #tpu.memory_space<vmem>>
        %gather3A_346 = tpu.memref_squeeze %gather3A_345 : memref<1x16x512xf32, #tpu.memory_space<vmem>> -> memref<16x512xf32, #tpu.memory_space<vmem>>
        %gather3A_347 = tpu.vector_load_idx %gather3A_346[%broadcast_in_dim3A_342, %select_n3A_239] masked %lt3A_231 : memref<16x512xf32, #tpu.memory_space<vmem>>[vector<16xi32>, vector<16xi32>], vector<16xf32>, vector<16xi1>
        %broadcast_in_dim3A_348 = arith.constant 7 : i32
        %broadcast_in_dim3A_349 = vector.broadcast %broadcast_in_dim3A_348 : i32 to vector<16xi32>
        %scatter3A_350 = arith.constant 0 : i32
        %scatter3A_351 = arith.constant 0 : i32
        %scatter3A_352 = tpu.memref_slice %arg15[%rem3A_247, %scatter3A_350, %scatter3A_351] : memref<4x16x128xf32, #tpu.memory_space<vmem>> -> memref<1x16x128xf32, #tpu.memory_space<vmem>>
        %scatter3A_353 = tpu.memref_squeeze %scatter3A_352 : memref<1x16x128xf32, #tpu.memory_space<vmem>> -> memref<16x128xf32, #tpu.memory_space<vmem>>
        tpu.vector_store_idx %scatter3A_353[%iota3A, %broadcast_in_dim3A_349], %gather3A_347 masked %lt3A_231 : memref<16x128xf32, #tpu.memory_space<vmem>>[vector<16xi32>, vector<16xi32>], vector<16xf32>, vector<16xi1>
        %broadcast_in_dim3A_354 = arith.constant 8 : i32
        %broadcast_in_dim3A_355 = vector.broadcast %broadcast_in_dim3A_354 : i32 to vector<16xi32>
        %gather3A_356 = arith.constant 0 : i32
        %gather3A_357 = arith.constant 0 : i32
        %gather3A_358 = tpu.memref_slice %arg11[%rem3A_152, %gather3A_356, %gather3A_357] : memref<3x16x512xf32, #tpu.memory_space<vmem>> -> memref<1x16x512xf32, #tpu.memory_space<vmem>>
        %gather3A_359 = tpu.memref_squeeze %gather3A_358 : memref<1x16x512xf32, #tpu.memory_space<vmem>> -> memref<16x512xf32, #tpu.memory_space<vmem>>
        %gather3A_360 = tpu.vector_load_idx %gather3A_359[%broadcast_in_dim3A_355, %select_n3A_239] masked %lt3A_231 : memref<16x512xf32, #tpu.memory_space<vmem>>[vector<16xi32>, vector<16xi32>], vector<16xf32>, vector<16xi1>
        %broadcast_in_dim3A_361 = arith.constant 8 : i32
        %broadcast_in_dim3A_362 = vector.broadcast %broadcast_in_dim3A_361 : i32 to vector<16xi32>
        %scatter3A_363 = arith.constant 0 : i32
        %scatter3A_364 = arith.constant 0 : i32
        %scatter3A_365 = tpu.memref_slice %arg15[%rem3A_247, %scatter3A_363, %scatter3A_364] : memref<4x16x128xf32, #tpu.memory_space<vmem>> -> memref<1x16x128xf32, #tpu.memory_space<vmem>>
        %scatter3A_366 = tpu.memref_squeeze %scatter3A_365 : memref<1x16x128xf32, #tpu.memory_space<vmem>> -> memref<16x128xf32, #tpu.memory_space<vmem>>
        tpu.vector_store_idx %scatter3A_366[%iota3A, %broadcast_in_dim3A_362], %gather3A_360 masked %lt3A_231 : memref<16x128xf32, #tpu.memory_space<vmem>>[vector<16xi32>, vector<16xi32>], vector<16xf32>, vector<16xi1>
        %broadcast_in_dim3A_367 = arith.constant 9 : i32
        %broadcast_in_dim3A_368 = vector.broadcast %broadcast_in_dim3A_367 : i32 to vector<16xi32>
        %gather3A_369 = arith.constant 0 : i32
        %gather3A_370 = arith.constant 0 : i32
        %gather3A_371 = tpu.memref_slice %arg11[%rem3A_152, %gather3A_369, %gather3A_370] : memref<3x16x512xf32, #tpu.memory_space<vmem>> -> memref<1x16x512xf32, #tpu.memory_space<vmem>>
        %gather3A_372 = tpu.memref_squeeze %gather3A_371 : memref<1x16x512xf32, #tpu.memory_space<vmem>> -> memref<16x512xf32, #tpu.memory_space<vmem>>
        %gather3A_373 = tpu.vector_load_idx %gather3A_372[%broadcast_in_dim3A_368, %select_n3A_239] masked %lt3A_231 : memref<16x512xf32, #tpu.memory_space<vmem>>[vector<16xi32>, vector<16xi32>], vector<16xf32>, vector<16xi1>
        %broadcast_in_dim3A_374 = arith.constant 9 : i32
        %broadcast_in_dim3A_375 = vector.broadcast %broadcast_in_dim3A_374 : i32 to vector<16xi32>
        %scatter3A_376 = arith.constant 0 : i32
        %scatter3A_377 = arith.constant 0 : i32
        %scatter3A_378 = tpu.memref_slice %arg15[%rem3A_247, %scatter3A_376, %scatter3A_377] : memref<4x16x128xf32, #tpu.memory_space<vmem>> -> memref<1x16x128xf32, #tpu.memory_space<vmem>>
        %scatter3A_379 = tpu.memref_squeeze %scatter3A_378 : memref<1x16x128xf32, #tpu.memory_space<vmem>> -> memref<16x128xf32, #tpu.memory_space<vmem>>
        tpu.vector_store_idx %scatter3A_379[%iota3A, %broadcast_in_dim3A_375], %gather3A_373 masked %lt3A_231 : memref<16x128xf32, #tpu.memory_space<vmem>>[vector<16xi32>, vector<16xi32>], vector<16xf32>, vector<16xi1>
        %broadcast_in_dim3A_380 = arith.constant 10 : i32
        %broadcast_in_dim3A_381 = vector.broadcast %broadcast_in_dim3A_380 : i32 to vector<16xi32>
        %gather3A_382 = arith.constant 0 : i32
        %gather3A_383 = arith.constant 0 : i32
        %gather3A_384 = tpu.memref_slice %arg11[%rem3A_152, %gather3A_382, %gather3A_383] : memref<3x16x512xf32, #tpu.memory_space<vmem>> -> memref<1x16x512xf32, #tpu.memory_space<vmem>>
        %gather3A_385 = tpu.memref_squeeze %gather3A_384 : memref<1x16x512xf32, #tpu.memory_space<vmem>> -> memref<16x512xf32, #tpu.memory_space<vmem>>
        %gather3A_386 = tpu.vector_load_idx %gather3A_385[%broadcast_in_dim3A_381, %select_n3A_239] masked %lt3A_231 : memref<16x512xf32, #tpu.memory_space<vmem>>[vector<16xi32>, vector<16xi32>], vector<16xf32>, vector<16xi1>
        %broadcast_in_dim3A_387 = arith.constant 10 : i32
        %broadcast_in_dim3A_388 = vector.broadcast %broadcast_in_dim3A_387 : i32 to vector<16xi32>
        %scatter3A_389 = arith.constant 0 : i32
        %scatter3A_390 = arith.constant 0 : i32
        %scatter3A_391 = tpu.memref_slice %arg15[%rem3A_247, %scatter3A_389, %scatter3A_390] : memref<4x16x128xf32, #tpu.memory_space<vmem>> -> memref<1x16x128xf32, #tpu.memory_space<vmem>>
        %scatter3A_392 = tpu.memref_squeeze %scatter3A_391 : memref<1x16x128xf32, #tpu.memory_space<vmem>> -> memref<16x128xf32, #tpu.memory_space<vmem>>
        tpu.vector_store_idx %scatter3A_392[%iota3A, %broadcast_in_dim3A_388], %gather3A_386 masked %lt3A_231 : memref<16x128xf32, #tpu.memory_space<vmem>>[vector<16xi32>, vector<16xi32>], vector<16xf32>, vector<16xi1>
        %broadcast_in_dim3A_393 = arith.constant 11 : i32
        %broadcast_in_dim3A_394 = vector.broadcast %broadcast_in_dim3A_393 : i32 to vector<16xi32>
        %gather3A_395 = arith.constant 0 : i32
        %gather3A_396 = arith.constant 0 : i32
        %gather3A_397 = tpu.memref_slice %arg11[%rem3A_152, %gather3A_395, %gather3A_396] : memref<3x16x512xf32, #tpu.memory_space<vmem>> -> memref<1x16x512xf32, #tpu.memory_space<vmem>>
        %gather3A_398 = tpu.memref_squeeze %gather3A_397 : memref<1x16x512xf32, #tpu.memory_space<vmem>> -> memref<16x512xf32, #tpu.memory_space<vmem>>
        %gather3A_399 = tpu.vector_load_idx %gather3A_398[%broadcast_in_dim3A_394, %select_n3A_239] masked %lt3A_231 : memref<16x512xf32, #tpu.memory_space<vmem>>[vector<16xi32>, vector<16xi32>], vector<16xf32>, vector<16xi1>
        %broadcast_in_dim3A_400 = arith.constant 11 : i32
        %broadcast_in_dim3A_401 = vector.broadcast %broadcast_in_dim3A_400 : i32 to vector<16xi32>
        %scatter3A_402 = arith.constant 0 : i32
        %scatter3A_403 = arith.constant 0 : i32
        %scatter3A_404 = tpu.memref_slice %arg15[%rem3A_247, %scatter3A_402, %scatter3A_403] : memref<4x16x128xf32, #tpu.memory_space<vmem>> -> memref<1x16x128xf32, #tpu.memory_space<vmem>>
        %scatter3A_405 = tpu.memref_squeeze %scatter3A_404 : memref<1x16x128xf32, #tpu.memory_space<vmem>> -> memref<16x128xf32, #tpu.memory_space<vmem>>
        tpu.vector_store_idx %scatter3A_405[%iota3A, %broadcast_in_dim3A_401], %gather3A_399 masked %lt3A_231 : memref<16x128xf32, #tpu.memory_space<vmem>>[vector<16xi32>, vector<16xi32>], vector<16xf32>, vector<16xi1>
        %broadcast_in_dim3A_406 = arith.constant 12 : i32
        %broadcast_in_dim3A_407 = vector.broadcast %broadcast_in_dim3A_406 : i32 to vector<16xi32>
        %gather3A_408 = arith.constant 0 : i32
        %gather3A_409 = arith.constant 0 : i32
        %gather3A_410 = tpu.memref_slice %arg11[%rem3A_152, %gather3A_408, %gather3A_409] : memref<3x16x512xf32, #tpu.memory_space<vmem>> -> memref<1x16x512xf32, #tpu.memory_space<vmem>>
        %gather3A_411 = tpu.memref_squeeze %gather3A_410 : memref<1x16x512xf32, #tpu.memory_space<vmem>> -> memref<16x512xf32, #tpu.memory_space<vmem>>
        %gather3A_412 = tpu.vector_load_idx %gather3A_411[%broadcast_in_dim3A_407, %select_n3A_239] masked %lt3A_231 : memref<16x512xf32, #tpu.memory_space<vmem>>[vector<16xi32>, vector<16xi32>], vector<16xf32>, vector<16xi1>
        %broadcast_in_dim3A_413 = arith.constant 12 : i32
        %broadcast_in_dim3A_414 = vector.broadcast %broadcast_in_dim3A_413 : i32 to vector<16xi32>
        %scatter3A_415 = arith.constant 0 : i32
        %scatter3A_416 = arith.constant 0 : i32
        %scatter3A_417 = tpu.memref_slice %arg15[%rem3A_247, %scatter3A_415, %scatter3A_416] : memref<4x16x128xf32, #tpu.memory_space<vmem>> -> memref<1x16x128xf32, #tpu.memory_space<vmem>>
        %scatter3A_418 = tpu.memref_squeeze %scatter3A_417 : memref<1x16x128xf32, #tpu.memory_space<vmem>> -> memref<16x128xf32, #tpu.memory_space<vmem>>
        tpu.vector_store_idx %scatter3A_418[%iota3A, %broadcast_in_dim3A_414], %gather3A_412 masked %lt3A_231 : memref<16x128xf32, #tpu.memory_space<vmem>>[vector<16xi32>, vector<16xi32>], vector<16xf32>, vector<16xi1>
        %broadcast_in_dim3A_419 = arith.constant 13 : i32
        %broadcast_in_dim3A_420 = vector.broadcast %broadcast_in_dim3A_419 : i32 to vector<16xi32>
        %gather3A_421 = arith.constant 0 : i32
        %gather3A_422 = arith.constant 0 : i32
        %gather3A_423 = tpu.memref_slice %arg11[%rem3A_152, %gather3A_421, %gather3A_422] : memref<3x16x512xf32, #tpu.memory_space<vmem>> -> memref<1x16x512xf32, #tpu.memory_space<vmem>>
        %gather3A_424 = tpu.memref_squeeze %gather3A_423 : memref<1x16x512xf32, #tpu.memory_space<vmem>> -> memref<16x512xf32, #tpu.memory_space<vmem>>
        %gather3A_425 = tpu.vector_load_idx %gather3A_424[%broadcast_in_dim3A_420, %select_n3A_239] masked %lt3A_231 : memref<16x512xf32, #tpu.memory_space<vmem>>[vector<16xi32>, vector<16xi32>], vector<16xf32>, vector<16xi1>
        %broadcast_in_dim3A_426 = arith.constant 13 : i32
        %broadcast_in_dim3A_427 = vector.broadcast %broadcast_in_dim3A_426 : i32 to vector<16xi32>
        %scatter3A_428 = arith.constant 0 : i32
        %scatter3A_429 = arith.constant 0 : i32
        %scatter3A_430 = tpu.memref_slice %arg15[%rem3A_247, %scatter3A_428, %scatter3A_429] : memref<4x16x128xf32, #tpu.memory_space<vmem>> -> memref<1x16x128xf32, #tpu.memory_space<vmem>>
        %scatter3A_431 = tpu.memref_squeeze %scatter3A_430 : memref<1x16x128xf32, #tpu.memory_space<vmem>> -> memref<16x128xf32, #tpu.memory_space<vmem>>
        tpu.vector_store_idx %scatter3A_431[%iota3A, %broadcast_in_dim3A_427], %gather3A_425 masked %lt3A_231 : memref<16x128xf32, #tpu.memory_space<vmem>>[vector<16xi32>, vector<16xi32>], vector<16xf32>, vector<16xi1>
        %broadcast_in_dim3A_432 = arith.constant 14 : i32
        %broadcast_in_dim3A_433 = vector.broadcast %broadcast_in_dim3A_432 : i32 to vector<16xi32>
        %gather3A_434 = arith.constant 0 : i32
        %gather3A_435 = arith.constant 0 : i32
        %gather3A_436 = tpu.memref_slice %arg11[%rem3A_152, %gather3A_434, %gather3A_435] : memref<3x16x512xf32, #tpu.memory_space<vmem>> -> memref<1x16x512xf32, #tpu.memory_space<vmem>>
        %gather3A_437 = tpu.memref_squeeze %gather3A_436 : memref<1x16x512xf32, #tpu.memory_space<vmem>> -> memref<16x512xf32, #tpu.memory_space<vmem>>
        %gather3A_438 = tpu.vector_load_idx %gather3A_437[%broadcast_in_dim3A_433, %select_n3A_239] masked %lt3A_231 : memref<16x512xf32, #tpu.memory_space<vmem>>[vector<16xi32>, vector<16xi32>], vector<16xf32>, vector<16xi1>
        %broadcast_in_dim3A_439 = arith.constant 14 : i32
        %broadcast_in_dim3A_440 = vector.broadcast %broadcast_in_dim3A_439 : i32 to vector<16xi32>
        %scatter3A_441 = arith.constant 0 : i32
        %scatter3A_442 = arith.constant 0 : i32
        %scatter3A_443 = tpu.memref_slice %arg15[%rem3A_247, %scatter3A_441, %scatter3A_442] : memref<4x16x128xf32, #tpu.memory_space<vmem>> -> memref<1x16x128xf32, #tpu.memory_space<vmem>>
        %scatter3A_444 = tpu.memref_squeeze %scatter3A_443 : memref<1x16x128xf32, #tpu.memory_space<vmem>> -> memref<16x128xf32, #tpu.memory_space<vmem>>
        tpu.vector_store_idx %scatter3A_444[%iota3A, %broadcast_in_dim3A_440], %gather3A_438 masked %lt3A_231 : memref<16x128xf32, #tpu.memory_space<vmem>>[vector<16xi32>, vector<16xi32>], vector<16xf32>, vector<16xi1>
        %broadcast_in_dim3A_445 = arith.constant 15 : i32
        %broadcast_in_dim3A_446 = vector.broadcast %broadcast_in_dim3A_445 : i32 to vector<16xi32>
        %gather3A_447 = arith.constant 0 : i32
        %gather3A_448 = arith.constant 0 : i32
        %gather3A_449 = tpu.memref_slice %arg11[%rem3A_152, %gather3A_447, %gather3A_448] : memref<3x16x512xf32, #tpu.memory_space<vmem>> -> memref<1x16x512xf32, #tpu.memory_space<vmem>>
        %gather3A_450 = tpu.memref_squeeze %gather3A_449 : memref<1x16x512xf32, #tpu.memory_space<vmem>> -> memref<16x512xf32, #tpu.memory_space<vmem>>
        %gather3A_451 = tpu.vector_load_idx %gather3A_450[%broadcast_in_dim3A_446, %select_n3A_239] masked %lt3A_231 : memref<16x512xf32, #tpu.memory_space<vmem>>[vector<16xi32>, vector<16xi32>], vector<16xf32>, vector<16xi1>
        %broadcast_in_dim3A_452 = arith.constant 15 : i32
        %broadcast_in_dim3A_453 = vector.broadcast %broadcast_in_dim3A_452 : i32 to vector<16xi32>
        %scatter3A_454 = arith.constant 0 : i32
        %scatter3A_455 = arith.constant 0 : i32
        %scatter3A_456 = tpu.memref_slice %arg15[%rem3A_247, %scatter3A_454, %scatter3A_455] : memref<4x16x128xf32, #tpu.memory_space<vmem>> -> memref<1x16x128xf32, #tpu.memory_space<vmem>>
        %scatter3A_457 = tpu.memref_squeeze %scatter3A_456 : memref<1x16x128xf32, #tpu.memory_space<vmem>> -> memref<16x128xf32, #tpu.memory_space<vmem>>
        tpu.vector_store_idx %scatter3A_457[%iota3A, %broadcast_in_dim3A_453], %gather3A_451 masked %lt3A_231 : memref<16x128xf32, #tpu.memory_space<vmem>>[vector<16xi32>, vector<16xi32>], vector<16xf32>, vector<16xi1>
        %broadcast_in_dim3A_458 = arith.constant 0 : i32
        %broadcast_in_dim3A_459 = vector.broadcast %broadcast_in_dim3A_458 : i32 to vector<16xi32>
        %gather3A_460 = arith.constant 0 : i32
        %gather3A_461 = arith.constant 0 : i32
        %gather3A_462 = tpu.memref_slice %arg12[%rem3A_152, %gather3A_460, %gather3A_461] : memref<3x32x512xf32, #tpu.memory_space<vmem>> -> memref<1x32x512xf32, #tpu.memory_space<vmem>>
        %gather3A_463 = tpu.memref_squeeze %gather3A_462 : memref<1x32x512xf32, #tpu.memory_space<vmem>> -> memref<32x512xf32, #tpu.memory_space<vmem>>
        %gather3A_464 = tpu.vector_load_idx %gather3A_463[%broadcast_in_dim3A_459, %select_n3A_239] masked %lt3A_231 : memref<32x512xf32, #tpu.memory_space<vmem>>[vector<16xi32>, vector<16xi32>], vector<16xf32>, vector<16xi1>
        %broadcast_in_dim3A_465 = arith.constant 16 : i32
        %broadcast_in_dim3A_466 = vector.broadcast %broadcast_in_dim3A_465 : i32 to vector<16xi32>
        %scatter3A_467 = arith.constant 0 : i32
        %scatter3A_468 = arith.constant 0 : i32
        %scatter3A_469 = tpu.memref_slice %arg15[%rem3A_247, %scatter3A_467, %scatter3A_468] : memref<4x16x128xf32, #tpu.memory_space<vmem>> -> memref<1x16x128xf32, #tpu.memory_space<vmem>>
        %scatter3A_470 = tpu.memref_squeeze %scatter3A_469 : memref<1x16x128xf32, #tpu.memory_space<vmem>> -> memref<16x128xf32, #tpu.memory_space<vmem>>
        tpu.vector_store_idx %scatter3A_470[%iota3A, %broadcast_in_dim3A_466], %gather3A_464 masked %lt3A_231 : memref<16x128xf32, #tpu.memory_space<vmem>>[vector<16xi32>, vector<16xi32>], vector<16xf32>, vector<16xi1>
        %broadcast_in_dim3A_471 = arith.constant 1 : i32
        %broadcast_in_dim3A_472 = vector.broadcast %broadcast_in_dim3A_471 : i32 to vector<16xi32>
        %gather3A_473 = arith.constant 0 : i32
        %gather3A_474 = arith.constant 0 : i32
        %gather3A_475 = tpu.memref_slice %arg12[%rem3A_152, %gather3A_473, %gather3A_474] : memref<3x32x512xf32, #tpu.memory_space<vmem>> -> memref<1x32x512xf32, #tpu.memory_space<vmem>>
        %gather3A_476 = tpu.memref_squeeze %gather3A_475 : memref<1x32x512xf32, #tpu.memory_space<vmem>> -> memref<32x512xf32, #tpu.memory_space<vmem>>
        %gather3A_477 = tpu.vector_load_idx %gather3A_476[%broadcast_in_dim3A_472, %select_n3A_239] masked %lt3A_231 : memref<32x512xf32, #tpu.memory_space<vmem>>[vector<16xi32>, vector<16xi32>], vector<16xf32>, vector<16xi1>
        %broadcast_in_dim3A_478 = arith.constant 17 : i32
        %broadcast_in_dim3A_479 = vector.broadcast %broadcast_in_dim3A_478 : i32 to vector<16xi32>
        %scatter3A_480 = arith.constant 0 : i32
        %scatter3A_481 = arith.constant 0 : i32
        %scatter3A_482 = tpu.memref_slice %arg15[%rem3A_247, %scatter3A_480, %scatter3A_481] : memref<4x16x128xf32, #tpu.memory_space<vmem>> -> memref<1x16x128xf32, #tpu.memory_space<vmem>>
        %scatter3A_483 = tpu.memref_squeeze %scatter3A_482 : memref<1x16x128xf32, #tpu.memory_space<vmem>> -> memref<16x128xf32, #tpu.memory_space<vmem>>
        tpu.vector_store_idx %scatter3A_483[%iota3A, %broadcast_in_dim3A_479], %gather3A_477 masked %lt3A_231 : memref<16x128xf32, #tpu.memory_space<vmem>>[vector<16xi32>, vector<16xi32>], vector<16xf32>, vector<16xi1>
        %broadcast_in_dim3A_484 = arith.constant 2 : i32
        %broadcast_in_dim3A_485 = vector.broadcast %broadcast_in_dim3A_484 : i32 to vector<16xi32>
        %gather3A_486 = arith.constant 0 : i32
        %gather3A_487 = arith.constant 0 : i32
        %gather3A_488 = tpu.memref_slice %arg12[%rem3A_152, %gather3A_486, %gather3A_487] : memref<3x32x512xf32, #tpu.memory_space<vmem>> -> memref<1x32x512xf32, #tpu.memory_space<vmem>>
        %gather3A_489 = tpu.memref_squeeze %gather3A_488 : memref<1x32x512xf32, #tpu.memory_space<vmem>> -> memref<32x512xf32, #tpu.memory_space<vmem>>
        %gather3A_490 = tpu.vector_load_idx %gather3A_489[%broadcast_in_dim3A_485, %select_n3A_239] masked %lt3A_231 : memref<32x512xf32, #tpu.memory_space<vmem>>[vector<16xi32>, vector<16xi32>], vector<16xf32>, vector<16xi1>
        %broadcast_in_dim3A_491 = arith.constant 18 : i32
        %broadcast_in_dim3A_492 = vector.broadcast %broadcast_in_dim3A_491 : i32 to vector<16xi32>
        %scatter3A_493 = arith.constant 0 : i32
        %scatter3A_494 = arith.constant 0 : i32
        %scatter3A_495 = tpu.memref_slice %arg15[%rem3A_247, %scatter3A_493, %scatter3A_494] : memref<4x16x128xf32, #tpu.memory_space<vmem>> -> memref<1x16x128xf32, #tpu.memory_space<vmem>>
        %scatter3A_496 = tpu.memref_squeeze %scatter3A_495 : memref<1x16x128xf32, #tpu.memory_space<vmem>> -> memref<16x128xf32, #tpu.memory_space<vmem>>
        tpu.vector_store_idx %scatter3A_496[%iota3A, %broadcast_in_dim3A_492], %gather3A_490 masked %lt3A_231 : memref<16x128xf32, #tpu.memory_space<vmem>>[vector<16xi32>, vector<16xi32>], vector<16xf32>, vector<16xi1>
        %broadcast_in_dim3A_497 = arith.constant 3 : i32
        %broadcast_in_dim3A_498 = vector.broadcast %broadcast_in_dim3A_497 : i32 to vector<16xi32>
        %gather3A_499 = arith.constant 0 : i32
        %gather3A_500 = arith.constant 0 : i32
        %gather3A_501 = tpu.memref_slice %arg12[%rem3A_152, %gather3A_499, %gather3A_500] : memref<3x32x512xf32, #tpu.memory_space<vmem>> -> memref<1x32x512xf32, #tpu.memory_space<vmem>>
        %gather3A_502 = tpu.memref_squeeze %gather3A_501 : memref<1x32x512xf32, #tpu.memory_space<vmem>> -> memref<32x512xf32, #tpu.memory_space<vmem>>
        %gather3A_503 = tpu.vector_load_idx %gather3A_502[%broadcast_in_dim3A_498, %select_n3A_239] masked %lt3A_231 : memref<32x512xf32, #tpu.memory_space<vmem>>[vector<16xi32>, vector<16xi32>], vector<16xf32>, vector<16xi1>
        %broadcast_in_dim3A_504 = arith.constant 19 : i32
        %broadcast_in_dim3A_505 = vector.broadcast %broadcast_in_dim3A_504 : i32 to vector<16xi32>
        %scatter3A_506 = arith.constant 0 : i32
        %scatter3A_507 = arith.constant 0 : i32
        %scatter3A_508 = tpu.memref_slice %arg15[%rem3A_247, %scatter3A_506, %scatter3A_507] : memref<4x16x128xf32, #tpu.memory_space<vmem>> -> memref<1x16x128xf32, #tpu.memory_space<vmem>>
        %scatter3A_509 = tpu.memref_squeeze %scatter3A_508 : memref<1x16x128xf32, #tpu.memory_space<vmem>> -> memref<16x128xf32, #tpu.memory_space<vmem>>
        tpu.vector_store_idx %scatter3A_509[%iota3A, %broadcast_in_dim3A_505], %gather3A_503 masked %lt3A_231 : memref<16x128xf32, #tpu.memory_space<vmem>>[vector<16xi32>, vector<16xi32>], vector<16xf32>, vector<16xi1>
        %broadcast_in_dim3A_510 = arith.constant 4 : i32
        %broadcast_in_dim3A_511 = vector.broadcast %broadcast_in_dim3A_510 : i32 to vector<16xi32>
        %gather3A_512 = arith.constant 0 : i32
        %gather3A_513 = arith.constant 0 : i32
        %gather3A_514 = tpu.memref_slice %arg12[%rem3A_152, %gather3A_512, %gather3A_513] : memref<3x32x512xf32, #tpu.memory_space<vmem>> -> memref<1x32x512xf32, #tpu.memory_space<vmem>>
        %gather3A_515 = tpu.memref_squeeze %gather3A_514 : memref<1x32x512xf32, #tpu.memory_space<vmem>> -> memref<32x512xf32, #tpu.memory_space<vmem>>
        %gather3A_516 = tpu.vector_load_idx %gather3A_515[%broadcast_in_dim3A_511, %select_n3A_239] masked %lt3A_231 : memref<32x512xf32, #tpu.memory_space<vmem>>[vector<16xi32>, vector<16xi32>], vector<16xf32>, vector<16xi1>
        %broadcast_in_dim3A_517 = arith.constant 20 : i32
        %broadcast_in_dim3A_518 = vector.broadcast %broadcast_in_dim3A_517 : i32 to vector<16xi32>
        %scatter3A_519 = arith.constant 0 : i32
        %scatter3A_520 = arith.constant 0 : i32
        %scatter3A_521 = tpu.memref_slice %arg15[%rem3A_247, %scatter3A_519, %scatter3A_520] : memref<4x16x128xf32, #tpu.memory_space<vmem>> -> memref<1x16x128xf32, #tpu.memory_space<vmem>>
        %scatter3A_522 = tpu.memref_squeeze %scatter3A_521 : memref<1x16x128xf32, #tpu.memory_space<vmem>> -> memref<16x128xf32, #tpu.memory_space<vmem>>
        tpu.vector_store_idx %scatter3A_522[%iota3A, %broadcast_in_dim3A_518], %gather3A_516 masked %lt3A_231 : memref<16x128xf32, #tpu.memory_space<vmem>>[vector<16xi32>, vector<16xi32>], vector<16xf32>, vector<16xi1>
        %broadcast_in_dim3A_523 = arith.constant 5 : i32
        %broadcast_in_dim3A_524 = vector.broadcast %broadcast_in_dim3A_523 : i32 to vector<16xi32>
        %gather3A_525 = arith.constant 0 : i32
        %gather3A_526 = arith.constant 0 : i32
        %gather3A_527 = tpu.memref_slice %arg12[%rem3A_152, %gather3A_525, %gather3A_526] : memref<3x32x512xf32, #tpu.memory_space<vmem>> -> memref<1x32x512xf32, #tpu.memory_space<vmem>>
        %gather3A_528 = tpu.memref_squeeze %gather3A_527 : memref<1x32x512xf32, #tpu.memory_space<vmem>> -> memref<32x512xf32, #tpu.memory_space<vmem>>
        %gather3A_529 = tpu.vector_load_idx %gather3A_528[%broadcast_in_dim3A_524, %select_n3A_239] masked %lt3A_231 : memref<32x512xf32, #tpu.memory_space<vmem>>[vector<16xi32>, vector<16xi32>], vector<16xf32>, vector<16xi1>
        %broadcast_in_dim3A_530 = arith.constant 21 : i32
        %broadcast_in_dim3A_531 = vector.broadcast %broadcast_in_dim3A_530 : i32 to vector<16xi32>
        %scatter3A_532 = arith.constant 0 : i32
        %scatter3A_533 = arith.constant 0 : i32
        %scatter3A_534 = tpu.memref_slice %arg15[%rem3A_247, %scatter3A_532, %scatter3A_533] : memref<4x16x128xf32, #tpu.memory_space<vmem>> -> memref<1x16x128xf32, #tpu.memory_space<vmem>>
        %scatter3A_535 = tpu.memref_squeeze %scatter3A_534 : memref<1x16x128xf32, #tpu.memory_space<vmem>> -> memref<16x128xf32, #tpu.memory_space<vmem>>
        tpu.vector_store_idx %scatter3A_535[%iota3A, %broadcast_in_dim3A_531], %gather3A_529 masked %lt3A_231 : memref<16x128xf32, #tpu.memory_space<vmem>>[vector<16xi32>, vector<16xi32>], vector<16xf32>, vector<16xi1>
        %broadcast_in_dim3A_536 = arith.constant 6 : i32
        %broadcast_in_dim3A_537 = vector.broadcast %broadcast_in_dim3A_536 : i32 to vector<16xi32>
        %gather3A_538 = arith.constant 0 : i32
        %gather3A_539 = arith.constant 0 : i32
        %gather3A_540 = tpu.memref_slice %arg12[%rem3A_152, %gather3A_538, %gather3A_539] : memref<3x32x512xf32, #tpu.memory_space<vmem>> -> memref<1x32x512xf32, #tpu.memory_space<vmem>>
        %gather3A_541 = tpu.memref_squeeze %gather3A_540 : memref<1x32x512xf32, #tpu.memory_space<vmem>> -> memref<32x512xf32, #tpu.memory_space<vmem>>
        %gather3A_542 = tpu.vector_load_idx %gather3A_541[%broadcast_in_dim3A_537, %select_n3A_239] masked %lt3A_231 : memref<32x512xf32, #tpu.memory_space<vmem>>[vector<16xi32>, vector<16xi32>], vector<16xf32>, vector<16xi1>
        %broadcast_in_dim3A_543 = arith.constant 22 : i32
        %broadcast_in_dim3A_544 = vector.broadcast %broadcast_in_dim3A_543 : i32 to vector<16xi32>
        %scatter3A_545 = arith.constant 0 : i32
        %scatter3A_546 = arith.constant 0 : i32
        %scatter3A_547 = tpu.memref_slice %arg15[%rem3A_247, %scatter3A_545, %scatter3A_546] : memref<4x16x128xf32, #tpu.memory_space<vmem>> -> memref<1x16x128xf32, #tpu.memory_space<vmem>>
        %scatter3A_548 = tpu.memref_squeeze %scatter3A_547 : memref<1x16x128xf32, #tpu.memory_space<vmem>> -> memref<16x128xf32, #tpu.memory_space<vmem>>
        tpu.vector_store_idx %scatter3A_548[%iota3A, %broadcast_in_dim3A_544], %gather3A_542 masked %lt3A_231 : memref<16x128xf32, #tpu.memory_space<vmem>>[vector<16xi32>, vector<16xi32>], vector<16xf32>, vector<16xi1>
        %broadcast_in_dim3A_549 = arith.constant 7 : i32
        %broadcast_in_dim3A_550 = vector.broadcast %broadcast_in_dim3A_549 : i32 to vector<16xi32>
        %gather3A_551 = arith.constant 0 : i32
        %gather3A_552 = arith.constant 0 : i32
        %gather3A_553 = tpu.memref_slice %arg12[%rem3A_152, %gather3A_551, %gather3A_552] : memref<3x32x512xf32, #tpu.memory_space<vmem>> -> memref<1x32x512xf32, #tpu.memory_space<vmem>>
        %gather3A_554 = tpu.memref_squeeze %gather3A_553 : memref<1x32x512xf32, #tpu.memory_space<vmem>> -> memref<32x512xf32, #tpu.memory_space<vmem>>
        %gather3A_555 = tpu.vector_load_idx %gather3A_554[%broadcast_in_dim3A_550, %select_n3A_239] masked %lt3A_231 : memref<32x512xf32, #tpu.memory_space<vmem>>[vector<16xi32>, vector<16xi32>], vector<16xf32>, vector<16xi1>
        %broadcast_in_dim3A_556 = arith.constant 23 : i32
        %broadcast_in_dim3A_557 = vector.broadcast %broadcast_in_dim3A_556 : i32 to vector<16xi32>
        %scatter3A_558 = arith.constant 0 : i32
        %scatter3A_559 = arith.constant 0 : i32
        %scatter3A_560 = tpu.memref_slice %arg15[%rem3A_247, %scatter3A_558, %scatter3A_559] : memref<4x16x128xf32, #tpu.memory_space<vmem>> -> memref<1x16x128xf32, #tpu.memory_space<vmem>>
        %scatter3A_561 = tpu.memref_squeeze %scatter3A_560 : memref<1x16x128xf32, #tpu.memory_space<vmem>> -> memref<16x128xf32, #tpu.memory_space<vmem>>
        tpu.vector_store_idx %scatter3A_561[%iota3A, %broadcast_in_dim3A_557], %gather3A_555 masked %lt3A_231 : memref<16x128xf32, #tpu.memory_space<vmem>>[vector<16xi32>, vector<16xi32>], vector<16xf32>, vector<16xi1>
        %broadcast_in_dim3A_562 = arith.constant 8 : i32
        %broadcast_in_dim3A_563 = vector.broadcast %broadcast_in_dim3A_562 : i32 to vector<16xi32>
        %gather3A_564 = arith.constant 0 : i32
        %gather3A_565 = arith.constant 0 : i32
        %gather3A_566 = tpu.memref_slice %arg12[%rem3A_152, %gather3A_564, %gather3A_565] : memref<3x32x512xf32, #tpu.memory_space<vmem>> -> memref<1x32x512xf32, #tpu.memory_space<vmem>>
        %gather3A_567 = tpu.memref_squeeze %gather3A_566 : memref<1x32x512xf32, #tpu.memory_space<vmem>> -> memref<32x512xf32, #tpu.memory_space<vmem>>
        %gather3A_568 = tpu.vector_load_idx %gather3A_567[%broadcast_in_dim3A_563, %select_n3A_239] masked %lt3A_231 : memref<32x512xf32, #tpu.memory_space<vmem>>[vector<16xi32>, vector<16xi32>], vector<16xf32>, vector<16xi1>
        %broadcast_in_dim3A_569 = arith.constant 24 : i32
        %broadcast_in_dim3A_570 = vector.broadcast %broadcast_in_dim3A_569 : i32 to vector<16xi32>
        %scatter3A_571 = arith.constant 0 : i32
        %scatter3A_572 = arith.constant 0 : i32
        %scatter3A_573 = tpu.memref_slice %arg15[%rem3A_247, %scatter3A_571, %scatter3A_572] : memref<4x16x128xf32, #tpu.memory_space<vmem>> -> memref<1x16x128xf32, #tpu.memory_space<vmem>>
        %scatter3A_574 = tpu.memref_squeeze %scatter3A_573 : memref<1x16x128xf32, #tpu.memory_space<vmem>> -> memref<16x128xf32, #tpu.memory_space<vmem>>
        tpu.vector_store_idx %scatter3A_574[%iota3A, %broadcast_in_dim3A_570], %gather3A_568 masked %lt3A_231 : memref<16x128xf32, #tpu.memory_space<vmem>>[vector<16xi32>, vector<16xi32>], vector<16xf32>, vector<16xi1>
        %broadcast_in_dim3A_575 = arith.constant 9 : i32
        %broadcast_in_dim3A_576 = vector.broadcast %broadcast_in_dim3A_575 : i32 to vector<16xi32>
        %gather3A_577 = arith.constant 0 : i32
        %gather3A_578 = arith.constant 0 : i32
        %gather3A_579 = tpu.memref_slice %arg12[%rem3A_152, %gather3A_577, %gather3A_578] : memref<3x32x512xf32, #tpu.memory_space<vmem>> -> memref<1x32x512xf32, #tpu.memory_space<vmem>>
        %gather3A_580 = tpu.memref_squeeze %gather3A_579 : memref<1x32x512xf32, #tpu.memory_space<vmem>> -> memref<32x512xf32, #tpu.memory_space<vmem>>
        %gather3A_581 = tpu.vector_load_idx %gather3A_580[%broadcast_in_dim3A_576, %select_n3A_239] masked %lt3A_231 : memref<32x512xf32, #tpu.memory_space<vmem>>[vector<16xi32>, vector<16xi32>], vector<16xf32>, vector<16xi1>
        %broadcast_in_dim3A_582 = arith.constant 25 : i32
        %broadcast_in_dim3A_583 = vector.broadcast %broadcast_in_dim3A_582 : i32 to vector<16xi32>
        %scatter3A_584 = arith.constant 0 : i32
        %scatter3A_585 = arith.constant 0 : i32
        %scatter3A_586 = tpu.memref_slice %arg15[%rem3A_247, %scatter3A_584, %scatter3A_585] : memref<4x16x128xf32, #tpu.memory_space<vmem>> -> memref<1x16x128xf32, #tpu.memory_space<vmem>>
        %scatter3A_587 = tpu.memref_squeeze %scatter3A_586 : memref<1x16x128xf32, #tpu.memory_space<vmem>> -> memref<16x128xf32, #tpu.memory_space<vmem>>
        tpu.vector_store_idx %scatter3A_587[%iota3A, %broadcast_in_dim3A_583], %gather3A_581 masked %lt3A_231 : memref<16x128xf32, #tpu.memory_space<vmem>>[vector<16xi32>, vector<16xi32>], vector<16xf32>, vector<16xi1>
        %broadcast_in_dim3A_588 = arith.constant 10 : i32
        %broadcast_in_dim3A_589 = vector.broadcast %broadcast_in_dim3A_588 : i32 to vector<16xi32>
        %gather3A_590 = arith.constant 0 : i32
        %gather3A_591 = arith.constant 0 : i32
        %gather3A_592 = tpu.memref_slice %arg12[%rem3A_152, %gather3A_590, %gather3A_591] : memref<3x32x512xf32, #tpu.memory_space<vmem>> -> memref<1x32x512xf32, #tpu.memory_space<vmem>>
        %gather3A_593 = tpu.memref_squeeze %gather3A_592 : memref<1x32x512xf32, #tpu.memory_space<vmem>> -> memref<32x512xf32, #tpu.memory_space<vmem>>
        %gather3A_594 = tpu.vector_load_idx %gather3A_593[%broadcast_in_dim3A_589, %select_n3A_239] masked %lt3A_231 : memref<32x512xf32, #tpu.memory_space<vmem>>[vector<16xi32>, vector<16xi32>], vector<16xf32>, vector<16xi1>
        %broadcast_in_dim3A_595 = arith.constant 26 : i32
        %broadcast_in_dim3A_596 = vector.broadcast %broadcast_in_dim3A_595 : i32 to vector<16xi32>
        %scatter3A_597 = arith.constant 0 : i32
        %scatter3A_598 = arith.constant 0 : i32
        %scatter3A_599 = tpu.memref_slice %arg15[%rem3A_247, %scatter3A_597, %scatter3A_598] : memref<4x16x128xf32, #tpu.memory_space<vmem>> -> memref<1x16x128xf32, #tpu.memory_space<vmem>>
        %scatter3A_600 = tpu.memref_squeeze %scatter3A_599 : memref<1x16x128xf32, #tpu.memory_space<vmem>> -> memref<16x128xf32, #tpu.memory_space<vmem>>
        tpu.vector_store_idx %scatter3A_600[%iota3A, %broadcast_in_dim3A_596], %gather3A_594 masked %lt3A_231 : memref<16x128xf32, #tpu.memory_space<vmem>>[vector<16xi32>, vector<16xi32>], vector<16xf32>, vector<16xi1>
        %broadcast_in_dim3A_601 = arith.constant 11 : i32
        %broadcast_in_dim3A_602 = vector.broadcast %broadcast_in_dim3A_601 : i32 to vector<16xi32>
        %gather3A_603 = arith.constant 0 : i32
        %gather3A_604 = arith.constant 0 : i32
        %gather3A_605 = tpu.memref_slice %arg12[%rem3A_152, %gather3A_603, %gather3A_604] : memref<3x32x512xf32, #tpu.memory_space<vmem>> -> memref<1x32x512xf32, #tpu.memory_space<vmem>>
        %gather3A_606 = tpu.memref_squeeze %gather3A_605 : memref<1x32x512xf32, #tpu.memory_space<vmem>> -> memref<32x512xf32, #tpu.memory_space<vmem>>
        %gather3A_607 = tpu.vector_load_idx %gather3A_606[%broadcast_in_dim3A_602, %select_n3A_239] masked %lt3A_231 : memref<32x512xf32, #tpu.memory_space<vmem>>[vector<16xi32>, vector<16xi32>], vector<16xf32>, vector<16xi1>
        %broadcast_in_dim3A_608 = arith.constant 27 : i32
        %broadcast_in_dim3A_609 = vector.broadcast %broadcast_in_dim3A_608 : i32 to vector<16xi32>
        %scatter3A_610 = arith.constant 0 : i32
        %scatter3A_611 = arith.constant 0 : i32
        %scatter3A_612 = tpu.memref_slice %arg15[%rem3A_247, %scatter3A_610, %scatter3A_611] : memref<4x16x128xf32, #tpu.memory_space<vmem>> -> memref<1x16x128xf32, #tpu.memory_space<vmem>>
        %scatter3A_613 = tpu.memref_squeeze %scatter3A_612 : memref<1x16x128xf32, #tpu.memory_space<vmem>> -> memref<16x128xf32, #tpu.memory_space<vmem>>
        tpu.vector_store_idx %scatter3A_613[%iota3A, %broadcast_in_dim3A_609], %gather3A_607 masked %lt3A_231 : memref<16x128xf32, #tpu.memory_space<vmem>>[vector<16xi32>, vector<16xi32>], vector<16xf32>, vector<16xi1>
        %broadcast_in_dim3A_614 = arith.constant 12 : i32
        %broadcast_in_dim3A_615 = vector.broadcast %broadcast_in_dim3A_614 : i32 to vector<16xi32>
        %gather3A_616 = arith.constant 0 : i32
        %gather3A_617 = arith.constant 0 : i32
        %gather3A_618 = tpu.memref_slice %arg12[%rem3A_152, %gather3A_616, %gather3A_617] : memref<3x32x512xf32, #tpu.memory_space<vmem>> -> memref<1x32x512xf32, #tpu.memory_space<vmem>>
        %gather3A_619 = tpu.memref_squeeze %gather3A_618 : memref<1x32x512xf32, #tpu.memory_space<vmem>> -> memref<32x512xf32, #tpu.memory_space<vmem>>
        %gather3A_620 = tpu.vector_load_idx %gather3A_619[%broadcast_in_dim3A_615, %select_n3A_239] masked %lt3A_231 : memref<32x512xf32, #tpu.memory_space<vmem>>[vector<16xi32>, vector<16xi32>], vector<16xf32>, vector<16xi1>
        %broadcast_in_dim3A_621 = arith.constant 28 : i32
        %broadcast_in_dim3A_622 = vector.broadcast %broadcast_in_dim3A_621 : i32 to vector<16xi32>
        %scatter3A_623 = arith.constant 0 : i32
        %scatter3A_624 = arith.constant 0 : i32
        %scatter3A_625 = tpu.memref_slice %arg15[%rem3A_247, %scatter3A_623, %scatter3A_624] : memref<4x16x128xf32, #tpu.memory_space<vmem>> -> memref<1x16x128xf32, #tpu.memory_space<vmem>>
        %scatter3A_626 = tpu.memref_squeeze %scatter3A_625 : memref<1x16x128xf32, #tpu.memory_space<vmem>> -> memref<16x128xf32, #tpu.memory_space<vmem>>
        tpu.vector_store_idx %scatter3A_626[%iota3A, %broadcast_in_dim3A_622], %gather3A_620 masked %lt3A_231 : memref<16x128xf32, #tpu.memory_space<vmem>>[vector<16xi32>, vector<16xi32>], vector<16xf32>, vector<16xi1>
        %broadcast_in_dim3A_627 = arith.constant 13 : i32
        %broadcast_in_dim3A_628 = vector.broadcast %broadcast_in_dim3A_627 : i32 to vector<16xi32>
        %gather3A_629 = arith.constant 0 : i32
        %gather3A_630 = arith.constant 0 : i32
        %gather3A_631 = tpu.memref_slice %arg12[%rem3A_152, %gather3A_629, %gather3A_630] : memref<3x32x512xf32, #tpu.memory_space<vmem>> -> memref<1x32x512xf32, #tpu.memory_space<vmem>>
        %gather3A_632 = tpu.memref_squeeze %gather3A_631 : memref<1x32x512xf32, #tpu.memory_space<vmem>> -> memref<32x512xf32, #tpu.memory_space<vmem>>
        %gather3A_633 = tpu.vector_load_idx %gather3A_632[%broadcast_in_dim3A_628, %select_n3A_239] masked %lt3A_231 : memref<32x512xf32, #tpu.memory_space<vmem>>[vector<16xi32>, vector<16xi32>], vector<16xf32>, vector<16xi1>
        %broadcast_in_dim3A_634 = arith.constant 29 : i32
        %broadcast_in_dim3A_635 = vector.broadcast %broadcast_in_dim3A_634 : i32 to vector<16xi32>
        %scatter3A_636 = arith.constant 0 : i32
        %scatter3A_637 = arith.constant 0 : i32
        %scatter3A_638 = tpu.memref_slice %arg15[%rem3A_247, %scatter3A_636, %scatter3A_637] : memref<4x16x128xf32, #tpu.memory_space<vmem>> -> memref<1x16x128xf32, #tpu.memory_space<vmem>>
        %scatter3A_639 = tpu.memref_squeeze %scatter3A_638 : memref<1x16x128xf32, #tpu.memory_space<vmem>> -> memref<16x128xf32, #tpu.memory_space<vmem>>
        tpu.vector_store_idx %scatter3A_639[%iota3A, %broadcast_in_dim3A_635], %gather3A_633 masked %lt3A_231 : memref<16x128xf32, #tpu.memory_space<vmem>>[vector<16xi32>, vector<16xi32>], vector<16xf32>, vector<16xi1>
        %broadcast_in_dim3A_640 = arith.constant 14 : i32
        %broadcast_in_dim3A_641 = vector.broadcast %broadcast_in_dim3A_640 : i32 to vector<16xi32>
        %gather3A_642 = arith.constant 0 : i32
        %gather3A_643 = arith.constant 0 : i32
        %gather3A_644 = tpu.memref_slice %arg12[%rem3A_152, %gather3A_642, %gather3A_643] : memref<3x32x512xf32, #tpu.memory_space<vmem>> -> memref<1x32x512xf32, #tpu.memory_space<vmem>>
        %gather3A_645 = tpu.memref_squeeze %gather3A_644 : memref<1x32x512xf32, #tpu.memory_space<vmem>> -> memref<32x512xf32, #tpu.memory_space<vmem>>
        %gather3A_646 = tpu.vector_load_idx %gather3A_645[%broadcast_in_dim3A_641, %select_n3A_239] masked %lt3A_231 : memref<32x512xf32, #tpu.memory_space<vmem>>[vector<16xi32>, vector<16xi32>], vector<16xf32>, vector<16xi1>
        %broadcast_in_dim3A_647 = arith.constant 30 : i32
        %broadcast_in_dim3A_648 = vector.broadcast %broadcast_in_dim3A_647 : i32 to vector<16xi32>
        %scatter3A_649 = arith.constant 0 : i32
        %scatter3A_650 = arith.constant 0 : i32
        %scatter3A_651 = tpu.memref_slice %arg15[%rem3A_247, %scatter3A_649, %scatter3A_650] : memref<4x16x128xf32, #tpu.memory_space<vmem>> -> memref<1x16x128xf32, #tpu.memory_space<vmem>>
        %scatter3A_652 = tpu.memref_squeeze %scatter3A_651 : memref<1x16x128xf32, #tpu.memory_space<vmem>> -> memref<16x128xf32, #tpu.memory_space<vmem>>
        tpu.vector_store_idx %scatter3A_652[%iota3A, %broadcast_in_dim3A_648], %gather3A_646 masked %lt3A_231 : memref<16x128xf32, #tpu.memory_space<vmem>>[vector<16xi32>, vector<16xi32>], vector<16xf32>, vector<16xi1>
        %broadcast_in_dim3A_653 = arith.constant 15 : i32
        %broadcast_in_dim3A_654 = vector.broadcast %broadcast_in_dim3A_653 : i32 to vector<16xi32>
        %gather3A_655 = arith.constant 0 : i32
        %gather3A_656 = arith.constant 0 : i32
        %gather3A_657 = tpu.memref_slice %arg12[%rem3A_152, %gather3A_655, %gather3A_656] : memref<3x32x512xf32, #tpu.memory_space<vmem>> -> memref<1x32x512xf32, #tpu.memory_space<vmem>>
        %gather3A_658 = tpu.memref_squeeze %gather3A_657 : memref<1x32x512xf32, #tpu.memory_space<vmem>> -> memref<32x512xf32, #tpu.memory_space<vmem>>
        %gather3A_659 = tpu.vector_load_idx %gather3A_658[%broadcast_in_dim3A_654, %select_n3A_239] masked %lt3A_231 : memref<32x512xf32, #tpu.memory_space<vmem>>[vector<16xi32>, vector<16xi32>], vector<16xf32>, vector<16xi1>
        %broadcast_in_dim3A_660 = arith.constant 31 : i32
        %broadcast_in_dim3A_661 = vector.broadcast %broadcast_in_dim3A_660 : i32 to vector<16xi32>
        %scatter3A_662 = arith.constant 0 : i32
        %scatter3A_663 = arith.constant 0 : i32
        %scatter3A_664 = tpu.memref_slice %arg15[%rem3A_247, %scatter3A_662, %scatter3A_663] : memref<4x16x128xf32, #tpu.memory_space<vmem>> -> memref<1x16x128xf32, #tpu.memory_space<vmem>>
        %scatter3A_665 = tpu.memref_squeeze %scatter3A_664 : memref<1x16x128xf32, #tpu.memory_space<vmem>> -> memref<16x128xf32, #tpu.memory_space<vmem>>
        tpu.vector_store_idx %scatter3A_665[%iota3A, %broadcast_in_dim3A_661], %gather3A_659 masked %lt3A_231 : memref<16x128xf32, #tpu.memory_space<vmem>>[vector<16xi32>, vector<16xi32>], vector<16xf32>, vector<16xi1>
        %broadcast_in_dim3A_666 = arith.constant 16 : i32
        %broadcast_in_dim3A_667 = vector.broadcast %broadcast_in_dim3A_666 : i32 to vector<16xi32>
        %gather3A_668 = arith.constant 0 : i32
        %gather3A_669 = arith.constant 0 : i32
        %gather3A_670 = tpu.memref_slice %arg12[%rem3A_152, %gather3A_668, %gather3A_669] : memref<3x32x512xf32, #tpu.memory_space<vmem>> -> memref<1x32x512xf32, #tpu.memory_space<vmem>>
        %gather3A_671 = tpu.memref_squeeze %gather3A_670 : memref<1x32x512xf32, #tpu.memory_space<vmem>> -> memref<32x512xf32, #tpu.memory_space<vmem>>
        %gather3A_672 = tpu.vector_load_idx %gather3A_671[%broadcast_in_dim3A_667, %select_n3A_239] masked %lt3A_231 : memref<32x512xf32, #tpu.memory_space<vmem>>[vector<16xi32>, vector<16xi32>], vector<16xf32>, vector<16xi1>
        %broadcast_in_dim3A_673 = arith.constant 32 : i32
        %broadcast_in_dim3A_674 = vector.broadcast %broadcast_in_dim3A_673 : i32 to vector<16xi32>
        %scatter3A_675 = arith.constant 0 : i32
        %scatter3A_676 = arith.constant 0 : i32
        %scatter3A_677 = tpu.memref_slice %arg15[%rem3A_247, %scatter3A_675, %scatter3A_676] : memref<4x16x128xf32, #tpu.memory_space<vmem>> -> memref<1x16x128xf32, #tpu.memory_space<vmem>>
        %scatter3A_678 = tpu.memref_squeeze %scatter3A_677 : memref<1x16x128xf32, #tpu.memory_space<vmem>> -> memref<16x128xf32, #tpu.memory_space<vmem>>
        tpu.vector_store_idx %scatter3A_678[%iota3A, %broadcast_in_dim3A_674], %gather3A_672 masked %lt3A_231 : memref<16x128xf32, #tpu.memory_space<vmem>>[vector<16xi32>, vector<16xi32>], vector<16xf32>, vector<16xi1>
        %broadcast_in_dim3A_679 = arith.constant 17 : i32
        %broadcast_in_dim3A_680 = vector.broadcast %broadcast_in_dim3A_679 : i32 to vector<16xi32>
        %gather3A_681 = arith.constant 0 : i32
        %gather3A_682 = arith.constant 0 : i32
        %gather3A_683 = tpu.memref_slice %arg12[%rem3A_152, %gather3A_681, %gather3A_682] : memref<3x32x512xf32, #tpu.memory_space<vmem>> -> memref<1x32x512xf32, #tpu.memory_space<vmem>>
        %gather3A_684 = tpu.memref_squeeze %gather3A_683 : memref<1x32x512xf32, #tpu.memory_space<vmem>> -> memref<32x512xf32, #tpu.memory_space<vmem>>
        %gather3A_685 = tpu.vector_load_idx %gather3A_684[%broadcast_in_dim3A_680, %select_n3A_239] masked %lt3A_231 : memref<32x512xf32, #tpu.memory_space<vmem>>[vector<16xi32>, vector<16xi32>], vector<16xf32>, vector<16xi1>
        %broadcast_in_dim3A_686 = arith.constant 33 : i32
        %broadcast_in_dim3A_687 = vector.broadcast %broadcast_in_dim3A_686 : i32 to vector<16xi32>
        %scatter3A_688 = arith.constant 0 : i32
        %scatter3A_689 = arith.constant 0 : i32
        %scatter3A_690 = tpu.memref_slice %arg15[%rem3A_247, %scatter3A_688, %scatter3A_689] : memref<4x16x128xf32, #tpu.memory_space<vmem>> -> memref<1x16x128xf32, #tpu.memory_space<vmem>>
        %scatter3A_691 = tpu.memref_squeeze %scatter3A_690 : memref<1x16x128xf32, #tpu.memory_space<vmem>> -> memref<16x128xf32, #tpu.memory_space<vmem>>
        tpu.vector_store_idx %scatter3A_691[%iota3A, %broadcast_in_dim3A_687], %gather3A_685 masked %lt3A_231 : memref<16x128xf32, #tpu.memory_space<vmem>>[vector<16xi32>, vector<16xi32>], vector<16xf32>, vector<16xi1>
        %broadcast_in_dim3A_692 = arith.constant 18 : i32
        %broadcast_in_dim3A_693 = vector.broadcast %broadcast_in_dim3A_692 : i32 to vector<16xi32>
        %gather3A_694 = arith.constant 0 : i32
        %gather3A_695 = arith.constant 0 : i32
        %gather3A_696 = tpu.memref_slice %arg12[%rem3A_152, %gather3A_694, %gather3A_695] : memref<3x32x512xf32, #tpu.memory_space<vmem>> -> memref<1x32x512xf32, #tpu.memory_space<vmem>>
        %gather3A_697 = tpu.memref_squeeze %gather3A_696 : memref<1x32x512xf32, #tpu.memory_space<vmem>> -> memref<32x512xf32, #tpu.memory_space<vmem>>
        %gather3A_698 = tpu.vector_load_idx %gather3A_697[%broadcast_in_dim3A_693, %select_n3A_239] masked %lt3A_231 : memref<32x512xf32, #tpu.memory_space<vmem>>[vector<16xi32>, vector<16xi32>], vector<16xf32>, vector<16xi1>
        %broadcast_in_dim3A_699 = arith.constant 34 : i32
        %broadcast_in_dim3A_700 = vector.broadcast %broadcast_in_dim3A_699 : i32 to vector<16xi32>
        %scatter3A_701 = arith.constant 0 : i32
        %scatter3A_702 = arith.constant 0 : i32
        %scatter3A_703 = tpu.memref_slice %arg15[%rem3A_247, %scatter3A_701, %scatter3A_702] : memref<4x16x128xf32, #tpu.memory_space<vmem>> -> memref<1x16x128xf32, #tpu.memory_space<vmem>>
        %scatter3A_704 = tpu.memref_squeeze %scatter3A_703 : memref<1x16x128xf32, #tpu.memory_space<vmem>> -> memref<16x128xf32, #tpu.memory_space<vmem>>
        tpu.vector_store_idx %scatter3A_704[%iota3A, %broadcast_in_dim3A_700], %gather3A_698 masked %lt3A_231 : memref<16x128xf32, #tpu.memory_space<vmem>>[vector<16xi32>, vector<16xi32>], vector<16xf32>, vector<16xi1>
        %broadcast_in_dim3A_705 = arith.constant 19 : i32
        %broadcast_in_dim3A_706 = vector.broadcast %broadcast_in_dim3A_705 : i32 to vector<16xi32>
        %gather3A_707 = arith.constant 0 : i32
        %gather3A_708 = arith.constant 0 : i32
        %gather3A_709 = tpu.memref_slice %arg12[%rem3A_152, %gather3A_707, %gather3A_708] : memref<3x32x512xf32, #tpu.memory_space<vmem>> -> memref<1x32x512xf32, #tpu.memory_space<vmem>>
        %gather3A_710 = tpu.memref_squeeze %gather3A_709 : memref<1x32x512xf32, #tpu.memory_space<vmem>> -> memref<32x512xf32, #tpu.memory_space<vmem>>
        %gather3A_711 = tpu.vector_load_idx %gather3A_710[%broadcast_in_dim3A_706, %select_n3A_239] masked %lt3A_231 : memref<32x512xf32, #tpu.memory_space<vmem>>[vector<16xi32>, vector<16xi32>], vector<16xf32>, vector<16xi1>
        %broadcast_in_dim3A_712 = arith.constant 35 : i32
        %broadcast_in_dim3A_713 = vector.broadcast %broadcast_in_dim3A_712 : i32 to vector<16xi32>
        %scatter3A_714 = arith.constant 0 : i32
        %scatter3A_715 = arith.constant 0 : i32
        %scatter3A_716 = tpu.memref_slice %arg15[%rem3A_247, %scatter3A_714, %scatter3A_715] : memref<4x16x128xf32, #tpu.memory_space<vmem>> -> memref<1x16x128xf32, #tpu.memory_space<vmem>>
        %scatter3A_717 = tpu.memref_squeeze %scatter3A_716 : memref<1x16x128xf32, #tpu.memory_space<vmem>> -> memref<16x128xf32, #tpu.memory_space<vmem>>
        tpu.vector_store_idx %scatter3A_717[%iota3A, %broadcast_in_dim3A_713], %gather3A_711 masked %lt3A_231 : memref<16x128xf32, #tpu.memory_space<vmem>>[vector<16xi32>, vector<16xi32>], vector<16xf32>, vector<16xi1>
        %broadcast_in_dim3A_718 = arith.constant 20 : i32
        %broadcast_in_dim3A_719 = vector.broadcast %broadcast_in_dim3A_718 : i32 to vector<16xi32>
        %gather3A_720 = arith.constant 0 : i32
        %gather3A_721 = arith.constant 0 : i32
        %gather3A_722 = tpu.memref_slice %arg12[%rem3A_152, %gather3A_720, %gather3A_721] : memref<3x32x512xf32, #tpu.memory_space<vmem>> -> memref<1x32x512xf32, #tpu.memory_space<vmem>>
        %gather3A_723 = tpu.memref_squeeze %gather3A_722 : memref<1x32x512xf32, #tpu.memory_space<vmem>> -> memref<32x512xf32, #tpu.memory_space<vmem>>
        %gather3A_724 = tpu.vector_load_idx %gather3A_723[%broadcast_in_dim3A_719, %select_n3A_239] masked %lt3A_231 : memref<32x512xf32, #tpu.memory_space<vmem>>[vector<16xi32>, vector<16xi32>], vector<16xf32>, vector<16xi1>
        %broadcast_in_dim3A_725 = arith.constant 36 : i32
        %broadcast_in_dim3A_726 = vector.broadcast %broadcast_in_dim3A_725 : i32 to vector<16xi32>
        %scatter3A_727 = arith.constant 0 : i32
        %scatter3A_728 = arith.constant 0 : i32
        %scatter3A_729 = tpu.memref_slice %arg15[%rem3A_247, %scatter3A_727, %scatter3A_728] : memref<4x16x128xf32, #tpu.memory_space<vmem>> -> memref<1x16x128xf32, #tpu.memory_space<vmem>>
        %scatter3A_730 = tpu.memref_squeeze %scatter3A_729 : memref<1x16x128xf32, #tpu.memory_space<vmem>> -> memref<16x128xf32, #tpu.memory_space<vmem>>
        tpu.vector_store_idx %scatter3A_730[%iota3A, %broadcast_in_dim3A_726], %gather3A_724 masked %lt3A_231 : memref<16x128xf32, #tpu.memory_space<vmem>>[vector<16xi32>, vector<16xi32>], vector<16xf32>, vector<16xi1>
        %broadcast_in_dim3A_731 = arith.constant 21 : i32
        %broadcast_in_dim3A_732 = vector.broadcast %broadcast_in_dim3A_731 : i32 to vector<16xi32>
        %gather3A_733 = arith.constant 0 : i32
        %gather3A_734 = arith.constant 0 : i32
        %gather3A_735 = tpu.memref_slice %arg12[%rem3A_152, %gather3A_733, %gather3A_734] : memref<3x32x512xf32, #tpu.memory_space<vmem>> -> memref<1x32x512xf32, #tpu.memory_space<vmem>>
        %gather3A_736 = tpu.memref_squeeze %gather3A_735 : memref<1x32x512xf32, #tpu.memory_space<vmem>> -> memref<32x512xf32, #tpu.memory_space<vmem>>
        %gather3A_737 = tpu.vector_load_idx %gather3A_736[%broadcast_in_dim3A_732, %select_n3A_239] masked %lt3A_231 : memref<32x512xf32, #tpu.memory_space<vmem>>[vector<16xi32>, vector<16xi32>], vector<16xf32>, vector<16xi1>
        %broadcast_in_dim3A_738 = arith.constant 37 : i32
        %broadcast_in_dim3A_739 = vector.broadcast %broadcast_in_dim3A_738 : i32 to vector<16xi32>
        %scatter3A_740 = arith.constant 0 : i32
        %scatter3A_741 = arith.constant 0 : i32
        %scatter3A_742 = tpu.memref_slice %arg15[%rem3A_247, %scatter3A_740, %scatter3A_741] : memref<4x16x128xf32, #tpu.memory_space<vmem>> -> memref<1x16x128xf32, #tpu.memory_space<vmem>>
        %scatter3A_743 = tpu.memref_squeeze %scatter3A_742 : memref<1x16x128xf32, #tpu.memory_space<vmem>> -> memref<16x128xf32, #tpu.memory_space<vmem>>
        tpu.vector_store_idx %scatter3A_743[%iota3A, %broadcast_in_dim3A_739], %gather3A_737 masked %lt3A_231 : memref<16x128xf32, #tpu.memory_space<vmem>>[vector<16xi32>, vector<16xi32>], vector<16xf32>, vector<16xi1>
        %broadcast_in_dim3A_744 = arith.constant 22 : i32
        %broadcast_in_dim3A_745 = vector.broadcast %broadcast_in_dim3A_744 : i32 to vector<16xi32>
        %gather3A_746 = arith.constant 0 : i32
        %gather3A_747 = arith.constant 0 : i32
        %gather3A_748 = tpu.memref_slice %arg12[%rem3A_152, %gather3A_746, %gather3A_747] : memref<3x32x512xf32, #tpu.memory_space<vmem>> -> memref<1x32x512xf32, #tpu.memory_space<vmem>>
        %gather3A_749 = tpu.memref_squeeze %gather3A_748 : memref<1x32x512xf32, #tpu.memory_space<vmem>> -> memref<32x512xf32, #tpu.memory_space<vmem>>
        %gather3A_750 = tpu.vector_load_idx %gather3A_749[%broadcast_in_dim3A_745, %select_n3A_239] masked %lt3A_231 : memref<32x512xf32, #tpu.memory_space<vmem>>[vector<16xi32>, vector<16xi32>], vector<16xf32>, vector<16xi1>
        %broadcast_in_dim3A_751 = arith.constant 38 : i32
        %broadcast_in_dim3A_752 = vector.broadcast %broadcast_in_dim3A_751 : i32 to vector<16xi32>
        %scatter3A_753 = arith.constant 0 : i32
        %scatter3A_754 = arith.constant 0 : i32
        %scatter3A_755 = tpu.memref_slice %arg15[%rem3A_247, %scatter3A_753, %scatter3A_754] : memref<4x16x128xf32, #tpu.memory_space<vmem>> -> memref<1x16x128xf32, #tpu.memory_space<vmem>>
        %scatter3A_756 = tpu.memref_squeeze %scatter3A_755 : memref<1x16x128xf32, #tpu.memory_space<vmem>> -> memref<16x128xf32, #tpu.memory_space<vmem>>
        tpu.vector_store_idx %scatter3A_756[%iota3A, %broadcast_in_dim3A_752], %gather3A_750 masked %lt3A_231 : memref<16x128xf32, #tpu.memory_space<vmem>>[vector<16xi32>, vector<16xi32>], vector<16xf32>, vector<16xi1>
        %broadcast_in_dim3A_757 = arith.constant 23 : i32
        %broadcast_in_dim3A_758 = vector.broadcast %broadcast_in_dim3A_757 : i32 to vector<16xi32>
        %gather3A_759 = arith.constant 0 : i32
        %gather3A_760 = arith.constant 0 : i32
        %gather3A_761 = tpu.memref_slice %arg12[%rem3A_152, %gather3A_759, %gather3A_760] : memref<3x32x512xf32, #tpu.memory_space<vmem>> -> memref<1x32x512xf32, #tpu.memory_space<vmem>>
        %gather3A_762 = tpu.memref_squeeze %gather3A_761 : memref<1x32x512xf32, #tpu.memory_space<vmem>> -> memref<32x512xf32, #tpu.memory_space<vmem>>
        %gather3A_763 = tpu.vector_load_idx %gather3A_762[%broadcast_in_dim3A_758, %select_n3A_239] masked %lt3A_231 : memref<32x512xf32, #tpu.memory_space<vmem>>[vector<16xi32>, vector<16xi32>], vector<16xf32>, vector<16xi1>
        %broadcast_in_dim3A_764 = arith.constant 39 : i32
        %broadcast_in_dim3A_765 = vector.broadcast %broadcast_in_dim3A_764 : i32 to vector<16xi32>
        %scatter3A_766 = arith.constant 0 : i32
        %scatter3A_767 = arith.constant 0 : i32
        %scatter3A_768 = tpu.memref_slice %arg15[%rem3A_247, %scatter3A_766, %scatter3A_767] : memref<4x16x128xf32, #tpu.memory_space<vmem>> -> memref<1x16x128xf32, #tpu.memory_space<vmem>>
        %scatter3A_769 = tpu.memref_squeeze %scatter3A_768 : memref<1x16x128xf32, #tpu.memory_space<vmem>> -> memref<16x128xf32, #tpu.memory_space<vmem>>
        tpu.vector_store_idx %scatter3A_769[%iota3A, %broadcast_in_dim3A_765], %gather3A_763 masked %lt3A_231 : memref<16x128xf32, #tpu.memory_space<vmem>>[vector<16xi32>, vector<16xi32>], vector<16xf32>, vector<16xi1>
        %broadcast_in_dim3A_770 = arith.constant 24 : i32
        %broadcast_in_dim3A_771 = vector.broadcast %broadcast_in_dim3A_770 : i32 to vector<16xi32>
        %gather3A_772 = arith.constant 0 : i32
        %gather3A_773 = arith.constant 0 : i32
        %gather3A_774 = tpu.memref_slice %arg12[%rem3A_152, %gather3A_772, %gather3A_773] : memref<3x32x512xf32, #tpu.memory_space<vmem>> -> memref<1x32x512xf32, #tpu.memory_space<vmem>>
        %gather3A_775 = tpu.memref_squeeze %gather3A_774 : memref<1x32x512xf32, #tpu.memory_space<vmem>> -> memref<32x512xf32, #tpu.memory_space<vmem>>
        %gather3A_776 = tpu.vector_load_idx %gather3A_775[%broadcast_in_dim3A_771, %select_n3A_239] masked %lt3A_231 : memref<32x512xf32, #tpu.memory_space<vmem>>[vector<16xi32>, vector<16xi32>], vector<16xf32>, vector<16xi1>
        %broadcast_in_dim3A_777 = arith.constant 40 : i32
        %broadcast_in_dim3A_778 = vector.broadcast %broadcast_in_dim3A_777 : i32 to vector<16xi32>
        %scatter3A_779 = arith.constant 0 : i32
        %scatter3A_780 = arith.constant 0 : i32
        %scatter3A_781 = tpu.memref_slice %arg15[%rem3A_247, %scatter3A_779, %scatter3A_780] : memref<4x16x128xf32, #tpu.memory_space<vmem>> -> memref<1x16x128xf32, #tpu.memory_space<vmem>>
        %scatter3A_782 = tpu.memref_squeeze %scatter3A_781 : memref<1x16x128xf32, #tpu.memory_space<vmem>> -> memref<16x128xf32, #tpu.memory_space<vmem>>
        tpu.vector_store_idx %scatter3A_782[%iota3A, %broadcast_in_dim3A_778], %gather3A_776 masked %lt3A_231 : memref<16x128xf32, #tpu.memory_space<vmem>>[vector<16xi32>, vector<16xi32>], vector<16xf32>, vector<16xi1>
        %broadcast_in_dim3A_783 = arith.constant 25 : i32
        %broadcast_in_dim3A_784 = vector.broadcast %broadcast_in_dim3A_783 : i32 to vector<16xi32>
        %gather3A_785 = arith.constant 0 : i32
        %gather3A_786 = arith.constant 0 : i32
        %gather3A_787 = tpu.memref_slice %arg12[%rem3A_152, %gather3A_785, %gather3A_786] : memref<3x32x512xf32, #tpu.memory_space<vmem>> -> memref<1x32x512xf32, #tpu.memory_space<vmem>>
        %gather3A_788 = tpu.memref_squeeze %gather3A_787 : memref<1x32x512xf32, #tpu.memory_space<vmem>> -> memref<32x512xf32, #tpu.memory_space<vmem>>
        %gather3A_789 = tpu.vector_load_idx %gather3A_788[%broadcast_in_dim3A_784, %select_n3A_239] masked %lt3A_231 : memref<32x512xf32, #tpu.memory_space<vmem>>[vector<16xi32>, vector<16xi32>], vector<16xf32>, vector<16xi1>
        %broadcast_in_dim3A_790 = arith.constant 41 : i32
        %broadcast_in_dim3A_791 = vector.broadcast %broadcast_in_dim3A_790 : i32 to vector<16xi32>
        %scatter3A_792 = arith.constant 0 : i32
        %scatter3A_793 = arith.constant 0 : i32
        %scatter3A_794 = tpu.memref_slice %arg15[%rem3A_247, %scatter3A_792, %scatter3A_793] : memref<4x16x128xf32, #tpu.memory_space<vmem>> -> memref<1x16x128xf32, #tpu.memory_space<vmem>>
        %scatter3A_795 = tpu.memref_squeeze %scatter3A_794 : memref<1x16x128xf32, #tpu.memory_space<vmem>> -> memref<16x128xf32, #tpu.memory_space<vmem>>
        tpu.vector_store_idx %scatter3A_795[%iota3A, %broadcast_in_dim3A_791], %gather3A_789 masked %lt3A_231 : memref<16x128xf32, #tpu.memory_space<vmem>>[vector<16xi32>, vector<16xi32>], vector<16xf32>, vector<16xi1>
        %broadcast_in_dim3A_796 = arith.constant 26 : i32
        %broadcast_in_dim3A_797 = vector.broadcast %broadcast_in_dim3A_796 : i32 to vector<16xi32>
        %gather3A_798 = arith.constant 0 : i32
        %gather3A_799 = arith.constant 0 : i32
        %gather3A_800 = tpu.memref_slice %arg12[%rem3A_152, %gather3A_798, %gather3A_799] : memref<3x32x512xf32, #tpu.memory_space<vmem>> -> memref<1x32x512xf32, #tpu.memory_space<vmem>>
        %gather3A_801 = tpu.memref_squeeze %gather3A_800 : memref<1x32x512xf32, #tpu.memory_space<vmem>> -> memref<32x512xf32, #tpu.memory_space<vmem>>
        %gather3A_802 = tpu.vector_load_idx %gather3A_801[%broadcast_in_dim3A_797, %select_n3A_239] masked %lt3A_231 : memref<32x512xf32, #tpu.memory_space<vmem>>[vector<16xi32>, vector<16xi32>], vector<16xf32>, vector<16xi1>
        %broadcast_in_dim3A_803 = arith.constant 42 : i32
        %broadcast_in_dim3A_804 = vector.broadcast %broadcast_in_dim3A_803 : i32 to vector<16xi32>
        %scatter3A_805 = arith.constant 0 : i32
        %scatter3A_806 = arith.constant 0 : i32
        %scatter3A_807 = tpu.memref_slice %arg15[%rem3A_247, %scatter3A_805, %scatter3A_806] : memref<4x16x128xf32, #tpu.memory_space<vmem>> -> memref<1x16x128xf32, #tpu.memory_space<vmem>>
        %scatter3A_808 = tpu.memref_squeeze %scatter3A_807 : memref<1x16x128xf32, #tpu.memory_space<vmem>> -> memref<16x128xf32, #tpu.memory_space<vmem>>
        tpu.vector_store_idx %scatter3A_808[%iota3A, %broadcast_in_dim3A_804], %gather3A_802 masked %lt3A_231 : memref<16x128xf32, #tpu.memory_space<vmem>>[vector<16xi32>, vector<16xi32>], vector<16xf32>, vector<16xi1>
        %broadcast_in_dim3A_809 = arith.constant 27 : i32
        %broadcast_in_dim3A_810 = vector.broadcast %broadcast_in_dim3A_809 : i32 to vector<16xi32>
        %gather3A_811 = arith.constant 0 : i32
        %gather3A_812 = arith.constant 0 : i32
        %gather3A_813 = tpu.memref_slice %arg12[%rem3A_152, %gather3A_811, %gather3A_812] : memref<3x32x512xf32, #tpu.memory_space<vmem>> -> memref<1x32x512xf32, #tpu.memory_space<vmem>>
        %gather3A_814 = tpu.memref_squeeze %gather3A_813 : memref<1x32x512xf32, #tpu.memory_space<vmem>> -> memref<32x512xf32, #tpu.memory_space<vmem>>
        %gather3A_815 = tpu.vector_load_idx %gather3A_814[%broadcast_in_dim3A_810, %select_n3A_239] masked %lt3A_231 : memref<32x512xf32, #tpu.memory_space<vmem>>[vector<16xi32>, vector<16xi32>], vector<16xf32>, vector<16xi1>
        %broadcast_in_dim3A_816 = arith.constant 43 : i32
        %broadcast_in_dim3A_817 = vector.broadcast %broadcast_in_dim3A_816 : i32 to vector<16xi32>
        %scatter3A_818 = arith.constant 0 : i32
        %scatter3A_819 = arith.constant 0 : i32
        %scatter3A_820 = tpu.memref_slice %arg15[%rem3A_247, %scatter3A_818, %scatter3A_819] : memref<4x16x128xf32, #tpu.memory_space<vmem>> -> memref<1x16x128xf32, #tpu.memory_space<vmem>>
        %scatter3A_821 = tpu.memref_squeeze %scatter3A_820 : memref<1x16x128xf32, #tpu.memory_space<vmem>> -> memref<16x128xf32, #tpu.memory_space<vmem>>
        tpu.vector_store_idx %scatter3A_821[%iota3A, %broadcast_in_dim3A_817], %gather3A_815 masked %lt3A_231 : memref<16x128xf32, #tpu.memory_space<vmem>>[vector<16xi32>, vector<16xi32>], vector<16xf32>, vector<16xi1>
        %broadcast_in_dim3A_822 = arith.constant 28 : i32
        %broadcast_in_dim3A_823 = vector.broadcast %broadcast_in_dim3A_822 : i32 to vector<16xi32>
        %gather3A_824 = arith.constant 0 : i32
        %gather3A_825 = arith.constant 0 : i32
        %gather3A_826 = tpu.memref_slice %arg12[%rem3A_152, %gather3A_824, %gather3A_825] : memref<3x32x512xf32, #tpu.memory_space<vmem>> -> memref<1x32x512xf32, #tpu.memory_space<vmem>>
        %gather3A_827 = tpu.memref_squeeze %gather3A_826 : memref<1x32x512xf32, #tpu.memory_space<vmem>> -> memref<32x512xf32, #tpu.memory_space<vmem>>
        %gather3A_828 = tpu.vector_load_idx %gather3A_827[%broadcast_in_dim3A_823, %select_n3A_239] masked %lt3A_231 : memref<32x512xf32, #tpu.memory_space<vmem>>[vector<16xi32>, vector<16xi32>], vector<16xf32>, vector<16xi1>
        %broadcast_in_dim3A_829 = arith.constant 44 : i32
        %broadcast_in_dim3A_830 = vector.broadcast %broadcast_in_dim3A_829 : i32 to vector<16xi32>
        %scatter3A_831 = arith.constant 0 : i32
        %scatter3A_832 = arith.constant 0 : i32
        %scatter3A_833 = tpu.memref_slice %arg15[%rem3A_247, %scatter3A_831, %scatter3A_832] : memref<4x16x128xf32, #tpu.memory_space<vmem>> -> memref<1x16x128xf32, #tpu.memory_space<vmem>>
        %scatter3A_834 = tpu.memref_squeeze %scatter3A_833 : memref<1x16x128xf32, #tpu.memory_space<vmem>> -> memref<16x128xf32, #tpu.memory_space<vmem>>
        tpu.vector_store_idx %scatter3A_834[%iota3A, %broadcast_in_dim3A_830], %gather3A_828 masked %lt3A_231 : memref<16x128xf32, #tpu.memory_space<vmem>>[vector<16xi32>, vector<16xi32>], vector<16xf32>, vector<16xi1>
        %broadcast_in_dim3A_835 = arith.constant 29 : i32
        %broadcast_in_dim3A_836 = vector.broadcast %broadcast_in_dim3A_835 : i32 to vector<16xi32>
        %gather3A_837 = arith.constant 0 : i32
        %gather3A_838 = arith.constant 0 : i32
        %gather3A_839 = tpu.memref_slice %arg12[%rem3A_152, %gather3A_837, %gather3A_838] : memref<3x32x512xf32, #tpu.memory_space<vmem>> -> memref<1x32x512xf32, #tpu.memory_space<vmem>>
        %gather3A_840 = tpu.memref_squeeze %gather3A_839 : memref<1x32x512xf32, #tpu.memory_space<vmem>> -> memref<32x512xf32, #tpu.memory_space<vmem>>
        %gather3A_841 = tpu.vector_load_idx %gather3A_840[%broadcast_in_dim3A_836, %select_n3A_239] masked %lt3A_231 : memref<32x512xf32, #tpu.memory_space<vmem>>[vector<16xi32>, vector<16xi32>], vector<16xf32>, vector<16xi1>
        %broadcast_in_dim3A_842 = arith.constant 45 : i32
        %broadcast_in_dim3A_843 = vector.broadcast %broadcast_in_dim3A_842 : i32 to vector<16xi32>
        %scatter3A_844 = arith.constant 0 : i32
        %scatter3A_845 = arith.constant 0 : i32
        %scatter3A_846 = tpu.memref_slice %arg15[%rem3A_247, %scatter3A_844, %scatter3A_845] : memref<4x16x128xf32, #tpu.memory_space<vmem>> -> memref<1x16x128xf32, #tpu.memory_space<vmem>>
        %scatter3A_847 = tpu.memref_squeeze %scatter3A_846 : memref<1x16x128xf32, #tpu.memory_space<vmem>> -> memref<16x128xf32, #tpu.memory_space<vmem>>
        tpu.vector_store_idx %scatter3A_847[%iota3A, %broadcast_in_dim3A_843], %gather3A_841 masked %lt3A_231 : memref<16x128xf32, #tpu.memory_space<vmem>>[vector<16xi32>, vector<16xi32>], vector<16xf32>, vector<16xi1>
        %broadcast_in_dim3A_848 = arith.constant 30 : i32
        %broadcast_in_dim3A_849 = vector.broadcast %broadcast_in_dim3A_848 : i32 to vector<16xi32>
        %gather3A_850 = arith.constant 0 : i32
        %gather3A_851 = arith.constant 0 : i32
        %gather3A_852 = tpu.memref_slice %arg12[%rem3A_152, %gather3A_850, %gather3A_851] : memref<3x32x512xf32, #tpu.memory_space<vmem>> -> memref<1x32x512xf32, #tpu.memory_space<vmem>>
        %gather3A_853 = tpu.memref_squeeze %gather3A_852 : memref<1x32x512xf32, #tpu.memory_space<vmem>> -> memref<32x512xf32, #tpu.memory_space<vmem>>
        %gather3A_854 = tpu.vector_load_idx %gather3A_853[%broadcast_in_dim3A_849, %select_n3A_239] masked %lt3A_231 : memref<32x512xf32, #tpu.memory_space<vmem>>[vector<16xi32>, vector<16xi32>], vector<16xf32>, vector<16xi1>
        %broadcast_in_dim3A_855 = arith.constant 46 : i32
        %broadcast_in_dim3A_856 = vector.broadcast %broadcast_in_dim3A_855 : i32 to vector<16xi32>
        %scatter3A_857 = arith.constant 0 : i32
        %scatter3A_858 = arith.constant 0 : i32
        %scatter3A_859 = tpu.memref_slice %arg15[%rem3A_247, %scatter3A_857, %scatter3A_858] : memref<4x16x128xf32, #tpu.memory_space<vmem>> -> memref<1x16x128xf32, #tpu.memory_space<vmem>>
        %scatter3A_860 = tpu.memref_squeeze %scatter3A_859 : memref<1x16x128xf32, #tpu.memory_space<vmem>> -> memref<16x128xf32, #tpu.memory_space<vmem>>
        tpu.vector_store_idx %scatter3A_860[%iota3A, %broadcast_in_dim3A_856], %gather3A_854 masked %lt3A_231 : memref<16x128xf32, #tpu.memory_space<vmem>>[vector<16xi32>, vector<16xi32>], vector<16xf32>, vector<16xi1>
        %broadcast_in_dim3A_861 = arith.constant 31 : i32
        %broadcast_in_dim3A_862 = vector.broadcast %broadcast_in_dim3A_861 : i32 to vector<16xi32>
        %gather3A_863 = arith.constant 0 : i32
        %gather3A_864 = arith.constant 0 : i32
        %gather3A_865 = tpu.memref_slice %arg12[%rem3A_152, %gather3A_863, %gather3A_864] : memref<3x32x512xf32, #tpu.memory_space<vmem>> -> memref<1x32x512xf32, #tpu.memory_space<vmem>>
        %gather3A_866 = tpu.memref_squeeze %gather3A_865 : memref<1x32x512xf32, #tpu.memory_space<vmem>> -> memref<32x512xf32, #tpu.memory_space<vmem>>
        %gather3A_867 = tpu.vector_load_idx %gather3A_866[%broadcast_in_dim3A_862, %select_n3A_239] masked %lt3A_231 : memref<32x512xf32, #tpu.memory_space<vmem>>[vector<16xi32>, vector<16xi32>], vector<16xf32>, vector<16xi1>
        %broadcast_in_dim3A_868 = arith.constant 47 : i32
        %broadcast_in_dim3A_869 = vector.broadcast %broadcast_in_dim3A_868 : i32 to vector<16xi32>
        %scatter3A_870 = arith.constant 0 : i32
        %scatter3A_871 = arith.constant 0 : i32
        %scatter3A_872 = tpu.memref_slice %arg15[%rem3A_247, %scatter3A_870, %scatter3A_871] : memref<4x16x128xf32, #tpu.memory_space<vmem>> -> memref<1x16x128xf32, #tpu.memory_space<vmem>>
        %scatter3A_873 = tpu.memref_squeeze %scatter3A_872 : memref<1x16x128xf32, #tpu.memory_space<vmem>> -> memref<16x128xf32, #tpu.memory_space<vmem>>
        tpu.vector_store_idx %scatter3A_873[%iota3A, %broadcast_in_dim3A_869], %gather3A_867 masked %lt3A_231 : memref<16x128xf32, #tpu.memory_space<vmem>>[vector<16xi32>, vector<16xi32>], vector<16xf32>, vector<16xi1>
        %dma_start3A_874 = arith.constant 0 : i32
        %dma_start3A_875 = arith.constant 0 : i32
        %dma_start3A_876 = tpu.memref_slice %arg15[%rem3A_247, %dma_start3A_874, %dma_start3A_875] : memref<4x16x128xf32, #tpu.memory_space<vmem>> -> memref<1x16x128xf32, #tpu.memory_space<vmem>>
        %dma_start3A_877 = tpu.memref_squeeze %dma_start3A_876 : memref<1x16x128xf32, #tpu.memory_space<vmem>> -> memref<16x128xf32, #tpu.memory_space<vmem>>
        %dma_start3A_878 = arith.constant 0 : i32
        %dma_start3A_879 = arith.constant 0 : i32
        %dma_start3A_880 = tpu.memref_slice %arg7[%dma_start3A_878, %dma_start3A_879] : memref<16400x128xf32, #tpu.memory_space<hbm>> -> memref<16400x128xf32, #tpu.memory_space<hbm>>
        tpu.enqueue_indirect_dma source(%dma_start3A_877 : memref<16x128xf32, #tpu.memory_space<vmem>>) target(%dma_start3A_880 : memref<16400x128xf32, #tpu.memory_space<hbm>>) offsets(%select_n3A_245 : vector<16xi32>) semaphore(%arg19 : memref<!tpu.dma_semaphore, #tpu.memory_space<semaphore_mem>>)
        %add3A_881 = arith.constant 1 : i32
        %add3A_882 = arith.addi %while3A_221, %add3A_881 : i32
        scf.yield %add3A_882 : i32
      }
      %while3A_218 = arith.constant 1 : i32
      %while3A_219 = scf.for %while3A_220 = %while3A_215 to %while3A_211 step %while3A_218 iter_args(%while3A_221 = %while3A_217) -> (i32)  : i32 {
        %mul3A_222 = arith.constant 16 : i32
        %mul3A_223 = arith.muli %while3A_220, %mul3A_222 : i32
        %get3A_224 = arith.index_cast %mul3A_223 : i32 to index
        %get3A_225 = tpu.vector_load %arg10[%get3A_224] {strides = array<i32>} : memref<16400xi32, #tpu.memory_space<vmem>>, vector<16xi32>,
        %mul3A_226 = arith.constant 16 : i32
        %mul3A_227 = arith.muli %while3A_220, %mul3A_226 : i32
        %add3A_228 = vector.broadcast %mul3A_227 : i32 to vector<16xi32>
        %add3A_229 = arith.addi %add3A_228, %iota3A : vector<16xi32>
        %lt3A_230 = vector.broadcast %squeeze3A_204 : i32 to vector<16xi32>
        %lt3A_231 = arith.cmpi slt, %add3A_229, %lt3A_230 : vector<16xi32>
        %shift_right_arithmetic3A_232 = arith.constant 14 : i32
        %shift_right_arithmetic3A_233 = vector.broadcast %shift_right_arithmetic3A_232 : i32 to vector<16xi32>
        %shift_right_arithmetic3A_234 = arith.shrsi %get3A_225, %shift_right_arithmetic3A_233 : vector<16xi32>
        %sub3A_235 = vector.broadcast %mul3A_186 : i32 to vector<16xi32>
        %sub3A_236 = arith.subi %shift_right_arithmetic3A_234, %sub3A_235 : vector<16xi32>
        %jit3A_237 = arith.constant 0 : i32
        %broadcast_in_dim3A_238 = vector.broadcast %jit3A_237 : i32 to vector<16xi32>
        %select_n3A_239 = arith.select %lt3A_231, %sub3A_236, %broadcast_in_dim3A_238 : vector<16xi1>, vector<16xi32>
        %and3A = arith.constant 16383 : i32
        %and3A_240 = vector.broadcast %and3A : i32 to vector<16xi32>
        %and3A_241 = arith.andi %get3A_225, %and3A_240 : vector<16xi32>
        %add3A_242 = arith.constant 16384 : i32
        %add3A_243 = vector.broadcast %add3A_242 : i32 to vector<16xi32>
        %add3A_244 = arith.addi %add3A_243, %iota3A : vector<16xi32>
        %select_n3A_245 = arith.select %lt3A_231, %and3A_241, %add3A_244 : vector<16xi1>, vector<16xi32>
        %rem3A_246 = arith.constant 4 : i32
        %rem3A_247 = arith.remsi %while3A_221, %rem3A_246 : i32
        %ge3A = arith.constant 4 : i32
        %ge3A_248 = arith.cmpi sge, %while3A_221, %ge3A : i32
        %convert_element_type3A_249 = arith.extui %ge3A_248 : i1 to i32
        %cond3A_250 = arith.constant 0 : i32
        %cond3A_251 = arith.cmpi ne, %convert_element_type3A_249, %cond3A_250 : i32
        scf.if %cond3A_251 {
          %dma_wait3A_883 = arith.constant 0 : i32
          %dma_wait3A_884 = arith.constant 0 : i32
          %dma_wait3A_885 = tpu.memref_slice %arg15[%rem3A_247, %dma_wait3A_883, %dma_wait3A_884] : memref<4x16x128xf32, #tpu.memory_space<vmem>> -> memref<1x16x128xf32, #tpu.memory_space<vmem>>
          %dma_wait3A_886 = tpu.memref_squeeze %dma_wait3A_885 : memref<1x16x128xf32, #tpu.memory_space<vmem>> -> memref<16x128xf32, #tpu.memory_space<vmem>>
          %dma_wait3A_887 = arith.constant 0 : i32
          %dma_wait3A_888 = arith.constant 0 : i32
          %dma_wait3A_889 = tpu.memref_slice %arg7[%dma_wait3A_887, %dma_wait3A_888] : memref<16400x128xf32, #tpu.memory_space<hbm>> -> memref<16x128xf32, #tpu.memory_space<hbm>>
          %dma_wait3A_890 = arith.constant 0 : i32
          %dma_wait3A_891 = arith.constant 0 : i32
          %dma_wait3A_892 = tpu.memref_slice %arg15[%rem3A_247, %dma_wait3A_890, %dma_wait3A_891] : memref<4x16x128xf32, #tpu.memory_space<vmem>> -> memref<1x16x128xf32, #tpu.memory_space<vmem>>
          %dma_wait3A_893 = tpu.memref_squeeze %dma_wait3A_892 : memref<1x16x128xf32, #tpu.memory_space<vmem>> -> memref<16x128xf32, #tpu.memory_space<vmem>>
          %dma_wait3A_894 = arith.constant 0 : i32
          %dma_wait3A_895 = arith.constant 0 : i32
          %dma_wait3A_896 = tpu.memref_slice %arg7[%dma_wait3A_894, %dma_wait3A_895] : memref<16400x128xf32, #tpu.memory_space<hbm>> -> memref<16x128xf32, #tpu.memory_space<hbm>>
          tpu.wait_dma2 semaphore(%arg19 : memref<!tpu.dma_semaphore, #tpu.memory_space<semaphore_mem>>) src(%dma_wait3A_896 : memref<16x128xf32, #tpu.memory_space<hbm>>) dst(%dma_wait3A_893 : memref<16x128xf32, #tpu.memory_space<vmem>>)
        } else {
        }
        %broadcast_in_dim3A_252 = arith.constant 0 : i32
        %broadcast_in_dim3A_253 = vector.broadcast %broadcast_in_dim3A_252 : i32 to vector<16xi32>
        %gather3A = arith.constant 0 : i32
        %gather3A_254 = arith.constant 0 : i32
        %gather3A_255 = tpu.memref_slice %arg11[%rem3A_152, %gather3A, %gather3A_254] : memref<3x16x512xf32, #tpu.memory_space<vmem>> -> memref<1x16x512xf32, #tpu.memory_space<vmem>>
        %gather3A_256 = tpu.memref_squeeze %gather3A_255 : memref<1x16x512xf32, #tpu.memory_space<vmem>> -> memref<16x512xf32, #tpu.memory_space<vmem>>
        %gather3A_257 = tpu.vector_load_idx %gather3A_256[%broadcast_in_dim3A_253, %select_n3A_239] masked %lt3A_231 : memref<16x512xf32, #tpu.memory_space<vmem>>[vector<16xi32>, vector<16xi32>], vector<16xf32>, vector<16xi1>
        %broadcast_in_dim3A_258 = arith.constant 0 : i32
        %broadcast_in_dim3A_259 = vector.broadcast %broadcast_in_dim3A_258 : i32 to vector<16xi32>
        %scatter3A = arith.constant 0 : i32
        %scatter3A_260 = arith.constant 0 : i32
        %scatter3A_261 = tpu.memref_slice %arg15[%rem3A_247, %scatter3A, %scatter3A_260] : memref<4x16x128xf32, #tpu.memory_space<vmem>> -> memref<1x16x128xf32, #tpu.memory_space<vmem>>
        %scatter3A_262 = tpu.memref_squeeze %scatter3A_261 : memref<1x16x128xf32, #tpu.memory_space<vmem>> -> memref<16x128xf32, #tpu.memory_space<vmem>>
        tpu.vector_store_idx %scatter3A_262[%iota3A, %broadcast_in_dim3A_259], %gather3A_257 masked %lt3A_231 : memref<16x128xf32, #tpu.memory_space<vmem>>[vector<16xi32>, vector<16xi32>], vector<16xf32>, vector<16xi1>
        %broadcast_in_dim3A_263 = arith.constant 1 : i32
        %broadcast_in_dim3A_264 = vector.broadcast %broadcast_in_dim3A_263 : i32 to vector<16xi32>
        %gather3A_265 = arith.constant 0 : i32
        %gather3A_266 = arith.constant 0 : i32
        %gather3A_267 = tpu.memref_slice %arg11[%rem3A_152, %gather3A_265, %gather3A_266] : memref<3x16x512xf32, #tpu.memory_space<vmem>> -> memref<1x16x512xf32, #tpu.memory_space<vmem>>
        %gather3A_268 = tpu.memref_squeeze %gather3A_267 : memref<1x16x512xf32, #tpu.memory_space<vmem>> -> memref<16x512xf32, #tpu.memory_space<vmem>>
        %gather3A_269 = tpu.vector_load_idx %gather3A_268[%broadcast_in_dim3A_264, %select_n3A_239] masked %lt3A_231 : memref<16x512xf32, #tpu.memory_space<vmem>>[vector<16xi32>, vector<16xi32>], vector<16xf32>, vector<16xi1>
        %broadcast_in_dim3A_270 = arith.constant 1 : i32
        %broadcast_in_dim3A_271 = vector.broadcast %broadcast_in_dim3A_270 : i32 to vector<16xi32>
        %scatter3A_272 = arith.constant 0 : i32
        %scatter3A_273 = arith.constant 0 : i32
        %scatter3A_274 = tpu.memref_slice %arg15[%rem3A_247, %scatter3A_272, %scatter3A_273] : memref<4x16x128xf32, #tpu.memory_space<vmem>> -> memref<1x16x128xf32, #tpu.memory_space<vmem>>
        %scatter3A_275 = tpu.memref_squeeze %scatter3A_274 : memref<1x16x128xf32, #tpu.memory_space<vmem>> -> memref<16x128xf32, #tpu.memory_space<vmem>>
        tpu.vector_store_idx %scatter3A_275[%iota3A, %broadcast_in_dim3A_271], %gather3A_269 masked %lt3A_231 : memref<16x128xf32, #tpu.memory_space<vmem>>[vector<16xi32>, vector<16xi32>], vector<16xf32>, vector<16xi1>
        %broadcast_in_dim3A_276 = arith.constant 2 : i32
        %broadcast_in_dim3A_277 = vector.broadcast %broadcast_in_dim3A_276 : i32 to vector<16xi32>
        %gather3A_278 = arith.constant 0 : i32
        %gather3A_279 = arith.constant 0 : i32
        %gather3A_280 = tpu.memref_slice %arg11[%rem3A_152, %gather3A_278, %gather3A_279] : memref<3x16x512xf32, #tpu.memory_space<vmem>> -> memref<1x16x512xf32, #tpu.memory_space<vmem>>
        %gather3A_281 = tpu.memref_squeeze %gather3A_280 : memref<1x16x512xf32, #tpu.memory_space<vmem>> -> memref<16x512xf32, #tpu.memory_space<vmem>>
        %gather3A_282 = tpu.vector_load_idx %gather3A_281[%broadcast_in_dim3A_277, %select_n3A_239] masked %lt3A_231 : memref<16x512xf32, #tpu.memory_space<vmem>>[vector<16xi32>, vector<16xi32>], vector<16xf32>, vector<16xi1>
        %broadcast_in_dim3A_283 = arith.constant 2 : i32
        %broadcast_in_dim3A_284 = vector.broadcast %broadcast_in_dim3A_283 : i32 to vector<16xi32>
        %scatter3A_285 = arith.constant 0 : i32
        %scatter3A_286 = arith.constant 0 : i32
        %scatter3A_287 = tpu.memref_slice %arg15[%rem3A_247, %scatter3A_285, %scatter3A_286] : memref<4x16x128xf32, #tpu.memory_space<vmem>> -> memref<1x16x128xf32, #tpu.memory_space<vmem>>
        %scatter3A_288 = tpu.memref_squeeze %scatter3A_287 : memref<1x16x128xf32, #tpu.memory_space<vmem>> -> memref<16x128xf32, #tpu.memory_space<vmem>>
        tpu.vector_store_idx %scatter3A_288[%iota3A, %broadcast_in_dim3A_284], %gather3A_282 masked %lt3A_231 : memref<16x128xf32, #tpu.memory_space<vmem>>[vector<16xi32>, vector<16xi32>], vector<16xf32>, vector<16xi1>
        %broadcast_in_dim3A_289 = arith.constant 3 : i32
        %broadcast_in_dim3A_290 = vector.broadcast %broadcast_in_dim3A_289 : i32 to vector<16xi32>
        %gather3A_291 = arith.constant 0 : i32
        %gather3A_292 = arith.constant 0 : i32
        %gather3A_293 = tpu.memref_slice %arg11[%rem3A_152, %gather3A_291, %gather3A_292] : memref<3x16x512xf32, #tpu.memory_space<vmem>> -> memref<1x16x512xf32, #tpu.memory_space<vmem>>
        %gather3A_294 = tpu.memref_squeeze %gather3A_293 : memref<1x16x512xf32, #tpu.memory_space<vmem>> -> memref<16x512xf32, #tpu.memory_space<vmem>>
        %gather3A_295 = tpu.vector_load_idx %gather3A_294[%broadcast_in_dim3A_290, %select_n3A_239] masked %lt3A_231 : memref<16x512xf32, #tpu.memory_space<vmem>>[vector<16xi32>, vector<16xi32>], vector<16xf32>, vector<16xi1>
        %broadcast_in_dim3A_296 = arith.constant 3 : i32
        %broadcast_in_dim3A_297 = vector.broadcast %broadcast_in_dim3A_296 : i32 to vector<16xi32>
        %scatter3A_298 = arith.constant 0 : i32
        %scatter3A_299 = arith.constant 0 : i32
        %scatter3A_300 = tpu.memref_slice %arg15[%rem3A_247, %scatter3A_298, %scatter3A_299] : memref<4x16x128xf32, #tpu.memory_space<vmem>> -> memref<1x16x128xf32, #tpu.memory_space<vmem>>
        %scatter3A_301 = tpu.memref_squeeze %scatter3A_300 : memref<1x16x128xf32, #tpu.memory_space<vmem>> -> memref<16x128xf32, #tpu.memory_space<vmem>>
        tpu.vector_store_idx %scatter3A_301[%iota3A, %broadcast_in_dim3A_297], %gather3A_295 masked %lt3A_231 : memref<16x128xf32, #tpu.memory_space<vmem>>[vector<16xi32>, vector<16xi32>], vector<16xf32>, vector<16xi1>
        %broadcast_in_dim3A_302 = arith.constant 4 : i32
        %broadcast_in_dim3A_303 = vector.broadcast %broadcast_in_dim3A_302 : i32 to vector<16xi32>
        %gather3A_304 = arith.constant 0 : i32
        %gather3A_305 = arith.constant 0 : i32
        %gather3A_306 = tpu.memref_slice %arg11[%rem3A_152, %gather3A_304, %gather3A_305] : memref<3x16x512xf32, #tpu.memory_space<vmem>> -> memref<1x16x512xf32, #tpu.memory_space<vmem>>
        %gather3A_307 = tpu.memref_squeeze %gather3A_306 : memref<1x16x512xf32, #tpu.memory_space<vmem>> -> memref<16x512xf32, #tpu.memory_space<vmem>>
        %gather3A_308 = tpu.vector_load_idx %gather3A_307[%broadcast_in_dim3A_303, %select_n3A_239] masked %lt3A_231 : memref<16x512xf32, #tpu.memory_space<vmem>>[vector<16xi32>, vector<16xi32>], vector<16xf32>, vector<16xi1>
        %broadcast_in_dim3A_309 = arith.constant 4 : i32
        %broadcast_in_dim3A_310 = vector.broadcast %broadcast_in_dim3A_309 : i32 to vector<16xi32>
        %scatter3A_311 = arith.constant 0 : i32
        %scatter3A_312 = arith.constant 0 : i32
        %scatter3A_313 = tpu.memref_slice %arg15[%rem3A_247, %scatter3A_311, %scatter3A_312] : memref<4x16x128xf32, #tpu.memory_space<vmem>> -> memref<1x16x128xf32, #tpu.memory_space<vmem>>
        %scatter3A_314 = tpu.memref_squeeze %scatter3A_313 : memref<1x16x128xf32, #tpu.memory_space<vmem>> -> memref<16x128xf32, #tpu.memory_space<vmem>>
        tpu.vector_store_idx %scatter3A_314[%iota3A, %broadcast_in_dim3A_310], %gather3A_308 masked %lt3A_231 : memref<16x128xf32, #tpu.memory_space<vmem>>[vector<16xi32>, vector<16xi32>], vector<16xf32>, vector<16xi1>
        %broadcast_in_dim3A_315 = arith.constant 5 : i32
        %broadcast_in_dim3A_316 = vector.broadcast %broadcast_in_dim3A_315 : i32 to vector<16xi32>
        %gather3A_317 = arith.constant 0 : i32
        %gather3A_318 = arith.constant 0 : i32
        %gather3A_319 = tpu.memref_slice %arg11[%rem3A_152, %gather3A_317, %gather3A_318] : memref<3x16x512xf32, #tpu.memory_space<vmem>> -> memref<1x16x512xf32, #tpu.memory_space<vmem>>
        %gather3A_320 = tpu.memref_squeeze %gather3A_319 : memref<1x16x512xf32, #tpu.memory_space<vmem>> -> memref<16x512xf32, #tpu.memory_space<vmem>>
        %gather3A_321 = tpu.vector_load_idx %gather3A_320[%broadcast_in_dim3A_316, %select_n3A_239] masked %lt3A_231 : memref<16x512xf32, #tpu.memory_space<vmem>>[vector<16xi32>, vector<16xi32>], vector<16xf32>, vector<16xi1>
        %broadcast_in_dim3A_322 = arith.constant 5 : i32
        %broadcast_in_dim3A_323 = vector.broadcast %broadcast_in_dim3A_322 : i32 to vector<16xi32>
        %scatter3A_324 = arith.constant 0 : i32
        %scatter3A_325 = arith.constant 0 : i32
        %scatter3A_326 = tpu.memref_slice %arg15[%rem3A_247, %scatter3A_324, %scatter3A_325] : memref<4x16x128xf32, #tpu.memory_space<vmem>> -> memref<1x16x128xf32, #tpu.memory_space<vmem>>
        %scatter3A_327 = tpu.memref_squeeze %scatter3A_326 : memref<1x16x128xf32, #tpu.memory_space<vmem>> -> memref<16x128xf32, #tpu.memory_space<vmem>>
        tpu.vector_store_idx %scatter3A_327[%iota3A, %broadcast_in_dim3A_323], %gather3A_321 masked %lt3A_231 : memref<16x128xf32, #tpu.memory_space<vmem>>[vector<16xi32>, vector<16xi32>], vector<16xf32>, vector<16xi1>
        %broadcast_in_dim3A_328 = arith.constant 6 : i32
        %broadcast_in_dim3A_329 = vector.broadcast %broadcast_in_dim3A_328 : i32 to vector<16xi32>
        %gather3A_330 = arith.constant 0 : i32
        %gather3A_331 = arith.constant 0 : i32
        %gather3A_332 = tpu.memref_slice %arg11[%rem3A_152, %gather3A_330, %gather3A_331] : memref<3x16x512xf32, #tpu.memory_space<vmem>> -> memref<1x16x512xf32, #tpu.memory_space<vmem>>
        %gather3A_333 = tpu.memref_squeeze %gather3A_332 : memref<1x16x512xf32, #tpu.memory_space<vmem>> -> memref<16x512xf32, #tpu.memory_space<vmem>>
        %gather3A_334 = tpu.vector_load_idx %gather3A_333[%broadcast_in_dim3A_329, %select_n3A_239] masked %lt3A_231 : memref<16x512xf32, #tpu.memory_space<vmem>>[vector<16xi32>, vector<16xi32>], vector<16xf32>, vector<16xi1>
        %broadcast_in_dim3A_335 = arith.constant 6 : i32
        %broadcast_in_dim3A_336 = vector.broadcast %broadcast_in_dim3A_335 : i32 to vector<16xi32>
        %scatter3A_337 = arith.constant 0 : i32
        %scatter3A_338 = arith.constant 0 : i32
        %scatter3A_339 = tpu.memref_slice %arg15[%rem3A_247, %scatter3A_337, %scatter3A_338] : memref<4x16x128xf32, #tpu.memory_space<vmem>> -> memref<1x16x128xf32, #tpu.memory_space<vmem>>
        %scatter3A_340 = tpu.memref_squeeze %scatter3A_339 : memref<1x16x128xf32, #tpu.memory_space<vmem>> -> memref<16x128xf32, #tpu.memory_space<vmem>>
        tpu.vector_store_idx %scatter3A_340[%iota3A, %broadcast_in_dim3A_336], %gather3A_334 masked %lt3A_231 : memref<16x128xf32, #tpu.memory_space<vmem>>[vector<16xi32>, vector<16xi32>], vector<16xf32>, vector<16xi1>
        %broadcast_in_dim3A_341 = arith.constant 7 : i32
        %broadcast_in_dim3A_342 = vector.broadcast %broadcast_in_dim3A_341 : i32 to vector<16xi32>
        %gather3A_343 = arith.constant 0 : i32
        %gather3A_344 = arith.constant 0 : i32
        %gather3A_345 = tpu.memref_slice %arg11[%rem3A_152, %gather3A_343, %gather3A_344] : memref<3x16x512xf32, #tpu.memory_space<vmem>> -> memref<1x16x512xf32, #tpu.memory_space<vmem>>
        %gather3A_346 = tpu.memref_squeeze %gather3A_345 : memref<1x16x512xf32, #tpu.memory_space<vmem>> -> memref<16x512xf32, #tpu.memory_space<vmem>>
        %gather3A_347 = tpu.vector_load_idx %gather3A_346[%broadcast_in_dim3A_342, %select_n3A_239] masked %lt3A_231 : memref<16x512xf32, #tpu.memory_space<vmem>>[vector<16xi32>, vector<16xi32>], vector<16xf32>, vector<16xi1>
        %broadcast_in_dim3A_348 = arith.constant 7 : i32
        %broadcast_in_dim3A_349 = vector.broadcast %broadcast_in_dim3A_348 : i32 to vector<16xi32>
        %scatter3A_350 = arith.constant 0 : i32
        %scatter3A_351 = arith.constant 0 : i32
        %scatter3A_352 = tpu.memref_slice %arg15[%rem3A_247, %scatter3A_350, %scatter3A_351] : memref<4x16x128xf32, #tpu.memory_space<vmem>> -> memref<1x16x128xf32, #tpu.memory_space<vmem>>
        %scatter3A_353 = tpu.memref_squeeze %scatter3A_352 : memref<1x16x128xf32, #tpu.memory_space<vmem>> -> memref<16x128xf32, #tpu.memory_space<vmem>>
        tpu.vector_store_idx %scatter3A_353[%iota3A, %broadcast_in_dim3A_349], %gather3A_347 masked %lt3A_231 : memref<16x128xf32, #tpu.memory_space<vmem>>[vector<16xi32>, vector<16xi32>], vector<16xf32>, vector<16xi1>
        %broadcast_in_dim3A_354 = arith.constant 8 : i32
        %broadcast_in_dim3A_355 = vector.broadcast %broadcast_in_dim3A_354 : i32 to vector<16xi32>
        %gather3A_356 = arith.constant 0 : i32
        %gather3A_357 = arith.constant 0 : i32
        %gather3A_358 = tpu.memref_slice %arg11[%rem3A_152, %gather3A_356, %gather3A_357] : memref<3x16x512xf32, #tpu.memory_space<vmem>> -> memref<1x16x512xf32, #tpu.memory_space<vmem>>
        %gather3A_359 = tpu.memref_squeeze %gather3A_358 : memref<1x16x512xf32, #tpu.memory_space<vmem>> -> memref<16x512xf32, #tpu.memory_space<vmem>>
        %gather3A_360 = tpu.vector_load_idx %gather3A_359[%broadcast_in_dim3A_355, %select_n3A_239] masked %lt3A_231 : memref<16x512xf32, #tpu.memory_space<vmem>>[vector<16xi32>, vector<16xi32>], vector<16xf32>, vector<16xi1>
        %broadcast_in_dim3A_361 = arith.constant 8 : i32
        %broadcast_in_dim3A_362 = vector.broadcast %broadcast_in_dim3A_361 : i32 to vector<16xi32>
        %scatter3A_363 = arith.constant 0 : i32
        %scatter3A_364 = arith.constant 0 : i32
        %scatter3A_365 = tpu.memref_slice %arg15[%rem3A_247, %scatter3A_363, %scatter3A_364] : memref<4x16x128xf32, #tpu.memory_space<vmem>> -> memref<1x16x128xf32, #tpu.memory_space<vmem>>
        %scatter3A_366 = tpu.memref_squeeze %scatter3A_365 : memref<1x16x128xf32, #tpu.memory_space<vmem>> -> memref<16x128xf32, #tpu.memory_space<vmem>>
        tpu.vector_store_idx %scatter3A_366[%iota3A, %broadcast_in_dim3A_362], %gather3A_360 masked %lt3A_231 : memref<16x128xf32, #tpu.memory_space<vmem>>[vector<16xi32>, vector<16xi32>], vector<16xf32>, vector<16xi1>
        %broadcast_in_dim3A_367 = arith.constant 9 : i32
        %broadcast_in_dim3A_368 = vector.broadcast %broadcast_in_dim3A_367 : i32 to vector<16xi32>
        %gather3A_369 = arith.constant 0 : i32
        %gather3A_370 = arith.constant 0 : i32
        %gather3A_371 = tpu.memref_slice %arg11[%rem3A_152, %gather3A_369, %gather3A_370] : memref<3x16x512xf32, #tpu.memory_space<vmem>> -> memref<1x16x512xf32, #tpu.memory_space<vmem>>
        %gather3A_372 = tpu.memref_squeeze %gather3A_371 : memref<1x16x512xf32, #tpu.memory_space<vmem>> -> memref<16x512xf32, #tpu.memory_space<vmem>>
        %gather3A_373 = tpu.vector_load_idx %gather3A_372[%broadcast_in_dim3A_368, %select_n3A_239] masked %lt3A_231 : memref<16x512xf32, #tpu.memory_space<vmem>>[vector<16xi32>, vector<16xi32>], vector<16xf32>, vector<16xi1>
        %broadcast_in_dim3A_374 = arith.constant 9 : i32
        %broadcast_in_dim3A_375 = vector.broadcast %broadcast_in_dim3A_374 : i32 to vector<16xi32>
        %scatter3A_376 = arith.constant 0 : i32
        %scatter3A_377 = arith.constant 0 : i32
        %scatter3A_378 = tpu.memref_slice %arg15[%rem3A_247, %scatter3A_376, %scatter3A_377] : memref<4x16x128xf32, #tpu.memory_space<vmem>> -> memref<1x16x128xf32, #tpu.memory_space<vmem>>
        %scatter3A_379 = tpu.memref_squeeze %scatter3A_378 : memref<1x16x128xf32, #tpu.memory_space<vmem>> -> memref<16x128xf32, #tpu.memory_space<vmem>>
        tpu.vector_store_idx %scatter3A_379[%iota3A, %broadcast_in_dim3A_375], %gather3A_373 masked %lt3A_231 : memref<16x128xf32, #tpu.memory_space<vmem>>[vector<16xi32>, vector<16xi32>], vector<16xf32>, vector<16xi1>
        %broadcast_in_dim3A_380 = arith.constant 10 : i32
        %broadcast_in_dim3A_381 = vector.broadcast %broadcast_in_dim3A_380 : i32 to vector<16xi32>
        %gather3A_382 = arith.constant 0 : i32
        %gather3A_383 = arith.constant 0 : i32
        %gather3A_384 = tpu.memref_slice %arg11[%rem3A_152, %gather3A_382, %gather3A_383] : memref<3x16x512xf32, #tpu.memory_space<vmem>> -> memref<1x16x512xf32, #tpu.memory_space<vmem>>
        %gather3A_385 = tpu.memref_squeeze %gather3A_384 : memref<1x16x512xf32, #tpu.memory_space<vmem>> -> memref<16x512xf32, #tpu.memory_space<vmem>>
        %gather3A_386 = tpu.vector_load_idx %gather3A_385[%broadcast_in_dim3A_381, %select_n3A_239] masked %lt3A_231 : memref<16x512xf32, #tpu.memory_space<vmem>>[vector<16xi32>, vector<16xi32>], vector<16xf32>, vector<16xi1>
        %broadcast_in_dim3A_387 = arith.constant 10 : i32
        %broadcast_in_dim3A_388 = vector.broadcast %broadcast_in_dim3A_387 : i32 to vector<16xi32>
        %scatter3A_389 = arith.constant 0 : i32
        %scatter3A_390 = arith.constant 0 : i32
        %scatter3A_391 = tpu.memref_slice %arg15[%rem3A_247, %scatter3A_389, %scatter3A_390] : memref<4x16x128xf32, #tpu.memory_space<vmem>> -> memref<1x16x128xf32, #tpu.memory_space<vmem>>
        %scatter3A_392 = tpu.memref_squeeze %scatter3A_391 : memref<1x16x128xf32, #tpu.memory_space<vmem>> -> memref<16x128xf32, #tpu.memory_space<vmem>>
        tpu.vector_store_idx %scatter3A_392[%iota3A, %broadcast_in_dim3A_388], %gather3A_386 masked %lt3A_231 : memref<16x128xf32, #tpu.memory_space<vmem>>[vector<16xi32>, vector<16xi32>], vector<16xf32>, vector<16xi1>
        %broadcast_in_dim3A_393 = arith.constant 11 : i32
        %broadcast_in_dim3A_394 = vector.broadcast %broadcast_in_dim3A_393 : i32 to vector<16xi32>
        %gather3A_395 = arith.constant 0 : i32
        %gather3A_396 = arith.constant 0 : i32
        %gather3A_397 = tpu.memref_slice %arg11[%rem3A_152, %gather3A_395, %gather3A_396] : memref<3x16x512xf32, #tpu.memory_space<vmem>> -> memref<1x16x512xf32, #tpu.memory_space<vmem>>
        %gather3A_398 = tpu.memref_squeeze %gather3A_397 : memref<1x16x512xf32, #tpu.memory_space<vmem>> -> memref<16x512xf32, #tpu.memory_space<vmem>>
        %gather3A_399 = tpu.vector_load_idx %gather3A_398[%broadcast_in_dim3A_394, %select_n3A_239] masked %lt3A_231 : memref<16x512xf32, #tpu.memory_space<vmem>>[vector<16xi32>, vector<16xi32>], vector<16xf32>, vector<16xi1>
        %broadcast_in_dim3A_400 = arith.constant 11 : i32
        %broadcast_in_dim3A_401 = vector.broadcast %broadcast_in_dim3A_400 : i32 to vector<16xi32>
        %scatter3A_402 = arith.constant 0 : i32
        %scatter3A_403 = arith.constant 0 : i32
        %scatter3A_404 = tpu.memref_slice %arg15[%rem3A_247, %scatter3A_402, %scatter3A_403] : memref<4x16x128xf32, #tpu.memory_space<vmem>> -> memref<1x16x128xf32, #tpu.memory_space<vmem>>
        %scatter3A_405 = tpu.memref_squeeze %scatter3A_404 : memref<1x16x128xf32, #tpu.memory_space<vmem>> -> memref<16x128xf32, #tpu.memory_space<vmem>>
        tpu.vector_store_idx %scatter3A_405[%iota3A, %broadcast_in_dim3A_401], %gather3A_399 masked %lt3A_231 : memref<16x128xf32, #tpu.memory_space<vmem>>[vector<16xi32>, vector<16xi32>], vector<16xf32>, vector<16xi1>
        %broadcast_in_dim3A_406 = arith.constant 12 : i32
        %broadcast_in_dim3A_407 = vector.broadcast %broadcast_in_dim3A_406 : i32 to vector<16xi32>
        %gather3A_408 = arith.constant 0 : i32
        %gather3A_409 = arith.constant 0 : i32
        %gather3A_410 = tpu.memref_slice %arg11[%rem3A_152, %gather3A_408, %gather3A_409] : memref<3x16x512xf32, #tpu.memory_space<vmem>> -> memref<1x16x512xf32, #tpu.memory_space<vmem>>
        %gather3A_411 = tpu.memref_squeeze %gather3A_410 : memref<1x16x512xf32, #tpu.memory_space<vmem>> -> memref<16x512xf32, #tpu.memory_space<vmem>>
        %gather3A_412 = tpu.vector_load_idx %gather3A_411[%broadcast_in_dim3A_407, %select_n3A_239] masked %lt3A_231 : memref<16x512xf32, #tpu.memory_space<vmem>>[vector<16xi32>, vector<16xi32>], vector<16xf32>, vector<16xi1>
        %broadcast_in_dim3A_413 = arith.constant 12 : i32
        %broadcast_in_dim3A_414 = vector.broadcast %broadcast_in_dim3A_413 : i32 to vector<16xi32>
        %scatter3A_415 = arith.constant 0 : i32
        %scatter3A_416 = arith.constant 0 : i32
        %scatter3A_417 = tpu.memref_slice %arg15[%rem3A_247, %scatter3A_415, %scatter3A_416] : memref<4x16x128xf32, #tpu.memory_space<vmem>> -> memref<1x16x128xf32, #tpu.memory_space<vmem>>
        %scatter3A_418 = tpu.memref_squeeze %scatter3A_417 : memref<1x16x128xf32, #tpu.memory_space<vmem>> -> memref<16x128xf32, #tpu.memory_space<vmem>>
        tpu.vector_store_idx %scatter3A_418[%iota3A, %broadcast_in_dim3A_414], %gather3A_412 masked %lt3A_231 : memref<16x128xf32, #tpu.memory_space<vmem>>[vector<16xi32>, vector<16xi32>], vector<16xf32>, vector<16xi1>
        %broadcast_in_dim3A_419 = arith.constant 13 : i32
        %broadcast_in_dim3A_420 = vector.broadcast %broadcast_in_dim3A_419 : i32 to vector<16xi32>
        %gather3A_421 = arith.constant 0 : i32
        %gather3A_422 = arith.constant 0 : i32
        %gather3A_423 = tpu.memref_slice %arg11[%rem3A_152, %gather3A_421, %gather3A_422] : memref<3x16x512xf32, #tpu.memory_space<vmem>> -> memref<1x16x512xf32, #tpu.memory_space<vmem>>
        %gather3A_424 = tpu.memref_squeeze %gather3A_423 : memref<1x16x512xf32, #tpu.memory_space<vmem>> -> memref<16x512xf32, #tpu.memory_space<vmem>>
        %gather3A_425 = tpu.vector_load_idx %gather3A_424[%broadcast_in_dim3A_420, %select_n3A_239] masked %lt3A_231 : memref<16x512xf32, #tpu.memory_space<vmem>>[vector<16xi32>, vector<16xi32>], vector<16xf32>, vector<16xi1>
        %broadcast_in_dim3A_426 = arith.constant 13 : i32
        %broadcast_in_dim3A_427 = vector.broadcast %broadcast_in_dim3A_426 : i32 to vector<16xi32>
        %scatter3A_428 = arith.constant 0 : i32
        %scatter3A_429 = arith.constant 0 : i32
        %scatter3A_430 = tpu.memref_slice %arg15[%rem3A_247, %scatter3A_428, %scatter3A_429] : memref<4x16x128xf32, #tpu.memory_space<vmem>> -> memref<1x16x128xf32, #tpu.memory_space<vmem>>
        %scatter3A_431 = tpu.memref_squeeze %scatter3A_430 : memref<1x16x128xf32, #tpu.memory_space<vmem>> -> memref<16x128xf32, #tpu.memory_space<vmem>>
        tpu.vector_store_idx %scatter3A_431[%iota3A, %broadcast_in_dim3A_427], %gather3A_425 masked %lt3A_231 : memref<16x128xf32, #tpu.memory_space<vmem>>[vector<16xi32>, vector<16xi32>], vector<16xf32>, vector<16xi1>
        %broadcast_in_dim3A_432 = arith.constant 14 : i32
        %broadcast_in_dim3A_433 = vector.broadcast %broadcast_in_dim3A_432 : i32 to vector<16xi32>
        %gather3A_434 = arith.constant 0 : i32
        %gather3A_435 = arith.constant 0 : i32
        %gather3A_436 = tpu.memref_slice %arg11[%rem3A_152, %gather3A_434, %gather3A_435] : memref<3x16x512xf32, #tpu.memory_space<vmem>> -> memref<1x16x512xf32, #tpu.memory_space<vmem>>
        %gather3A_437 = tpu.memref_squeeze %gather3A_436 : memref<1x16x512xf32, #tpu.memory_space<vmem>> -> memref<16x512xf32, #tpu.memory_space<vmem>>
        %gather3A_438 = tpu.vector_load_idx %gather3A_437[%broadcast_in_dim3A_433, %select_n3A_239] masked %lt3A_231 : memref<16x512xf32, #tpu.memory_space<vmem>>[vector<16xi32>, vector<16xi32>], vector<16xf32>, vector<16xi1>
        %broadcast_in_dim3A_439 = arith.constant 14 : i32
        %broadcast_in_dim3A_440 = vector.broadcast %broadcast_in_dim3A_439 : i32 to vector<16xi32>
        %scatter3A_441 = arith.constant 0 : i32
        %scatter3A_442 = arith.constant 0 : i32
        %scatter3A_443 = tpu.memref_slice %arg15[%rem3A_247, %scatter3A_441, %scatter3A_442] : memref<4x16x128xf32, #tpu.memory_space<vmem>> -> memref<1x16x128xf32, #tpu.memory_space<vmem>>
        %scatter3A_444 = tpu.memref_squeeze %scatter3A_443 : memref<1x16x128xf32, #tpu.memory_space<vmem>> -> memref<16x128xf32, #tpu.memory_space<vmem>>
        tpu.vector_store_idx %scatter3A_444[%iota3A, %broadcast_in_dim3A_440], %gather3A_438 masked %lt3A_231 : memref<16x128xf32, #tpu.memory_space<vmem>>[vector<16xi32>, vector<16xi32>], vector<16xf32>, vector<16xi1>
        %broadcast_in_dim3A_445 = arith.constant 15 : i32
        %broadcast_in_dim3A_446 = vector.broadcast %broadcast_in_dim3A_445 : i32 to vector<16xi32>
        %gather3A_447 = arith.constant 0 : i32
        %gather3A_448 = arith.constant 0 : i32
        %gather3A_449 = tpu.memref_slice %arg11[%rem3A_152, %gather3A_447, %gather3A_448] : memref<3x16x512xf32, #tpu.memory_space<vmem>> -> memref<1x16x512xf32, #tpu.memory_space<vmem>>
        %gather3A_450 = tpu.memref_squeeze %gather3A_449 : memref<1x16x512xf32, #tpu.memory_space<vmem>> -> memref<16x512xf32, #tpu.memory_space<vmem>>
        %gather3A_451 = tpu.vector_load_idx %gather3A_450[%broadcast_in_dim3A_446, %select_n3A_239] masked %lt3A_231 : memref<16x512xf32, #tpu.memory_space<vmem>>[vector<16xi32>, vector<16xi32>], vector<16xf32>, vector<16xi1>
        %broadcast_in_dim3A_452 = arith.constant 15 : i32
        %broadcast_in_dim3A_453 = vector.broadcast %broadcast_in_dim3A_452 : i32 to vector<16xi32>
        %scatter3A_454 = arith.constant 0 : i32
        %scatter3A_455 = arith.constant 0 : i32
        %scatter3A_456 = tpu.memref_slice %arg15[%rem3A_247, %scatter3A_454, %scatter3A_455] : memref<4x16x128xf32, #tpu.memory_space<vmem>> -> memref<1x16x128xf32, #tpu.memory_space<vmem>>
        %scatter3A_457 = tpu.memref_squeeze %scatter3A_456 : memref<1x16x128xf32, #tpu.memory_space<vmem>> -> memref<16x128xf32, #tpu.memory_space<vmem>>
        tpu.vector_store_idx %scatter3A_457[%iota3A, %broadcast_in_dim3A_453], %gather3A_451 masked %lt3A_231 : memref<16x128xf32, #tpu.memory_space<vmem>>[vector<16xi32>, vector<16xi32>], vector<16xf32>, vector<16xi1>
        %broadcast_in_dim3A_458 = arith.constant 0 : i32
        %broadcast_in_dim3A_459 = vector.broadcast %broadcast_in_dim3A_458 : i32 to vector<16xi32>
        %gather3A_460 = arith.constant 0 : i32
        %gather3A_461 = arith.constant 0 : i32
        %gather3A_462 = tpu.memref_slice %arg12[%rem3A_152, %gather3A_460, %gather3A_461] : memref<3x32x512xf32, #tpu.memory_space<vmem>> -> memref<1x32x512xf32, #tpu.memory_space<vmem>>
        %gather3A_463 = tpu.memref_squeeze %gather3A_462 : memref<1x32x512xf32, #tpu.memory_space<vmem>> -> memref<32x512xf32, #tpu.memory_space<vmem>>
        %gather3A_464 = tpu.vector_load_idx %gather3A_463[%broadcast_in_dim3A_459, %select_n3A_239] masked %lt3A_231 : memref<32x512xf32, #tpu.memory_space<vmem>>[vector<16xi32>, vector<16xi32>], vector<16xf32>, vector<16xi1>
        %broadcast_in_dim3A_465 = arith.constant 16 : i32
        %broadcast_in_dim3A_466 = vector.broadcast %broadcast_in_dim3A_465 : i32 to vector<16xi32>
        %scatter3A_467 = arith.constant 0 : i32
        %scatter3A_468 = arith.constant 0 : i32
        %scatter3A_469 = tpu.memref_slice %arg15[%rem3A_247, %scatter3A_467, %scatter3A_468] : memref<4x16x128xf32, #tpu.memory_space<vmem>> -> memref<1x16x128xf32, #tpu.memory_space<vmem>>
        %scatter3A_470 = tpu.memref_squeeze %scatter3A_469 : memref<1x16x128xf32, #tpu.memory_space<vmem>> -> memref<16x128xf32, #tpu.memory_space<vmem>>
        tpu.vector_store_idx %scatter3A_470[%iota3A, %broadcast_in_dim3A_466], %gather3A_464 masked %lt3A_231 : memref<16x128xf32, #tpu.memory_space<vmem>>[vector<16xi32>, vector<16xi32>], vector<16xf32>, vector<16xi1>
        %broadcast_in_dim3A_471 = arith.constant 1 : i32
        %broadcast_in_dim3A_472 = vector.broadcast %broadcast_in_dim3A_471 : i32 to vector<16xi32>
        %gather3A_473 = arith.constant 0 : i32
        %gather3A_474 = arith.constant 0 : i32
        %gather3A_475 = tpu.memref_slice %arg12[%rem3A_152, %gather3A_473, %gather3A_474] : memref<3x32x512xf32, #tpu.memory_space<vmem>> -> memref<1x32x512xf32, #tpu.memory_space<vmem>>
        %gather3A_476 = tpu.memref_squeeze %gather3A_475 : memref<1x32x512xf32, #tpu.memory_space<vmem>> -> memref<32x512xf32, #tpu.memory_space<vmem>>
        %gather3A_477 = tpu.vector_load_idx %gather3A_476[%broadcast_in_dim3A_472, %select_n3A_239] masked %lt3A_231 : memref<32x512xf32, #tpu.memory_space<vmem>>[vector<16xi32>, vector<16xi32>], vector<16xf32>, vector<16xi1>
        %broadcast_in_dim3A_478 = arith.constant 17 : i32
        %broadcast_in_dim3A_479 = vector.broadcast %broadcast_in_dim3A_478 : i32 to vector<16xi32>
        %scatter3A_480 = arith.constant 0 : i32
        %scatter3A_481 = arith.constant 0 : i32
        %scatter3A_482 = tpu.memref_slice %arg15[%rem3A_247, %scatter3A_480, %scatter3A_481] : memref<4x16x128xf32, #tpu.memory_space<vmem>> -> memref<1x16x128xf32, #tpu.memory_space<vmem>>
        %scatter3A_483 = tpu.memref_squeeze %scatter3A_482 : memref<1x16x128xf32, #tpu.memory_space<vmem>> -> memref<16x128xf32, #tpu.memory_space<vmem>>
        tpu.vector_store_idx %scatter3A_483[%iota3A, %broadcast_in_dim3A_479], %gather3A_477 masked %lt3A_231 : memref<16x128xf32, #tpu.memory_space<vmem>>[vector<16xi32>, vector<16xi32>], vector<16xf32>, vector<16xi1>
        %broadcast_in_dim3A_484 = arith.constant 2 : i32
        %broadcast_in_dim3A_485 = vector.broadcast %broadcast_in_dim3A_484 : i32 to vector<16xi32>
        %gather3A_486 = arith.constant 0 : i32
        %gather3A_487 = arith.constant 0 : i32
        %gather3A_488 = tpu.memref_slice %arg12[%rem3A_152, %gather3A_486, %gather3A_487] : memref<3x32x512xf32, #tpu.memory_space<vmem>> -> memref<1x32x512xf32, #tpu.memory_space<vmem>>
        %gather3A_489 = tpu.memref_squeeze %gather3A_488 : memref<1x32x512xf32, #tpu.memory_space<vmem>> -> memref<32x512xf32, #tpu.memory_space<vmem>>
        %gather3A_490 = tpu.vector_load_idx %gather3A_489[%broadcast_in_dim3A_485, %select_n3A_239] masked %lt3A_231 : memref<32x512xf32, #tpu.memory_space<vmem>>[vector<16xi32>, vector<16xi32>], vector<16xf32>, vector<16xi1>
        %broadcast_in_dim3A_491 = arith.constant 18 : i32
        %broadcast_in_dim3A_492 = vector.broadcast %broadcast_in_dim3A_491 : i32 to vector<16xi32>
        %scatter3A_493 = arith.constant 0 : i32
        %scatter3A_494 = arith.constant 0 : i32
        %scatter3A_495 = tpu.memref_slice %arg15[%rem3A_247, %scatter3A_493, %scatter3A_494] : memref<4x16x128xf32, #tpu.memory_space<vmem>> -> memref<1x16x128xf32, #tpu.memory_space<vmem>>
        %scatter3A_496 = tpu.memref_squeeze %scatter3A_495 : memref<1x16x128xf32, #tpu.memory_space<vmem>> -> memref<16x128xf32, #tpu.memory_space<vmem>>
        tpu.vector_store_idx %scatter3A_496[%iota3A, %broadcast_in_dim3A_492], %gather3A_490 masked %lt3A_231 : memref<16x128xf32, #tpu.memory_space<vmem>>[vector<16xi32>, vector<16xi32>], vector<16xf32>, vector<16xi1>
        %broadcast_in_dim3A_497 = arith.constant 3 : i32
        %broadcast_in_dim3A_498 = vector.broadcast %broadcast_in_dim3A_497 : i32 to vector<16xi32>
        %gather3A_499 = arith.constant 0 : i32
        %gather3A_500 = arith.constant 0 : i32
        %gather3A_501 = tpu.memref_slice %arg12[%rem3A_152, %gather3A_499, %gather3A_500] : memref<3x32x512xf32, #tpu.memory_space<vmem>> -> memref<1x32x512xf32, #tpu.memory_space<vmem>>
        %gather3A_502 = tpu.memref_squeeze %gather3A_501 : memref<1x32x512xf32, #tpu.memory_space<vmem>> -> memref<32x512xf32, #tpu.memory_space<vmem>>
        %gather3A_503 = tpu.vector_load_idx %gather3A_502[%broadcast_in_dim3A_498, %select_n3A_239] masked %lt3A_231 : memref<32x512xf32, #tpu.memory_space<vmem>>[vector<16xi32>, vector<16xi32>], vector<16xf32>, vector<16xi1>
        %broadcast_in_dim3A_504 = arith.constant 19 : i32
        %broadcast_in_dim3A_505 = vector.broadcast %broadcast_in_dim3A_504 : i32 to vector<16xi32>
        %scatter3A_506 = arith.constant 0 : i32
        %scatter3A_507 = arith.constant 0 : i32
        %scatter3A_508 = tpu.memref_slice %arg15[%rem3A_247, %scatter3A_506, %scatter3A_507] : memref<4x16x128xf32, #tpu.memory_space<vmem>> -> memref<1x16x128xf32, #tpu.memory_space<vmem>>
        %scatter3A_509 = tpu.memref_squeeze %scatter3A_508 : memref<1x16x128xf32, #tpu.memory_space<vmem>> -> memref<16x128xf32, #tpu.memory_space<vmem>>
        tpu.vector_store_idx %scatter3A_509[%iota3A, %broadcast_in_dim3A_505], %gather3A_503 masked %lt3A_231 : memref<16x128xf32, #tpu.memory_space<vmem>>[vector<16xi32>, vector<16xi32>], vector<16xf32>, vector<16xi1>
        %broadcast_in_dim3A_510 = arith.constant 4 : i32
        %broadcast_in_dim3A_511 = vector.broadcast %broadcast_in_dim3A_510 : i32 to vector<16xi32>
        %gather3A_512 = arith.constant 0 : i32
        %gather3A_513 = arith.constant 0 : i32
        %gather3A_514 = tpu.memref_slice %arg12[%rem3A_152, %gather3A_512, %gather3A_513] : memref<3x32x512xf32, #tpu.memory_space<vmem>> -> memref<1x32x512xf32, #tpu.memory_space<vmem>>
        %gather3A_515 = tpu.memref_squeeze %gather3A_514 : memref<1x32x512xf32, #tpu.memory_space<vmem>> -> memref<32x512xf32, #tpu.memory_space<vmem>>
        %gather3A_516 = tpu.vector_load_idx %gather3A_515[%broadcast_in_dim3A_511, %select_n3A_239] masked %lt3A_231 : memref<32x512xf32, #tpu.memory_space<vmem>>[vector<16xi32>, vector<16xi32>], vector<16xf32>, vector<16xi1>
        %broadcast_in_dim3A_517 = arith.constant 20 : i32
        %broadcast_in_dim3A_518 = vector.broadcast %broadcast_in_dim3A_517 : i32 to vector<16xi32>
        %scatter3A_519 = arith.constant 0 : i32
        %scatter3A_520 = arith.constant 0 : i32
        %scatter3A_521 = tpu.memref_slice %arg15[%rem3A_247, %scatter3A_519, %scatter3A_520] : memref<4x16x128xf32, #tpu.memory_space<vmem>> -> memref<1x16x128xf32, #tpu.memory_space<vmem>>
        %scatter3A_522 = tpu.memref_squeeze %scatter3A_521 : memref<1x16x128xf32, #tpu.memory_space<vmem>> -> memref<16x128xf32, #tpu.memory_space<vmem>>
        tpu.vector_store_idx %scatter3A_522[%iota3A, %broadcast_in_dim3A_518], %gather3A_516 masked %lt3A_231 : memref<16x128xf32, #tpu.memory_space<vmem>>[vector<16xi32>, vector<16xi32>], vector<16xf32>, vector<16xi1>
        %broadcast_in_dim3A_523 = arith.constant 5 : i32
        %broadcast_in_dim3A_524 = vector.broadcast %broadcast_in_dim3A_523 : i32 to vector<16xi32>
        %gather3A_525 = arith.constant 0 : i32
        %gather3A_526 = arith.constant 0 : i32
        %gather3A_527 = tpu.memref_slice %arg12[%rem3A_152, %gather3A_525, %gather3A_526] : memref<3x32x512xf32, #tpu.memory_space<vmem>> -> memref<1x32x512xf32, #tpu.memory_space<vmem>>
        %gather3A_528 = tpu.memref_squeeze %gather3A_527 : memref<1x32x512xf32, #tpu.memory_space<vmem>> -> memref<32x512xf32, #tpu.memory_space<vmem>>
        %gather3A_529 = tpu.vector_load_idx %gather3A_528[%broadcast_in_dim3A_524, %select_n3A_239] masked %lt3A_231 : memref<32x512xf32, #tpu.memory_space<vmem>>[vector<16xi32>, vector<16xi32>], vector<16xf32>, vector<16xi1>
        %broadcast_in_dim3A_530 = arith.constant 21 : i32
        %broadcast_in_dim3A_531 = vector.broadcast %broadcast_in_dim3A_530 : i32 to vector<16xi32>
        %scatter3A_532 = arith.constant 0 : i32
        %scatter3A_533 = arith.constant 0 : i32
        %scatter3A_534 = tpu.memref_slice %arg15[%rem3A_247, %scatter3A_532, %scatter3A_533] : memref<4x16x128xf32, #tpu.memory_space<vmem>> -> memref<1x16x128xf32, #tpu.memory_space<vmem>>
        %scatter3A_535 = tpu.memref_squeeze %scatter3A_534 : memref<1x16x128xf32, #tpu.memory_space<vmem>> -> memref<16x128xf32, #tpu.memory_space<vmem>>
        tpu.vector_store_idx %scatter3A_535[%iota3A, %broadcast_in_dim3A_531], %gather3A_529 masked %lt3A_231 : memref<16x128xf32, #tpu.memory_space<vmem>>[vector<16xi32>, vector<16xi32>], vector<16xf32>, vector<16xi1>
        %broadcast_in_dim3A_536 = arith.constant 6 : i32
        %broadcast_in_dim3A_537 = vector.broadcast %broadcast_in_dim3A_536 : i32 to vector<16xi32>
        %gather3A_538 = arith.constant 0 : i32
        %gather3A_539 = arith.constant 0 : i32
        %gather3A_540 = tpu.memref_slice %arg12[%rem3A_152, %gather3A_538, %gather3A_539] : memref<3x32x512xf32, #tpu.memory_space<vmem>> -> memref<1x32x512xf32, #tpu.memory_space<vmem>>
        %gather3A_541 = tpu.memref_squeeze %gather3A_540 : memref<1x32x512xf32, #tpu.memory_space<vmem>> -> memref<32x512xf32, #tpu.memory_space<vmem>>
        %gather3A_542 = tpu.vector_load_idx %gather3A_541[%broadcast_in_dim3A_537, %select_n3A_239] masked %lt3A_231 : memref<32x512xf32, #tpu.memory_space<vmem>>[vector<16xi32>, vector<16xi32>], vector<16xf32>, vector<16xi1>
        %broadcast_in_dim3A_543 = arith.constant 22 : i32
        %broadcast_in_dim3A_544 = vector.broadcast %broadcast_in_dim3A_543 : i32 to vector<16xi32>
        %scatter3A_545 = arith.constant 0 : i32
        %scatter3A_546 = arith.constant 0 : i32
        %scatter3A_547 = tpu.memref_slice %arg15[%rem3A_247, %scatter3A_545, %scatter3A_546] : memref<4x16x128xf32, #tpu.memory_space<vmem>> -> memref<1x16x128xf32, #tpu.memory_space<vmem>>
        %scatter3A_548 = tpu.memref_squeeze %scatter3A_547 : memref<1x16x128xf32, #tpu.memory_space<vmem>> -> memref<16x128xf32, #tpu.memory_space<vmem>>
        tpu.vector_store_idx %scatter3A_548[%iota3A, %broadcast_in_dim3A_544], %gather3A_542 masked %lt3A_231 : memref<16x128xf32, #tpu.memory_space<vmem>>[vector<16xi32>, vector<16xi32>], vector<16xf32>, vector<16xi1>
        %broadcast_in_dim3A_549 = arith.constant 7 : i32
        %broadcast_in_dim3A_550 = vector.broadcast %broadcast_in_dim3A_549 : i32 to vector<16xi32>
        %gather3A_551 = arith.constant 0 : i32
        %gather3A_552 = arith.constant 0 : i32
        %gather3A_553 = tpu.memref_slice %arg12[%rem3A_152, %gather3A_551, %gather3A_552] : memref<3x32x512xf32, #tpu.memory_space<vmem>> -> memref<1x32x512xf32, #tpu.memory_space<vmem>>
        %gather3A_554 = tpu.memref_squeeze %gather3A_553 : memref<1x32x512xf32, #tpu.memory_space<vmem>> -> memref<32x512xf32, #tpu.memory_space<vmem>>
        %gather3A_555 = tpu.vector_load_idx %gather3A_554[%broadcast_in_dim3A_550, %select_n3A_239] masked %lt3A_231 : memref<32x512xf32, #tpu.memory_space<vmem>>[vector<16xi32>, vector<16xi32>], vector<16xf32>, vector<16xi1>
        %broadcast_in_dim3A_556 = arith.constant 23 : i32
        %broadcast_in_dim3A_557 = vector.broadcast %broadcast_in_dim3A_556 : i32 to vector<16xi32>
        %scatter3A_558 = arith.constant 0 : i32
        %scatter3A_559 = arith.constant 0 : i32
        %scatter3A_560 = tpu.memref_slice %arg15[%rem3A_247, %scatter3A_558, %scatter3A_559] : memref<4x16x128xf32, #tpu.memory_space<vmem>> -> memref<1x16x128xf32, #tpu.memory_space<vmem>>
        %scatter3A_561 = tpu.memref_squeeze %scatter3A_560 : memref<1x16x128xf32, #tpu.memory_space<vmem>> -> memref<16x128xf32, #tpu.memory_space<vmem>>
        tpu.vector_store_idx %scatter3A_561[%iota3A, %broadcast_in_dim3A_557], %gather3A_555 masked %lt3A_231 : memref<16x128xf32, #tpu.memory_space<vmem>>[vector<16xi32>, vector<16xi32>], vector<16xf32>, vector<16xi1>
        %broadcast_in_dim3A_562 = arith.constant 8 : i32
        %broadcast_in_dim3A_563 = vector.broadcast %broadcast_in_dim3A_562 : i32 to vector<16xi32>
        %gather3A_564 = arith.constant 0 : i32
        %gather3A_565 = arith.constant 0 : i32
        %gather3A_566 = tpu.memref_slice %arg12[%rem3A_152, %gather3A_564, %gather3A_565] : memref<3x32x512xf32, #tpu.memory_space<vmem>> -> memref<1x32x512xf32, #tpu.memory_space<vmem>>
        %gather3A_567 = tpu.memref_squeeze %gather3A_566 : memref<1x32x512xf32, #tpu.memory_space<vmem>> -> memref<32x512xf32, #tpu.memory_space<vmem>>
        %gather3A_568 = tpu.vector_load_idx %gather3A_567[%broadcast_in_dim3A_563, %select_n3A_239] masked %lt3A_231 : memref<32x512xf32, #tpu.memory_space<vmem>>[vector<16xi32>, vector<16xi32>], vector<16xf32>, vector<16xi1>
        %broadcast_in_dim3A_569 = arith.constant 24 : i32
        %broadcast_in_dim3A_570 = vector.broadcast %broadcast_in_dim3A_569 : i32 to vector<16xi32>
        %scatter3A_571 = arith.constant 0 : i32
        %scatter3A_572 = arith.constant 0 : i32
        %scatter3A_573 = tpu.memref_slice %arg15[%rem3A_247, %scatter3A_571, %scatter3A_572] : memref<4x16x128xf32, #tpu.memory_space<vmem>> -> memref<1x16x128xf32, #tpu.memory_space<vmem>>
        %scatter3A_574 = tpu.memref_squeeze %scatter3A_573 : memref<1x16x128xf32, #tpu.memory_space<vmem>> -> memref<16x128xf32, #tpu.memory_space<vmem>>
        tpu.vector_store_idx %scatter3A_574[%iota3A, %broadcast_in_dim3A_570], %gather3A_568 masked %lt3A_231 : memref<16x128xf32, #tpu.memory_space<vmem>>[vector<16xi32>, vector<16xi32>], vector<16xf32>, vector<16xi1>
        %broadcast_in_dim3A_575 = arith.constant 9 : i32
        %broadcast_in_dim3A_576 = vector.broadcast %broadcast_in_dim3A_575 : i32 to vector<16xi32>
        %gather3A_577 = arith.constant 0 : i32
        %gather3A_578 = arith.constant 0 : i32
        %gather3A_579 = tpu.memref_slice %arg12[%rem3A_152, %gather3A_577, %gather3A_578] : memref<3x32x512xf32, #tpu.memory_space<vmem>> -> memref<1x32x512xf32, #tpu.memory_space<vmem>>
        %gather3A_580 = tpu.memref_squeeze %gather3A_579 : memref<1x32x512xf32, #tpu.memory_space<vmem>> -> memref<32x512xf32, #tpu.memory_space<vmem>>
        %gather3A_581 = tpu.vector_load_idx %gather3A_580[%broadcast_in_dim3A_576, %select_n3A_239] masked %lt3A_231 : memref<32x512xf32, #tpu.memory_space<vmem>>[vector<16xi32>, vector<16xi32>], vector<16xf32>, vector<16xi1>
        %broadcast_in_dim3A_582 = arith.constant 25 : i32
        %broadcast_in_dim3A_583 = vector.broadcast %broadcast_in_dim3A_582 : i32 to vector<16xi32>
        %scatter3A_584 = arith.constant 0 : i32
        %scatter3A_585 = arith.constant 0 : i32
        %scatter3A_586 = tpu.memref_slice %arg15[%rem3A_247, %scatter3A_584, %scatter3A_585] : memref<4x16x128xf32, #tpu.memory_space<vmem>> -> memref<1x16x128xf32, #tpu.memory_space<vmem>>
        %scatter3A_587 = tpu.memref_squeeze %scatter3A_586 : memref<1x16x128xf32, #tpu.memory_space<vmem>> -> memref<16x128xf32, #tpu.memory_space<vmem>>
        tpu.vector_store_idx %scatter3A_587[%iota3A, %broadcast_in_dim3A_583], %gather3A_581 masked %lt3A_231 : memref<16x128xf32, #tpu.memory_space<vmem>>[vector<16xi32>, vector<16xi32>], vector<16xf32>, vector<16xi1>
        %broadcast_in_dim3A_588 = arith.constant 10 : i32
        %broadcast_in_dim3A_589 = vector.broadcast %broadcast_in_dim3A_588 : i32 to vector<16xi32>
        %gather3A_590 = arith.constant 0 : i32
        %gather3A_591 = arith.constant 0 : i32
        %gather3A_592 = tpu.memref_slice %arg12[%rem3A_152, %gather3A_590, %gather3A_591] : memref<3x32x512xf32, #tpu.memory_space<vmem>> -> memref<1x32x512xf32, #tpu.memory_space<vmem>>
        %gather3A_593 = tpu.memref_squeeze %gather3A_592 : memref<1x32x512xf32, #tpu.memory_space<vmem>> -> memref<32x512xf32, #tpu.memory_space<vmem>>
        %gather3A_594 = tpu.vector_load_idx %gather3A_593[%broadcast_in_dim3A_589, %select_n3A_239] masked %lt3A_231 : memref<32x512xf32, #tpu.memory_space<vmem>>[vector<16xi32>, vector<16xi32>], vector<16xf32>, vector<16xi1>
        %broadcast_in_dim3A_595 = arith.constant 26 : i32
        %broadcast_in_dim3A_596 = vector.broadcast %broadcast_in_dim3A_595 : i32 to vector<16xi32>
        %scatter3A_597 = arith.constant 0 : i32
        %scatter3A_598 = arith.constant 0 : i32
        %scatter3A_599 = tpu.memref_slice %arg15[%rem3A_247, %scatter3A_597, %scatter3A_598] : memref<4x16x128xf32, #tpu.memory_space<vmem>> -> memref<1x16x128xf32, #tpu.memory_space<vmem>>
        %scatter3A_600 = tpu.memref_squeeze %scatter3A_599 : memref<1x16x128xf32, #tpu.memory_space<vmem>> -> memref<16x128xf32, #tpu.memory_space<vmem>>
        tpu.vector_store_idx %scatter3A_600[%iota3A, %broadcast_in_dim3A_596], %gather3A_594 masked %lt3A_231 : memref<16x128xf32, #tpu.memory_space<vmem>>[vector<16xi32>, vector<16xi32>], vector<16xf32>, vector<16xi1>
        %broadcast_in_dim3A_601 = arith.constant 11 : i32
        %broadcast_in_dim3A_602 = vector.broadcast %broadcast_in_dim3A_601 : i32 to vector<16xi32>
        %gather3A_603 = arith.constant 0 : i32
        %gather3A_604 = arith.constant 0 : i32
        %gather3A_605 = tpu.memref_slice %arg12[%rem3A_152, %gather3A_603, %gather3A_604] : memref<3x32x512xf32, #tpu.memory_space<vmem>> -> memref<1x32x512xf32, #tpu.memory_space<vmem>>
        %gather3A_606 = tpu.memref_squeeze %gather3A_605 : memref<1x32x512xf32, #tpu.memory_space<vmem>> -> memref<32x512xf32, #tpu.memory_space<vmem>>
        %gather3A_607 = tpu.vector_load_idx %gather3A_606[%broadcast_in_dim3A_602, %select_n3A_239] masked %lt3A_231 : memref<32x512xf32, #tpu.memory_space<vmem>>[vector<16xi32>, vector<16xi32>], vector<16xf32>, vector<16xi1>
        %broadcast_in_dim3A_608 = arith.constant 27 : i32
        %broadcast_in_dim3A_609 = vector.broadcast %broadcast_in_dim3A_608 : i32 to vector<16xi32>
        %scatter3A_610 = arith.constant 0 : i32
        %scatter3A_611 = arith.constant 0 : i32
        %scatter3A_612 = tpu.memref_slice %arg15[%rem3A_247, %scatter3A_610, %scatter3A_611] : memref<4x16x128xf32, #tpu.memory_space<vmem>> -> memref<1x16x128xf32, #tpu.memory_space<vmem>>
        %scatter3A_613 = tpu.memref_squeeze %scatter3A_612 : memref<1x16x128xf32, #tpu.memory_space<vmem>> -> memref<16x128xf32, #tpu.memory_space<vmem>>
        tpu.vector_store_idx %scatter3A_613[%iota3A, %broadcast_in_dim3A_609], %gather3A_607 masked %lt3A_231 : memref<16x128xf32, #tpu.memory_space<vmem>>[vector<16xi32>, vector<16xi32>], vector<16xf32>, vector<16xi1>
        %broadcast_in_dim3A_614 = arith.constant 12 : i32
        %broadcast_in_dim3A_615 = vector.broadcast %broadcast_in_dim3A_614 : i32 to vector<16xi32>
        %gather3A_616 = arith.constant 0 : i32
        %gather3A_617 = arith.constant 0 : i32
        %gather3A_618 = tpu.memref_slice %arg12[%rem3A_152, %gather3A_616, %gather3A_617] : memref<3x32x512xf32, #tpu.memory_space<vmem>> -> memref<1x32x512xf32, #tpu.memory_space<vmem>>
        %gather3A_619 = tpu.memref_squeeze %gather3A_618 : memref<1x32x512xf32, #tpu.memory_space<vmem>> -> memref<32x512xf32, #tpu.memory_space<vmem>>
        %gather3A_620 = tpu.vector_load_idx %gather3A_619[%broadcast_in_dim3A_615, %select_n3A_239] masked %lt3A_231 : memref<32x512xf32, #tpu.memory_space<vmem>>[vector<16xi32>, vector<16xi32>], vector<16xf32>, vector<16xi1>
        %broadcast_in_dim3A_621 = arith.constant 28 : i32
        %broadcast_in_dim3A_622 = vector.broadcast %broadcast_in_dim3A_621 : i32 to vector<16xi32>
        %scatter3A_623 = arith.constant 0 : i32
        %scatter3A_624 = arith.constant 0 : i32
        %scatter3A_625 = tpu.memref_slice %arg15[%rem3A_247, %scatter3A_623, %scatter3A_624] : memref<4x16x128xf32, #tpu.memory_space<vmem>> -> memref<1x16x128xf32, #tpu.memory_space<vmem>>
        %scatter3A_626 = tpu.memref_squeeze %scatter3A_625 : memref<1x16x128xf32, #tpu.memory_space<vmem>> -> memref<16x128xf32, #tpu.memory_space<vmem>>
        tpu.vector_store_idx %scatter3A_626[%iota3A, %broadcast_in_dim3A_622], %gather3A_620 masked %lt3A_231 : memref<16x128xf32, #tpu.memory_space<vmem>>[vector<16xi32>, vector<16xi32>], vector<16xf32>, vector<16xi1>
        %broadcast_in_dim3A_627 = arith.constant 13 : i32
        %broadcast_in_dim3A_628 = vector.broadcast %broadcast_in_dim3A_627 : i32 to vector<16xi32>
        %gather3A_629 = arith.constant 0 : i32
        %gather3A_630 = arith.constant 0 : i32
        %gather3A_631 = tpu.memref_slice %arg12[%rem3A_152, %gather3A_629, %gather3A_630] : memref<3x32x512xf32, #tpu.memory_space<vmem>> -> memref<1x32x512xf32, #tpu.memory_space<vmem>>
        %gather3A_632 = tpu.memref_squeeze %gather3A_631 : memref<1x32x512xf32, #tpu.memory_space<vmem>> -> memref<32x512xf32, #tpu.memory_space<vmem>>
        %gather3A_633 = tpu.vector_load_idx %gather3A_632[%broadcast_in_dim3A_628, %select_n3A_239] masked %lt3A_231 : memref<32x512xf32, #tpu.memory_space<vmem>>[vector<16xi32>, vector<16xi32>], vector<16xf32>, vector<16xi1>
        %broadcast_in_dim3A_634 = arith.constant 29 : i32
        %broadcast_in_dim3A_635 = vector.broadcast %broadcast_in_dim3A_634 : i32 to vector<16xi32>
        %scatter3A_636 = arith.constant 0 : i32
        %scatter3A_637 = arith.constant 0 : i32
        %scatter3A_638 = tpu.memref_slice %arg15[%rem3A_247, %scatter3A_636, %scatter3A_637] : memref<4x16x128xf32, #tpu.memory_space<vmem>> -> memref<1x16x128xf32, #tpu.memory_space<vmem>>
        %scatter3A_639 = tpu.memref_squeeze %scatter3A_638 : memref<1x16x128xf32, #tpu.memory_space<vmem>> -> memref<16x128xf32, #tpu.memory_space<vmem>>
        tpu.vector_store_idx %scatter3A_639[%iota3A, %broadcast_in_dim3A_635], %gather3A_633 masked %lt3A_231 : memref<16x128xf32, #tpu.memory_space<vmem>>[vector<16xi32>, vector<16xi32>], vector<16xf32>, vector<16xi1>
        %broadcast_in_dim3A_640 = arith.constant 14 : i32
        %broadcast_in_dim3A_641 = vector.broadcast %broadcast_in_dim3A_640 : i32 to vector<16xi32>
        %gather3A_642 = arith.constant 0 : i32
        %gather3A_643 = arith.constant 0 : i32
        %gather3A_644 = tpu.memref_slice %arg12[%rem3A_152, %gather3A_642, %gather3A_643] : memref<3x32x512xf32, #tpu.memory_space<vmem>> -> memref<1x32x512xf32, #tpu.memory_space<vmem>>
        %gather3A_645 = tpu.memref_squeeze %gather3A_644 : memref<1x32x512xf32, #tpu.memory_space<vmem>> -> memref<32x512xf32, #tpu.memory_space<vmem>>
        %gather3A_646 = tpu.vector_load_idx %gather3A_645[%broadcast_in_dim3A_641, %select_n3A_239] masked %lt3A_231 : memref<32x512xf32, #tpu.memory_space<vmem>>[vector<16xi32>, vector<16xi32>], vector<16xf32>, vector<16xi1>
        %broadcast_in_dim3A_647 = arith.constant 30 : i32
        %broadcast_in_dim3A_648 = vector.broadcast %broadcast_in_dim3A_647 : i32 to vector<16xi32>
        %scatter3A_649 = arith.constant 0 : i32
        %scatter3A_650 = arith.constant 0 : i32
        %scatter3A_651 = tpu.memref_slice %arg15[%rem3A_247, %scatter3A_649, %scatter3A_650] : memref<4x16x128xf32, #tpu.memory_space<vmem>> -> memref<1x16x128xf32, #tpu.memory_space<vmem>>
        %scatter3A_652 = tpu.memref_squeeze %scatter3A_651 : memref<1x16x128xf32, #tpu.memory_space<vmem>> -> memref<16x128xf32, #tpu.memory_space<vmem>>
        tpu.vector_store_idx %scatter3A_652[%iota3A, %broadcast_in_dim3A_648], %gather3A_646 masked %lt3A_231 : memref<16x128xf32, #tpu.memory_space<vmem>>[vector<16xi32>, vector<16xi32>], vector<16xf32>, vector<16xi1>
        %broadcast_in_dim3A_653 = arith.constant 15 : i32
        %broadcast_in_dim3A_654 = vector.broadcast %broadcast_in_dim3A_653 : i32 to vector<16xi32>
        %gather3A_655 = arith.constant 0 : i32
        %gather3A_656 = arith.constant 0 : i32
        %gather3A_657 = tpu.memref_slice %arg12[%rem3A_152, %gather3A_655, %gather3A_656] : memref<3x32x512xf32, #tpu.memory_space<vmem>> -> memref<1x32x512xf32, #tpu.memory_space<vmem>>
        %gather3A_658 = tpu.memref_squeeze %gather3A_657 : memref<1x32x512xf32, #tpu.memory_space<vmem>> -> memref<32x512xf32, #tpu.memory_space<vmem>>
        %gather3A_659 = tpu.vector_load_idx %gather3A_658[%broadcast_in_dim3A_654, %select_n3A_239] masked %lt3A_231 : memref<32x512xf32, #tpu.memory_space<vmem>>[vector<16xi32>, vector<16xi32>], vector<16xf32>, vector<16xi1>
        %broadcast_in_dim3A_660 = arith.constant 31 : i32
        %broadcast_in_dim3A_661 = vector.broadcast %broadcast_in_dim3A_660 : i32 to vector<16xi32>
        %scatter3A_662 = arith.constant 0 : i32
        %scatter3A_663 = arith.constant 0 : i32
        %scatter3A_664 = tpu.memref_slice %arg15[%rem3A_247, %scatter3A_662, %scatter3A_663] : memref<4x16x128xf32, #tpu.memory_space<vmem>> -> memref<1x16x128xf32, #tpu.memory_space<vmem>>
        %scatter3A_665 = tpu.memref_squeeze %scatter3A_664 : memref<1x16x128xf32, #tpu.memory_space<vmem>> -> memref<16x128xf32, #tpu.memory_space<vmem>>
        tpu.vector_store_idx %scatter3A_665[%iota3A, %broadcast_in_dim3A_661], %gather3A_659 masked %lt3A_231 : memref<16x128xf32, #tpu.memory_space<vmem>>[vector<16xi32>, vector<16xi32>], vector<16xf32>, vector<16xi1>
        %broadcast_in_dim3A_666 = arith.constant 16 : i32
        %broadcast_in_dim3A_667 = vector.broadcast %broadcast_in_dim3A_666 : i32 to vector<16xi32>
        %gather3A_668 = arith.constant 0 : i32
        %gather3A_669 = arith.constant 0 : i32
        %gather3A_670 = tpu.memref_slice %arg12[%rem3A_152, %gather3A_668, %gather3A_669] : memref<3x32x512xf32, #tpu.memory_space<vmem>> -> memref<1x32x512xf32, #tpu.memory_space<vmem>>
        %gather3A_671 = tpu.memref_squeeze %gather3A_670 : memref<1x32x512xf32, #tpu.memory_space<vmem>> -> memref<32x512xf32, #tpu.memory_space<vmem>>
        %gather3A_672 = tpu.vector_load_idx %gather3A_671[%broadcast_in_dim3A_667, %select_n3A_239] masked %lt3A_231 : memref<32x512xf32, #tpu.memory_space<vmem>>[vector<16xi32>, vector<16xi32>], vector<16xf32>, vector<16xi1>
        %broadcast_in_dim3A_673 = arith.constant 32 : i32
        %broadcast_in_dim3A_674 = vector.broadcast %broadcast_in_dim3A_673 : i32 to vector<16xi32>
        %scatter3A_675 = arith.constant 0 : i32
        %scatter3A_676 = arith.constant 0 : i32
        %scatter3A_677 = tpu.memref_slice %arg15[%rem3A_247, %scatter3A_675, %scatter3A_676] : memref<4x16x128xf32, #tpu.memory_space<vmem>> -> memref<1x16x128xf32, #tpu.memory_space<vmem>>
        %scatter3A_678 = tpu.memref_squeeze %scatter3A_677 : memref<1x16x128xf32, #tpu.memory_space<vmem>> -> memref<16x128xf32, #tpu.memory_space<vmem>>
        tpu.vector_store_idx %scatter3A_678[%iota3A, %broadcast_in_dim3A_674], %gather3A_672 masked %lt3A_231 : memref<16x128xf32, #tpu.memory_space<vmem>>[vector<16xi32>, vector<16xi32>], vector<16xf32>, vector<16xi1>
        %broadcast_in_dim3A_679 = arith.constant 17 : i32
        %broadcast_in_dim3A_680 = vector.broadcast %broadcast_in_dim3A_679 : i32 to vector<16xi32>
        %gather3A_681 = arith.constant 0 : i32
        %gather3A_682 = arith.constant 0 : i32
        %gather3A_683 = tpu.memref_slice %arg12[%rem3A_152, %gather3A_681, %gather3A_682] : memref<3x32x512xf32, #tpu.memory_space<vmem>> -> memref<1x32x512xf32, #tpu.memory_space<vmem>>
        %gather3A_684 = tpu.memref_squeeze %gather3A_683 : memref<1x32x512xf32, #tpu.memory_space<vmem>> -> memref<32x512xf32, #tpu.memory_space<vmem>>
        %gather3A_685 = tpu.vector_load_idx %gather3A_684[%broadcast_in_dim3A_680, %select_n3A_239] masked %lt3A_231 : memref<32x512xf32, #tpu.memory_space<vmem>>[vector<16xi32>, vector<16xi32>], vector<16xf32>, vector<16xi1>
        %broadcast_in_dim3A_686 = arith.constant 33 : i32
        %broadcast_in_dim3A_687 = vector.broadcast %broadcast_in_dim3A_686 : i32 to vector<16xi32>
        %scatter3A_688 = arith.constant 0 : i32
        %scatter3A_689 = arith.constant 0 : i32
        %scatter3A_690 = tpu.memref_slice %arg15[%rem3A_247, %scatter3A_688, %scatter3A_689] : memref<4x16x128xf32, #tpu.memory_space<vmem>> -> memref<1x16x128xf32, #tpu.memory_space<vmem>>
        %scatter3A_691 = tpu.memref_squeeze %scatter3A_690 : memref<1x16x128xf32, #tpu.memory_space<vmem>> -> memref<16x128xf32, #tpu.memory_space<vmem>>
        tpu.vector_store_idx %scatter3A_691[%iota3A, %broadcast_in_dim3A_687], %gather3A_685 masked %lt3A_231 : memref<16x128xf32, #tpu.memory_space<vmem>>[vector<16xi32>, vector<16xi32>], vector<16xf32>, vector<16xi1>
        %broadcast_in_dim3A_692 = arith.constant 18 : i32
        %broadcast_in_dim3A_693 = vector.broadcast %broadcast_in_dim3A_692 : i32 to vector<16xi32>
        %gather3A_694 = arith.constant 0 : i32
        %gather3A_695 = arith.constant 0 : i32
        %gather3A_696 = tpu.memref_slice %arg12[%rem3A_152, %gather3A_694, %gather3A_695] : memref<3x32x512xf32, #tpu.memory_space<vmem>> -> memref<1x32x512xf32, #tpu.memory_space<vmem>>
        %gather3A_697 = tpu.memref_squeeze %gather3A_696 : memref<1x32x512xf32, #tpu.memory_space<vmem>> -> memref<32x512xf32, #tpu.memory_space<vmem>>
        %gather3A_698 = tpu.vector_load_idx %gather3A_697[%broadcast_in_dim3A_693, %select_n3A_239] masked %lt3A_231 : memref<32x512xf32, #tpu.memory_space<vmem>>[vector<16xi32>, vector<16xi32>], vector<16xf32>, vector<16xi1>
        %broadcast_in_dim3A_699 = arith.constant 34 : i32
        %broadcast_in_dim3A_700 = vector.broadcast %broadcast_in_dim3A_699 : i32 to vector<16xi32>
        %scatter3A_701 = arith.constant 0 : i32
        %scatter3A_702 = arith.constant 0 : i32
        %scatter3A_703 = tpu.memref_slice %arg15[%rem3A_247, %scatter3A_701, %scatter3A_702] : memref<4x16x128xf32, #tpu.memory_space<vmem>> -> memref<1x16x128xf32, #tpu.memory_space<vmem>>
        %scatter3A_704 = tpu.memref_squeeze %scatter3A_703 : memref<1x16x128xf32, #tpu.memory_space<vmem>> -> memref<16x128xf32, #tpu.memory_space<vmem>>
        tpu.vector_store_idx %scatter3A_704[%iota3A, %broadcast_in_dim3A_700], %gather3A_698 masked %lt3A_231 : memref<16x128xf32, #tpu.memory_space<vmem>>[vector<16xi32>, vector<16xi32>], vector<16xf32>, vector<16xi1>
        %broadcast_in_dim3A_705 = arith.constant 19 : i32
        %broadcast_in_dim3A_706 = vector.broadcast %broadcast_in_dim3A_705 : i32 to vector<16xi32>
        %gather3A_707 = arith.constant 0 : i32
        %gather3A_708 = arith.constant 0 : i32
        %gather3A_709 = tpu.memref_slice %arg12[%rem3A_152, %gather3A_707, %gather3A_708] : memref<3x32x512xf32, #tpu.memory_space<vmem>> -> memref<1x32x512xf32, #tpu.memory_space<vmem>>
        %gather3A_710 = tpu.memref_squeeze %gather3A_709 : memref<1x32x512xf32, #tpu.memory_space<vmem>> -> memref<32x512xf32, #tpu.memory_space<vmem>>
        %gather3A_711 = tpu.vector_load_idx %gather3A_710[%broadcast_in_dim3A_706, %select_n3A_239] masked %lt3A_231 : memref<32x512xf32, #tpu.memory_space<vmem>>[vector<16xi32>, vector<16xi32>], vector<16xf32>, vector<16xi1>
        %broadcast_in_dim3A_712 = arith.constant 35 : i32
        %broadcast_in_dim3A_713 = vector.broadcast %broadcast_in_dim3A_712 : i32 to vector<16xi32>
        %scatter3A_714 = arith.constant 0 : i32
        %scatter3A_715 = arith.constant 0 : i32
        %scatter3A_716 = tpu.memref_slice %arg15[%rem3A_247, %scatter3A_714, %scatter3A_715] : memref<4x16x128xf32, #tpu.memory_space<vmem>> -> memref<1x16x128xf32, #tpu.memory_space<vmem>>
        %scatter3A_717 = tpu.memref_squeeze %scatter3A_716 : memref<1x16x128xf32, #tpu.memory_space<vmem>> -> memref<16x128xf32, #tpu.memory_space<vmem>>
        tpu.vector_store_idx %scatter3A_717[%iota3A, %broadcast_in_dim3A_713], %gather3A_711 masked %lt3A_231 : memref<16x128xf32, #tpu.memory_space<vmem>>[vector<16xi32>, vector<16xi32>], vector<16xf32>, vector<16xi1>
        %broadcast_in_dim3A_718 = arith.constant 20 : i32
        %broadcast_in_dim3A_719 = vector.broadcast %broadcast_in_dim3A_718 : i32 to vector<16xi32>
        %gather3A_720 = arith.constant 0 : i32
        %gather3A_721 = arith.constant 0 : i32
        %gather3A_722 = tpu.memref_slice %arg12[%rem3A_152, %gather3A_720, %gather3A_721] : memref<3x32x512xf32, #tpu.memory_space<vmem>> -> memref<1x32x512xf32, #tpu.memory_space<vmem>>
        %gather3A_723 = tpu.memref_squeeze %gather3A_722 : memref<1x32x512xf32, #tpu.memory_space<vmem>> -> memref<32x512xf32, #tpu.memory_space<vmem>>
        %gather3A_724 = tpu.vector_load_idx %gather3A_723[%broadcast_in_dim3A_719, %select_n3A_239] masked %lt3A_231 : memref<32x512xf32, #tpu.memory_space<vmem>>[vector<16xi32>, vector<16xi32>], vector<16xf32>, vector<16xi1>
        %broadcast_in_dim3A_725 = arith.constant 36 : i32
        %broadcast_in_dim3A_726 = vector.broadcast %broadcast_in_dim3A_725 : i32 to vector<16xi32>
        %scatter3A_727 = arith.constant 0 : i32
        %scatter3A_728 = arith.constant 0 : i32
        %scatter3A_729 = tpu.memref_slice %arg15[%rem3A_247, %scatter3A_727, %scatter3A_728] : memref<4x16x128xf32, #tpu.memory_space<vmem>> -> memref<1x16x128xf32, #tpu.memory_space<vmem>>
        %scatter3A_730 = tpu.memref_squeeze %scatter3A_729 : memref<1x16x128xf32, #tpu.memory_space<vmem>> -> memref<16x128xf32, #tpu.memory_space<vmem>>
        tpu.vector_store_idx %scatter3A_730[%iota3A, %broadcast_in_dim3A_726], %gather3A_724 masked %lt3A_231 : memref<16x128xf32, #tpu.memory_space<vmem>>[vector<16xi32>, vector<16xi32>], vector<16xf32>, vector<16xi1>
        %broadcast_in_dim3A_731 = arith.constant 21 : i32
        %broadcast_in_dim3A_732 = vector.broadcast %broadcast_in_dim3A_731 : i32 to vector<16xi32>
        %gather3A_733 = arith.constant 0 : i32
        %gather3A_734 = arith.constant 0 : i32
        %gather3A_735 = tpu.memref_slice %arg12[%rem3A_152, %gather3A_733, %gather3A_734] : memref<3x32x512xf32, #tpu.memory_space<vmem>> -> memref<1x32x512xf32, #tpu.memory_space<vmem>>
        %gather3A_736 = tpu.memref_squeeze %gather3A_735 : memref<1x32x512xf32, #tpu.memory_space<vmem>> -> memref<32x512xf32, #tpu.memory_space<vmem>>
        %gather3A_737 = tpu.vector_load_idx %gather3A_736[%broadcast_in_dim3A_732, %select_n3A_239] masked %lt3A_231 : memref<32x512xf32, #tpu.memory_space<vmem>>[vector<16xi32>, vector<16xi32>], vector<16xf32>, vector<16xi1>
        %broadcast_in_dim3A_738 = arith.constant 37 : i32
        %broadcast_in_dim3A_739 = vector.broadcast %broadcast_in_dim3A_738 : i32 to vector<16xi32>
        %scatter3A_740 = arith.constant 0 : i32
        %scatter3A_741 = arith.constant 0 : i32
        %scatter3A_742 = tpu.memref_slice %arg15[%rem3A_247, %scatter3A_740, %scatter3A_741] : memref<4x16x128xf32, #tpu.memory_space<vmem>> -> memref<1x16x128xf32, #tpu.memory_space<vmem>>
        %scatter3A_743 = tpu.memref_squeeze %scatter3A_742 : memref<1x16x128xf32, #tpu.memory_space<vmem>> -> memref<16x128xf32, #tpu.memory_space<vmem>>
        tpu.vector_store_idx %scatter3A_743[%iota3A, %broadcast_in_dim3A_739], %gather3A_737 masked %lt3A_231 : memref<16x128xf32, #tpu.memory_space<vmem>>[vector<16xi32>, vector<16xi32>], vector<16xf32>, vector<16xi1>
        %broadcast_in_dim3A_744 = arith.constant 22 : i32
        %broadcast_in_dim3A_745 = vector.broadcast %broadcast_in_dim3A_744 : i32 to vector<16xi32>
        %gather3A_746 = arith.constant 0 : i32
        %gather3A_747 = arith.constant 0 : i32
        %gather3A_748 = tpu.memref_slice %arg12[%rem3A_152, %gather3A_746, %gather3A_747] : memref<3x32x512xf32, #tpu.memory_space<vmem>> -> memref<1x32x512xf32, #tpu.memory_space<vmem>>
        %gather3A_749 = tpu.memref_squeeze %gather3A_748 : memref<1x32x512xf32, #tpu.memory_space<vmem>> -> memref<32x512xf32, #tpu.memory_space<vmem>>
        %gather3A_750 = tpu.vector_load_idx %gather3A_749[%broadcast_in_dim3A_745, %select_n3A_239] masked %lt3A_231 : memref<32x512xf32, #tpu.memory_space<vmem>>[vector<16xi32>, vector<16xi32>], vector<16xf32>, vector<16xi1>
        %broadcast_in_dim3A_751 = arith.constant 38 : i32
        %broadcast_in_dim3A_752 = vector.broadcast %broadcast_in_dim3A_751 : i32 to vector<16xi32>
        %scatter3A_753 = arith.constant 0 : i32
        %scatter3A_754 = arith.constant 0 : i32
        %scatter3A_755 = tpu.memref_slice %arg15[%rem3A_247, %scatter3A_753, %scatter3A_754] : memref<4x16x128xf32, #tpu.memory_space<vmem>> -> memref<1x16x128xf32, #tpu.memory_space<vmem>>
        %scatter3A_756 = tpu.memref_squeeze %scatter3A_755 : memref<1x16x128xf32, #tpu.memory_space<vmem>> -> memref<16x128xf32, #tpu.memory_space<vmem>>
        tpu.vector_store_idx %scatter3A_756[%iota3A, %broadcast_in_dim3A_752], %gather3A_750 masked %lt3A_231 : memref<16x128xf32, #tpu.memory_space<vmem>>[vector<16xi32>, vector<16xi32>], vector<16xf32>, vector<16xi1>
        %broadcast_in_dim3A_757 = arith.constant 23 : i32
        %broadcast_in_dim3A_758 = vector.broadcast %broadcast_in_dim3A_757 : i32 to vector<16xi32>
        %gather3A_759 = arith.constant 0 : i32
        %gather3A_760 = arith.constant 0 : i32
        %gather3A_761 = tpu.memref_slice %arg12[%rem3A_152, %gather3A_759, %gather3A_760] : memref<3x32x512xf32, #tpu.memory_space<vmem>> -> memref<1x32x512xf32, #tpu.memory_space<vmem>>
        %gather3A_762 = tpu.memref_squeeze %gather3A_761 : memref<1x32x512xf32, #tpu.memory_space<vmem>> -> memref<32x512xf32, #tpu.memory_space<vmem>>
        %gather3A_763 = tpu.vector_load_idx %gather3A_762[%broadcast_in_dim3A_758, %select_n3A_239] masked %lt3A_231 : memref<32x512xf32, #tpu.memory_space<vmem>>[vector<16xi32>, vector<16xi32>], vector<16xf32>, vector<16xi1>
        %broadcast_in_dim3A_764 = arith.constant 39 : i32
        %broadcast_in_dim3A_765 = vector.broadcast %broadcast_in_dim3A_764 : i32 to vector<16xi32>
        %scatter3A_766 = arith.constant 0 : i32
        %scatter3A_767 = arith.constant 0 : i32
        %scatter3A_768 = tpu.memref_slice %arg15[%rem3A_247, %scatter3A_766, %scatter3A_767] : memref<4x16x128xf32, #tpu.memory_space<vmem>> -> memref<1x16x128xf32, #tpu.memory_space<vmem>>
        %scatter3A_769 = tpu.memref_squeeze %scatter3A_768 : memref<1x16x128xf32, #tpu.memory_space<vmem>> -> memref<16x128xf32, #tpu.memory_space<vmem>>
        tpu.vector_store_idx %scatter3A_769[%iota3A, %broadcast_in_dim3A_765], %gather3A_763 masked %lt3A_231 : memref<16x128xf32, #tpu.memory_space<vmem>>[vector<16xi32>, vector<16xi32>], vector<16xf32>, vector<16xi1>
        %broadcast_in_dim3A_770 = arith.constant 24 : i32
        %broadcast_in_dim3A_771 = vector.broadcast %broadcast_in_dim3A_770 : i32 to vector<16xi32>
        %gather3A_772 = arith.constant 0 : i32
        %gather3A_773 = arith.constant 0 : i32
        %gather3A_774 = tpu.memref_slice %arg12[%rem3A_152, %gather3A_772, %gather3A_773] : memref<3x32x512xf32, #tpu.memory_space<vmem>> -> memref<1x32x512xf32, #tpu.memory_space<vmem>>
        %gather3A_775 = tpu.memref_squeeze %gather3A_774 : memref<1x32x512xf32, #tpu.memory_space<vmem>> -> memref<32x512xf32, #tpu.memory_space<vmem>>
        %gather3A_776 = tpu.vector_load_idx %gather3A_775[%broadcast_in_dim3A_771, %select_n3A_239] masked %lt3A_231 : memref<32x512xf32, #tpu.memory_space<vmem>>[vector<16xi32>, vector<16xi32>], vector<16xf32>, vector<16xi1>
        %broadcast_in_dim3A_777 = arith.constant 40 : i32
        %broadcast_in_dim3A_778 = vector.broadcast %broadcast_in_dim3A_777 : i32 to vector<16xi32>
        %scatter3A_779 = arith.constant 0 : i32
        %scatter3A_780 = arith.constant 0 : i32
        %scatter3A_781 = tpu.memref_slice %arg15[%rem3A_247, %scatter3A_779, %scatter3A_780] : memref<4x16x128xf32, #tpu.memory_space<vmem>> -> memref<1x16x128xf32, #tpu.memory_space<vmem>>
        %scatter3A_782 = tpu.memref_squeeze %scatter3A_781 : memref<1x16x128xf32, #tpu.memory_space<vmem>> -> memref<16x128xf32, #tpu.memory_space<vmem>>
        tpu.vector_store_idx %scatter3A_782[%iota3A, %broadcast_in_dim3A_778], %gather3A_776 masked %lt3A_231 : memref<16x128xf32, #tpu.memory_space<vmem>>[vector<16xi32>, vector<16xi32>], vector<16xf32>, vector<16xi1>
        %broadcast_in_dim3A_783 = arith.constant 25 : i32
        %broadcast_in_dim3A_784 = vector.broadcast %broadcast_in_dim3A_783 : i32 to vector<16xi32>
        %gather3A_785 = arith.constant 0 : i32
        %gather3A_786 = arith.constant 0 : i32
        %gather3A_787 = tpu.memref_slice %arg12[%rem3A_152, %gather3A_785, %gather3A_786] : memref<3x32x512xf32, #tpu.memory_space<vmem>> -> memref<1x32x512xf32, #tpu.memory_space<vmem>>
        %gather3A_788 = tpu.memref_squeeze %gather3A_787 : memref<1x32x512xf32, #tpu.memory_space<vmem>> -> memref<32x512xf32, #tpu.memory_space<vmem>>
        %gather3A_789 = tpu.vector_load_idx %gather3A_788[%broadcast_in_dim3A_784, %select_n3A_239] masked %lt3A_231 : memref<32x512xf32, #tpu.memory_space<vmem>>[vector<16xi32>, vector<16xi32>], vector<16xf32>, vector<16xi1>
        %broadcast_in_dim3A_790 = arith.constant 41 : i32
        %broadcast_in_dim3A_791 = vector.broadcast %broadcast_in_dim3A_790 : i32 to vector<16xi32>
        %scatter3A_792 = arith.constant 0 : i32
        %scatter3A_793 = arith.constant 0 : i32
        %scatter3A_794 = tpu.memref_slice %arg15[%rem3A_247, %scatter3A_792, %scatter3A_793] : memref<4x16x128xf32, #tpu.memory_space<vmem>> -> memref<1x16x128xf32, #tpu.memory_space<vmem>>
        %scatter3A_795 = tpu.memref_squeeze %scatter3A_794 : memref<1x16x128xf32, #tpu.memory_space<vmem>> -> memref<16x128xf32, #tpu.memory_space<vmem>>
        tpu.vector_store_idx %scatter3A_795[%iota3A, %broadcast_in_dim3A_791], %gather3A_789 masked %lt3A_231 : memref<16x128xf32, #tpu.memory_space<vmem>>[vector<16xi32>, vector<16xi32>], vector<16xf32>, vector<16xi1>
        %broadcast_in_dim3A_796 = arith.constant 26 : i32
        %broadcast_in_dim3A_797 = vector.broadcast %broadcast_in_dim3A_796 : i32 to vector<16xi32>
        %gather3A_798 = arith.constant 0 : i32
        %gather3A_799 = arith.constant 0 : i32
        %gather3A_800 = tpu.memref_slice %arg12[%rem3A_152, %gather3A_798, %gather3A_799] : memref<3x32x512xf32, #tpu.memory_space<vmem>> -> memref<1x32x512xf32, #tpu.memory_space<vmem>>
        %gather3A_801 = tpu.memref_squeeze %gather3A_800 : memref<1x32x512xf32, #tpu.memory_space<vmem>> -> memref<32x512xf32, #tpu.memory_space<vmem>>
        %gather3A_802 = tpu.vector_load_idx %gather3A_801[%broadcast_in_dim3A_797, %select_n3A_239] masked %lt3A_231 : memref<32x512xf32, #tpu.memory_space<vmem>>[vector<16xi32>, vector<16xi32>], vector<16xf32>, vector<16xi1>
        %broadcast_in_dim3A_803 = arith.constant 42 : i32
        %broadcast_in_dim3A_804 = vector.broadcast %broadcast_in_dim3A_803 : i32 to vector<16xi32>
        %scatter3A_805 = arith.constant 0 : i32
        %scatter3A_806 = arith.constant 0 : i32
        %scatter3A_807 = tpu.memref_slice %arg15[%rem3A_247, %scatter3A_805, %scatter3A_806] : memref<4x16x128xf32, #tpu.memory_space<vmem>> -> memref<1x16x128xf32, #tpu.memory_space<vmem>>
        %scatter3A_808 = tpu.memref_squeeze %scatter3A_807 : memref<1x16x128xf32, #tpu.memory_space<vmem>> -> memref<16x128xf32, #tpu.memory_space<vmem>>
        tpu.vector_store_idx %scatter3A_808[%iota3A, %broadcast_in_dim3A_804], %gather3A_802 masked %lt3A_231 : memref<16x128xf32, #tpu.memory_space<vmem>>[vector<16xi32>, vector<16xi32>], vector<16xf32>, vector<16xi1>
        %broadcast_in_dim3A_809 = arith.constant 27 : i32
        %broadcast_in_dim3A_810 = vector.broadcast %broadcast_in_dim3A_809 : i32 to vector<16xi32>
        %gather3A_811 = arith.constant 0 : i32
        %gather3A_812 = arith.constant 0 : i32
        %gather3A_813 = tpu.memref_slice %arg12[%rem3A_152, %gather3A_811, %gather3A_812] : memref<3x32x512xf32, #tpu.memory_space<vmem>> -> memref<1x32x512xf32, #tpu.memory_space<vmem>>
        %gather3A_814 = tpu.memref_squeeze %gather3A_813 : memref<1x32x512xf32, #tpu.memory_space<vmem>> -> memref<32x512xf32, #tpu.memory_space<vmem>>
        %gather3A_815 = tpu.vector_load_idx %gather3A_814[%broadcast_in_dim3A_810, %select_n3A_239] masked %lt3A_231 : memref<32x512xf32, #tpu.memory_space<vmem>>[vector<16xi32>, vector<16xi32>], vector<16xf32>, vector<16xi1>
        %broadcast_in_dim3A_816 = arith.constant 43 : i32
        %broadcast_in_dim3A_817 = vector.broadcast %broadcast_in_dim3A_816 : i32 to vector<16xi32>
        %scatter3A_818 = arith.constant 0 : i32
        %scatter3A_819 = arith.constant 0 : i32
        %scatter3A_820 = tpu.memref_slice %arg15[%rem3A_247, %scatter3A_818, %scatter3A_819] : memref<4x16x128xf32, #tpu.memory_space<vmem>> -> memref<1x16x128xf32, #tpu.memory_space<vmem>>
        %scatter3A_821 = tpu.memref_squeeze %scatter3A_820 : memref<1x16x128xf32, #tpu.memory_space<vmem>> -> memref<16x128xf32, #tpu.memory_space<vmem>>
        tpu.vector_store_idx %scatter3A_821[%iota3A, %broadcast_in_dim3A_817], %gather3A_815 masked %lt3A_231 : memref<16x128xf32, #tpu.memory_space<vmem>>[vector<16xi32>, vector<16xi32>], vector<16xf32>, vector<16xi1>
        %broadcast_in_dim3A_822 = arith.constant 28 : i32
        %broadcast_in_dim3A_823 = vector.broadcast %broadcast_in_dim3A_822 : i32 to vector<16xi32>
        %gather3A_824 = arith.constant 0 : i32
        %gather3A_825 = arith.constant 0 : i32
        %gather3A_826 = tpu.memref_slice %arg12[%rem3A_152, %gather3A_824, %gather3A_825] : memref<3x32x512xf32, #tpu.memory_space<vmem>> -> memref<1x32x512xf32, #tpu.memory_space<vmem>>
        %gather3A_827 = tpu.memref_squeeze %gather3A_826 : memref<1x32x512xf32, #tpu.memory_space<vmem>> -> memref<32x512xf32, #tpu.memory_space<vmem>>
        %gather3A_828 = tpu.vector_load_idx %gather3A_827[%broadcast_in_dim3A_823, %select_n3A_239] masked %lt3A_231 : memref<32x512xf32, #tpu.memory_space<vmem>>[vector<16xi32>, vector<16xi32>], vector<16xf32>, vector<16xi1>
        %broadcast_in_dim3A_829 = arith.constant 44 : i32
        %broadcast_in_dim3A_830 = vector.broadcast %broadcast_in_dim3A_829 : i32 to vector<16xi32>
        %scatter3A_831 = arith.constant 0 : i32
        %scatter3A_832 = arith.constant 0 : i32
        %scatter3A_833 = tpu.memref_slice %arg15[%rem3A_247, %scatter3A_831, %scatter3A_832] : memref<4x16x128xf32, #tpu.memory_space<vmem>> -> memref<1x16x128xf32, #tpu.memory_space<vmem>>
        %scatter3A_834 = tpu.memref_squeeze %scatter3A_833 : memref<1x16x128xf32, #tpu.memory_space<vmem>> -> memref<16x128xf32, #tpu.memory_space<vmem>>
        tpu.vector_store_idx %scatter3A_834[%iota3A, %broadcast_in_dim3A_830], %gather3A_828 masked %lt3A_231 : memref<16x128xf32, #tpu.memory_space<vmem>>[vector<16xi32>, vector<16xi32>], vector<16xf32>, vector<16xi1>
        %broadcast_in_dim3A_835 = arith.constant 29 : i32
        %broadcast_in_dim3A_836 = vector.broadcast %broadcast_in_dim3A_835 : i32 to vector<16xi32>
        %gather3A_837 = arith.constant 0 : i32
        %gather3A_838 = arith.constant 0 : i32
        %gather3A_839 = tpu.memref_slice %arg12[%rem3A_152, %gather3A_837, %gather3A_838] : memref<3x32x512xf32, #tpu.memory_space<vmem>> -> memref<1x32x512xf32, #tpu.memory_space<vmem>>
        %gather3A_840 = tpu.memref_squeeze %gather3A_839 : memref<1x32x512xf32, #tpu.memory_space<vmem>> -> memref<32x512xf32, #tpu.memory_space<vmem>>
        %gather3A_841 = tpu.vector_load_idx %gather3A_840[%broadcast_in_dim3A_836, %select_n3A_239] masked %lt3A_231 : memref<32x512xf32, #tpu.memory_space<vmem>>[vector<16xi32>, vector<16xi32>], vector<16xf32>, vector<16xi1>
        %broadcast_in_dim3A_842 = arith.constant 45 : i32
        %broadcast_in_dim3A_843 = vector.broadcast %broadcast_in_dim3A_842 : i32 to vector<16xi32>
        %scatter3A_844 = arith.constant 0 : i32
        %scatter3A_845 = arith.constant 0 : i32
        %scatter3A_846 = tpu.memref_slice %arg15[%rem3A_247, %scatter3A_844, %scatter3A_845] : memref<4x16x128xf32, #tpu.memory_space<vmem>> -> memref<1x16x128xf32, #tpu.memory_space<vmem>>
        %scatter3A_847 = tpu.memref_squeeze %scatter3A_846 : memref<1x16x128xf32, #tpu.memory_space<vmem>> -> memref<16x128xf32, #tpu.memory_space<vmem>>
        tpu.vector_store_idx %scatter3A_847[%iota3A, %broadcast_in_dim3A_843], %gather3A_841 masked %lt3A_231 : memref<16x128xf32, #tpu.memory_space<vmem>>[vector<16xi32>, vector<16xi32>], vector<16xf32>, vector<16xi1>
        %broadcast_in_dim3A_848 = arith.constant 30 : i32
        %broadcast_in_dim3A_849 = vector.broadcast %broadcast_in_dim3A_848 : i32 to vector<16xi32>
        %gather3A_850 = arith.constant 0 : i32
        %gather3A_851 = arith.constant 0 : i32
        %gather3A_852 = tpu.memref_slice %arg12[%rem3A_152, %gather3A_850, %gather3A_851] : memref<3x32x512xf32, #tpu.memory_space<vmem>> -> memref<1x32x512xf32, #tpu.memory_space<vmem>>
        %gather3A_853 = tpu.memref_squeeze %gather3A_852 : memref<1x32x512xf32, #tpu.memory_space<vmem>> -> memref<32x512xf32, #tpu.memory_space<vmem>>
        %gather3A_854 = tpu.vector_load_idx %gather3A_853[%broadcast_in_dim3A_849, %select_n3A_239] masked %lt3A_231 : memref<32x512xf32, #tpu.memory_space<vmem>>[vector<16xi32>, vector<16xi32>], vector<16xf32>, vector<16xi1>
        %broadcast_in_dim3A_855 = arith.constant 46 : i32
        %broadcast_in_dim3A_856 = vector.broadcast %broadcast_in_dim3A_855 : i32 to vector<16xi32>
        %scatter3A_857 = arith.constant 0 : i32
        %scatter3A_858 = arith.constant 0 : i32
        %scatter3A_859 = tpu.memref_slice %arg15[%rem3A_247, %scatter3A_857, %scatter3A_858] : memref<4x16x128xf32, #tpu.memory_space<vmem>> -> memref<1x16x128xf32, #tpu.memory_space<vmem>>
        %scatter3A_860 = tpu.memref_squeeze %scatter3A_859 : memref<1x16x128xf32, #tpu.memory_space<vmem>> -> memref<16x128xf32, #tpu.memory_space<vmem>>
        tpu.vector_store_idx %scatter3A_860[%iota3A, %broadcast_in_dim3A_856], %gather3A_854 masked %lt3A_231 : memref<16x128xf32, #tpu.memory_space<vmem>>[vector<16xi32>, vector<16xi32>], vector<16xf32>, vector<16xi1>
        %broadcast_in_dim3A_861 = arith.constant 31 : i32
        %broadcast_in_dim3A_862 = vector.broadcast %broadcast_in_dim3A_861 : i32 to vector<16xi32>
        %gather3A_863 = arith.constant 0 : i32
        %gather3A_864 = arith.constant 0 : i32
        %gather3A_865 = tpu.memref_slice %arg12[%rem3A_152, %gather3A_863, %gather3A_864] : memref<3x32x512xf32, #tpu.memory_space<vmem>> -> memref<1x32x512xf32, #tpu.memory_space<vmem>>
        %gather3A_866 = tpu.memref_squeeze %gather3A_865 : memref<1x32x512xf32, #tpu.memory_space<vmem>> -> memref<32x512xf32, #tpu.memory_space<vmem>>
        %gather3A_867 = tpu.vector_load_idx %gather3A_866[%broadcast_in_dim3A_862, %select_n3A_239] masked %lt3A_231 : memref<32x512xf32, #tpu.memory_space<vmem>>[vector<16xi32>, vector<16xi32>], vector<16xf32>, vector<16xi1>
        %broadcast_in_dim3A_868 = arith.constant 47 : i32
        %broadcast_in_dim3A_869 = vector.broadcast %broadcast_in_dim3A_868 : i32 to vector<16xi32>
        %scatter3A_870 = arith.constant 0 : i32
        %scatter3A_871 = arith.constant 0 : i32
        %scatter3A_872 = tpu.memref_slice %arg15[%rem3A_247, %scatter3A_870, %scatter3A_871] : memref<4x16x128xf32, #tpu.memory_space<vmem>> -> memref<1x16x128xf32, #tpu.memory_space<vmem>>
        %scatter3A_873 = tpu.memref_squeeze %scatter3A_872 : memref<1x16x128xf32, #tpu.memory_space<vmem>> -> memref<16x128xf32, #tpu.memory_space<vmem>>
        tpu.vector_store_idx %scatter3A_873[%iota3A, %broadcast_in_dim3A_869], %gather3A_867 masked %lt3A_231 : memref<16x128xf32, #tpu.memory_space<vmem>>[vector<16xi32>, vector<16xi32>], vector<16xf32>, vector<16xi1>
        %dma_start3A_874 = arith.constant 0 : i32
        %dma_start3A_875 = arith.constant 0 : i32
        %dma_start3A_876 = tpu.memref_slice %arg15[%rem3A_247, %dma_start3A_874, %dma_start3A_875] : memref<4x16x128xf32, #tpu.memory_space<vmem>> -> memref<1x16x128xf32, #tpu.memory_space<vmem>>
        %dma_start3A_877 = tpu.memref_squeeze %dma_start3A_876 : memref<1x16x128xf32, #tpu.memory_space<vmem>> -> memref<16x128xf32, #tpu.memory_space<vmem>>
        %dma_start3A_878 = arith.constant 0 : i32
        %dma_start3A_879 = arith.constant 0 : i32
        %dma_start3A_880 = tpu.memref_slice %arg7[%dma_start3A_878, %dma_start3A_879] : memref<16400x128xf32, #tpu.memory_space<hbm>> -> memref<16400x128xf32, #tpu.memory_space<hbm>>
        tpu.enqueue_indirect_dma source(%dma_start3A_877 : memref<16x128xf32, #tpu.memory_space<vmem>>) target(%dma_start3A_880 : memref<16400x128xf32, #tpu.memory_space<hbm>>) offsets(%select_n3A_245 : vector<16xi32>) semaphore(%arg19 : memref<!tpu.dma_semaphore, #tpu.memory_space<semaphore_mem>>)
        %add3A_881 = arith.constant 1 : i32
        %add3A_882 = arith.addi %while3A_221, %add3A_881 : i32
        scf.yield %add3A_882 : i32
      }
      scf.yield %while3A_219 : i32
    }
    %broadcast_in_dim3A_102 = arith.constant 0 : i32
    %broadcast_in_dim3A_103 = vector.broadcast %broadcast_in_dim3A_102 : i32 to vector<16xi32>
    %swap3A_104 = arith.constant 0 : index
    %swap3A_105 = tpu.vector_load %arg16[%swap3A_104] {strides = array<i32>} : memref<16xi32, #tpu.memory_space<vmem>>, vector<16xi32>,
    tpu.vector_store %arg16[%swap3A_104], %broadcast_in_dim3A_103 {strides = array<i32>} : memref<16xi32, #tpu.memory_space<vmem>>, vector<16xi32>,
    %while3A_106 = arith.constant 0 : i32
    %while3A_107 = arith.constant 0 : i32
    %while3A_108 = arith.subi %shift_right_arithmetic3A_91, %while3A_107 : i32
    %while3A_109 = arith.addi %while3A_107, %while3A_108 : i32
    %while3A_110 = arith.constant 1 : i32
    %while3A_111 = arith.divsi %while3A_108, %while3A_110 : i32
    %while3A_112 = arith.muli %while3A_111, %while3A_110 : i32
    %while3A_113 = arith.addi %while3A_107, %while3A_112 : i32
    %while3A_114 = arith.constant 1 : i32
    scf.for %while3A_149 = %while3A_107 to %while3A_113 step %while3A_114  : i32 {
      %mul3A_150 = arith.constant 16 : i32
      %mul3A_151 = arith.muli %while3A_149, %mul3A_150 : i32
      %get3A_152 = arith.index_cast %mul3A_151 : i32 to index
      %get3A_153 = tpu.vector_load %arg9[%get3A_152] {strides = array<i32>} : memref<16400xi32, #tpu.memory_space<vmem>>, vector<16xi32>,
      %shift_right_arithmetic3A_154 = arith.constant 14 : i32
      %shift_right_arithmetic3A_155 = vector.broadcast %shift_right_arithmetic3A_154 : i32 to vector<16xi32>
      %shift_right_arithmetic3A_156 = arith.shrsi %get3A_153, %shift_right_arithmetic3A_155 : vector<16xi32>
      %sub3A_157 = vector.broadcast %sub3A_17 : i32 to vector<16xi32>
      %sub3A_158 = arith.subi %shift_right_arithmetic3A_156, %sub3A_157 : vector<16xi32>
      %mul3A_159 = arith.constant 16 : i32
      %mul3A_160 = arith.muli %while3A_149, %mul3A_159 : i32
      %add3A_161 = vector.broadcast %mul3A_160 : i32 to vector<16xi32>
      %add3A_162 = arith.addi %add3A_161, %iota3A : vector<16xi32>
      %lt3A_163 = vector.broadcast %squeeze3A : i32 to vector<16xi32>
      %lt3A_164 = arith.cmpi slt, %add3A_162, %lt3A_163 : vector<16xi32>
      %ge3A = arith.constant 0 : i32
      %ge3A_165 = vector.broadcast %ge3A : i32 to vector<16xi32>
      %ge3A_166 = arith.cmpi sge, %sub3A_158, %ge3A_165 : vector<16xi32>
      %and3A = arith.andi %lt3A_164, %ge3A_166 : vector<16xi1>
      %jit3A_167 = arith.constant 1 : i32
      %jit3A_168 = arith.constant 0 : i32
      %broadcast_in_dim3A_169 = vector.broadcast %jit3A_167 : i32 to vector<16xi32>
      %broadcast_in_dim3A_170 = vector.broadcast %jit3A_168 : i32 to vector<16xi32>
      %select_n3A_171 = arith.select %and3A, %broadcast_in_dim3A_169, %broadcast_in_dim3A_170 : vector<16xi1>, vector<16xi32>
      %get3A_172 = arith.constant 0 : index
      %get3A_173 = tpu.vector_load %arg16[%get3A_172] {strides = array<i32>} : memref<16xi32, #tpu.memory_space<vmem>>, vector<16xi32>,
      %broadcast_in_dim3A_174 = arith.constant true
      %broadcast_in_dim3A_175 = vector.broadcast %broadcast_in_dim3A_174 : i1 to vector<16xi1>
      %masked_cumsum3A = tpu.scan <sum>, %select_n3A_171 masked %broadcast_in_dim3A_175 : vector<16xi32>, vector<16xi1> -> vector<16xi32>
      %add3A_176 = arith.addi %get3A_173, %masked_cumsum3A : vector<16xi32>
      %sub3A_177 = arith.constant 1 : i32
      %sub3A_178 = vector.broadcast %sub3A_177 : i32 to vector<16xi32>
      %sub3A_179 = arith.subi %add3A_176, %sub3A_178 : vector<16xi32>
      tpu.vector_store_idx %arg10[%sub3A_179], %get3A_153 masked %and3A : memref<16400xi32, #tpu.memory_space<vmem>>[vector<16xi32>], vector<16xi32>, vector<16xi1>
      %reduce_sum3A = arith.constant true
      %reduce_sum3A_180 = vector.broadcast %reduce_sum3A : i1 to vector<16xi1>
      %reduce_sum3A_181 = tpu.scan <sum>, %select_n3A_171 masked %reduce_sum3A_180 : vector<16xi32>, vector<16xi1> -> vector<16xi32>
      %reduce_sum3A_182 = vector.extract %reduce_sum3A_181[15] : i32 from vector<16xi32>
      %add3A_183 = vector.broadcast %reduce_sum3A_182 : i32 to vector<16xi32>
      %add3A_184 = arith.addi %get3A_173, %add3A_183 : vector<16xi32>
      %swap3A_185 = arith.constant 0 : index
      %swap3A_186 = tpu.vector_load %arg16[%swap3A_185] {strides = array<i32>} : memref<16xi32, #tpu.memory_space<vmem>>, vector<16xi32>,
      tpu.vector_store %arg16[%swap3A_185], %add3A_184 {strides = array<i32>} : memref<16xi32, #tpu.memory_space<vmem>>, vector<16xi32>,
    }
    %while3A_115 = arith.constant 1 : i32
    scf.for %while3A_149 = %while3A_113 to %while3A_109 step %while3A_115  : i32 {
      %mul3A_150 = arith.constant 16 : i32
      %mul3A_151 = arith.muli %while3A_149, %mul3A_150 : i32
      %get3A_152 = arith.index_cast %mul3A_151 : i32 to index
      %get3A_153 = tpu.vector_load %arg9[%get3A_152] {strides = array<i32>} : memref<16400xi32, #tpu.memory_space<vmem>>, vector<16xi32>,
      %shift_right_arithmetic3A_154 = arith.constant 14 : i32
      %shift_right_arithmetic3A_155 = vector.broadcast %shift_right_arithmetic3A_154 : i32 to vector<16xi32>
      %shift_right_arithmetic3A_156 = arith.shrsi %get3A_153, %shift_right_arithmetic3A_155 : vector<16xi32>
      %sub3A_157 = vector.broadcast %sub3A_17 : i32 to vector<16xi32>
      %sub3A_158 = arith.subi %shift_right_arithmetic3A_156, %sub3A_157 : vector<16xi32>
      %mul3A_159 = arith.constant 16 : i32
      %mul3A_160 = arith.muli %while3A_149, %mul3A_159 : i32
      %add3A_161 = vector.broadcast %mul3A_160 : i32 to vector<16xi32>
      %add3A_162 = arith.addi %add3A_161, %iota3A : vector<16xi32>
      %lt3A_163 = vector.broadcast %squeeze3A : i32 to vector<16xi32>
      %lt3A_164 = arith.cmpi slt, %add3A_162, %lt3A_163 : vector<16xi32>
      %ge3A = arith.constant 0 : i32
      %ge3A_165 = vector.broadcast %ge3A : i32 to vector<16xi32>
      %ge3A_166 = arith.cmpi sge, %sub3A_158, %ge3A_165 : vector<16xi32>
      %and3A = arith.andi %lt3A_164, %ge3A_166 : vector<16xi1>
      %jit3A_167 = arith.constant 1 : i32
      %jit3A_168 = arith.constant 0 : i32
      %broadcast_in_dim3A_169 = vector.broadcast %jit3A_167 : i32 to vector<16xi32>
      %broadcast_in_dim3A_170 = vector.broadcast %jit3A_168 : i32 to vector<16xi32>
      %select_n3A_171 = arith.select %and3A, %broadcast_in_dim3A_169, %broadcast_in_dim3A_170 : vector<16xi1>, vector<16xi32>
      %get3A_172 = arith.constant 0 : index
      %get3A_173 = tpu.vector_load %arg16[%get3A_172] {strides = array<i32>} : memref<16xi32, #tpu.memory_space<vmem>>, vector<16xi32>,
      %broadcast_in_dim3A_174 = arith.constant true
      %broadcast_in_dim3A_175 = vector.broadcast %broadcast_in_dim3A_174 : i1 to vector<16xi1>
      %masked_cumsum3A = tpu.scan <sum>, %select_n3A_171 masked %broadcast_in_dim3A_175 : vector<16xi32>, vector<16xi1> -> vector<16xi32>
      %add3A_176 = arith.addi %get3A_173, %masked_cumsum3A : vector<16xi32>
      %sub3A_177 = arith.constant 1 : i32
      %sub3A_178 = vector.broadcast %sub3A_177 : i32 to vector<16xi32>
      %sub3A_179 = arith.subi %add3A_176, %sub3A_178 : vector<16xi32>
      tpu.vector_store_idx %arg10[%sub3A_179], %get3A_153 masked %and3A : memref<16400xi32, #tpu.memory_space<vmem>>[vector<16xi32>], vector<16xi32>, vector<16xi1>
      %reduce_sum3A = arith.constant true
      %reduce_sum3A_180 = vector.broadcast %reduce_sum3A : i1 to vector<16xi1>
      %reduce_sum3A_181 = tpu.scan <sum>, %select_n3A_171 masked %reduce_sum3A_180 : vector<16xi32>, vector<16xi1> -> vector<16xi32>
      %reduce_sum3A_182 = vector.extract %reduce_sum3A_181[15] : i32 from vector<16xi32>
      %add3A_183 = vector.broadcast %reduce_sum3A_182 : i32 to vector<16xi32>
      %add3A_184 = arith.addi %get3A_173, %add3A_183 : vector<16xi32>
      %swap3A_185 = arith.constant 0 : index
      %swap3A_186 = tpu.vector_load %arg16[%swap3A_185] {strides = array<i32>} : memref<16xi32, #tpu.memory_space<vmem>>, vector<16xi32>,
      tpu.vector_store %arg16[%swap3A_185], %add3A_184 {strides = array<i32>} : memref<16xi32, #tpu.memory_space<vmem>>, vector<16xi32>,
    }
    %get3A_116 = arith.constant 0 : index
    %get3A_117 = tpu.vector_load %arg16[%get3A_116] {strides = array<i32>} : memref<16xi32, #tpu.memory_space<vmem>>, vector<16xi32>,
    %slice3A_118 = vector.extract_strided_slice %get3A_117 {offsets = [0], sizes = [1], strides = [1]} : vector<16xi32> to vector<1xi32>
    %squeeze3A_119 = vector.extract %slice3A_118[0] : i32 from vector<1xi32>
    %add3A_120 = arith.constant 15 : i32
    %add3A_121 = arith.addi %squeeze3A_119, %add3A_120 : i32
    %shift_right_arithmetic3A_122 = arith.constant 4 : i32
    %shift_right_arithmetic3A_123 = arith.shrsi %add3A_121, %shift_right_arithmetic3A_122 : i32
    %while3A_124 = arith.constant 0 : i32
    %while3A_125 = arith.subi %shift_right_arithmetic3A_123, %while3A_124 : i32
    %while3A_126 = arith.addi %while3A_124, %while3A_125 : i32
    %while3A_127 = arith.constant 1 : i32
    %while3A_128 = arith.divsi %while3A_125, %while3A_127 : i32
    %while3A_129 = arith.muli %while3A_128, %while3A_127 : i32
    %while3A_130 = arith.addi %while3A_124, %while3A_129 : i32
    %while3A_131 = arith.constant 1 : i32
    %while3A_132 = scf.for %while3A_149 = %while3A_124 to %while3A_130 step %while3A_131 iter_args(%while3A_150 = %while3A_101) -> (i32)  : i32 {
      %mul3A_151 = arith.constant 16 : i32
      %mul3A_152 = arith.muli %while3A_149, %mul3A_151 : i32
      %get3A_153 = arith.index_cast %mul3A_152 : i32 to index
      %get3A_154 = tpu.vector_load %arg10[%get3A_153] {strides = array<i32>} : memref<16400xi32, #tpu.memory_space<vmem>>, vector<16xi32>,
      %mul3A_155 = arith.constant 16 : i32
      %mul3A_156 = arith.muli %while3A_149, %mul3A_155 : i32
      %add3A_157 = vector.broadcast %mul3A_156 : i32 to vector<16xi32>
      %add3A_158 = arith.addi %add3A_157, %iota3A : vector<16xi32>
      %lt3A_159 = vector.broadcast %squeeze3A_119 : i32 to vector<16xi32>
      %lt3A_160 = arith.cmpi slt, %add3A_158, %lt3A_159 : vector<16xi32>
      %shift_right_arithmetic3A_161 = arith.constant 14 : i32
      %shift_right_arithmetic3A_162 = vector.broadcast %shift_right_arithmetic3A_161 : i32 to vector<16xi32>
      %shift_right_arithmetic3A_163 = arith.shrsi %get3A_154, %shift_right_arithmetic3A_162 : vector<16xi32>
      %sub3A_164 = vector.broadcast %sub3A_17 : i32 to vector<16xi32>
      %sub3A_165 = arith.subi %shift_right_arithmetic3A_163, %sub3A_164 : vector<16xi32>
      %jit3A_166 = arith.constant 0 : i32
      %broadcast_in_dim3A_167 = vector.broadcast %jit3A_166 : i32 to vector<16xi32>
      %select_n3A_168 = arith.select %lt3A_160, %sub3A_165, %broadcast_in_dim3A_167 : vector<16xi1>, vector<16xi32>
      %and3A = arith.constant 16383 : i32
      %and3A_169 = vector.broadcast %and3A : i32 to vector<16xi32>
      %and3A_170 = arith.andi %get3A_154, %and3A_169 : vector<16xi32>
      %add3A_171 = arith.constant 16384 : i32
      %add3A_172 = vector.broadcast %add3A_171 : i32 to vector<16xi32>
      %add3A_173 = arith.addi %add3A_172, %iota3A : vector<16xi32>
      %select_n3A_174 = arith.select %lt3A_160, %and3A_170, %add3A_173 : vector<16xi1>, vector<16xi32>
      %rem3A = arith.constant 4 : i32
      %rem3A_175 = arith.remsi %while3A_150, %rem3A : i32
      %ge3A = arith.constant 4 : i32
      %ge3A_176 = arith.cmpi sge, %while3A_150, %ge3A : i32
      %convert_element_type3A = arith.extui %ge3A_176 : i1 to i32
      %cond3A = arith.constant 0 : i32
      %cond3A_177 = arith.cmpi ne, %convert_element_type3A, %cond3A : i32
      scf.if %cond3A_177 {
        %dma_wait3A = arith.constant 0 : i32
        %dma_wait3A_617 = arith.constant 0 : i32
        %dma_wait3A_618 = tpu.memref_slice %arg15[%rem3A_175, %dma_wait3A, %dma_wait3A_617] : memref<4x16x128xf32, #tpu.memory_space<vmem>> -> memref<1x16x128xf32, #tpu.memory_space<vmem>>
        %dma_wait3A_619 = tpu.memref_squeeze %dma_wait3A_618 : memref<1x16x128xf32, #tpu.memory_space<vmem>> -> memref<16x128xf32, #tpu.memory_space<vmem>>
        %dma_wait3A_620 = arith.constant 0 : i32
        %dma_wait3A_621 = arith.constant 0 : i32
        %dma_wait3A_622 = tpu.memref_slice %arg7[%dma_wait3A_620, %dma_wait3A_621] : memref<16400x128xf32, #tpu.memory_space<hbm>> -> memref<16x128xf32, #tpu.memory_space<hbm>>
        %dma_wait3A_623 = arith.constant 0 : i32
        %dma_wait3A_624 = arith.constant 0 : i32
        %dma_wait3A_625 = tpu.memref_slice %arg15[%rem3A_175, %dma_wait3A_623, %dma_wait3A_624] : memref<4x16x128xf32, #tpu.memory_space<vmem>> -> memref<1x16x128xf32, #tpu.memory_space<vmem>>
        %dma_wait3A_626 = tpu.memref_squeeze %dma_wait3A_625 : memref<1x16x128xf32, #tpu.memory_space<vmem>> -> memref<16x128xf32, #tpu.memory_space<vmem>>
        %dma_wait3A_627 = arith.constant 0 : i32
        %dma_wait3A_628 = arith.constant 0 : i32
        %dma_wait3A_629 = tpu.memref_slice %arg7[%dma_wait3A_627, %dma_wait3A_628] : memref<16400x128xf32, #tpu.memory_space<hbm>> -> memref<16x128xf32, #tpu.memory_space<hbm>>
        tpu.wait_dma2 semaphore(%arg19 : memref<!tpu.dma_semaphore, #tpu.memory_space<semaphore_mem>>) src(%dma_wait3A_629 : memref<16x128xf32, #tpu.memory_space<hbm>>) dst(%dma_wait3A_626 : memref<16x128xf32, #tpu.memory_space<vmem>>)
      } else {
      }
      %broadcast_in_dim3A_178 = arith.constant 0 : i32
      %broadcast_in_dim3A_179 = vector.broadcast %broadcast_in_dim3A_178 : i32 to vector<16xi32>
      %gather3A = tpu.vector_load_idx %arg13[%broadcast_in_dim3A_179, %select_n3A_168] masked %lt3A_160 : memref<16x128xf32, #tpu.memory_space<vmem>>[vector<16xi32>, vector<16xi32>], vector<16xf32>, vector<16xi1>
      %broadcast_in_dim3A_180 = arith.constant 0 : i32
      %broadcast_in_dim3A_181 = vector.broadcast %broadcast_in_dim3A_180 : i32 to vector<16xi32>
      %scatter3A = arith.constant 0 : i32
      %scatter3A_182 = arith.constant 0 : i32
      %scatter3A_183 = tpu.memref_slice %arg15[%rem3A_175, %scatter3A, %scatter3A_182] : memref<4x16x128xf32, #tpu.memory_space<vmem>> -> memref<1x16x128xf32, #tpu.memory_space<vmem>>
      %scatter3A_184 = tpu.memref_squeeze %scatter3A_183 : memref<1x16x128xf32, #tpu.memory_space<vmem>> -> memref<16x128xf32, #tpu.memory_space<vmem>>
      tpu.vector_store_idx %scatter3A_184[%iota3A, %broadcast_in_dim3A_181], %gather3A masked %lt3A_160 : memref<16x128xf32, #tpu.memory_space<vmem>>[vector<16xi32>, vector<16xi32>], vector<16xf32>, vector<16xi1>
      %broadcast_in_dim3A_185 = arith.constant 1 : i32
      %broadcast_in_dim3A_186 = vector.broadcast %broadcast_in_dim3A_185 : i32 to vector<16xi32>
      %gather3A_187 = tpu.vector_load_idx %arg13[%broadcast_in_dim3A_186, %select_n3A_168] masked %lt3A_160 : memref<16x128xf32, #tpu.memory_space<vmem>>[vector<16xi32>, vector<16xi32>], vector<16xf32>, vector<16xi1>
      %broadcast_in_dim3A_188 = arith.constant 1 : i32
      %broadcast_in_dim3A_189 = vector.broadcast %broadcast_in_dim3A_188 : i32 to vector<16xi32>
      %scatter3A_190 = arith.constant 0 : i32
      %scatter3A_191 = arith.constant 0 : i32
      %scatter3A_192 = tpu.memref_slice %arg15[%rem3A_175, %scatter3A_190, %scatter3A_191] : memref<4x16x128xf32, #tpu.memory_space<vmem>> -> memref<1x16x128xf32, #tpu.memory_space<vmem>>
      %scatter3A_193 = tpu.memref_squeeze %scatter3A_192 : memref<1x16x128xf32, #tpu.memory_space<vmem>> -> memref<16x128xf32, #tpu.memory_space<vmem>>
      tpu.vector_store_idx %scatter3A_193[%iota3A, %broadcast_in_dim3A_189], %gather3A_187 masked %lt3A_160 : memref<16x128xf32, #tpu.memory_space<vmem>>[vector<16xi32>, vector<16xi32>], vector<16xf32>, vector<16xi1>
      %broadcast_in_dim3A_194 = arith.constant 2 : i32
      %broadcast_in_dim3A_195 = vector.broadcast %broadcast_in_dim3A_194 : i32 to vector<16xi32>
      %gather3A_196 = tpu.vector_load_idx %arg13[%broadcast_in_dim3A_195, %select_n3A_168] masked %lt3A_160 : memref<16x128xf32, #tpu.memory_space<vmem>>[vector<16xi32>, vector<16xi32>], vector<16xf32>, vector<16xi1>
      %broadcast_in_dim3A_197 = arith.constant 2 : i32
      %broadcast_in_dim3A_198 = vector.broadcast %broadcast_in_dim3A_197 : i32 to vector<16xi32>
      %scatter3A_199 = arith.constant 0 : i32
      %scatter3A_200 = arith.constant 0 : i32
      %scatter3A_201 = tpu.memref_slice %arg15[%rem3A_175, %scatter3A_199, %scatter3A_200] : memref<4x16x128xf32, #tpu.memory_space<vmem>> -> memref<1x16x128xf32, #tpu.memory_space<vmem>>
      %scatter3A_202 = tpu.memref_squeeze %scatter3A_201 : memref<1x16x128xf32, #tpu.memory_space<vmem>> -> memref<16x128xf32, #tpu.memory_space<vmem>>
      tpu.vector_store_idx %scatter3A_202[%iota3A, %broadcast_in_dim3A_198], %gather3A_196 masked %lt3A_160 : memref<16x128xf32, #tpu.memory_space<vmem>>[vector<16xi32>, vector<16xi32>], vector<16xf32>, vector<16xi1>
      %broadcast_in_dim3A_203 = arith.constant 3 : i32
      %broadcast_in_dim3A_204 = vector.broadcast %broadcast_in_dim3A_203 : i32 to vector<16xi32>
      %gather3A_205 = tpu.vector_load_idx %arg13[%broadcast_in_dim3A_204, %select_n3A_168] masked %lt3A_160 : memref<16x128xf32, #tpu.memory_space<vmem>>[vector<16xi32>, vector<16xi32>], vector<16xf32>, vector<16xi1>
      %broadcast_in_dim3A_206 = arith.constant 3 : i32
      %broadcast_in_dim3A_207 = vector.broadcast %broadcast_in_dim3A_206 : i32 to vector<16xi32>
      %scatter3A_208 = arith.constant 0 : i32
      %scatter3A_209 = arith.constant 0 : i32
      %scatter3A_210 = tpu.memref_slice %arg15[%rem3A_175, %scatter3A_208, %scatter3A_209] : memref<4x16x128xf32, #tpu.memory_space<vmem>> -> memref<1x16x128xf32, #tpu.memory_space<vmem>>
      %scatter3A_211 = tpu.memref_squeeze %scatter3A_210 : memref<1x16x128xf32, #tpu.memory_space<vmem>> -> memref<16x128xf32, #tpu.memory_space<vmem>>
      tpu.vector_store_idx %scatter3A_211[%iota3A, %broadcast_in_dim3A_207], %gather3A_205 masked %lt3A_160 : memref<16x128xf32, #tpu.memory_space<vmem>>[vector<16xi32>, vector<16xi32>], vector<16xf32>, vector<16xi1>
      %broadcast_in_dim3A_212 = arith.constant 4 : i32
      %broadcast_in_dim3A_213 = vector.broadcast %broadcast_in_dim3A_212 : i32 to vector<16xi32>
      %gather3A_214 = tpu.vector_load_idx %arg13[%broadcast_in_dim3A_213, %select_n3A_168] masked %lt3A_160 : memref<16x128xf32, #tpu.memory_space<vmem>>[vector<16xi32>, vector<16xi32>], vector<16xf32>, vector<16xi1>
      %broadcast_in_dim3A_215 = arith.constant 4 : i32
      %broadcast_in_dim3A_216 = vector.broadcast %broadcast_in_dim3A_215 : i32 to vector<16xi32>
      %scatter3A_217 = arith.constant 0 : i32
      %scatter3A_218 = arith.constant 0 : i32
      %scatter3A_219 = tpu.memref_slice %arg15[%rem3A_175, %scatter3A_217, %scatter3A_218] : memref<4x16x128xf32, #tpu.memory_space<vmem>> -> memref<1x16x128xf32, #tpu.memory_space<vmem>>
      %scatter3A_220 = tpu.memref_squeeze %scatter3A_219 : memref<1x16x128xf32, #tpu.memory_space<vmem>> -> memref<16x128xf32, #tpu.memory_space<vmem>>
      tpu.vector_store_idx %scatter3A_220[%iota3A, %broadcast_in_dim3A_216], %gather3A_214 masked %lt3A_160 : memref<16x128xf32, #tpu.memory_space<vmem>>[vector<16xi32>, vector<16xi32>], vector<16xf32>, vector<16xi1>
      %broadcast_in_dim3A_221 = arith.constant 5 : i32
      %broadcast_in_dim3A_222 = vector.broadcast %broadcast_in_dim3A_221 : i32 to vector<16xi32>
      %gather3A_223 = tpu.vector_load_idx %arg13[%broadcast_in_dim3A_222, %select_n3A_168] masked %lt3A_160 : memref<16x128xf32, #tpu.memory_space<vmem>>[vector<16xi32>, vector<16xi32>], vector<16xf32>, vector<16xi1>
      %broadcast_in_dim3A_224 = arith.constant 5 : i32
      %broadcast_in_dim3A_225 = vector.broadcast %broadcast_in_dim3A_224 : i32 to vector<16xi32>
      %scatter3A_226 = arith.constant 0 : i32
      %scatter3A_227 = arith.constant 0 : i32
      %scatter3A_228 = tpu.memref_slice %arg15[%rem3A_175, %scatter3A_226, %scatter3A_227] : memref<4x16x128xf32, #tpu.memory_space<vmem>> -> memref<1x16x128xf32, #tpu.memory_space<vmem>>
      %scatter3A_229 = tpu.memref_squeeze %scatter3A_228 : memref<1x16x128xf32, #tpu.memory_space<vmem>> -> memref<16x128xf32, #tpu.memory_space<vmem>>
      tpu.vector_store_idx %scatter3A_229[%iota3A, %broadcast_in_dim3A_225], %gather3A_223 masked %lt3A_160 : memref<16x128xf32, #tpu.memory_space<vmem>>[vector<16xi32>, vector<16xi32>], vector<16xf32>, vector<16xi1>
      %broadcast_in_dim3A_230 = arith.constant 6 : i32
      %broadcast_in_dim3A_231 = vector.broadcast %broadcast_in_dim3A_230 : i32 to vector<16xi32>
      %gather3A_232 = tpu.vector_load_idx %arg13[%broadcast_in_dim3A_231, %select_n3A_168] masked %lt3A_160 : memref<16x128xf32, #tpu.memory_space<vmem>>[vector<16xi32>, vector<16xi32>], vector<16xf32>, vector<16xi1>
      %broadcast_in_dim3A_233 = arith.constant 6 : i32
      %broadcast_in_dim3A_234 = vector.broadcast %broadcast_in_dim3A_233 : i32 to vector<16xi32>
      %scatter3A_235 = arith.constant 0 : i32
      %scatter3A_236 = arith.constant 0 : i32
      %scatter3A_237 = tpu.memref_slice %arg15[%rem3A_175, %scatter3A_235, %scatter3A_236] : memref<4x16x128xf32, #tpu.memory_space<vmem>> -> memref<1x16x128xf32, #tpu.memory_space<vmem>>
      %scatter3A_238 = tpu.memref_squeeze %scatter3A_237 : memref<1x16x128xf32, #tpu.memory_space<vmem>> -> memref<16x128xf32, #tpu.memory_space<vmem>>
      tpu.vector_store_idx %scatter3A_238[%iota3A, %broadcast_in_dim3A_234], %gather3A_232 masked %lt3A_160 : memref<16x128xf32, #tpu.memory_space<vmem>>[vector<16xi32>, vector<16xi32>], vector<16xf32>, vector<16xi1>
      %broadcast_in_dim3A_239 = arith.constant 7 : i32
      %broadcast_in_dim3A_240 = vector.broadcast %broadcast_in_dim3A_239 : i32 to vector<16xi32>
      %gather3A_241 = tpu.vector_load_idx %arg13[%broadcast_in_dim3A_240, %select_n3A_168] masked %lt3A_160 : memref<16x128xf32, #tpu.memory_space<vmem>>[vector<16xi32>, vector<16xi32>], vector<16xf32>, vector<16xi1>
      %broadcast_in_dim3A_242 = arith.constant 7 : i32
      %broadcast_in_dim3A_243 = vector.broadcast %broadcast_in_dim3A_242 : i32 to vector<16xi32>
      %scatter3A_244 = arith.constant 0 : i32
      %scatter3A_245 = arith.constant 0 : i32
      %scatter3A_246 = tpu.memref_slice %arg15[%rem3A_175, %scatter3A_244, %scatter3A_245] : memref<4x16x128xf32, #tpu.memory_space<vmem>> -> memref<1x16x128xf32, #tpu.memory_space<vmem>>
      %scatter3A_247 = tpu.memref_squeeze %scatter3A_246 : memref<1x16x128xf32, #tpu.memory_space<vmem>> -> memref<16x128xf32, #tpu.memory_space<vmem>>
      tpu.vector_store_idx %scatter3A_247[%iota3A, %broadcast_in_dim3A_243], %gather3A_241 masked %lt3A_160 : memref<16x128xf32, #tpu.memory_space<vmem>>[vector<16xi32>, vector<16xi32>], vector<16xf32>, vector<16xi1>
      %broadcast_in_dim3A_248 = arith.constant 8 : i32
      %broadcast_in_dim3A_249 = vector.broadcast %broadcast_in_dim3A_248 : i32 to vector<16xi32>
      %gather3A_250 = tpu.vector_load_idx %arg13[%broadcast_in_dim3A_249, %select_n3A_168] masked %lt3A_160 : memref<16x128xf32, #tpu.memory_space<vmem>>[vector<16xi32>, vector<16xi32>], vector<16xf32>, vector<16xi1>
      %broadcast_in_dim3A_251 = arith.constant 8 : i32
      %broadcast_in_dim3A_252 = vector.broadcast %broadcast_in_dim3A_251 : i32 to vector<16xi32>
      %scatter3A_253 = arith.constant 0 : i32
      %scatter3A_254 = arith.constant 0 : i32
      %scatter3A_255 = tpu.memref_slice %arg15[%rem3A_175, %scatter3A_253, %scatter3A_254] : memref<4x16x128xf32, #tpu.memory_space<vmem>> -> memref<1x16x128xf32, #tpu.memory_space<vmem>>
      %scatter3A_256 = tpu.memref_squeeze %scatter3A_255 : memref<1x16x128xf32, #tpu.memory_space<vmem>> -> memref<16x128xf32, #tpu.memory_space<vmem>>
      tpu.vector_store_idx %scatter3A_256[%iota3A, %broadcast_in_dim3A_252], %gather3A_250 masked %lt3A_160 : memref<16x128xf32, #tpu.memory_space<vmem>>[vector<16xi32>, vector<16xi32>], vector<16xf32>, vector<16xi1>
      %broadcast_in_dim3A_257 = arith.constant 9 : i32
      %broadcast_in_dim3A_258 = vector.broadcast %broadcast_in_dim3A_257 : i32 to vector<16xi32>
      %gather3A_259 = tpu.vector_load_idx %arg13[%broadcast_in_dim3A_258, %select_n3A_168] masked %lt3A_160 : memref<16x128xf32, #tpu.memory_space<vmem>>[vector<16xi32>, vector<16xi32>], vector<16xf32>, vector<16xi1>
      %broadcast_in_dim3A_260 = arith.constant 9 : i32
      %broadcast_in_dim3A_261 = vector.broadcast %broadcast_in_dim3A_260 : i32 to vector<16xi32>
      %scatter3A_262 = arith.constant 0 : i32
      %scatter3A_263 = arith.constant 0 : i32
      %scatter3A_264 = tpu.memref_slice %arg15[%rem3A_175, %scatter3A_262, %scatter3A_263] : memref<4x16x128xf32, #tpu.memory_space<vmem>> -> memref<1x16x128xf32, #tpu.memory_space<vmem>>
      %scatter3A_265 = tpu.memref_squeeze %scatter3A_264 : memref<1x16x128xf32, #tpu.memory_space<vmem>> -> memref<16x128xf32, #tpu.memory_space<vmem>>
      tpu.vector_store_idx %scatter3A_265[%iota3A, %broadcast_in_dim3A_261], %gather3A_259 masked %lt3A_160 : memref<16x128xf32, #tpu.memory_space<vmem>>[vector<16xi32>, vector<16xi32>], vector<16xf32>, vector<16xi1>
      %broadcast_in_dim3A_266 = arith.constant 10 : i32
      %broadcast_in_dim3A_267 = vector.broadcast %broadcast_in_dim3A_266 : i32 to vector<16xi32>
      %gather3A_268 = tpu.vector_load_idx %arg13[%broadcast_in_dim3A_267, %select_n3A_168] masked %lt3A_160 : memref<16x128xf32, #tpu.memory_space<vmem>>[vector<16xi32>, vector<16xi32>], vector<16xf32>, vector<16xi1>
      %broadcast_in_dim3A_269 = arith.constant 10 : i32
      %broadcast_in_dim3A_270 = vector.broadcast %broadcast_in_dim3A_269 : i32 to vector<16xi32>
      %scatter3A_271 = arith.constant 0 : i32
      %scatter3A_272 = arith.constant 0 : i32
      %scatter3A_273 = tpu.memref_slice %arg15[%rem3A_175, %scatter3A_271, %scatter3A_272] : memref<4x16x128xf32, #tpu.memory_space<vmem>> -> memref<1x16x128xf32, #tpu.memory_space<vmem>>
      %scatter3A_274 = tpu.memref_squeeze %scatter3A_273 : memref<1x16x128xf32, #tpu.memory_space<vmem>> -> memref<16x128xf32, #tpu.memory_space<vmem>>
      tpu.vector_store_idx %scatter3A_274[%iota3A, %broadcast_in_dim3A_270], %gather3A_268 masked %lt3A_160 : memref<16x128xf32, #tpu.memory_space<vmem>>[vector<16xi32>, vector<16xi32>], vector<16xf32>, vector<16xi1>
      %broadcast_in_dim3A_275 = arith.constant 11 : i32
      %broadcast_in_dim3A_276 = vector.broadcast %broadcast_in_dim3A_275 : i32 to vector<16xi32>
      %gather3A_277 = tpu.vector_load_idx %arg13[%broadcast_in_dim3A_276, %select_n3A_168] masked %lt3A_160 : memref<16x128xf32, #tpu.memory_space<vmem>>[vector<16xi32>, vector<16xi32>], vector<16xf32>, vector<16xi1>
      %broadcast_in_dim3A_278 = arith.constant 11 : i32
      %broadcast_in_dim3A_279 = vector.broadcast %broadcast_in_dim3A_278 : i32 to vector<16xi32>
      %scatter3A_280 = arith.constant 0 : i32
      %scatter3A_281 = arith.constant 0 : i32
      %scatter3A_282 = tpu.memref_slice %arg15[%rem3A_175, %scatter3A_280, %scatter3A_281] : memref<4x16x128xf32, #tpu.memory_space<vmem>> -> memref<1x16x128xf32, #tpu.memory_space<vmem>>
      %scatter3A_283 = tpu.memref_squeeze %scatter3A_282 : memref<1x16x128xf32, #tpu.memory_space<vmem>> -> memref<16x128xf32, #tpu.memory_space<vmem>>
      tpu.vector_store_idx %scatter3A_283[%iota3A, %broadcast_in_dim3A_279], %gather3A_277 masked %lt3A_160 : memref<16x128xf32, #tpu.memory_space<vmem>>[vector<16xi32>, vector<16xi32>], vector<16xf32>, vector<16xi1>
      %broadcast_in_dim3A_284 = arith.constant 12 : i32
      %broadcast_in_dim3A_285 = vector.broadcast %broadcast_in_dim3A_284 : i32 to vector<16xi32>
      %gather3A_286 = tpu.vector_load_idx %arg13[%broadcast_in_dim3A_285, %select_n3A_168] masked %lt3A_160 : memref<16x128xf32, #tpu.memory_space<vmem>>[vector<16xi32>, vector<16xi32>], vector<16xf32>, vector<16xi1>
      %broadcast_in_dim3A_287 = arith.constant 12 : i32
      %broadcast_in_dim3A_288 = vector.broadcast %broadcast_in_dim3A_287 : i32 to vector<16xi32>
      %scatter3A_289 = arith.constant 0 : i32
      %scatter3A_290 = arith.constant 0 : i32
      %scatter3A_291 = tpu.memref_slice %arg15[%rem3A_175, %scatter3A_289, %scatter3A_290] : memref<4x16x128xf32, #tpu.memory_space<vmem>> -> memref<1x16x128xf32, #tpu.memory_space<vmem>>
      %scatter3A_292 = tpu.memref_squeeze %scatter3A_291 : memref<1x16x128xf32, #tpu.memory_space<vmem>> -> memref<16x128xf32, #tpu.memory_space<vmem>>
      tpu.vector_store_idx %scatter3A_292[%iota3A, %broadcast_in_dim3A_288], %gather3A_286 masked %lt3A_160 : memref<16x128xf32, #tpu.memory_space<vmem>>[vector<16xi32>, vector<16xi32>], vector<16xf32>, vector<16xi1>
      %broadcast_in_dim3A_293 = arith.constant 13 : i32
      %broadcast_in_dim3A_294 = vector.broadcast %broadcast_in_dim3A_293 : i32 to vector<16xi32>
      %gather3A_295 = tpu.vector_load_idx %arg13[%broadcast_in_dim3A_294, %select_n3A_168] masked %lt3A_160 : memref<16x128xf32, #tpu.memory_space<vmem>>[vector<16xi32>, vector<16xi32>], vector<16xf32>, vector<16xi1>
      %broadcast_in_dim3A_296 = arith.constant 13 : i32
      %broadcast_in_dim3A_297 = vector.broadcast %broadcast_in_dim3A_296 : i32 to vector<16xi32>
      %scatter3A_298 = arith.constant 0 : i32
      %scatter3A_299 = arith.constant 0 : i32
      %scatter3A_300 = tpu.memref_slice %arg15[%rem3A_175, %scatter3A_298, %scatter3A_299] : memref<4x16x128xf32, #tpu.memory_space<vmem>> -> memref<1x16x128xf32, #tpu.memory_space<vmem>>
      %scatter3A_301 = tpu.memref_squeeze %scatter3A_300 : memref<1x16x128xf32, #tpu.memory_space<vmem>> -> memref<16x128xf32, #tpu.memory_space<vmem>>
      tpu.vector_store_idx %scatter3A_301[%iota3A, %broadcast_in_dim3A_297], %gather3A_295 masked %lt3A_160 : memref<16x128xf32, #tpu.memory_space<vmem>>[vector<16xi32>, vector<16xi32>], vector<16xf32>, vector<16xi1>
      %broadcast_in_dim3A_302 = arith.constant 14 : i32
      %broadcast_in_dim3A_303 = vector.broadcast %broadcast_in_dim3A_302 : i32 to vector<16xi32>
      %gather3A_304 = tpu.vector_load_idx %arg13[%broadcast_in_dim3A_303, %select_n3A_168] masked %lt3A_160 : memref<16x128xf32, #tpu.memory_space<vmem>>[vector<16xi32>, vector<16xi32>], vector<16xf32>, vector<16xi1>
      %broadcast_in_dim3A_305 = arith.constant 14 : i32
      %broadcast_in_dim3A_306 = vector.broadcast %broadcast_in_dim3A_305 : i32 to vector<16xi32>
      %scatter3A_307 = arith.constant 0 : i32
      %scatter3A_308 = arith.constant 0 : i32
      %scatter3A_309 = tpu.memref_slice %arg15[%rem3A_175, %scatter3A_307, %scatter3A_308] : memref<4x16x128xf32, #tpu.memory_space<vmem>> -> memref<1x16x128xf32, #tpu.memory_space<vmem>>
      %scatter3A_310 = tpu.memref_squeeze %scatter3A_309 : memref<1x16x128xf32, #tpu.memory_space<vmem>> -> memref<16x128xf32, #tpu.memory_space<vmem>>
      tpu.vector_store_idx %scatter3A_310[%iota3A, %broadcast_in_dim3A_306], %gather3A_304 masked %lt3A_160 : memref<16x128xf32, #tpu.memory_space<vmem>>[vector<16xi32>, vector<16xi32>], vector<16xf32>, vector<16xi1>
      %broadcast_in_dim3A_311 = arith.constant 15 : i32
      %broadcast_in_dim3A_312 = vector.broadcast %broadcast_in_dim3A_311 : i32 to vector<16xi32>
      %gather3A_313 = tpu.vector_load_idx %arg13[%broadcast_in_dim3A_312, %select_n3A_168] masked %lt3A_160 : memref<16x128xf32, #tpu.memory_space<vmem>>[vector<16xi32>, vector<16xi32>], vector<16xf32>, vector<16xi1>
      %broadcast_in_dim3A_314 = arith.constant 15 : i32
      %broadcast_in_dim3A_315 = vector.broadcast %broadcast_in_dim3A_314 : i32 to vector<16xi32>
      %scatter3A_316 = arith.constant 0 : i32
      %scatter3A_317 = arith.constant 0 : i32
      %scatter3A_318 = tpu.memref_slice %arg15[%rem3A_175, %scatter3A_316, %scatter3A_317] : memref<4x16x128xf32, #tpu.memory_space<vmem>> -> memref<1x16x128xf32, #tpu.memory_space<vmem>>
      %scatter3A_319 = tpu.memref_squeeze %scatter3A_318 : memref<1x16x128xf32, #tpu.memory_space<vmem>> -> memref<16x128xf32, #tpu.memory_space<vmem>>
      tpu.vector_store_idx %scatter3A_319[%iota3A, %broadcast_in_dim3A_315], %gather3A_313 masked %lt3A_160 : memref<16x128xf32, #tpu.memory_space<vmem>>[vector<16xi32>, vector<16xi32>], vector<16xf32>, vector<16xi1>
      %broadcast_in_dim3A_320 = arith.constant 0 : i32
      %broadcast_in_dim3A_321 = vector.broadcast %broadcast_in_dim3A_320 : i32 to vector<16xi32>
      %gather3A_322 = tpu.vector_load_idx %arg14[%broadcast_in_dim3A_321, %select_n3A_168] masked %lt3A_160 : memref<32x128xf32, #tpu.memory_space<vmem>>[vector<16xi32>, vector<16xi32>], vector<16xf32>, vector<16xi1>
      %broadcast_in_dim3A_323 = arith.constant 16 : i32
      %broadcast_in_dim3A_324 = vector.broadcast %broadcast_in_dim3A_323 : i32 to vector<16xi32>
      %scatter3A_325 = arith.constant 0 : i32
      %scatter3A_326 = arith.constant 0 : i32
      %scatter3A_327 = tpu.memref_slice %arg15[%rem3A_175, %scatter3A_325, %scatter3A_326] : memref<4x16x128xf32, #tpu.memory_space<vmem>> -> memref<1x16x128xf32, #tpu.memory_space<vmem>>
      %scatter3A_328 = tpu.memref_squeeze %scatter3A_327 : memref<1x16x128xf32, #tpu.memory_space<vmem>> -> memref<16x128xf32, #tpu.memory_space<vmem>>
      tpu.vector_store_idx %scatter3A_328[%iota3A, %broadcast_in_dim3A_324], %gather3A_322 masked %lt3A_160 : memref<16x128xf32, #tpu.memory_space<vmem>>[vector<16xi32>, vector<16xi32>], vector<16xf32>, vector<16xi1>
      %broadcast_in_dim3A_329 = arith.constant 1 : i32
      %broadcast_in_dim3A_330 = vector.broadcast %broadcast_in_dim3A_329 : i32 to vector<16xi32>
      %gather3A_331 = tpu.vector_load_idx %arg14[%broadcast_in_dim3A_330, %select_n3A_168] masked %lt3A_160 : memref<32x128xf32, #tpu.memory_space<vmem>>[vector<16xi32>, vector<16xi32>], vector<16xf32>, vector<16xi1>
      %broadcast_in_dim3A_332 = arith.constant 17 : i32
      %broadcast_in_dim3A_333 = vector.broadcast %broadcast_in_dim3A_332 : i32 to vector<16xi32>
      %scatter3A_334 = arith.constant 0 : i32
      %scatter3A_335 = arith.constant 0 : i32
      %scatter3A_336 = tpu.memref_slice %arg15[%rem3A_175, %scatter3A_334, %scatter3A_335] : memref<4x16x128xf32, #tpu.memory_space<vmem>> -> memref<1x16x128xf32, #tpu.memory_space<vmem>>
      %scatter3A_337 = tpu.memref_squeeze %scatter3A_336 : memref<1x16x128xf32, #tpu.memory_space<vmem>> -> memref<16x128xf32, #tpu.memory_space<vmem>>
      tpu.vector_store_idx %scatter3A_337[%iota3A, %broadcast_in_dim3A_333], %gather3A_331 masked %lt3A_160 : memref<16x128xf32, #tpu.memory_space<vmem>>[vector<16xi32>, vector<16xi32>], vector<16xf32>, vector<16xi1>
      %broadcast_in_dim3A_338 = arith.constant 2 : i32
      %broadcast_in_dim3A_339 = vector.broadcast %broadcast_in_dim3A_338 : i32 to vector<16xi32>
      %gather3A_340 = tpu.vector_load_idx %arg14[%broadcast_in_dim3A_339, %select_n3A_168] masked %lt3A_160 : memref<32x128xf32, #tpu.memory_space<vmem>>[vector<16xi32>, vector<16xi32>], vector<16xf32>, vector<16xi1>
      %broadcast_in_dim3A_341 = arith.constant 18 : i32
      %broadcast_in_dim3A_342 = vector.broadcast %broadcast_in_dim3A_341 : i32 to vector<16xi32>
      %scatter3A_343 = arith.constant 0 : i32
      %scatter3A_344 = arith.constant 0 : i32
      %scatter3A_345 = tpu.memref_slice %arg15[%rem3A_175, %scatter3A_343, %scatter3A_344] : memref<4x16x128xf32, #tpu.memory_space<vmem>> -> memref<1x16x128xf32, #tpu.memory_space<vmem>>
      %scatter3A_346 = tpu.memref_squeeze %scatter3A_345 : memref<1x16x128xf32, #tpu.memory_space<vmem>> -> memref<16x128xf32, #tpu.memory_space<vmem>>
      tpu.vector_store_idx %scatter3A_346[%iota3A, %broadcast_in_dim3A_342], %gather3A_340 masked %lt3A_160 : memref<16x128xf32, #tpu.memory_space<vmem>>[vector<16xi32>, vector<16xi32>], vector<16xf32>, vector<16xi1>
      %broadcast_in_dim3A_347 = arith.constant 3 : i32
      %broadcast_in_dim3A_348 = vector.broadcast %broadcast_in_dim3A_347 : i32 to vector<16xi32>
      %gather3A_349 = tpu.vector_load_idx %arg14[%broadcast_in_dim3A_348, %select_n3A_168] masked %lt3A_160 : memref<32x128xf32, #tpu.memory_space<vmem>>[vector<16xi32>, vector<16xi32>], vector<16xf32>, vector<16xi1>
      %broadcast_in_dim3A_350 = arith.constant 19 : i32
      %broadcast_in_dim3A_351 = vector.broadcast %broadcast_in_dim3A_350 : i32 to vector<16xi32>
      %scatter3A_352 = arith.constant 0 : i32
      %scatter3A_353 = arith.constant 0 : i32
      %scatter3A_354 = tpu.memref_slice %arg15[%rem3A_175, %scatter3A_352, %scatter3A_353] : memref<4x16x128xf32, #tpu.memory_space<vmem>> -> memref<1x16x128xf32, #tpu.memory_space<vmem>>
      %scatter3A_355 = tpu.memref_squeeze %scatter3A_354 : memref<1x16x128xf32, #tpu.memory_space<vmem>> -> memref<16x128xf32, #tpu.memory_space<vmem>>
      tpu.vector_store_idx %scatter3A_355[%iota3A, %broadcast_in_dim3A_351], %gather3A_349 masked %lt3A_160 : memref<16x128xf32, #tpu.memory_space<vmem>>[vector<16xi32>, vector<16xi32>], vector<16xf32>, vector<16xi1>
      %broadcast_in_dim3A_356 = arith.constant 4 : i32
      %broadcast_in_dim3A_357 = vector.broadcast %broadcast_in_dim3A_356 : i32 to vector<16xi32>
      %gather3A_358 = tpu.vector_load_idx %arg14[%broadcast_in_dim3A_357, %select_n3A_168] masked %lt3A_160 : memref<32x128xf32, #tpu.memory_space<vmem>>[vector<16xi32>, vector<16xi32>], vector<16xf32>, vector<16xi1>
      %broadcast_in_dim3A_359 = arith.constant 20 : i32
      %broadcast_in_dim3A_360 = vector.broadcast %broadcast_in_dim3A_359 : i32 to vector<16xi32>
      %scatter3A_361 = arith.constant 0 : i32
      %scatter3A_362 = arith.constant 0 : i32
      %scatter3A_363 = tpu.memref_slice %arg15[%rem3A_175, %scatter3A_361, %scatter3A_362] : memref<4x16x128xf32, #tpu.memory_space<vmem>> -> memref<1x16x128xf32, #tpu.memory_space<vmem>>
      %scatter3A_364 = tpu.memref_squeeze %scatter3A_363 : memref<1x16x128xf32, #tpu.memory_space<vmem>> -> memref<16x128xf32, #tpu.memory_space<vmem>>
      tpu.vector_store_idx %scatter3A_364[%iota3A, %broadcast_in_dim3A_360], %gather3A_358 masked %lt3A_160 : memref<16x128xf32, #tpu.memory_space<vmem>>[vector<16xi32>, vector<16xi32>], vector<16xf32>, vector<16xi1>
      %broadcast_in_dim3A_365 = arith.constant 5 : i32
      %broadcast_in_dim3A_366 = vector.broadcast %broadcast_in_dim3A_365 : i32 to vector<16xi32>
      %gather3A_367 = tpu.vector_load_idx %arg14[%broadcast_in_dim3A_366, %select_n3A_168] masked %lt3A_160 : memref<32x128xf32, #tpu.memory_space<vmem>>[vector<16xi32>, vector<16xi32>], vector<16xf32>, vector<16xi1>
      %broadcast_in_dim3A_368 = arith.constant 21 : i32
      %broadcast_in_dim3A_369 = vector.broadcast %broadcast_in_dim3A_368 : i32 to vector<16xi32>
      %scatter3A_370 = arith.constant 0 : i32
      %scatter3A_371 = arith.constant 0 : i32
      %scatter3A_372 = tpu.memref_slice %arg15[%rem3A_175, %scatter3A_370, %scatter3A_371] : memref<4x16x128xf32, #tpu.memory_space<vmem>> -> memref<1x16x128xf32, #tpu.memory_space<vmem>>
      %scatter3A_373 = tpu.memref_squeeze %scatter3A_372 : memref<1x16x128xf32, #tpu.memory_space<vmem>> -> memref<16x128xf32, #tpu.memory_space<vmem>>
      tpu.vector_store_idx %scatter3A_373[%iota3A, %broadcast_in_dim3A_369], %gather3A_367 masked %lt3A_160 : memref<16x128xf32, #tpu.memory_space<vmem>>[vector<16xi32>, vector<16xi32>], vector<16xf32>, vector<16xi1>
      %broadcast_in_dim3A_374 = arith.constant 6 : i32
      %broadcast_in_dim3A_375 = vector.broadcast %broadcast_in_dim3A_374 : i32 to vector<16xi32>
      %gather3A_376 = tpu.vector_load_idx %arg14[%broadcast_in_dim3A_375, %select_n3A_168] masked %lt3A_160 : memref<32x128xf32, #tpu.memory_space<vmem>>[vector<16xi32>, vector<16xi32>], vector<16xf32>, vector<16xi1>
      %broadcast_in_dim3A_377 = arith.constant 22 : i32
      %broadcast_in_dim3A_378 = vector.broadcast %broadcast_in_dim3A_377 : i32 to vector<16xi32>
      %scatter3A_379 = arith.constant 0 : i32
      %scatter3A_380 = arith.constant 0 : i32
      %scatter3A_381 = tpu.memref_slice %arg15[%rem3A_175, %scatter3A_379, %scatter3A_380] : memref<4x16x128xf32, #tpu.memory_space<vmem>> -> memref<1x16x128xf32, #tpu.memory_space<vmem>>
      %scatter3A_382 = tpu.memref_squeeze %scatter3A_381 : memref<1x16x128xf32, #tpu.memory_space<vmem>> -> memref<16x128xf32, #tpu.memory_space<vmem>>
      tpu.vector_store_idx %scatter3A_382[%iota3A, %broadcast_in_dim3A_378], %gather3A_376 masked %lt3A_160 : memref<16x128xf32, #tpu.memory_space<vmem>>[vector<16xi32>, vector<16xi32>], vector<16xf32>, vector<16xi1>
      %broadcast_in_dim3A_383 = arith.constant 7 : i32
      %broadcast_in_dim3A_384 = vector.broadcast %broadcast_in_dim3A_383 : i32 to vector<16xi32>
      %gather3A_385 = tpu.vector_load_idx %arg14[%broadcast_in_dim3A_384, %select_n3A_168] masked %lt3A_160 : memref<32x128xf32, #tpu.memory_space<vmem>>[vector<16xi32>, vector<16xi32>], vector<16xf32>, vector<16xi1>
      %broadcast_in_dim3A_386 = arith.constant 23 : i32
      %broadcast_in_dim3A_387 = vector.broadcast %broadcast_in_dim3A_386 : i32 to vector<16xi32>
      %scatter3A_388 = arith.constant 0 : i32
      %scatter3A_389 = arith.constant 0 : i32
      %scatter3A_390 = tpu.memref_slice %arg15[%rem3A_175, %scatter3A_388, %scatter3A_389] : memref<4x16x128xf32, #tpu.memory_space<vmem>> -> memref<1x16x128xf32, #tpu.memory_space<vmem>>
      %scatter3A_391 = tpu.memref_squeeze %scatter3A_390 : memref<1x16x128xf32, #tpu.memory_space<vmem>> -> memref<16x128xf32, #tpu.memory_space<vmem>>
      tpu.vector_store_idx %scatter3A_391[%iota3A, %broadcast_in_dim3A_387], %gather3A_385 masked %lt3A_160 : memref<16x128xf32, #tpu.memory_space<vmem>>[vector<16xi32>, vector<16xi32>], vector<16xf32>, vector<16xi1>
      %broadcast_in_dim3A_392 = arith.constant 8 : i32
      %broadcast_in_dim3A_393 = vector.broadcast %broadcast_in_dim3A_392 : i32 to vector<16xi32>
      %gather3A_394 = tpu.vector_load_idx %arg14[%broadcast_in_dim3A_393, %select_n3A_168] masked %lt3A_160 : memref<32x128xf32, #tpu.memory_space<vmem>>[vector<16xi32>, vector<16xi32>], vector<16xf32>, vector<16xi1>
      %broadcast_in_dim3A_395 = arith.constant 24 : i32
      %broadcast_in_dim3A_396 = vector.broadcast %broadcast_in_dim3A_395 : i32 to vector<16xi32>
      %scatter3A_397 = arith.constant 0 : i32
      %scatter3A_398 = arith.constant 0 : i32
      %scatter3A_399 = tpu.memref_slice %arg15[%rem3A_175, %scatter3A_397, %scatter3A_398] : memref<4x16x128xf32, #tpu.memory_space<vmem>> -> memref<1x16x128xf32, #tpu.memory_space<vmem>>
      %scatter3A_400 = tpu.memref_squeeze %scatter3A_399 : memref<1x16x128xf32, #tpu.memory_space<vmem>> -> memref<16x128xf32, #tpu.memory_space<vmem>>
      tpu.vector_store_idx %scatter3A_400[%iota3A, %broadcast_in_dim3A_396], %gather3A_394 masked %lt3A_160 : memref<16x128xf32, #tpu.memory_space<vmem>>[vector<16xi32>, vector<16xi32>], vector<16xf32>, vector<16xi1>
      %broadcast_in_dim3A_401 = arith.constant 9 : i32
      %broadcast_in_dim3A_402 = vector.broadcast %broadcast_in_dim3A_401 : i32 to vector<16xi32>
      %gather3A_403 = tpu.vector_load_idx %arg14[%broadcast_in_dim3A_402, %select_n3A_168] masked %lt3A_160 : memref<32x128xf32, #tpu.memory_space<vmem>>[vector<16xi32>, vector<16xi32>], vector<16xf32>, vector<16xi1>
      %broadcast_in_dim3A_404 = arith.constant 25 : i32
      %broadcast_in_dim3A_405 = vector.broadcast %broadcast_in_dim3A_404 : i32 to vector<16xi32>
      %scatter3A_406 = arith.constant 0 : i32
      %scatter3A_407 = arith.constant 0 : i32
      %scatter3A_408 = tpu.memref_slice %arg15[%rem3A_175, %scatter3A_406, %scatter3A_407] : memref<4x16x128xf32, #tpu.memory_space<vmem>> -> memref<1x16x128xf32, #tpu.memory_space<vmem>>
      %scatter3A_409 = tpu.memref_squeeze %scatter3A_408 : memref<1x16x128xf32, #tpu.memory_space<vmem>> -> memref<16x128xf32, #tpu.memory_space<vmem>>
      tpu.vector_store_idx %scatter3A_409[%iota3A, %broadcast_in_dim3A_405], %gather3A_403 masked %lt3A_160 : memref<16x128xf32, #tpu.memory_space<vmem>>[vector<16xi32>, vector<16xi32>], vector<16xf32>, vector<16xi1>
      %broadcast_in_dim3A_410 = arith.constant 10 : i32
      %broadcast_in_dim3A_411 = vector.broadcast %broadcast_in_dim3A_410 : i32 to vector<16xi32>
      %gather3A_412 = tpu.vector_load_idx %arg14[%broadcast_in_dim3A_411, %select_n3A_168] masked %lt3A_160 : memref<32x128xf32, #tpu.memory_space<vmem>>[vector<16xi32>, vector<16xi32>], vector<16xf32>, vector<16xi1>
      %broadcast_in_dim3A_413 = arith.constant 26 : i32
      %broadcast_in_dim3A_414 = vector.broadcast %broadcast_in_dim3A_413 : i32 to vector<16xi32>
      %scatter3A_415 = arith.constant 0 : i32
      %scatter3A_416 = arith.constant 0 : i32
      %scatter3A_417 = tpu.memref_slice %arg15[%rem3A_175, %scatter3A_415, %scatter3A_416] : memref<4x16x128xf32, #tpu.memory_space<vmem>> -> memref<1x16x128xf32, #tpu.memory_space<vmem>>
      %scatter3A_418 = tpu.memref_squeeze %scatter3A_417 : memref<1x16x128xf32, #tpu.memory_space<vmem>> -> memref<16x128xf32, #tpu.memory_space<vmem>>
      tpu.vector_store_idx %scatter3A_418[%iota3A, %broadcast_in_dim3A_414], %gather3A_412 masked %lt3A_160 : memref<16x128xf32, #tpu.memory_space<vmem>>[vector<16xi32>, vector<16xi32>], vector<16xf32>, vector<16xi1>
      %broadcast_in_dim3A_419 = arith.constant 11 : i32
      %broadcast_in_dim3A_420 = vector.broadcast %broadcast_in_dim3A_419 : i32 to vector<16xi32>
      %gather3A_421 = tpu.vector_load_idx %arg14[%broadcast_in_dim3A_420, %select_n3A_168] masked %lt3A_160 : memref<32x128xf32, #tpu.memory_space<vmem>>[vector<16xi32>, vector<16xi32>], vector<16xf32>, vector<16xi1>
      %broadcast_in_dim3A_422 = arith.constant 27 : i32
      %broadcast_in_dim3A_423 = vector.broadcast %broadcast_in_dim3A_422 : i32 to vector<16xi32>
      %scatter3A_424 = arith.constant 0 : i32
      %scatter3A_425 = arith.constant 0 : i32
      %scatter3A_426 = tpu.memref_slice %arg15[%rem3A_175, %scatter3A_424, %scatter3A_425] : memref<4x16x128xf32, #tpu.memory_space<vmem>> -> memref<1x16x128xf32, #tpu.memory_space<vmem>>
      %scatter3A_427 = tpu.memref_squeeze %scatter3A_426 : memref<1x16x128xf32, #tpu.memory_space<vmem>> -> memref<16x128xf32, #tpu.memory_space<vmem>>
      tpu.vector_store_idx %scatter3A_427[%iota3A, %broadcast_in_dim3A_423], %gather3A_421 masked %lt3A_160 : memref<16x128xf32, #tpu.memory_space<vmem>>[vector<16xi32>, vector<16xi32>], vector<16xf32>, vector<16xi1>
      %broadcast_in_dim3A_428 = arith.constant 12 : i32
      %broadcast_in_dim3A_429 = vector.broadcast %broadcast_in_dim3A_428 : i32 to vector<16xi32>
      %gather3A_430 = tpu.vector_load_idx %arg14[%broadcast_in_dim3A_429, %select_n3A_168] masked %lt3A_160 : memref<32x128xf32, #tpu.memory_space<vmem>>[vector<16xi32>, vector<16xi32>], vector<16xf32>, vector<16xi1>
      %broadcast_in_dim3A_431 = arith.constant 28 : i32
      %broadcast_in_dim3A_432 = vector.broadcast %broadcast_in_dim3A_431 : i32 to vector<16xi32>
      %scatter3A_433 = arith.constant 0 : i32
      %scatter3A_434 = arith.constant 0 : i32
      %scatter3A_435 = tpu.memref_slice %arg15[%rem3A_175, %scatter3A_433, %scatter3A_434] : memref<4x16x128xf32, #tpu.memory_space<vmem>> -> memref<1x16x128xf32, #tpu.memory_space<vmem>>
      %scatter3A_436 = tpu.memref_squeeze %scatter3A_435 : memref<1x16x128xf32, #tpu.memory_space<vmem>> -> memref<16x128xf32, #tpu.memory_space<vmem>>
      tpu.vector_store_idx %scatter3A_436[%iota3A, %broadcast_in_dim3A_432], %gather3A_430 masked %lt3A_160 : memref<16x128xf32, #tpu.memory_space<vmem>>[vector<16xi32>, vector<16xi32>], vector<16xf32>, vector<16xi1>
      %broadcast_in_dim3A_437 = arith.constant 13 : i32
      %broadcast_in_dim3A_438 = vector.broadcast %broadcast_in_dim3A_437 : i32 to vector<16xi32>
      %gather3A_439 = tpu.vector_load_idx %arg14[%broadcast_in_dim3A_438, %select_n3A_168] masked %lt3A_160 : memref<32x128xf32, #tpu.memory_space<vmem>>[vector<16xi32>, vector<16xi32>], vector<16xf32>, vector<16xi1>
      %broadcast_in_dim3A_440 = arith.constant 29 : i32
      %broadcast_in_dim3A_441 = vector.broadcast %broadcast_in_dim3A_440 : i32 to vector<16xi32>
      %scatter3A_442 = arith.constant 0 : i32
      %scatter3A_443 = arith.constant 0 : i32
      %scatter3A_444 = tpu.memref_slice %arg15[%rem3A_175, %scatter3A_442, %scatter3A_443] : memref<4x16x128xf32, #tpu.memory_space<vmem>> -> memref<1x16x128xf32, #tpu.memory_space<vmem>>
      %scatter3A_445 = tpu.memref_squeeze %scatter3A_444 : memref<1x16x128xf32, #tpu.memory_space<vmem>> -> memref<16x128xf32, #tpu.memory_space<vmem>>
      tpu.vector_store_idx %scatter3A_445[%iota3A, %broadcast_in_dim3A_441], %gather3A_439 masked %lt3A_160 : memref<16x128xf32, #tpu.memory_space<vmem>>[vector<16xi32>, vector<16xi32>], vector<16xf32>, vector<16xi1>
      %broadcast_in_dim3A_446 = arith.constant 14 : i32
      %broadcast_in_dim3A_447 = vector.broadcast %broadcast_in_dim3A_446 : i32 to vector<16xi32>
      %gather3A_448 = tpu.vector_load_idx %arg14[%broadcast_in_dim3A_447, %select_n3A_168] masked %lt3A_160 : memref<32x128xf32, #tpu.memory_space<vmem>>[vector<16xi32>, vector<16xi32>], vector<16xf32>, vector<16xi1>
      %broadcast_in_dim3A_449 = arith.constant 30 : i32
      %broadcast_in_dim3A_450 = vector.broadcast %broadcast_in_dim3A_449 : i32 to vector<16xi32>
      %scatter3A_451 = arith.constant 0 : i32
      %scatter3A_452 = arith.constant 0 : i32
      %scatter3A_453 = tpu.memref_slice %arg15[%rem3A_175, %scatter3A_451, %scatter3A_452] : memref<4x16x128xf32, #tpu.memory_space<vmem>> -> memref<1x16x128xf32, #tpu.memory_space<vmem>>
      %scatter3A_454 = tpu.memref_squeeze %scatter3A_453 : memref<1x16x128xf32, #tpu.memory_space<vmem>> -> memref<16x128xf32, #tpu.memory_space<vmem>>
      tpu.vector_store_idx %scatter3A_454[%iota3A, %broadcast_in_dim3A_450], %gather3A_448 masked %lt3A_160 : memref<16x128xf32, #tpu.memory_space<vmem>>[vector<16xi32>, vector<16xi32>], vector<16xf32>, vector<16xi1>
      %broadcast_in_dim3A_455 = arith.constant 15 : i32
      %broadcast_in_dim3A_456 = vector.broadcast %broadcast_in_dim3A_455 : i32 to vector<16xi32>
      %gather3A_457 = tpu.vector_load_idx %arg14[%broadcast_in_dim3A_456, %select_n3A_168] masked %lt3A_160 : memref<32x128xf32, #tpu.memory_space<vmem>>[vector<16xi32>, vector<16xi32>], vector<16xf32>, vector<16xi1>
      %broadcast_in_dim3A_458 = arith.constant 31 : i32
      %broadcast_in_dim3A_459 = vector.broadcast %broadcast_in_dim3A_458 : i32 to vector<16xi32>
      %scatter3A_460 = arith.constant 0 : i32
      %scatter3A_461 = arith.constant 0 : i32
      %scatter3A_462 = tpu.memref_slice %arg15[%rem3A_175, %scatter3A_460, %scatter3A_461] : memref<4x16x128xf32, #tpu.memory_space<vmem>> -> memref<1x16x128xf32, #tpu.memory_space<vmem>>
      %scatter3A_463 = tpu.memref_squeeze %scatter3A_462 : memref<1x16x128xf32, #tpu.memory_space<vmem>> -> memref<16x128xf32, #tpu.memory_space<vmem>>
      tpu.vector_store_idx %scatter3A_463[%iota3A, %broadcast_in_dim3A_459], %gather3A_457 masked %lt3A_160 : memref<16x128xf32, #tpu.memory_space<vmem>>[vector<16xi32>, vector<16xi32>], vector<16xf32>, vector<16xi1>
      %broadcast_in_dim3A_464 = arith.constant 16 : i32
      %broadcast_in_dim3A_465 = vector.broadcast %broadcast_in_dim3A_464 : i32 to vector<16xi32>
      %gather3A_466 = tpu.vector_load_idx %arg14[%broadcast_in_dim3A_465, %select_n3A_168] masked %lt3A_160 : memref<32x128xf32, #tpu.memory_space<vmem>>[vector<16xi32>, vector<16xi32>], vector<16xf32>, vector<16xi1>
      %broadcast_in_dim3A_467 = arith.constant 32 : i32
      %broadcast_in_dim3A_468 = vector.broadcast %broadcast_in_dim3A_467 : i32 to vector<16xi32>
      %scatter3A_469 = arith.constant 0 : i32
      %scatter3A_470 = arith.constant 0 : i32
      %scatter3A_471 = tpu.memref_slice %arg15[%rem3A_175, %scatter3A_469, %scatter3A_470] : memref<4x16x128xf32, #tpu.memory_space<vmem>> -> memref<1x16x128xf32, #tpu.memory_space<vmem>>
      %scatter3A_472 = tpu.memref_squeeze %scatter3A_471 : memref<1x16x128xf32, #tpu.memory_space<vmem>> -> memref<16x128xf32, #tpu.memory_space<vmem>>
      tpu.vector_store_idx %scatter3A_472[%iota3A, %broadcast_in_dim3A_468], %gather3A_466 masked %lt3A_160 : memref<16x128xf32, #tpu.memory_space<vmem>>[vector<16xi32>, vector<16xi32>], vector<16xf32>, vector<16xi1>
      %broadcast_in_dim3A_473 = arith.constant 17 : i32
      %broadcast_in_dim3A_474 = vector.broadcast %broadcast_in_dim3A_473 : i32 to vector<16xi32>
      %gather3A_475 = tpu.vector_load_idx %arg14[%broadcast_in_dim3A_474, %select_n3A_168] masked %lt3A_160 : memref<32x128xf32, #tpu.memory_space<vmem>>[vector<16xi32>, vector<16xi32>], vector<16xf32>, vector<16xi1>
      %broadcast_in_dim3A_476 = arith.constant 33 : i32
      %broadcast_in_dim3A_477 = vector.broadcast %broadcast_in_dim3A_476 : i32 to vector<16xi32>
      %scatter3A_478 = arith.constant 0 : i32
      %scatter3A_479 = arith.constant 0 : i32
      %scatter3A_480 = tpu.memref_slice %arg15[%rem3A_175, %scatter3A_478, %scatter3A_479] : memref<4x16x128xf32, #tpu.memory_space<vmem>> -> memref<1x16x128xf32, #tpu.memory_space<vmem>>
      %scatter3A_481 = tpu.memref_squeeze %scatter3A_480 : memref<1x16x128xf32, #tpu.memory_space<vmem>> -> memref<16x128xf32, #tpu.memory_space<vmem>>
      tpu.vector_store_idx %scatter3A_481[%iota3A, %broadcast_in_dim3A_477], %gather3A_475 masked %lt3A_160 : memref<16x128xf32, #tpu.memory_space<vmem>>[vector<16xi32>, vector<16xi32>], vector<16xf32>, vector<16xi1>
      %broadcast_in_dim3A_482 = arith.constant 18 : i32
      %broadcast_in_dim3A_483 = vector.broadcast %broadcast_in_dim3A_482 : i32 to vector<16xi32>
      %gather3A_484 = tpu.vector_load_idx %arg14[%broadcast_in_dim3A_483, %select_n3A_168] masked %lt3A_160 : memref<32x128xf32, #tpu.memory_space<vmem>>[vector<16xi32>, vector<16xi32>], vector<16xf32>, vector<16xi1>
      %broadcast_in_dim3A_485 = arith.constant 34 : i32
      %broadcast_in_dim3A_486 = vector.broadcast %broadcast_in_dim3A_485 : i32 to vector<16xi32>
      %scatter3A_487 = arith.constant 0 : i32
      %scatter3A_488 = arith.constant 0 : i32
      %scatter3A_489 = tpu.memref_slice %arg15[%rem3A_175, %scatter3A_487, %scatter3A_488] : memref<4x16x128xf32, #tpu.memory_space<vmem>> -> memref<1x16x128xf32, #tpu.memory_space<vmem>>
      %scatter3A_490 = tpu.memref_squeeze %scatter3A_489 : memref<1x16x128xf32, #tpu.memory_space<vmem>> -> memref<16x128xf32, #tpu.memory_space<vmem>>
      tpu.vector_store_idx %scatter3A_490[%iota3A, %broadcast_in_dim3A_486], %gather3A_484 masked %lt3A_160 : memref<16x128xf32, #tpu.memory_space<vmem>>[vector<16xi32>, vector<16xi32>], vector<16xf32>, vector<16xi1>
      %broadcast_in_dim3A_491 = arith.constant 19 : i32
      %broadcast_in_dim3A_492 = vector.broadcast %broadcast_in_dim3A_491 : i32 to vector<16xi32>
      %gather3A_493 = tpu.vector_load_idx %arg14[%broadcast_in_dim3A_492, %select_n3A_168] masked %lt3A_160 : memref<32x128xf32, #tpu.memory_space<vmem>>[vector<16xi32>, vector<16xi32>], vector<16xf32>, vector<16xi1>
      %broadcast_in_dim3A_494 = arith.constant 35 : i32
      %broadcast_in_dim3A_495 = vector.broadcast %broadcast_in_dim3A_494 : i32 to vector<16xi32>
      %scatter3A_496 = arith.constant 0 : i32
      %scatter3A_497 = arith.constant 0 : i32
      %scatter3A_498 = tpu.memref_slice %arg15[%rem3A_175, %scatter3A_496, %scatter3A_497] : memref<4x16x128xf32, #tpu.memory_space<vmem>> -> memref<1x16x128xf32, #tpu.memory_space<vmem>>
      %scatter3A_499 = tpu.memref_squeeze %scatter3A_498 : memref<1x16x128xf32, #tpu.memory_space<vmem>> -> memref<16x128xf32, #tpu.memory_space<vmem>>
      tpu.vector_store_idx %scatter3A_499[%iota3A, %broadcast_in_dim3A_495], %gather3A_493 masked %lt3A_160 : memref<16x128xf32, #tpu.memory_space<vmem>>[vector<16xi32>, vector<16xi32>], vector<16xf32>, vector<16xi1>
      %broadcast_in_dim3A_500 = arith.constant 20 : i32
      %broadcast_in_dim3A_501 = vector.broadcast %broadcast_in_dim3A_500 : i32 to vector<16xi32>
      %gather3A_502 = tpu.vector_load_idx %arg14[%broadcast_in_dim3A_501, %select_n3A_168] masked %lt3A_160 : memref<32x128xf32, #tpu.memory_space<vmem>>[vector<16xi32>, vector<16xi32>], vector<16xf32>, vector<16xi1>
      %broadcast_in_dim3A_503 = arith.constant 36 : i32
      %broadcast_in_dim3A_504 = vector.broadcast %broadcast_in_dim3A_503 : i32 to vector<16xi32>
      %scatter3A_505 = arith.constant 0 : i32
      %scatter3A_506 = arith.constant 0 : i32
      %scatter3A_507 = tpu.memref_slice %arg15[%rem3A_175, %scatter3A_505, %scatter3A_506] : memref<4x16x128xf32, #tpu.memory_space<vmem>> -> memref<1x16x128xf32, #tpu.memory_space<vmem>>
      %scatter3A_508 = tpu.memref_squeeze %scatter3A_507 : memref<1x16x128xf32, #tpu.memory_space<vmem>> -> memref<16x128xf32, #tpu.memory_space<vmem>>
      tpu.vector_store_idx %scatter3A_508[%iota3A, %broadcast_in_dim3A_504], %gather3A_502 masked %lt3A_160 : memref<16x128xf32, #tpu.memory_space<vmem>>[vector<16xi32>, vector<16xi32>], vector<16xf32>, vector<16xi1>
      %broadcast_in_dim3A_509 = arith.constant 21 : i32
      %broadcast_in_dim3A_510 = vector.broadcast %broadcast_in_dim3A_509 : i32 to vector<16xi32>
      %gather3A_511 = tpu.vector_load_idx %arg14[%broadcast_in_dim3A_510, %select_n3A_168] masked %lt3A_160 : memref<32x128xf32, #tpu.memory_space<vmem>>[vector<16xi32>, vector<16xi32>], vector<16xf32>, vector<16xi1>
      %broadcast_in_dim3A_512 = arith.constant 37 : i32
      %broadcast_in_dim3A_513 = vector.broadcast %broadcast_in_dim3A_512 : i32 to vector<16xi32>
      %scatter3A_514 = arith.constant 0 : i32
      %scatter3A_515 = arith.constant 0 : i32
      %scatter3A_516 = tpu.memref_slice %arg15[%rem3A_175, %scatter3A_514, %scatter3A_515] : memref<4x16x128xf32, #tpu.memory_space<vmem>> -> memref<1x16x128xf32, #tpu.memory_space<vmem>>
      %scatter3A_517 = tpu.memref_squeeze %scatter3A_516 : memref<1x16x128xf32, #tpu.memory_space<vmem>> -> memref<16x128xf32, #tpu.memory_space<vmem>>
      tpu.vector_store_idx %scatter3A_517[%iota3A, %broadcast_in_dim3A_513], %gather3A_511 masked %lt3A_160 : memref<16x128xf32, #tpu.memory_space<vmem>>[vector<16xi32>, vector<16xi32>], vector<16xf32>, vector<16xi1>
      %broadcast_in_dim3A_518 = arith.constant 22 : i32
      %broadcast_in_dim3A_519 = vector.broadcast %broadcast_in_dim3A_518 : i32 to vector<16xi32>
      %gather3A_520 = tpu.vector_load_idx %arg14[%broadcast_in_dim3A_519, %select_n3A_168] masked %lt3A_160 : memref<32x128xf32, #tpu.memory_space<vmem>>[vector<16xi32>, vector<16xi32>], vector<16xf32>, vector<16xi1>
      %broadcast_in_dim3A_521 = arith.constant 38 : i32
      %broadcast_in_dim3A_522 = vector.broadcast %broadcast_in_dim3A_521 : i32 to vector<16xi32>
      %scatter3A_523 = arith.constant 0 : i32
      %scatter3A_524 = arith.constant 0 : i32
      %scatter3A_525 = tpu.memref_slice %arg15[%rem3A_175, %scatter3A_523, %scatter3A_524] : memref<4x16x128xf32, #tpu.memory_space<vmem>> -> memref<1x16x128xf32, #tpu.memory_space<vmem>>
      %scatter3A_526 = tpu.memref_squeeze %scatter3A_525 : memref<1x16x128xf32, #tpu.memory_space<vmem>> -> memref<16x128xf32, #tpu.memory_space<vmem>>
      tpu.vector_store_idx %scatter3A_526[%iota3A, %broadcast_in_dim3A_522], %gather3A_520 masked %lt3A_160 : memref<16x128xf32, #tpu.memory_space<vmem>>[vector<16xi32>, vector<16xi32>], vector<16xf32>, vector<16xi1>
      %broadcast_in_dim3A_527 = arith.constant 23 : i32
      %broadcast_in_dim3A_528 = vector.broadcast %broadcast_in_dim3A_527 : i32 to vector<16xi32>
      %gather3A_529 = tpu.vector_load_idx %arg14[%broadcast_in_dim3A_528, %select_n3A_168] masked %lt3A_160 : memref<32x128xf32, #tpu.memory_space<vmem>>[vector<16xi32>, vector<16xi32>], vector<16xf32>, vector<16xi1>
      %broadcast_in_dim3A_530 = arith.constant 39 : i32
      %broadcast_in_dim3A_531 = vector.broadcast %broadcast_in_dim3A_530 : i32 to vector<16xi32>
      %scatter3A_532 = arith.constant 0 : i32
      %scatter3A_533 = arith.constant 0 : i32
      %scatter3A_534 = tpu.memref_slice %arg15[%rem3A_175, %scatter3A_532, %scatter3A_533] : memref<4x16x128xf32, #tpu.memory_space<vmem>> -> memref<1x16x128xf32, #tpu.memory_space<vmem>>
      %scatter3A_535 = tpu.memref_squeeze %scatter3A_534 : memref<1x16x128xf32, #tpu.memory_space<vmem>> -> memref<16x128xf32, #tpu.memory_space<vmem>>
      tpu.vector_store_idx %scatter3A_535[%iota3A, %broadcast_in_dim3A_531], %gather3A_529 masked %lt3A_160 : memref<16x128xf32, #tpu.memory_space<vmem>>[vector<16xi32>, vector<16xi32>], vector<16xf32>, vector<16xi1>
      %broadcast_in_dim3A_536 = arith.constant 24 : i32
      %broadcast_in_dim3A_537 = vector.broadcast %broadcast_in_dim3A_536 : i32 to vector<16xi32>
      %gather3A_538 = tpu.vector_load_idx %arg14[%broadcast_in_dim3A_537, %select_n3A_168] masked %lt3A_160 : memref<32x128xf32, #tpu.memory_space<vmem>>[vector<16xi32>, vector<16xi32>], vector<16xf32>, vector<16xi1>
      %broadcast_in_dim3A_539 = arith.constant 40 : i32
      %broadcast_in_dim3A_540 = vector.broadcast %broadcast_in_dim3A_539 : i32 to vector<16xi32>
      %scatter3A_541 = arith.constant 0 : i32
      %scatter3A_542 = arith.constant 0 : i32
      %scatter3A_543 = tpu.memref_slice %arg15[%rem3A_175, %scatter3A_541, %scatter3A_542] : memref<4x16x128xf32, #tpu.memory_space<vmem>> -> memref<1x16x128xf32, #tpu.memory_space<vmem>>
      %scatter3A_544 = tpu.memref_squeeze %scatter3A_543 : memref<1x16x128xf32, #tpu.memory_space<vmem>> -> memref<16x128xf32, #tpu.memory_space<vmem>>
      tpu.vector_store_idx %scatter3A_544[%iota3A, %broadcast_in_dim3A_540], %gather3A_538 masked %lt3A_160 : memref<16x128xf32, #tpu.memory_space<vmem>>[vector<16xi32>, vector<16xi32>], vector<16xf32>, vector<16xi1>
      %broadcast_in_dim3A_545 = arith.constant 25 : i32
      %broadcast_in_dim3A_546 = vector.broadcast %broadcast_in_dim3A_545 : i32 to vector<16xi32>
      %gather3A_547 = tpu.vector_load_idx %arg14[%broadcast_in_dim3A_546, %select_n3A_168] masked %lt3A_160 : memref<32x128xf32, #tpu.memory_space<vmem>>[vector<16xi32>, vector<16xi32>], vector<16xf32>, vector<16xi1>
      %broadcast_in_dim3A_548 = arith.constant 41 : i32
      %broadcast_in_dim3A_549 = vector.broadcast %broadcast_in_dim3A_548 : i32 to vector<16xi32>
      %scatter3A_550 = arith.constant 0 : i32
      %scatter3A_551 = arith.constant 0 : i32
      %scatter3A_552 = tpu.memref_slice %arg15[%rem3A_175, %scatter3A_550, %scatter3A_551] : memref<4x16x128xf32, #tpu.memory_space<vmem>> -> memref<1x16x128xf32, #tpu.memory_space<vmem>>
      %scatter3A_553 = tpu.memref_squeeze %scatter3A_552 : memref<1x16x128xf32, #tpu.memory_space<vmem>> -> memref<16x128xf32, #tpu.memory_space<vmem>>
      tpu.vector_store_idx %scatter3A_553[%iota3A, %broadcast_in_dim3A_549], %gather3A_547 masked %lt3A_160 : memref<16x128xf32, #tpu.memory_space<vmem>>[vector<16xi32>, vector<16xi32>], vector<16xf32>, vector<16xi1>
      %broadcast_in_dim3A_554 = arith.constant 26 : i32
      %broadcast_in_dim3A_555 = vector.broadcast %broadcast_in_dim3A_554 : i32 to vector<16xi32>
      %gather3A_556 = tpu.vector_load_idx %arg14[%broadcast_in_dim3A_555, %select_n3A_168] masked %lt3A_160 : memref<32x128xf32, #tpu.memory_space<vmem>>[vector<16xi32>, vector<16xi32>], vector<16xf32>, vector<16xi1>
      %broadcast_in_dim3A_557 = arith.constant 42 : i32
      %broadcast_in_dim3A_558 = vector.broadcast %broadcast_in_dim3A_557 : i32 to vector<16xi32>
      %scatter3A_559 = arith.constant 0 : i32
      %scatter3A_560 = arith.constant 0 : i32
      %scatter3A_561 = tpu.memref_slice %arg15[%rem3A_175, %scatter3A_559, %scatter3A_560] : memref<4x16x128xf32, #tpu.memory_space<vmem>> -> memref<1x16x128xf32, #tpu.memory_space<vmem>>
      %scatter3A_562 = tpu.memref_squeeze %scatter3A_561 : memref<1x16x128xf32, #tpu.memory_space<vmem>> -> memref<16x128xf32, #tpu.memory_space<vmem>>
      tpu.vector_store_idx %scatter3A_562[%iota3A, %broadcast_in_dim3A_558], %gather3A_556 masked %lt3A_160 : memref<16x128xf32, #tpu.memory_space<vmem>>[vector<16xi32>, vector<16xi32>], vector<16xf32>, vector<16xi1>
      %broadcast_in_dim3A_563 = arith.constant 27 : i32
      %broadcast_in_dim3A_564 = vector.broadcast %broadcast_in_dim3A_563 : i32 to vector<16xi32>
      %gather3A_565 = tpu.vector_load_idx %arg14[%broadcast_in_dim3A_564, %select_n3A_168] masked %lt3A_160 : memref<32x128xf32, #tpu.memory_space<vmem>>[vector<16xi32>, vector<16xi32>], vector<16xf32>, vector<16xi1>
      %broadcast_in_dim3A_566 = arith.constant 43 : i32
      %broadcast_in_dim3A_567 = vector.broadcast %broadcast_in_dim3A_566 : i32 to vector<16xi32>
      %scatter3A_568 = arith.constant 0 : i32
      %scatter3A_569 = arith.constant 0 : i32
      %scatter3A_570 = tpu.memref_slice %arg15[%rem3A_175, %scatter3A_568, %scatter3A_569] : memref<4x16x128xf32, #tpu.memory_space<vmem>> -> memref<1x16x128xf32, #tpu.memory_space<vmem>>
      %scatter3A_571 = tpu.memref_squeeze %scatter3A_570 : memref<1x16x128xf32, #tpu.memory_space<vmem>> -> memref<16x128xf32, #tpu.memory_space<vmem>>
      tpu.vector_store_idx %scatter3A_571[%iota3A, %broadcast_in_dim3A_567], %gather3A_565 masked %lt3A_160 : memref<16x128xf32, #tpu.memory_space<vmem>>[vector<16xi32>, vector<16xi32>], vector<16xf32>, vector<16xi1>
      %broadcast_in_dim3A_572 = arith.constant 28 : i32
      %broadcast_in_dim3A_573 = vector.broadcast %broadcast_in_dim3A_572 : i32 to vector<16xi32>
      %gather3A_574 = tpu.vector_load_idx %arg14[%broadcast_in_dim3A_573, %select_n3A_168] masked %lt3A_160 : memref<32x128xf32, #tpu.memory_space<vmem>>[vector<16xi32>, vector<16xi32>], vector<16xf32>, vector<16xi1>
      %broadcast_in_dim3A_575 = arith.constant 44 : i32
      %broadcast_in_dim3A_576 = vector.broadcast %broadcast_in_dim3A_575 : i32 to vector<16xi32>
      %scatter3A_577 = arith.constant 0 : i32
      %scatter3A_578 = arith.constant 0 : i32
      %scatter3A_579 = tpu.memref_slice %arg15[%rem3A_175, %scatter3A_577, %scatter3A_578] : memref<4x16x128xf32, #tpu.memory_space<vmem>> -> memref<1x16x128xf32, #tpu.memory_space<vmem>>
      %scatter3A_580 = tpu.memref_squeeze %scatter3A_579 : memref<1x16x128xf32, #tpu.memory_space<vmem>> -> memref<16x128xf32, #tpu.memory_space<vmem>>
      tpu.vector_store_idx %scatter3A_580[%iota3A, %broadcast_in_dim3A_576], %gather3A_574 masked %lt3A_160 : memref<16x128xf32, #tpu.memory_space<vmem>>[vector<16xi32>, vector<16xi32>], vector<16xf32>, vector<16xi1>
      %broadcast_in_dim3A_581 = arith.constant 29 : i32
      %broadcast_in_dim3A_582 = vector.broadcast %broadcast_in_dim3A_581 : i32 to vector<16xi32>
      %gather3A_583 = tpu.vector_load_idx %arg14[%broadcast_in_dim3A_582, %select_n3A_168] masked %lt3A_160 : memref<32x128xf32, #tpu.memory_space<vmem>>[vector<16xi32>, vector<16xi32>], vector<16xf32>, vector<16xi1>
      %broadcast_in_dim3A_584 = arith.constant 45 : i32
      %broadcast_in_dim3A_585 = vector.broadcast %broadcast_in_dim3A_584 : i32 to vector<16xi32>
      %scatter3A_586 = arith.constant 0 : i32
      %scatter3A_587 = arith.constant 0 : i32
      %scatter3A_588 = tpu.memref_slice %arg15[%rem3A_175, %scatter3A_586, %scatter3A_587] : memref<4x16x128xf32, #tpu.memory_space<vmem>> -> memref<1x16x128xf32, #tpu.memory_space<vmem>>
      %scatter3A_589 = tpu.memref_squeeze %scatter3A_588 : memref<1x16x128xf32, #tpu.memory_space<vmem>> -> memref<16x128xf32, #tpu.memory_space<vmem>>
      tpu.vector_store_idx %scatter3A_589[%iota3A, %broadcast_in_dim3A_585], %gather3A_583 masked %lt3A_160 : memref<16x128xf32, #tpu.memory_space<vmem>>[vector<16xi32>, vector<16xi32>], vector<16xf32>, vector<16xi1>
      %broadcast_in_dim3A_590 = arith.constant 30 : i32
      %broadcast_in_dim3A_591 = vector.broadcast %broadcast_in_dim3A_590 : i32 to vector<16xi32>
      %gather3A_592 = tpu.vector_load_idx %arg14[%broadcast_in_dim3A_591, %select_n3A_168] masked %lt3A_160 : memref<32x128xf32, #tpu.memory_space<vmem>>[vector<16xi32>, vector<16xi32>], vector<16xf32>, vector<16xi1>
      %broadcast_in_dim3A_593 = arith.constant 46 : i32
      %broadcast_in_dim3A_594 = vector.broadcast %broadcast_in_dim3A_593 : i32 to vector<16xi32>
      %scatter3A_595 = arith.constant 0 : i32
      %scatter3A_596 = arith.constant 0 : i32
      %scatter3A_597 = tpu.memref_slice %arg15[%rem3A_175, %scatter3A_595, %scatter3A_596] : memref<4x16x128xf32, #tpu.memory_space<vmem>> -> memref<1x16x128xf32, #tpu.memory_space<vmem>>
      %scatter3A_598 = tpu.memref_squeeze %scatter3A_597 : memref<1x16x128xf32, #tpu.memory_space<vmem>> -> memref<16x128xf32, #tpu.memory_space<vmem>>
      tpu.vector_store_idx %scatter3A_598[%iota3A, %broadcast_in_dim3A_594], %gather3A_592 masked %lt3A_160 : memref<16x128xf32, #tpu.memory_space<vmem>>[vector<16xi32>, vector<16xi32>], vector<16xf32>, vector<16xi1>
      %broadcast_in_dim3A_599 = arith.constant 31 : i32
      %broadcast_in_dim3A_600 = vector.broadcast %broadcast_in_dim3A_599 : i32 to vector<16xi32>
      %gather3A_601 = tpu.vector_load_idx %arg14[%broadcast_in_dim3A_600, %select_n3A_168] masked %lt3A_160 : memref<32x128xf32, #tpu.memory_space<vmem>>[vector<16xi32>, vector<16xi32>], vector<16xf32>, vector<16xi1>
      %broadcast_in_dim3A_602 = arith.constant 47 : i32
      %broadcast_in_dim3A_603 = vector.broadcast %broadcast_in_dim3A_602 : i32 to vector<16xi32>
      %scatter3A_604 = arith.constant 0 : i32
      %scatter3A_605 = arith.constant 0 : i32
      %scatter3A_606 = tpu.memref_slice %arg15[%rem3A_175, %scatter3A_604, %scatter3A_605] : memref<4x16x128xf32, #tpu.memory_space<vmem>> -> memref<1x16x128xf32, #tpu.memory_space<vmem>>
      %scatter3A_607 = tpu.memref_squeeze %scatter3A_606 : memref<1x16x128xf32, #tpu.memory_space<vmem>> -> memref<16x128xf32, #tpu.memory_space<vmem>>
      tpu.vector_store_idx %scatter3A_607[%iota3A, %broadcast_in_dim3A_603], %gather3A_601 masked %lt3A_160 : memref<16x128xf32, #tpu.memory_space<vmem>>[vector<16xi32>, vector<16xi32>], vector<16xf32>, vector<16xi1>
      %dma_start3A_608 = arith.constant 0 : i32
      %dma_start3A_609 = arith.constant 0 : i32
      %dma_start3A_610 = tpu.memref_slice %arg15[%rem3A_175, %dma_start3A_608, %dma_start3A_609] : memref<4x16x128xf32, #tpu.memory_space<vmem>> -> memref<1x16x128xf32, #tpu.memory_space<vmem>>
      %dma_start3A_611 = tpu.memref_squeeze %dma_start3A_610 : memref<1x16x128xf32, #tpu.memory_space<vmem>> -> memref<16x128xf32, #tpu.memory_space<vmem>>
      %dma_start3A_612 = arith.constant 0 : i32
      %dma_start3A_613 = arith.constant 0 : i32
      %dma_start3A_614 = tpu.memref_slice %arg7[%dma_start3A_612, %dma_start3A_613] : memref<16400x128xf32, #tpu.memory_space<hbm>> -> memref<16400x128xf32, #tpu.memory_space<hbm>>
      tpu.enqueue_indirect_dma source(%dma_start3A_611 : memref<16x128xf32, #tpu.memory_space<vmem>>) target(%dma_start3A_614 : memref<16400x128xf32, #tpu.memory_space<hbm>>) offsets(%select_n3A_174 : vector<16xi32>) semaphore(%arg19 : memref<!tpu.dma_semaphore, #tpu.memory_space<semaphore_mem>>)
      %add3A_615 = arith.constant 1 : i32
      %add3A_616 = arith.addi %while3A_150, %add3A_615 : i32
      scf.yield %add3A_616 : i32
    }
    %while3A_133 = arith.constant 1 : i32
    %while3A_134 = scf.for %while3A_149 = %while3A_130 to %while3A_126 step %while3A_133 iter_args(%while3A_150 = %while3A_132) -> (i32)  : i32 {
      %mul3A_151 = arith.constant 16 : i32
      %mul3A_152 = arith.muli %while3A_149, %mul3A_151 : i32
      %get3A_153 = arith.index_cast %mul3A_152 : i32 to index
      %get3A_154 = tpu.vector_load %arg10[%get3A_153] {strides = array<i32>} : memref<16400xi32, #tpu.memory_space<vmem>>, vector<16xi32>,
      %mul3A_155 = arith.constant 16 : i32
      %mul3A_156 = arith.muli %while3A_149, %mul3A_155 : i32
      %add3A_157 = vector.broadcast %mul3A_156 : i32 to vector<16xi32>
      %add3A_158 = arith.addi %add3A_157, %iota3A : vector<16xi32>
      %lt3A_159 = vector.broadcast %squeeze3A_119 : i32 to vector<16xi32>
      %lt3A_160 = arith.cmpi slt, %add3A_158, %lt3A_159 : vector<16xi32>
      %shift_right_arithmetic3A_161 = arith.constant 14 : i32
      %shift_right_arithmetic3A_162 = vector.broadcast %shift_right_arithmetic3A_161 : i32 to vector<16xi32>
      %shift_right_arithmetic3A_163 = arith.shrsi %get3A_154, %shift_right_arithmetic3A_162 : vector<16xi32>
      %sub3A_164 = vector.broadcast %sub3A_17 : i32 to vector<16xi32>
      %sub3A_165 = arith.subi %shift_right_arithmetic3A_163, %sub3A_164 : vector<16xi32>
      %jit3A_166 = arith.constant 0 : i32
      %broadcast_in_dim3A_167 = vector.broadcast %jit3A_166 : i32 to vector<16xi32>
      %select_n3A_168 = arith.select %lt3A_160, %sub3A_165, %broadcast_in_dim3A_167 : vector<16xi1>, vector<16xi32>
      %and3A = arith.constant 16383 : i32
      %and3A_169 = vector.broadcast %and3A : i32 to vector<16xi32>
      %and3A_170 = arith.andi %get3A_154, %and3A_169 : vector<16xi32>
      %add3A_171 = arith.constant 16384 : i32
      %add3A_172 = vector.broadcast %add3A_171 : i32 to vector<16xi32>
      %add3A_173 = arith.addi %add3A_172, %iota3A : vector<16xi32>
      %select_n3A_174 = arith.select %lt3A_160, %and3A_170, %add3A_173 : vector<16xi1>, vector<16xi32>
      %rem3A = arith.constant 4 : i32
      %rem3A_175 = arith.remsi %while3A_150, %rem3A : i32
      %ge3A = arith.constant 4 : i32
      %ge3A_176 = arith.cmpi sge, %while3A_150, %ge3A : i32
      %convert_element_type3A = arith.extui %ge3A_176 : i1 to i32
      %cond3A = arith.constant 0 : i32
      %cond3A_177 = arith.cmpi ne, %convert_element_type3A, %cond3A : i32
      scf.if %cond3A_177 {
        %dma_wait3A = arith.constant 0 : i32
        %dma_wait3A_617 = arith.constant 0 : i32
        %dma_wait3A_618 = tpu.memref_slice %arg15[%rem3A_175, %dma_wait3A, %dma_wait3A_617] : memref<4x16x128xf32, #tpu.memory_space<vmem>> -> memref<1x16x128xf32, #tpu.memory_space<vmem>>
        %dma_wait3A_619 = tpu.memref_squeeze %dma_wait3A_618 : memref<1x16x128xf32, #tpu.memory_space<vmem>> -> memref<16x128xf32, #tpu.memory_space<vmem>>
        %dma_wait3A_620 = arith.constant 0 : i32
        %dma_wait3A_621 = arith.constant 0 : i32
        %dma_wait3A_622 = tpu.memref_slice %arg7[%dma_wait3A_620, %dma_wait3A_621] : memref<16400x128xf32, #tpu.memory_space<hbm>> -> memref<16x128xf32, #tpu.memory_space<hbm>>
        %dma_wait3A_623 = arith.constant 0 : i32
        %dma_wait3A_624 = arith.constant 0 : i32
        %dma_wait3A_625 = tpu.memref_slice %arg15[%rem3A_175, %dma_wait3A_623, %dma_wait3A_624] : memref<4x16x128xf32, #tpu.memory_space<vmem>> -> memref<1x16x128xf32, #tpu.memory_space<vmem>>
        %dma_wait3A_626 = tpu.memref_squeeze %dma_wait3A_625 : memref<1x16x128xf32, #tpu.memory_space<vmem>> -> memref<16x128xf32, #tpu.memory_space<vmem>>
        %dma_wait3A_627 = arith.constant 0 : i32
        %dma_wait3A_628 = arith.constant 0 : i32
        %dma_wait3A_629 = tpu.memref_slice %arg7[%dma_wait3A_627, %dma_wait3A_628] : memref<16400x128xf32, #tpu.memory_space<hbm>> -> memref<16x128xf32, #tpu.memory_space<hbm>>
        tpu.wait_dma2 semaphore(%arg19 : memref<!tpu.dma_semaphore, #tpu.memory_space<semaphore_mem>>) src(%dma_wait3A_629 : memref<16x128xf32, #tpu.memory_space<hbm>>) dst(%dma_wait3A_626 : memref<16x128xf32, #tpu.memory_space<vmem>>)
      } else {
      }
      %broadcast_in_dim3A_178 = arith.constant 0 : i32
      %broadcast_in_dim3A_179 = vector.broadcast %broadcast_in_dim3A_178 : i32 to vector<16xi32>
      %gather3A = tpu.vector_load_idx %arg13[%broadcast_in_dim3A_179, %select_n3A_168] masked %lt3A_160 : memref<16x128xf32, #tpu.memory_space<vmem>>[vector<16xi32>, vector<16xi32>], vector<16xf32>, vector<16xi1>
      %broadcast_in_dim3A_180 = arith.constant 0 : i32
      %broadcast_in_dim3A_181 = vector.broadcast %broadcast_in_dim3A_180 : i32 to vector<16xi32>
      %scatter3A = arith.constant 0 : i32
      %scatter3A_182 = arith.constant 0 : i32
      %scatter3A_183 = tpu.memref_slice %arg15[%rem3A_175, %scatter3A, %scatter3A_182] : memref<4x16x128xf32, #tpu.memory_space<vmem>> -> memref<1x16x128xf32, #tpu.memory_space<vmem>>
      %scatter3A_184 = tpu.memref_squeeze %scatter3A_183 : memref<1x16x128xf32, #tpu.memory_space<vmem>> -> memref<16x128xf32, #tpu.memory_space<vmem>>
      tpu.vector_store_idx %scatter3A_184[%iota3A, %broadcast_in_dim3A_181], %gather3A masked %lt3A_160 : memref<16x128xf32, #tpu.memory_space<vmem>>[vector<16xi32>, vector<16xi32>], vector<16xf32>, vector<16xi1>
      %broadcast_in_dim3A_185 = arith.constant 1 : i32
      %broadcast_in_dim3A_186 = vector.broadcast %broadcast_in_dim3A_185 : i32 to vector<16xi32>
      %gather3A_187 = tpu.vector_load_idx %arg13[%broadcast_in_dim3A_186, %select_n3A_168] masked %lt3A_160 : memref<16x128xf32, #tpu.memory_space<vmem>>[vector<16xi32>, vector<16xi32>], vector<16xf32>, vector<16xi1>
      %broadcast_in_dim3A_188 = arith.constant 1 : i32
      %broadcast_in_dim3A_189 = vector.broadcast %broadcast_in_dim3A_188 : i32 to vector<16xi32>
      %scatter3A_190 = arith.constant 0 : i32
      %scatter3A_191 = arith.constant 0 : i32
      %scatter3A_192 = tpu.memref_slice %arg15[%rem3A_175, %scatter3A_190, %scatter3A_191] : memref<4x16x128xf32, #tpu.memory_space<vmem>> -> memref<1x16x128xf32, #tpu.memory_space<vmem>>
      %scatter3A_193 = tpu.memref_squeeze %scatter3A_192 : memref<1x16x128xf32, #tpu.memory_space<vmem>> -> memref<16x128xf32, #tpu.memory_space<vmem>>
      tpu.vector_store_idx %scatter3A_193[%iota3A, %broadcast_in_dim3A_189], %gather3A_187 masked %lt3A_160 : memref<16x128xf32, #tpu.memory_space<vmem>>[vector<16xi32>, vector<16xi32>], vector<16xf32>, vector<16xi1>
      %broadcast_in_dim3A_194 = arith.constant 2 : i32
      %broadcast_in_dim3A_195 = vector.broadcast %broadcast_in_dim3A_194 : i32 to vector<16xi32>
      %gather3A_196 = tpu.vector_load_idx %arg13[%broadcast_in_dim3A_195, %select_n3A_168] masked %lt3A_160 : memref<16x128xf32, #tpu.memory_space<vmem>>[vector<16xi32>, vector<16xi32>], vector<16xf32>, vector<16xi1>
      %broadcast_in_dim3A_197 = arith.constant 2 : i32
      %broadcast_in_dim3A_198 = vector.broadcast %broadcast_in_dim3A_197 : i32 to vector<16xi32>
      %scatter3A_199 = arith.constant 0 : i32
      %scatter3A_200 = arith.constant 0 : i32
      %scatter3A_201 = tpu.memref_slice %arg15[%rem3A_175, %scatter3A_199, %scatter3A_200] : memref<4x16x128xf32, #tpu.memory_space<vmem>> -> memref<1x16x128xf32, #tpu.memory_space<vmem>>
      %scatter3A_202 = tpu.memref_squeeze %scatter3A_201 : memref<1x16x128xf32, #tpu.memory_space<vmem>> -> memref<16x128xf32, #tpu.memory_space<vmem>>
      tpu.vector_store_idx %scatter3A_202[%iota3A, %broadcast_in_dim3A_198], %gather3A_196 masked %lt3A_160 : memref<16x128xf32, #tpu.memory_space<vmem>>[vector<16xi32>, vector<16xi32>], vector<16xf32>, vector<16xi1>
      %broadcast_in_dim3A_203 = arith.constant 3 : i32
      %broadcast_in_dim3A_204 = vector.broadcast %broadcast_in_dim3A_203 : i32 to vector<16xi32>
      %gather3A_205 = tpu.vector_load_idx %arg13[%broadcast_in_dim3A_204, %select_n3A_168] masked %lt3A_160 : memref<16x128xf32, #tpu.memory_space<vmem>>[vector<16xi32>, vector<16xi32>], vector<16xf32>, vector<16xi1>
      %broadcast_in_dim3A_206 = arith.constant 3 : i32
      %broadcast_in_dim3A_207 = vector.broadcast %broadcast_in_dim3A_206 : i32 to vector<16xi32>
      %scatter3A_208 = arith.constant 0 : i32
      %scatter3A_209 = arith.constant 0 : i32
      %scatter3A_210 = tpu.memref_slice %arg15[%rem3A_175, %scatter3A_208, %scatter3A_209] : memref<4x16x128xf32, #tpu.memory_space<vmem>> -> memref<1x16x128xf32, #tpu.memory_space<vmem>>
      %scatter3A_211 = tpu.memref_squeeze %scatter3A_210 : memref<1x16x128xf32, #tpu.memory_space<vmem>> -> memref<16x128xf32, #tpu.memory_space<vmem>>
      tpu.vector_store_idx %scatter3A_211[%iota3A, %broadcast_in_dim3A_207], %gather3A_205 masked %lt3A_160 : memref<16x128xf32, #tpu.memory_space<vmem>>[vector<16xi32>, vector<16xi32>], vector<16xf32>, vector<16xi1>
      %broadcast_in_dim3A_212 = arith.constant 4 : i32
      %broadcast_in_dim3A_213 = vector.broadcast %broadcast_in_dim3A_212 : i32 to vector<16xi32>
      %gather3A_214 = tpu.vector_load_idx %arg13[%broadcast_in_dim3A_213, %select_n3A_168] masked %lt3A_160 : memref<16x128xf32, #tpu.memory_space<vmem>>[vector<16xi32>, vector<16xi32>], vector<16xf32>, vector<16xi1>
      %broadcast_in_dim3A_215 = arith.constant 4 : i32
      %broadcast_in_dim3A_216 = vector.broadcast %broadcast_in_dim3A_215 : i32 to vector<16xi32>
      %scatter3A_217 = arith.constant 0 : i32
      %scatter3A_218 = arith.constant 0 : i32
      %scatter3A_219 = tpu.memref_slice %arg15[%rem3A_175, %scatter3A_217, %scatter3A_218] : memref<4x16x128xf32, #tpu.memory_space<vmem>> -> memref<1x16x128xf32, #tpu.memory_space<vmem>>
      %scatter3A_220 = tpu.memref_squeeze %scatter3A_219 : memref<1x16x128xf32, #tpu.memory_space<vmem>> -> memref<16x128xf32, #tpu.memory_space<vmem>>
      tpu.vector_store_idx %scatter3A_220[%iota3A, %broadcast_in_dim3A_216], %gather3A_214 masked %lt3A_160 : memref<16x128xf32, #tpu.memory_space<vmem>>[vector<16xi32>, vector<16xi32>], vector<16xf32>, vector<16xi1>
      %broadcast_in_dim3A_221 = arith.constant 5 : i32
      %broadcast_in_dim3A_222 = vector.broadcast %broadcast_in_dim3A_221 : i32 to vector<16xi32>
      %gather3A_223 = tpu.vector_load_idx %arg13[%broadcast_in_dim3A_222, %select_n3A_168] masked %lt3A_160 : memref<16x128xf32, #tpu.memory_space<vmem>>[vector<16xi32>, vector<16xi32>], vector<16xf32>, vector<16xi1>
      %broadcast_in_dim3A_224 = arith.constant 5 : i32
      %broadcast_in_dim3A_225 = vector.broadcast %broadcast_in_dim3A_224 : i32 to vector<16xi32>
      %scatter3A_226 = arith.constant 0 : i32
      %scatter3A_227 = arith.constant 0 : i32
      %scatter3A_228 = tpu.memref_slice %arg15[%rem3A_175, %scatter3A_226, %scatter3A_227] : memref<4x16x128xf32, #tpu.memory_space<vmem>> -> memref<1x16x128xf32, #tpu.memory_space<vmem>>
      %scatter3A_229 = tpu.memref_squeeze %scatter3A_228 : memref<1x16x128xf32, #tpu.memory_space<vmem>> -> memref<16x128xf32, #tpu.memory_space<vmem>>
      tpu.vector_store_idx %scatter3A_229[%iota3A, %broadcast_in_dim3A_225], %gather3A_223 masked %lt3A_160 : memref<16x128xf32, #tpu.memory_space<vmem>>[vector<16xi32>, vector<16xi32>], vector<16xf32>, vector<16xi1>
      %broadcast_in_dim3A_230 = arith.constant 6 : i32
      %broadcast_in_dim3A_231 = vector.broadcast %broadcast_in_dim3A_230 : i32 to vector<16xi32>
      %gather3A_232 = tpu.vector_load_idx %arg13[%broadcast_in_dim3A_231, %select_n3A_168] masked %lt3A_160 : memref<16x128xf32, #tpu.memory_space<vmem>>[vector<16xi32>, vector<16xi32>], vector<16xf32>, vector<16xi1>
      %broadcast_in_dim3A_233 = arith.constant 6 : i32
      %broadcast_in_dim3A_234 = vector.broadcast %broadcast_in_dim3A_233 : i32 to vector<16xi32>
      %scatter3A_235 = arith.constant 0 : i32
      %scatter3A_236 = arith.constant 0 : i32
      %scatter3A_237 = tpu.memref_slice %arg15[%rem3A_175, %scatter3A_235, %scatter3A_236] : memref<4x16x128xf32, #tpu.memory_space<vmem>> -> memref<1x16x128xf32, #tpu.memory_space<vmem>>
      %scatter3A_238 = tpu.memref_squeeze %scatter3A_237 : memref<1x16x128xf32, #tpu.memory_space<vmem>> -> memref<16x128xf32, #tpu.memory_space<vmem>>
      tpu.vector_store_idx %scatter3A_238[%iota3A, %broadcast_in_dim3A_234], %gather3A_232 masked %lt3A_160 : memref<16x128xf32, #tpu.memory_space<vmem>>[vector<16xi32>, vector<16xi32>], vector<16xf32>, vector<16xi1>
      %broadcast_in_dim3A_239 = arith.constant 7 : i32
      %broadcast_in_dim3A_240 = vector.broadcast %broadcast_in_dim3A_239 : i32 to vector<16xi32>
      %gather3A_241 = tpu.vector_load_idx %arg13[%broadcast_in_dim3A_240, %select_n3A_168] masked %lt3A_160 : memref<16x128xf32, #tpu.memory_space<vmem>>[vector<16xi32>, vector<16xi32>], vector<16xf32>, vector<16xi1>
      %broadcast_in_dim3A_242 = arith.constant 7 : i32
      %broadcast_in_dim3A_243 = vector.broadcast %broadcast_in_dim3A_242 : i32 to vector<16xi32>
      %scatter3A_244 = arith.constant 0 : i32
      %scatter3A_245 = arith.constant 0 : i32
      %scatter3A_246 = tpu.memref_slice %arg15[%rem3A_175, %scatter3A_244, %scatter3A_245] : memref<4x16x128xf32, #tpu.memory_space<vmem>> -> memref<1x16x128xf32, #tpu.memory_space<vmem>>
      %scatter3A_247 = tpu.memref_squeeze %scatter3A_246 : memref<1x16x128xf32, #tpu.memory_space<vmem>> -> memref<16x128xf32, #tpu.memory_space<vmem>>
      tpu.vector_store_idx %scatter3A_247[%iota3A, %broadcast_in_dim3A_243], %gather3A_241 masked %lt3A_160 : memref<16x128xf32, #tpu.memory_space<vmem>>[vector<16xi32>, vector<16xi32>], vector<16xf32>, vector<16xi1>
      %broadcast_in_dim3A_248 = arith.constant 8 : i32
      %broadcast_in_dim3A_249 = vector.broadcast %broadcast_in_dim3A_248 : i32 to vector<16xi32>
      %gather3A_250 = tpu.vector_load_idx %arg13[%broadcast_in_dim3A_249, %select_n3A_168] masked %lt3A_160 : memref<16x128xf32, #tpu.memory_space<vmem>>[vector<16xi32>, vector<16xi32>], vector<16xf32>, vector<16xi1>
      %broadcast_in_dim3A_251 = arith.constant 8 : i32
      %broadcast_in_dim3A_252 = vector.broadcast %broadcast_in_dim3A_251 : i32 to vector<16xi32>
      %scatter3A_253 = arith.constant 0 : i32
      %scatter3A_254 = arith.constant 0 : i32
      %scatter3A_255 = tpu.memref_slice %arg15[%rem3A_175, %scatter3A_253, %scatter3A_254] : memref<4x16x128xf32, #tpu.memory_space<vmem>> -> memref<1x16x128xf32, #tpu.memory_space<vmem>>
      %scatter3A_256 = tpu.memref_squeeze %scatter3A_255 : memref<1x16x128xf32, #tpu.memory_space<vmem>> -> memref<16x128xf32, #tpu.memory_space<vmem>>
      tpu.vector_store_idx %scatter3A_256[%iota3A, %broadcast_in_dim3A_252], %gather3A_250 masked %lt3A_160 : memref<16x128xf32, #tpu.memory_space<vmem>>[vector<16xi32>, vector<16xi32>], vector<16xf32>, vector<16xi1>
      %broadcast_in_dim3A_257 = arith.constant 9 : i32
      %broadcast_in_dim3A_258 = vector.broadcast %broadcast_in_dim3A_257 : i32 to vector<16xi32>
      %gather3A_259 = tpu.vector_load_idx %arg13[%broadcast_in_dim3A_258, %select_n3A_168] masked %lt3A_160 : memref<16x128xf32, #tpu.memory_space<vmem>>[vector<16xi32>, vector<16xi32>], vector<16xf32>, vector<16xi1>
      %broadcast_in_dim3A_260 = arith.constant 9 : i32
      %broadcast_in_dim3A_261 = vector.broadcast %broadcast_in_dim3A_260 : i32 to vector<16xi32>
      %scatter3A_262 = arith.constant 0 : i32
      %scatter3A_263 = arith.constant 0 : i32
      %scatter3A_264 = tpu.memref_slice %arg15[%rem3A_175, %scatter3A_262, %scatter3A_263] : memref<4x16x128xf32, #tpu.memory_space<vmem>> -> memref<1x16x128xf32, #tpu.memory_space<vmem>>
      %scatter3A_265 = tpu.memref_squeeze %scatter3A_264 : memref<1x16x128xf32, #tpu.memory_space<vmem>> -> memref<16x128xf32, #tpu.memory_space<vmem>>
      tpu.vector_store_idx %scatter3A_265[%iota3A, %broadcast_in_dim3A_261], %gather3A_259 masked %lt3A_160 : memref<16x128xf32, #tpu.memory_space<vmem>>[vector<16xi32>, vector<16xi32>], vector<16xf32>, vector<16xi1>
      %broadcast_in_dim3A_266 = arith.constant 10 : i32
      %broadcast_in_dim3A_267 = vector.broadcast %broadcast_in_dim3A_266 : i32 to vector<16xi32>
      %gather3A_268 = tpu.vector_load_idx %arg13[%broadcast_in_dim3A_267, %select_n3A_168] masked %lt3A_160 : memref<16x128xf32, #tpu.memory_space<vmem>>[vector<16xi32>, vector<16xi32>], vector<16xf32>, vector<16xi1>
      %broadcast_in_dim3A_269 = arith.constant 10 : i32
      %broadcast_in_dim3A_270 = vector.broadcast %broadcast_in_dim3A_269 : i32 to vector<16xi32>
      %scatter3A_271 = arith.constant 0 : i32
      %scatter3A_272 = arith.constant 0 : i32
      %scatter3A_273 = tpu.memref_slice %arg15[%rem3A_175, %scatter3A_271, %scatter3A_272] : memref<4x16x128xf32, #tpu.memory_space<vmem>> -> memref<1x16x128xf32, #tpu.memory_space<vmem>>
      %scatter3A_274 = tpu.memref_squeeze %scatter3A_273 : memref<1x16x128xf32, #tpu.memory_space<vmem>> -> memref<16x128xf32, #tpu.memory_space<vmem>>
      tpu.vector_store_idx %scatter3A_274[%iota3A, %broadcast_in_dim3A_270], %gather3A_268 masked %lt3A_160 : memref<16x128xf32, #tpu.memory_space<vmem>>[vector<16xi32>, vector<16xi32>], vector<16xf32>, vector<16xi1>
      %broadcast_in_dim3A_275 = arith.constant 11 : i32
      %broadcast_in_dim3A_276 = vector.broadcast %broadcast_in_dim3A_275 : i32 to vector<16xi32>
      %gather3A_277 = tpu.vector_load_idx %arg13[%broadcast_in_dim3A_276, %select_n3A_168] masked %lt3A_160 : memref<16x128xf32, #tpu.memory_space<vmem>>[vector<16xi32>, vector<16xi32>], vector<16xf32>, vector<16xi1>
      %broadcast_in_dim3A_278 = arith.constant 11 : i32
      %broadcast_in_dim3A_279 = vector.broadcast %broadcast_in_dim3A_278 : i32 to vector<16xi32>
      %scatter3A_280 = arith.constant 0 : i32
      %scatter3A_281 = arith.constant 0 : i32
      %scatter3A_282 = tpu.memref_slice %arg15[%rem3A_175, %scatter3A_280, %scatter3A_281] : memref<4x16x128xf32, #tpu.memory_space<vmem>> -> memref<1x16x128xf32, #tpu.memory_space<vmem>>
      %scatter3A_283 = tpu.memref_squeeze %scatter3A_282 : memref<1x16x128xf32, #tpu.memory_space<vmem>> -> memref<16x128xf32, #tpu.memory_space<vmem>>
      tpu.vector_store_idx %scatter3A_283[%iota3A, %broadcast_in_dim3A_279], %gather3A_277 masked %lt3A_160 : memref<16x128xf32, #tpu.memory_space<vmem>>[vector<16xi32>, vector<16xi32>], vector<16xf32>, vector<16xi1>
      %broadcast_in_dim3A_284 = arith.constant 12 : i32
      %broadcast_in_dim3A_285 = vector.broadcast %broadcast_in_dim3A_284 : i32 to vector<16xi32>
      %gather3A_286 = tpu.vector_load_idx %arg13[%broadcast_in_dim3A_285, %select_n3A_168] masked %lt3A_160 : memref<16x128xf32, #tpu.memory_space<vmem>>[vector<16xi32>, vector<16xi32>], vector<16xf32>, vector<16xi1>
      %broadcast_in_dim3A_287 = arith.constant 12 : i32
      %broadcast_in_dim3A_288 = vector.broadcast %broadcast_in_dim3A_287 : i32 to vector<16xi32>
      %scatter3A_289 = arith.constant 0 : i32
      %scatter3A_290 = arith.constant 0 : i32
      %scatter3A_291 = tpu.memref_slice %arg15[%rem3A_175, %scatter3A_289, %scatter3A_290] : memref<4x16x128xf32, #tpu.memory_space<vmem>> -> memref<1x16x128xf32, #tpu.memory_space<vmem>>
      %scatter3A_292 = tpu.memref_squeeze %scatter3A_291 : memref<1x16x128xf32, #tpu.memory_space<vmem>> -> memref<16x128xf32, #tpu.memory_space<vmem>>
      tpu.vector_store_idx %scatter3A_292[%iota3A, %broadcast_in_dim3A_288], %gather3A_286 masked %lt3A_160 : memref<16x128xf32, #tpu.memory_space<vmem>>[vector<16xi32>, vector<16xi32>], vector<16xf32>, vector<16xi1>
      %broadcast_in_dim3A_293 = arith.constant 13 : i32
      %broadcast_in_dim3A_294 = vector.broadcast %broadcast_in_dim3A_293 : i32 to vector<16xi32>
      %gather3A_295 = tpu.vector_load_idx %arg13[%broadcast_in_dim3A_294, %select_n3A_168] masked %lt3A_160 : memref<16x128xf32, #tpu.memory_space<vmem>>[vector<16xi32>, vector<16xi32>], vector<16xf32>, vector<16xi1>
      %broadcast_in_dim3A_296 = arith.constant 13 : i32
      %broadcast_in_dim3A_297 = vector.broadcast %broadcast_in_dim3A_296 : i32 to vector<16xi32>
      %scatter3A_298 = arith.constant 0 : i32
      %scatter3A_299 = arith.constant 0 : i32
      %scatter3A_300 = tpu.memref_slice %arg15[%rem3A_175, %scatter3A_298, %scatter3A_299] : memref<4x16x128xf32, #tpu.memory_space<vmem>> -> memref<1x16x128xf32, #tpu.memory_space<vmem>>
      %scatter3A_301 = tpu.memref_squeeze %scatter3A_300 : memref<1x16x128xf32, #tpu.memory_space<vmem>> -> memref<16x128xf32, #tpu.memory_space<vmem>>
      tpu.vector_store_idx %scatter3A_301[%iota3A, %broadcast_in_dim3A_297], %gather3A_295 masked %lt3A_160 : memref<16x128xf32, #tpu.memory_space<vmem>>[vector<16xi32>, vector<16xi32>], vector<16xf32>, vector<16xi1>
      %broadcast_in_dim3A_302 = arith.constant 14 : i32
      %broadcast_in_dim3A_303 = vector.broadcast %broadcast_in_dim3A_302 : i32 to vector<16xi32>
      %gather3A_304 = tpu.vector_load_idx %arg13[%broadcast_in_dim3A_303, %select_n3A_168] masked %lt3A_160 : memref<16x128xf32, #tpu.memory_space<vmem>>[vector<16xi32>, vector<16xi32>], vector<16xf32>, vector<16xi1>
      %broadcast_in_dim3A_305 = arith.constant 14 : i32
      %broadcast_in_dim3A_306 = vector.broadcast %broadcast_in_dim3A_305 : i32 to vector<16xi32>
      %scatter3A_307 = arith.constant 0 : i32
      %scatter3A_308 = arith.constant 0 : i32
      %scatter3A_309 = tpu.memref_slice %arg15[%rem3A_175, %scatter3A_307, %scatter3A_308] : memref<4x16x128xf32, #tpu.memory_space<vmem>> -> memref<1x16x128xf32, #tpu.memory_space<vmem>>
      %scatter3A_310 = tpu.memref_squeeze %scatter3A_309 : memref<1x16x128xf32, #tpu.memory_space<vmem>> -> memref<16x128xf32, #tpu.memory_space<vmem>>
      tpu.vector_store_idx %scatter3A_310[%iota3A, %broadcast_in_dim3A_306], %gather3A_304 masked %lt3A_160 : memref<16x128xf32, #tpu.memory_space<vmem>>[vector<16xi32>, vector<16xi32>], vector<16xf32>, vector<16xi1>
      %broadcast_in_dim3A_311 = arith.constant 15 : i32
      %broadcast_in_dim3A_312 = vector.broadcast %broadcast_in_dim3A_311 : i32 to vector<16xi32>
      %gather3A_313 = tpu.vector_load_idx %arg13[%broadcast_in_dim3A_312, %select_n3A_168] masked %lt3A_160 : memref<16x128xf32, #tpu.memory_space<vmem>>[vector<16xi32>, vector<16xi32>], vector<16xf32>, vector<16xi1>
      %broadcast_in_dim3A_314 = arith.constant 15 : i32
      %broadcast_in_dim3A_315 = vector.broadcast %broadcast_in_dim3A_314 : i32 to vector<16xi32>
      %scatter3A_316 = arith.constant 0 : i32
      %scatter3A_317 = arith.constant 0 : i32
      %scatter3A_318 = tpu.memref_slice %arg15[%rem3A_175, %scatter3A_316, %scatter3A_317] : memref<4x16x128xf32, #tpu.memory_space<vmem>> -> memref<1x16x128xf32, #tpu.memory_space<vmem>>
      %scatter3A_319 = tpu.memref_squeeze %scatter3A_318 : memref<1x16x128xf32, #tpu.memory_space<vmem>> -> memref<16x128xf32, #tpu.memory_space<vmem>>
      tpu.vector_store_idx %scatter3A_319[%iota3A, %broadcast_in_dim3A_315], %gather3A_313 masked %lt3A_160 : memref<16x128xf32, #tpu.memory_space<vmem>>[vector<16xi32>, vector<16xi32>], vector<16xf32>, vector<16xi1>
      %broadcast_in_dim3A_320 = arith.constant 0 : i32
      %broadcast_in_dim3A_321 = vector.broadcast %broadcast_in_dim3A_320 : i32 to vector<16xi32>
      %gather3A_322 = tpu.vector_load_idx %arg14[%broadcast_in_dim3A_321, %select_n3A_168] masked %lt3A_160 : memref<32x128xf32, #tpu.memory_space<vmem>>[vector<16xi32>, vector<16xi32>], vector<16xf32>, vector<16xi1>
      %broadcast_in_dim3A_323 = arith.constant 16 : i32
      %broadcast_in_dim3A_324 = vector.broadcast %broadcast_in_dim3A_323 : i32 to vector<16xi32>
      %scatter3A_325 = arith.constant 0 : i32
      %scatter3A_326 = arith.constant 0 : i32
      %scatter3A_327 = tpu.memref_slice %arg15[%rem3A_175, %scatter3A_325, %scatter3A_326] : memref<4x16x128xf32, #tpu.memory_space<vmem>> -> memref<1x16x128xf32, #tpu.memory_space<vmem>>
      %scatter3A_328 = tpu.memref_squeeze %scatter3A_327 : memref<1x16x128xf32, #tpu.memory_space<vmem>> -> memref<16x128xf32, #tpu.memory_space<vmem>>
      tpu.vector_store_idx %scatter3A_328[%iota3A, %broadcast_in_dim3A_324], %gather3A_322 masked %lt3A_160 : memref<16x128xf32, #tpu.memory_space<vmem>>[vector<16xi32>, vector<16xi32>], vector<16xf32>, vector<16xi1>
      %broadcast_in_dim3A_329 = arith.constant 1 : i32
      %broadcast_in_dim3A_330 = vector.broadcast %broadcast_in_dim3A_329 : i32 to vector<16xi32>
      %gather3A_331 = tpu.vector_load_idx %arg14[%broadcast_in_dim3A_330, %select_n3A_168] masked %lt3A_160 : memref<32x128xf32, #tpu.memory_space<vmem>>[vector<16xi32>, vector<16xi32>], vector<16xf32>, vector<16xi1>
      %broadcast_in_dim3A_332 = arith.constant 17 : i32
      %broadcast_in_dim3A_333 = vector.broadcast %broadcast_in_dim3A_332 : i32 to vector<16xi32>
      %scatter3A_334 = arith.constant 0 : i32
      %scatter3A_335 = arith.constant 0 : i32
      %scatter3A_336 = tpu.memref_slice %arg15[%rem3A_175, %scatter3A_334, %scatter3A_335] : memref<4x16x128xf32, #tpu.memory_space<vmem>> -> memref<1x16x128xf32, #tpu.memory_space<vmem>>
      %scatter3A_337 = tpu.memref_squeeze %scatter3A_336 : memref<1x16x128xf32, #tpu.memory_space<vmem>> -> memref<16x128xf32, #tpu.memory_space<vmem>>
      tpu.vector_store_idx %scatter3A_337[%iota3A, %broadcast_in_dim3A_333], %gather3A_331 masked %lt3A_160 : memref<16x128xf32, #tpu.memory_space<vmem>>[vector<16xi32>, vector<16xi32>], vector<16xf32>, vector<16xi1>
      %broadcast_in_dim3A_338 = arith.constant 2 : i32
      %broadcast_in_dim3A_339 = vector.broadcast %broadcast_in_dim3A_338 : i32 to vector<16xi32>
      %gather3A_340 = tpu.vector_load_idx %arg14[%broadcast_in_dim3A_339, %select_n3A_168] masked %lt3A_160 : memref<32x128xf32, #tpu.memory_space<vmem>>[vector<16xi32>, vector<16xi32>], vector<16xf32>, vector<16xi1>
      %broadcast_in_dim3A_341 = arith.constant 18 : i32
      %broadcast_in_dim3A_342 = vector.broadcast %broadcast_in_dim3A_341 : i32 to vector<16xi32>
      %scatter3A_343 = arith.constant 0 : i32
      %scatter3A_344 = arith.constant 0 : i32
      %scatter3A_345 = tpu.memref_slice %arg15[%rem3A_175, %scatter3A_343, %scatter3A_344] : memref<4x16x128xf32, #tpu.memory_space<vmem>> -> memref<1x16x128xf32, #tpu.memory_space<vmem>>
      %scatter3A_346 = tpu.memref_squeeze %scatter3A_345 : memref<1x16x128xf32, #tpu.memory_space<vmem>> -> memref<16x128xf32, #tpu.memory_space<vmem>>
      tpu.vector_store_idx %scatter3A_346[%iota3A, %broadcast_in_dim3A_342], %gather3A_340 masked %lt3A_160 : memref<16x128xf32, #tpu.memory_space<vmem>>[vector<16xi32>, vector<16xi32>], vector<16xf32>, vector<16xi1>
      %broadcast_in_dim3A_347 = arith.constant 3 : i32
      %broadcast_in_dim3A_348 = vector.broadcast %broadcast_in_dim3A_347 : i32 to vector<16xi32>
      %gather3A_349 = tpu.vector_load_idx %arg14[%broadcast_in_dim3A_348, %select_n3A_168] masked %lt3A_160 : memref<32x128xf32, #tpu.memory_space<vmem>>[vector<16xi32>, vector<16xi32>], vector<16xf32>, vector<16xi1>
      %broadcast_in_dim3A_350 = arith.constant 19 : i32
      %broadcast_in_dim3A_351 = vector.broadcast %broadcast_in_dim3A_350 : i32 to vector<16xi32>
      %scatter3A_352 = arith.constant 0 : i32
      %scatter3A_353 = arith.constant 0 : i32
      %scatter3A_354 = tpu.memref_slice %arg15[%rem3A_175, %scatter3A_352, %scatter3A_353] : memref<4x16x128xf32, #tpu.memory_space<vmem>> -> memref<1x16x128xf32, #tpu.memory_space<vmem>>
      %scatter3A_355 = tpu.memref_squeeze %scatter3A_354 : memref<1x16x128xf32, #tpu.memory_space<vmem>> -> memref<16x128xf32, #tpu.memory_space<vmem>>
      tpu.vector_store_idx %scatter3A_355[%iota3A, %broadcast_in_dim3A_351], %gather3A_349 masked %lt3A_160 : memref<16x128xf32, #tpu.memory_space<vmem>>[vector<16xi32>, vector<16xi32>], vector<16xf32>, vector<16xi1>
      %broadcast_in_dim3A_356 = arith.constant 4 : i32
      %broadcast_in_dim3A_357 = vector.broadcast %broadcast_in_dim3A_356 : i32 to vector<16xi32>
      %gather3A_358 = tpu.vector_load_idx %arg14[%broadcast_in_dim3A_357, %select_n3A_168] masked %lt3A_160 : memref<32x128xf32, #tpu.memory_space<vmem>>[vector<16xi32>, vector<16xi32>], vector<16xf32>, vector<16xi1>
      %broadcast_in_dim3A_359 = arith.constant 20 : i32
      %broadcast_in_dim3A_360 = vector.broadcast %broadcast_in_dim3A_359 : i32 to vector<16xi32>
      %scatter3A_361 = arith.constant 0 : i32
      %scatter3A_362 = arith.constant 0 : i32
      %scatter3A_363 = tpu.memref_slice %arg15[%rem3A_175, %scatter3A_361, %scatter3A_362] : memref<4x16x128xf32, #tpu.memory_space<vmem>> -> memref<1x16x128xf32, #tpu.memory_space<vmem>>
      %scatter3A_364 = tpu.memref_squeeze %scatter3A_363 : memref<1x16x128xf32, #tpu.memory_space<vmem>> -> memref<16x128xf32, #tpu.memory_space<vmem>>
      tpu.vector_store_idx %scatter3A_364[%iota3A, %broadcast_in_dim3A_360], %gather3A_358 masked %lt3A_160 : memref<16x128xf32, #tpu.memory_space<vmem>>[vector<16xi32>, vector<16xi32>], vector<16xf32>, vector<16xi1>
      %broadcast_in_dim3A_365 = arith.constant 5 : i32
      %broadcast_in_dim3A_366 = vector.broadcast %broadcast_in_dim3A_365 : i32 to vector<16xi32>
      %gather3A_367 = tpu.vector_load_idx %arg14[%broadcast_in_dim3A_366, %select_n3A_168] masked %lt3A_160 : memref<32x128xf32, #tpu.memory_space<vmem>>[vector<16xi32>, vector<16xi32>], vector<16xf32>, vector<16xi1>
      %broadcast_in_dim3A_368 = arith.constant 21 : i32
      %broadcast_in_dim3A_369 = vector.broadcast %broadcast_in_dim3A_368 : i32 to vector<16xi32>
      %scatter3A_370 = arith.constant 0 : i32
      %scatter3A_371 = arith.constant 0 : i32
      %scatter3A_372 = tpu.memref_slice %arg15[%rem3A_175, %scatter3A_370, %scatter3A_371] : memref<4x16x128xf32, #tpu.memory_space<vmem>> -> memref<1x16x128xf32, #tpu.memory_space<vmem>>
      %scatter3A_373 = tpu.memref_squeeze %scatter3A_372 : memref<1x16x128xf32, #tpu.memory_space<vmem>> -> memref<16x128xf32, #tpu.memory_space<vmem>>
      tpu.vector_store_idx %scatter3A_373[%iota3A, %broadcast_in_dim3A_369], %gather3A_367 masked %lt3A_160 : memref<16x128xf32, #tpu.memory_space<vmem>>[vector<16xi32>, vector<16xi32>], vector<16xf32>, vector<16xi1>
      %broadcast_in_dim3A_374 = arith.constant 6 : i32
      %broadcast_in_dim3A_375 = vector.broadcast %broadcast_in_dim3A_374 : i32 to vector<16xi32>
      %gather3A_376 = tpu.vector_load_idx %arg14[%broadcast_in_dim3A_375, %select_n3A_168] masked %lt3A_160 : memref<32x128xf32, #tpu.memory_space<vmem>>[vector<16xi32>, vector<16xi32>], vector<16xf32>, vector<16xi1>
      %broadcast_in_dim3A_377 = arith.constant 22 : i32
      %broadcast_in_dim3A_378 = vector.broadcast %broadcast_in_dim3A_377 : i32 to vector<16xi32>
      %scatter3A_379 = arith.constant 0 : i32
      %scatter3A_380 = arith.constant 0 : i32
      %scatter3A_381 = tpu.memref_slice %arg15[%rem3A_175, %scatter3A_379, %scatter3A_380] : memref<4x16x128xf32, #tpu.memory_space<vmem>> -> memref<1x16x128xf32, #tpu.memory_space<vmem>>
      %scatter3A_382 = tpu.memref_squeeze %scatter3A_381 : memref<1x16x128xf32, #tpu.memory_space<vmem>> -> memref<16x128xf32, #tpu.memory_space<vmem>>
      tpu.vector_store_idx %scatter3A_382[%iota3A, %broadcast_in_dim3A_378], %gather3A_376 masked %lt3A_160 : memref<16x128xf32, #tpu.memory_space<vmem>>[vector<16xi32>, vector<16xi32>], vector<16xf32>, vector<16xi1>
      %broadcast_in_dim3A_383 = arith.constant 7 : i32
      %broadcast_in_dim3A_384 = vector.broadcast %broadcast_in_dim3A_383 : i32 to vector<16xi32>
      %gather3A_385 = tpu.vector_load_idx %arg14[%broadcast_in_dim3A_384, %select_n3A_168] masked %lt3A_160 : memref<32x128xf32, #tpu.memory_space<vmem>>[vector<16xi32>, vector<16xi32>], vector<16xf32>, vector<16xi1>
      %broadcast_in_dim3A_386 = arith.constant 23 : i32
      %broadcast_in_dim3A_387 = vector.broadcast %broadcast_in_dim3A_386 : i32 to vector<16xi32>
      %scatter3A_388 = arith.constant 0 : i32
      %scatter3A_389 = arith.constant 0 : i32
      %scatter3A_390 = tpu.memref_slice %arg15[%rem3A_175, %scatter3A_388, %scatter3A_389] : memref<4x16x128xf32, #tpu.memory_space<vmem>> -> memref<1x16x128xf32, #tpu.memory_space<vmem>>
      %scatter3A_391 = tpu.memref_squeeze %scatter3A_390 : memref<1x16x128xf32, #tpu.memory_space<vmem>> -> memref<16x128xf32, #tpu.memory_space<vmem>>
      tpu.vector_store_idx %scatter3A_391[%iota3A, %broadcast_in_dim3A_387], %gather3A_385 masked %lt3A_160 : memref<16x128xf32, #tpu.memory_space<vmem>>[vector<16xi32>, vector<16xi32>], vector<16xf32>, vector<16xi1>
      %broadcast_in_dim3A_392 = arith.constant 8 : i32
      %broadcast_in_dim3A_393 = vector.broadcast %broadcast_in_dim3A_392 : i32 to vector<16xi32>
      %gather3A_394 = tpu.vector_load_idx %arg14[%broadcast_in_dim3A_393, %select_n3A_168] masked %lt3A_160 : memref<32x128xf32, #tpu.memory_space<vmem>>[vector<16xi32>, vector<16xi32>], vector<16xf32>, vector<16xi1>
      %broadcast_in_dim3A_395 = arith.constant 24 : i32
      %broadcast_in_dim3A_396 = vector.broadcast %broadcast_in_dim3A_395 : i32 to vector<16xi32>
      %scatter3A_397 = arith.constant 0 : i32
      %scatter3A_398 = arith.constant 0 : i32
      %scatter3A_399 = tpu.memref_slice %arg15[%rem3A_175, %scatter3A_397, %scatter3A_398] : memref<4x16x128xf32, #tpu.memory_space<vmem>> -> memref<1x16x128xf32, #tpu.memory_space<vmem>>
      %scatter3A_400 = tpu.memref_squeeze %scatter3A_399 : memref<1x16x128xf32, #tpu.memory_space<vmem>> -> memref<16x128xf32, #tpu.memory_space<vmem>>
      tpu.vector_store_idx %scatter3A_400[%iota3A, %broadcast_in_dim3A_396], %gather3A_394 masked %lt3A_160 : memref<16x128xf32, #tpu.memory_space<vmem>>[vector<16xi32>, vector<16xi32>], vector<16xf32>, vector<16xi1>
      %broadcast_in_dim3A_401 = arith.constant 9 : i32
      %broadcast_in_dim3A_402 = vector.broadcast %broadcast_in_dim3A_401 : i32 to vector<16xi32>
      %gather3A_403 = tpu.vector_load_idx %arg14[%broadcast_in_dim3A_402, %select_n3A_168] masked %lt3A_160 : memref<32x128xf32, #tpu.memory_space<vmem>>[vector<16xi32>, vector<16xi32>], vector<16xf32>, vector<16xi1>
      %broadcast_in_dim3A_404 = arith.constant 25 : i32
      %broadcast_in_dim3A_405 = vector.broadcast %broadcast_in_dim3A_404 : i32 to vector<16xi32>
      %scatter3A_406 = arith.constant 0 : i32
      %scatter3A_407 = arith.constant 0 : i32
      %scatter3A_408 = tpu.memref_slice %arg15[%rem3A_175, %scatter3A_406, %scatter3A_407] : memref<4x16x128xf32, #tpu.memory_space<vmem>> -> memref<1x16x128xf32, #tpu.memory_space<vmem>>
      %scatter3A_409 = tpu.memref_squeeze %scatter3A_408 : memref<1x16x128xf32, #tpu.memory_space<vmem>> -> memref<16x128xf32, #tpu.memory_space<vmem>>
      tpu.vector_store_idx %scatter3A_409[%iota3A, %broadcast_in_dim3A_405], %gather3A_403 masked %lt3A_160 : memref<16x128xf32, #tpu.memory_space<vmem>>[vector<16xi32>, vector<16xi32>], vector<16xf32>, vector<16xi1>
      %broadcast_in_dim3A_410 = arith.constant 10 : i32
      %broadcast_in_dim3A_411 = vector.broadcast %broadcast_in_dim3A_410 : i32 to vector<16xi32>
      %gather3A_412 = tpu.vector_load_idx %arg14[%broadcast_in_dim3A_411, %select_n3A_168] masked %lt3A_160 : memref<32x128xf32, #tpu.memory_space<vmem>>[vector<16xi32>, vector<16xi32>], vector<16xf32>, vector<16xi1>
      %broadcast_in_dim3A_413 = arith.constant 26 : i32
      %broadcast_in_dim3A_414 = vector.broadcast %broadcast_in_dim3A_413 : i32 to vector<16xi32>
      %scatter3A_415 = arith.constant 0 : i32
      %scatter3A_416 = arith.constant 0 : i32
      %scatter3A_417 = tpu.memref_slice %arg15[%rem3A_175, %scatter3A_415, %scatter3A_416] : memref<4x16x128xf32, #tpu.memory_space<vmem>> -> memref<1x16x128xf32, #tpu.memory_space<vmem>>
      %scatter3A_418 = tpu.memref_squeeze %scatter3A_417 : memref<1x16x128xf32, #tpu.memory_space<vmem>> -> memref<16x128xf32, #tpu.memory_space<vmem>>
      tpu.vector_store_idx %scatter3A_418[%iota3A, %broadcast_in_dim3A_414], %gather3A_412 masked %lt3A_160 : memref<16x128xf32, #tpu.memory_space<vmem>>[vector<16xi32>, vector<16xi32>], vector<16xf32>, vector<16xi1>
      %broadcast_in_dim3A_419 = arith.constant 11 : i32
      %broadcast_in_dim3A_420 = vector.broadcast %broadcast_in_dim3A_419 : i32 to vector<16xi32>
      %gather3A_421 = tpu.vector_load_idx %arg14[%broadcast_in_dim3A_420, %select_n3A_168] masked %lt3A_160 : memref<32x128xf32, #tpu.memory_space<vmem>>[vector<16xi32>, vector<16xi32>], vector<16xf32>, vector<16xi1>
      %broadcast_in_dim3A_422 = arith.constant 27 : i32
      %broadcast_in_dim3A_423 = vector.broadcast %broadcast_in_dim3A_422 : i32 to vector<16xi32>
      %scatter3A_424 = arith.constant 0 : i32
      %scatter3A_425 = arith.constant 0 : i32
      %scatter3A_426 = tpu.memref_slice %arg15[%rem3A_175, %scatter3A_424, %scatter3A_425] : memref<4x16x128xf32, #tpu.memory_space<vmem>> -> memref<1x16x128xf32, #tpu.memory_space<vmem>>
      %scatter3A_427 = tpu.memref_squeeze %scatter3A_426 : memref<1x16x128xf32, #tpu.memory_space<vmem>> -> memref<16x128xf32, #tpu.memory_space<vmem>>
      tpu.vector_store_idx %scatter3A_427[%iota3A, %broadcast_in_dim3A_423], %gather3A_421 masked %lt3A_160 : memref<16x128xf32, #tpu.memory_space<vmem>>[vector<16xi32>, vector<16xi32>], vector<16xf32>, vector<16xi1>
      %broadcast_in_dim3A_428 = arith.constant 12 : i32
      %broadcast_in_dim3A_429 = vector.broadcast %broadcast_in_dim3A_428 : i32 to vector<16xi32>
      %gather3A_430 = tpu.vector_load_idx %arg14[%broadcast_in_dim3A_429, %select_n3A_168] masked %lt3A_160 : memref<32x128xf32, #tpu.memory_space<vmem>>[vector<16xi32>, vector<16xi32>], vector<16xf32>, vector<16xi1>
      %broadcast_in_dim3A_431 = arith.constant 28 : i32
      %broadcast_in_dim3A_432 = vector.broadcast %broadcast_in_dim3A_431 : i32 to vector<16xi32>
      %scatter3A_433 = arith.constant 0 : i32
      %scatter3A_434 = arith.constant 0 : i32
      %scatter3A_435 = tpu.memref_slice %arg15[%rem3A_175, %scatter3A_433, %scatter3A_434] : memref<4x16x128xf32, #tpu.memory_space<vmem>> -> memref<1x16x128xf32, #tpu.memory_space<vmem>>
      %scatter3A_436 = tpu.memref_squeeze %scatter3A_435 : memref<1x16x128xf32, #tpu.memory_space<vmem>> -> memref<16x128xf32, #tpu.memory_space<vmem>>
      tpu.vector_store_idx %scatter3A_436[%iota3A, %broadcast_in_dim3A_432], %gather3A_430 masked %lt3A_160 : memref<16x128xf32, #tpu.memory_space<vmem>>[vector<16xi32>, vector<16xi32>], vector<16xf32>, vector<16xi1>
      %broadcast_in_dim3A_437 = arith.constant 13 : i32
      %broadcast_in_dim3A_438 = vector.broadcast %broadcast_in_dim3A_437 : i32 to vector<16xi32>
      %gather3A_439 = tpu.vector_load_idx %arg14[%broadcast_in_dim3A_438, %select_n3A_168] masked %lt3A_160 : memref<32x128xf32, #tpu.memory_space<vmem>>[vector<16xi32>, vector<16xi32>], vector<16xf32>, vector<16xi1>
      %broadcast_in_dim3A_440 = arith.constant 29 : i32
      %broadcast_in_dim3A_441 = vector.broadcast %broadcast_in_dim3A_440 : i32 to vector<16xi32>
      %scatter3A_442 = arith.constant 0 : i32
      %scatter3A_443 = arith.constant 0 : i32
      %scatter3A_444 = tpu.memref_slice %arg15[%rem3A_175, %scatter3A_442, %scatter3A_443] : memref<4x16x128xf32, #tpu.memory_space<vmem>> -> memref<1x16x128xf32, #tpu.memory_space<vmem>>
      %scatter3A_445 = tpu.memref_squeeze %scatter3A_444 : memref<1x16x128xf32, #tpu.memory_space<vmem>> -> memref<16x128xf32, #tpu.memory_space<vmem>>
      tpu.vector_store_idx %scatter3A_445[%iota3A, %broadcast_in_dim3A_441], %gather3A_439 masked %lt3A_160 : memref<16x128xf32, #tpu.memory_space<vmem>>[vector<16xi32>, vector<16xi32>], vector<16xf32>, vector<16xi1>
      %broadcast_in_dim3A_446 = arith.constant 14 : i32
      %broadcast_in_dim3A_447 = vector.broadcast %broadcast_in_dim3A_446 : i32 to vector<16xi32>
      %gather3A_448 = tpu.vector_load_idx %arg14[%broadcast_in_dim3A_447, %select_n3A_168] masked %lt3A_160 : memref<32x128xf32, #tpu.memory_space<vmem>>[vector<16xi32>, vector<16xi32>], vector<16xf32>, vector<16xi1>
      %broadcast_in_dim3A_449 = arith.constant 30 : i32
      %broadcast_in_dim3A_450 = vector.broadcast %broadcast_in_dim3A_449 : i32 to vector<16xi32>
      %scatter3A_451 = arith.constant 0 : i32
      %scatter3A_452 = arith.constant 0 : i32
      %scatter3A_453 = tpu.memref_slice %arg15[%rem3A_175, %scatter3A_451, %scatter3A_452] : memref<4x16x128xf32, #tpu.memory_space<vmem>> -> memref<1x16x128xf32, #tpu.memory_space<vmem>>
      %scatter3A_454 = tpu.memref_squeeze %scatter3A_453 : memref<1x16x128xf32, #tpu.memory_space<vmem>> -> memref<16x128xf32, #tpu.memory_space<vmem>>
      tpu.vector_store_idx %scatter3A_454[%iota3A, %broadcast_in_dim3A_450], %gather3A_448 masked %lt3A_160 : memref<16x128xf32, #tpu.memory_space<vmem>>[vector<16xi32>, vector<16xi32>], vector<16xf32>, vector<16xi1>
      %broadcast_in_dim3A_455 = arith.constant 15 : i32
      %broadcast_in_dim3A_456 = vector.broadcast %broadcast_in_dim3A_455 : i32 to vector<16xi32>
      %gather3A_457 = tpu.vector_load_idx %arg14[%broadcast_in_dim3A_456, %select_n3A_168] masked %lt3A_160 : memref<32x128xf32, #tpu.memory_space<vmem>>[vector<16xi32>, vector<16xi32>], vector<16xf32>, vector<16xi1>
      %broadcast_in_dim3A_458 = arith.constant 31 : i32
      %broadcast_in_dim3A_459 = vector.broadcast %broadcast_in_dim3A_458 : i32 to vector<16xi32>
      %scatter3A_460 = arith.constant 0 : i32
      %scatter3A_461 = arith.constant 0 : i32
      %scatter3A_462 = tpu.memref_slice %arg15[%rem3A_175, %scatter3A_460, %scatter3A_461] : memref<4x16x128xf32, #tpu.memory_space<vmem>> -> memref<1x16x128xf32, #tpu.memory_space<vmem>>
      %scatter3A_463 = tpu.memref_squeeze %scatter3A_462 : memref<1x16x128xf32, #tpu.memory_space<vmem>> -> memref<16x128xf32, #tpu.memory_space<vmem>>
      tpu.vector_store_idx %scatter3A_463[%iota3A, %broadcast_in_dim3A_459], %gather3A_457 masked %lt3A_160 : memref<16x128xf32, #tpu.memory_space<vmem>>[vector<16xi32>, vector<16xi32>], vector<16xf32>, vector<16xi1>
      %broadcast_in_dim3A_464 = arith.constant 16 : i32
      %broadcast_in_dim3A_465 = vector.broadcast %broadcast_in_dim3A_464 : i32 to vector<16xi32>
      %gather3A_466 = tpu.vector_load_idx %arg14[%broadcast_in_dim3A_465, %select_n3A_168] masked %lt3A_160 : memref<32x128xf32, #tpu.memory_space<vmem>>[vector<16xi32>, vector<16xi32>], vector<16xf32>, vector<16xi1>
      %broadcast_in_dim3A_467 = arith.constant 32 : i32
      %broadcast_in_dim3A_468 = vector.broadcast %broadcast_in_dim3A_467 : i32 to vector<16xi32>
      %scatter3A_469 = arith.constant 0 : i32
      %scatter3A_470 = arith.constant 0 : i32
      %scatter3A_471 = tpu.memref_slice %arg15[%rem3A_175, %scatter3A_469, %scatter3A_470] : memref<4x16x128xf32, #tpu.memory_space<vmem>> -> memref<1x16x128xf32, #tpu.memory_space<vmem>>
      %scatter3A_472 = tpu.memref_squeeze %scatter3A_471 : memref<1x16x128xf32, #tpu.memory_space<vmem>> -> memref<16x128xf32, #tpu.memory_space<vmem>>
      tpu.vector_store_idx %scatter3A_472[%iota3A, %broadcast_in_dim3A_468], %gather3A_466 masked %lt3A_160 : memref<16x128xf32, #tpu.memory_space<vmem>>[vector<16xi32>, vector<16xi32>], vector<16xf32>, vector<16xi1>
      %broadcast_in_dim3A_473 = arith.constant 17 : i32
      %broadcast_in_dim3A_474 = vector.broadcast %broadcast_in_dim3A_473 : i32 to vector<16xi32>
      %gather3A_475 = tpu.vector_load_idx %arg14[%broadcast_in_dim3A_474, %select_n3A_168] masked %lt3A_160 : memref<32x128xf32, #tpu.memory_space<vmem>>[vector<16xi32>, vector<16xi32>], vector<16xf32>, vector<16xi1>
      %broadcast_in_dim3A_476 = arith.constant 33 : i32
      %broadcast_in_dim3A_477 = vector.broadcast %broadcast_in_dim3A_476 : i32 to vector<16xi32>
      %scatter3A_478 = arith.constant 0 : i32
      %scatter3A_479 = arith.constant 0 : i32
      %scatter3A_480 = tpu.memref_slice %arg15[%rem3A_175, %scatter3A_478, %scatter3A_479] : memref<4x16x128xf32, #tpu.memory_space<vmem>> -> memref<1x16x128xf32, #tpu.memory_space<vmem>>
      %scatter3A_481 = tpu.memref_squeeze %scatter3A_480 : memref<1x16x128xf32, #tpu.memory_space<vmem>> -> memref<16x128xf32, #tpu.memory_space<vmem>>
      tpu.vector_store_idx %scatter3A_481[%iota3A, %broadcast_in_dim3A_477], %gather3A_475 masked %lt3A_160 : memref<16x128xf32, #tpu.memory_space<vmem>>[vector<16xi32>, vector<16xi32>], vector<16xf32>, vector<16xi1>
      %broadcast_in_dim3A_482 = arith.constant 18 : i32
      %broadcast_in_dim3A_483 = vector.broadcast %broadcast_in_dim3A_482 : i32 to vector<16xi32>
      %gather3A_484 = tpu.vector_load_idx %arg14[%broadcast_in_dim3A_483, %select_n3A_168] masked %lt3A_160 : memref<32x128xf32, #tpu.memory_space<vmem>>[vector<16xi32>, vector<16xi32>], vector<16xf32>, vector<16xi1>
      %broadcast_in_dim3A_485 = arith.constant 34 : i32
      %broadcast_in_dim3A_486 = vector.broadcast %broadcast_in_dim3A_485 : i32 to vector<16xi32>
      %scatter3A_487 = arith.constant 0 : i32
      %scatter3A_488 = arith.constant 0 : i32
      %scatter3A_489 = tpu.memref_slice %arg15[%rem3A_175, %scatter3A_487, %scatter3A_488] : memref<4x16x128xf32, #tpu.memory_space<vmem>> -> memref<1x16x128xf32, #tpu.memory_space<vmem>>
      %scatter3A_490 = tpu.memref_squeeze %scatter3A_489 : memref<1x16x128xf32, #tpu.memory_space<vmem>> -> memref<16x128xf32, #tpu.memory_space<vmem>>
      tpu.vector_store_idx %scatter3A_490[%iota3A, %broadcast_in_dim3A_486], %gather3A_484 masked %lt3A_160 : memref<16x128xf32, #tpu.memory_space<vmem>>[vector<16xi32>, vector<16xi32>], vector<16xf32>, vector<16xi1>
      %broadcast_in_dim3A_491 = arith.constant 19 : i32
      %broadcast_in_dim3A_492 = vector.broadcast %broadcast_in_dim3A_491 : i32 to vector<16xi32>
      %gather3A_493 = tpu.vector_load_idx %arg14[%broadcast_in_dim3A_492, %select_n3A_168] masked %lt3A_160 : memref<32x128xf32, #tpu.memory_space<vmem>>[vector<16xi32>, vector<16xi32>], vector<16xf32>, vector<16xi1>
      %broadcast_in_dim3A_494 = arith.constant 35 : i32
      %broadcast_in_dim3A_495 = vector.broadcast %broadcast_in_dim3A_494 : i32 to vector<16xi32>
      %scatter3A_496 = arith.constant 0 : i32
      %scatter3A_497 = arith.constant 0 : i32
      %scatter3A_498 = tpu.memref_slice %arg15[%rem3A_175, %scatter3A_496, %scatter3A_497] : memref<4x16x128xf32, #tpu.memory_space<vmem>> -> memref<1x16x128xf32, #tpu.memory_space<vmem>>
      %scatter3A_499 = tpu.memref_squeeze %scatter3A_498 : memref<1x16x128xf32, #tpu.memory_space<vmem>> -> memref<16x128xf32, #tpu.memory_space<vmem>>
      tpu.vector_store_idx %scatter3A_499[%iota3A, %broadcast_in_dim3A_495], %gather3A_493 masked %lt3A_160 : memref<16x128xf32, #tpu.memory_space<vmem>>[vector<16xi32>, vector<16xi32>], vector<16xf32>, vector<16xi1>
      %broadcast_in_dim3A_500 = arith.constant 20 : i32
      %broadcast_in_dim3A_501 = vector.broadcast %broadcast_in_dim3A_500 : i32 to vector<16xi32>
      %gather3A_502 = tpu.vector_load_idx %arg14[%broadcast_in_dim3A_501, %select_n3A_168] masked %lt3A_160 : memref<32x128xf32, #tpu.memory_space<vmem>>[vector<16xi32>, vector<16xi32>], vector<16xf32>, vector<16xi1>
      %broadcast_in_dim3A_503 = arith.constant 36 : i32
      %broadcast_in_dim3A_504 = vector.broadcast %broadcast_in_dim3A_503 : i32 to vector<16xi32>
      %scatter3A_505 = arith.constant 0 : i32
      %scatter3A_506 = arith.constant 0 : i32
      %scatter3A_507 = tpu.memref_slice %arg15[%rem3A_175, %scatter3A_505, %scatter3A_506] : memref<4x16x128xf32, #tpu.memory_space<vmem>> -> memref<1x16x128xf32, #tpu.memory_space<vmem>>
      %scatter3A_508 = tpu.memref_squeeze %scatter3A_507 : memref<1x16x128xf32, #tpu.memory_space<vmem>> -> memref<16x128xf32, #tpu.memory_space<vmem>>
      tpu.vector_store_idx %scatter3A_508[%iota3A, %broadcast_in_dim3A_504], %gather3A_502 masked %lt3A_160 : memref<16x128xf32, #tpu.memory_space<vmem>>[vector<16xi32>, vector<16xi32>], vector<16xf32>, vector<16xi1>
      %broadcast_in_dim3A_509 = arith.constant 21 : i32
      %broadcast_in_dim3A_510 = vector.broadcast %broadcast_in_dim3A_509 : i32 to vector<16xi32>
      %gather3A_511 = tpu.vector_load_idx %arg14[%broadcast_in_dim3A_510, %select_n3A_168] masked %lt3A_160 : memref<32x128xf32, #tpu.memory_space<vmem>>[vector<16xi32>, vector<16xi32>], vector<16xf32>, vector<16xi1>
      %broadcast_in_dim3A_512 = arith.constant 37 : i32
      %broadcast_in_dim3A_513 = vector.broadcast %broadcast_in_dim3A_512 : i32 to vector<16xi32>
      %scatter3A_514 = arith.constant 0 : i32
      %scatter3A_515 = arith.constant 0 : i32
      %scatter3A_516 = tpu.memref_slice %arg15[%rem3A_175, %scatter3A_514, %scatter3A_515] : memref<4x16x128xf32, #tpu.memory_space<vmem>> -> memref<1x16x128xf32, #tpu.memory_space<vmem>>
      %scatter3A_517 = tpu.memref_squeeze %scatter3A_516 : memref<1x16x128xf32, #tpu.memory_space<vmem>> -> memref<16x128xf32, #tpu.memory_space<vmem>>
      tpu.vector_store_idx %scatter3A_517[%iota3A, %broadcast_in_dim3A_513], %gather3A_511 masked %lt3A_160 : memref<16x128xf32, #tpu.memory_space<vmem>>[vector<16xi32>, vector<16xi32>], vector<16xf32>, vector<16xi1>
      %broadcast_in_dim3A_518 = arith.constant 22 : i32
      %broadcast_in_dim3A_519 = vector.broadcast %broadcast_in_dim3A_518 : i32 to vector<16xi32>
      %gather3A_520 = tpu.vector_load_idx %arg14[%broadcast_in_dim3A_519, %select_n3A_168] masked %lt3A_160 : memref<32x128xf32, #tpu.memory_space<vmem>>[vector<16xi32>, vector<16xi32>], vector<16xf32>, vector<16xi1>
      %broadcast_in_dim3A_521 = arith.constant 38 : i32
      %broadcast_in_dim3A_522 = vector.broadcast %broadcast_in_dim3A_521 : i32 to vector<16xi32>
      %scatter3A_523 = arith.constant 0 : i32
      %scatter3A_524 = arith.constant 0 : i32
      %scatter3A_525 = tpu.memref_slice %arg15[%rem3A_175, %scatter3A_523, %scatter3A_524] : memref<4x16x128xf32, #tpu.memory_space<vmem>> -> memref<1x16x128xf32, #tpu.memory_space<vmem>>
      %scatter3A_526 = tpu.memref_squeeze %scatter3A_525 : memref<1x16x128xf32, #tpu.memory_space<vmem>> -> memref<16x128xf32, #tpu.memory_space<vmem>>
      tpu.vector_store_idx %scatter3A_526[%iota3A, %broadcast_in_dim3A_522], %gather3A_520 masked %lt3A_160 : memref<16x128xf32, #tpu.memory_space<vmem>>[vector<16xi32>, vector<16xi32>], vector<16xf32>, vector<16xi1>
      %broadcast_in_dim3A_527 = arith.constant 23 : i32
      %broadcast_in_dim3A_528 = vector.broadcast %broadcast_in_dim3A_527 : i32 to vector<16xi32>
      %gather3A_529 = tpu.vector_load_idx %arg14[%broadcast_in_dim3A_528, %select_n3A_168] masked %lt3A_160 : memref<32x128xf32, #tpu.memory_space<vmem>>[vector<16xi32>, vector<16xi32>], vector<16xf32>, vector<16xi1>
      %broadcast_in_dim3A_530 = arith.constant 39 : i32
      %broadcast_in_dim3A_531 = vector.broadcast %broadcast_in_dim3A_530 : i32 to vector<16xi32>
      %scatter3A_532 = arith.constant 0 : i32
      %scatter3A_533 = arith.constant 0 : i32
      %scatter3A_534 = tpu.memref_slice %arg15[%rem3A_175, %scatter3A_532, %scatter3A_533] : memref<4x16x128xf32, #tpu.memory_space<vmem>> -> memref<1x16x128xf32, #tpu.memory_space<vmem>>
      %scatter3A_535 = tpu.memref_squeeze %scatter3A_534 : memref<1x16x128xf32, #tpu.memory_space<vmem>> -> memref<16x128xf32, #tpu.memory_space<vmem>>
      tpu.vector_store_idx %scatter3A_535[%iota3A, %broadcast_in_dim3A_531], %gather3A_529 masked %lt3A_160 : memref<16x128xf32, #tpu.memory_space<vmem>>[vector<16xi32>, vector<16xi32>], vector<16xf32>, vector<16xi1>
      %broadcast_in_dim3A_536 = arith.constant 24 : i32
      %broadcast_in_dim3A_537 = vector.broadcast %broadcast_in_dim3A_536 : i32 to vector<16xi32>
      %gather3A_538 = tpu.vector_load_idx %arg14[%broadcast_in_dim3A_537, %select_n3A_168] masked %lt3A_160 : memref<32x128xf32, #tpu.memory_space<vmem>>[vector<16xi32>, vector<16xi32>], vector<16xf32>, vector<16xi1>
      %broadcast_in_dim3A_539 = arith.constant 40 : i32
      %broadcast_in_dim3A_540 = vector.broadcast %broadcast_in_dim3A_539 : i32 to vector<16xi32>
      %scatter3A_541 = arith.constant 0 : i32
      %scatter3A_542 = arith.constant 0 : i32
      %scatter3A_543 = tpu.memref_slice %arg15[%rem3A_175, %scatter3A_541, %scatter3A_542] : memref<4x16x128xf32, #tpu.memory_space<vmem>> -> memref<1x16x128xf32, #tpu.memory_space<vmem>>
      %scatter3A_544 = tpu.memref_squeeze %scatter3A_543 : memref<1x16x128xf32, #tpu.memory_space<vmem>> -> memref<16x128xf32, #tpu.memory_space<vmem>>
      tpu.vector_store_idx %scatter3A_544[%iota3A, %broadcast_in_dim3A_540], %gather3A_538 masked %lt3A_160 : memref<16x128xf32, #tpu.memory_space<vmem>>[vector<16xi32>, vector<16xi32>], vector<16xf32>, vector<16xi1>
      %broadcast_in_dim3A_545 = arith.constant 25 : i32
      %broadcast_in_dim3A_546 = vector.broadcast %broadcast_in_dim3A_545 : i32 to vector<16xi32>
      %gather3A_547 = tpu.vector_load_idx %arg14[%broadcast_in_dim3A_546, %select_n3A_168] masked %lt3A_160 : memref<32x128xf32, #tpu.memory_space<vmem>>[vector<16xi32>, vector<16xi32>], vector<16xf32>, vector<16xi1>
      %broadcast_in_dim3A_548 = arith.constant 41 : i32
      %broadcast_in_dim3A_549 = vector.broadcast %broadcast_in_dim3A_548 : i32 to vector<16xi32>
      %scatter3A_550 = arith.constant 0 : i32
      %scatter3A_551 = arith.constant 0 : i32
      %scatter3A_552 = tpu.memref_slice %arg15[%rem3A_175, %scatter3A_550, %scatter3A_551] : memref<4x16x128xf32, #tpu.memory_space<vmem>> -> memref<1x16x128xf32, #tpu.memory_space<vmem>>
      %scatter3A_553 = tpu.memref_squeeze %scatter3A_552 : memref<1x16x128xf32, #tpu.memory_space<vmem>> -> memref<16x128xf32, #tpu.memory_space<vmem>>
      tpu.vector_store_idx %scatter3A_553[%iota3A, %broadcast_in_dim3A_549], %gather3A_547 masked %lt3A_160 : memref<16x128xf32, #tpu.memory_space<vmem>>[vector<16xi32>, vector<16xi32>], vector<16xf32>, vector<16xi1>
      %broadcast_in_dim3A_554 = arith.constant 26 : i32
      %broadcast_in_dim3A_555 = vector.broadcast %broadcast_in_dim3A_554 : i32 to vector<16xi32>
      %gather3A_556 = tpu.vector_load_idx %arg14[%broadcast_in_dim3A_555, %select_n3A_168] masked %lt3A_160 : memref<32x128xf32, #tpu.memory_space<vmem>>[vector<16xi32>, vector<16xi32>], vector<16xf32>, vector<16xi1>
      %broadcast_in_dim3A_557 = arith.constant 42 : i32
      %broadcast_in_dim3A_558 = vector.broadcast %broadcast_in_dim3A_557 : i32 to vector<16xi32>
      %scatter3A_559 = arith.constant 0 : i32
      %scatter3A_560 = arith.constant 0 : i32
      %scatter3A_561 = tpu.memref_slice %arg15[%rem3A_175, %scatter3A_559, %scatter3A_560] : memref<4x16x128xf32, #tpu.memory_space<vmem>> -> memref<1x16x128xf32, #tpu.memory_space<vmem>>
      %scatter3A_562 = tpu.memref_squeeze %scatter3A_561 : memref<1x16x128xf32, #tpu.memory_space<vmem>> -> memref<16x128xf32, #tpu.memory_space<vmem>>
      tpu.vector_store_idx %scatter3A_562[%iota3A, %broadcast_in_dim3A_558], %gather3A_556 masked %lt3A_160 : memref<16x128xf32, #tpu.memory_space<vmem>>[vector<16xi32>, vector<16xi32>], vector<16xf32>, vector<16xi1>
      %broadcast_in_dim3A_563 = arith.constant 27 : i32
      %broadcast_in_dim3A_564 = vector.broadcast %broadcast_in_dim3A_563 : i32 to vector<16xi32>
      %gather3A_565 = tpu.vector_load_idx %arg14[%broadcast_in_dim3A_564, %select_n3A_168] masked %lt3A_160 : memref<32x128xf32, #tpu.memory_space<vmem>>[vector<16xi32>, vector<16xi32>], vector<16xf32>, vector<16xi1>
      %broadcast_in_dim3A_566 = arith.constant 43 : i32
      %broadcast_in_dim3A_567 = vector.broadcast %broadcast_in_dim3A_566 : i32 to vector<16xi32>
      %scatter3A_568 = arith.constant 0 : i32
      %scatter3A_569 = arith.constant 0 : i32
      %scatter3A_570 = tpu.memref_slice %arg15[%rem3A_175, %scatter3A_568, %scatter3A_569] : memref<4x16x128xf32, #tpu.memory_space<vmem>> -> memref<1x16x128xf32, #tpu.memory_space<vmem>>
      %scatter3A_571 = tpu.memref_squeeze %scatter3A_570 : memref<1x16x128xf32, #tpu.memory_space<vmem>> -> memref<16x128xf32, #tpu.memory_space<vmem>>
      tpu.vector_store_idx %scatter3A_571[%iota3A, %broadcast_in_dim3A_567], %gather3A_565 masked %lt3A_160 : memref<16x128xf32, #tpu.memory_space<vmem>>[vector<16xi32>, vector<16xi32>], vector<16xf32>, vector<16xi1>
      %broadcast_in_dim3A_572 = arith.constant 28 : i32
      %broadcast_in_dim3A_573 = vector.broadcast %broadcast_in_dim3A_572 : i32 to vector<16xi32>
      %gather3A_574 = tpu.vector_load_idx %arg14[%broadcast_in_dim3A_573, %select_n3A_168] masked %lt3A_160 : memref<32x128xf32, #tpu.memory_space<vmem>>[vector<16xi32>, vector<16xi32>], vector<16xf32>, vector<16xi1>
      %broadcast_in_dim3A_575 = arith.constant 44 : i32
      %broadcast_in_dim3A_576 = vector.broadcast %broadcast_in_dim3A_575 : i32 to vector<16xi32>
      %scatter3A_577 = arith.constant 0 : i32
      %scatter3A_578 = arith.constant 0 : i32
      %scatter3A_579 = tpu.memref_slice %arg15[%rem3A_175, %scatter3A_577, %scatter3A_578] : memref<4x16x128xf32, #tpu.memory_space<vmem>> -> memref<1x16x128xf32, #tpu.memory_space<vmem>>
      %scatter3A_580 = tpu.memref_squeeze %scatter3A_579 : memref<1x16x128xf32, #tpu.memory_space<vmem>> -> memref<16x128xf32, #tpu.memory_space<vmem>>
      tpu.vector_store_idx %scatter3A_580[%iota3A, %broadcast_in_dim3A_576], %gather3A_574 masked %lt3A_160 : memref<16x128xf32, #tpu.memory_space<vmem>>[vector<16xi32>, vector<16xi32>], vector<16xf32>, vector<16xi1>
      %broadcast_in_dim3A_581 = arith.constant 29 : i32
      %broadcast_in_dim3A_582 = vector.broadcast %broadcast_in_dim3A_581 : i32 to vector<16xi32>
      %gather3A_583 = tpu.vector_load_idx %arg14[%broadcast_in_dim3A_582, %select_n3A_168] masked %lt3A_160 : memref<32x128xf32, #tpu.memory_space<vmem>>[vector<16xi32>, vector<16xi32>], vector<16xf32>, vector<16xi1>
      %broadcast_in_dim3A_584 = arith.constant 45 : i32
      %broadcast_in_dim3A_585 = vector.broadcast %broadcast_in_dim3A_584 : i32 to vector<16xi32>
      %scatter3A_586 = arith.constant 0 : i32
      %scatter3A_587 = arith.constant 0 : i32
      %scatter3A_588 = tpu.memref_slice %arg15[%rem3A_175, %scatter3A_586, %scatter3A_587] : memref<4x16x128xf32, #tpu.memory_space<vmem>> -> memref<1x16x128xf32, #tpu.memory_space<vmem>>
      %scatter3A_589 = tpu.memref_squeeze %scatter3A_588 : memref<1x16x128xf32, #tpu.memory_space<vmem>> -> memref<16x128xf32, #tpu.memory_space<vmem>>
      tpu.vector_store_idx %scatter3A_589[%iota3A, %broadcast_in_dim3A_585], %gather3A_583 masked %lt3A_160 : memref<16x128xf32, #tpu.memory_space<vmem>>[vector<16xi32>, vector<16xi32>], vector<16xf32>, vector<16xi1>
      %broadcast_in_dim3A_590 = arith.constant 30 : i32
      %broadcast_in_dim3A_591 = vector.broadcast %broadcast_in_dim3A_590 : i32 to vector<16xi32>
      %gather3A_592 = tpu.vector_load_idx %arg14[%broadcast_in_dim3A_591, %select_n3A_168] masked %lt3A_160 : memref<32x128xf32, #tpu.memory_space<vmem>>[vector<16xi32>, vector<16xi32>], vector<16xf32>, vector<16xi1>
      %broadcast_in_dim3A_593 = arith.constant 46 : i32
      %broadcast_in_dim3A_594 = vector.broadcast %broadcast_in_dim3A_593 : i32 to vector<16xi32>
      %scatter3A_595 = arith.constant 0 : i32
      %scatter3A_596 = arith.constant 0 : i32
      %scatter3A_597 = tpu.memref_slice %arg15[%rem3A_175, %scatter3A_595, %scatter3A_596] : memref<4x16x128xf32, #tpu.memory_space<vmem>> -> memref<1x16x128xf32, #tpu.memory_space<vmem>>
      %scatter3A_598 = tpu.memref_squeeze %scatter3A_597 : memref<1x16x128xf32, #tpu.memory_space<vmem>> -> memref<16x128xf32, #tpu.memory_space<vmem>>
      tpu.vector_store_idx %scatter3A_598[%iota3A, %broadcast_in_dim3A_594], %gather3A_592 masked %lt3A_160 : memref<16x128xf32, #tpu.memory_space<vmem>>[vector<16xi32>, vector<16xi32>], vector<16xf32>, vector<16xi1>
      %broadcast_in_dim3A_599 = arith.constant 31 : i32
      %broadcast_in_dim3A_600 = vector.broadcast %broadcast_in_dim3A_599 : i32 to vector<16xi32>
      %gather3A_601 = tpu.vector_load_idx %arg14[%broadcast_in_dim3A_600, %select_n3A_168] masked %lt3A_160 : memref<32x128xf32, #tpu.memory_space<vmem>>[vector<16xi32>, vector<16xi32>], vector<16xf32>, vector<16xi1>
      %broadcast_in_dim3A_602 = arith.constant 47 : i32
      %broadcast_in_dim3A_603 = vector.broadcast %broadcast_in_dim3A_602 : i32 to vector<16xi32>
      %scatter3A_604 = arith.constant 0 : i32
      %scatter3A_605 = arith.constant 0 : i32
      %scatter3A_606 = tpu.memref_slice %arg15[%rem3A_175, %scatter3A_604, %scatter3A_605] : memref<4x16x128xf32, #tpu.memory_space<vmem>> -> memref<1x16x128xf32, #tpu.memory_space<vmem>>
      %scatter3A_607 = tpu.memref_squeeze %scatter3A_606 : memref<1x16x128xf32, #tpu.memory_space<vmem>> -> memref<16x128xf32, #tpu.memory_space<vmem>>
      tpu.vector_store_idx %scatter3A_607[%iota3A, %broadcast_in_dim3A_603], %gather3A_601 masked %lt3A_160 : memref<16x128xf32, #tpu.memory_space<vmem>>[vector<16xi32>, vector<16xi32>], vector<16xf32>, vector<16xi1>
      %dma_start3A_608 = arith.constant 0 : i32
      %dma_start3A_609 = arith.constant 0 : i32
      %dma_start3A_610 = tpu.memref_slice %arg15[%rem3A_175, %dma_start3A_608, %dma_start3A_609] : memref<4x16x128xf32, #tpu.memory_space<vmem>> -> memref<1x16x128xf32, #tpu.memory_space<vmem>>
      %dma_start3A_611 = tpu.memref_squeeze %dma_start3A_610 : memref<1x16x128xf32, #tpu.memory_space<vmem>> -> memref<16x128xf32, #tpu.memory_space<vmem>>
      %dma_start3A_612 = arith.constant 0 : i32
      %dma_start3A_613 = arith.constant 0 : i32
      %dma_start3A_614 = tpu.memref_slice %arg7[%dma_start3A_612, %dma_start3A_613] : memref<16400x128xf32, #tpu.memory_space<hbm>> -> memref<16400x128xf32, #tpu.memory_space<hbm>>
      tpu.enqueue_indirect_dma source(%dma_start3A_611 : memref<16x128xf32, #tpu.memory_space<vmem>>) target(%dma_start3A_614 : memref<16400x128xf32, #tpu.memory_space<hbm>>) offsets(%select_n3A_174 : vector<16xi32>) semaphore(%arg19 : memref<!tpu.dma_semaphore, #tpu.memory_space<semaphore_mem>>)
      %add3A_615 = arith.constant 1 : i32
      %add3A_616 = arith.addi %while3A_150, %add3A_615 : i32
      scf.yield %add3A_616 : i32
    }
    %min3A_135 = arith.constant 4 : i32
    %min3A_136 = arith.minsi %while3A_134, %min3A_135 : i32
    %while3A_137 = arith.constant 0 : i32
    %while3A_138 = arith.constant 0 : i32
    %while3A_139 = arith.subi %min3A_136, %while3A_137 : i32
    %while3A_140 = arith.addi %while3A_137, %while3A_139 : i32
    %while3A_141 = arith.constant 1 : i32
    %while3A_142 = arith.divsi %while3A_139, %while3A_141 : i32
    %while3A_143 = arith.muli %while3A_142, %while3A_141 : i32
    %while3A_144 = arith.addi %while3A_137, %while3A_143 : i32
    %while3A_145 = arith.constant 1 : i32
    %while3A_146 = scf.for %while3A_149 = %while3A_137 to %while3A_144 step %while3A_145 iter_args(%while3A_150 = %while3A_138) -> (i32)  : i32 {
      %rem3A = arith.constant 4 : i32
      %rem3A_151 = arith.remsi %while3A_149, %rem3A : i32
      %dma_wait3A = arith.constant 0 : i32
      %dma_wait3A_152 = arith.constant 0 : i32
      %dma_wait3A_153 = tpu.memref_slice %arg15[%rem3A_151, %dma_wait3A, %dma_wait3A_152] : memref<4x16x128xf32, #tpu.memory_space<vmem>> -> memref<1x16x128xf32, #tpu.memory_space<vmem>>
      %dma_wait3A_154 = tpu.memref_squeeze %dma_wait3A_153 : memref<1x16x128xf32, #tpu.memory_space<vmem>> -> memref<16x128xf32, #tpu.memory_space<vmem>>
      %dma_wait3A_155 = arith.constant 0 : i32
      %dma_wait3A_156 = arith.constant 0 : i32
      %dma_wait3A_157 = tpu.memref_slice %arg7[%dma_wait3A_155, %dma_wait3A_156] : memref<16400x128xf32, #tpu.memory_space<hbm>> -> memref<16x128xf32, #tpu.memory_space<hbm>>
      %dma_wait3A_158 = arith.constant 0 : i32
      %dma_wait3A_159 = arith.constant 0 : i32
      %dma_wait3A_160 = tpu.memref_slice %arg15[%rem3A_151, %dma_wait3A_158, %dma_wait3A_159] : memref<4x16x128xf32, #tpu.memory_space<vmem>> -> memref<1x16x128xf32, #tpu.memory_space<vmem>>
      %dma_wait3A_161 = tpu.memref_squeeze %dma_wait3A_160 : memref<1x16x128xf32, #tpu.memory_space<vmem>> -> memref<16x128xf32, #tpu.memory_space<vmem>>
      %dma_wait3A_162 = arith.constant 0 : i32
      %dma_wait3A_163 = arith.constant 0 : i32
      %dma_wait3A_164 = tpu.memref_slice %arg7[%dma_wait3A_162, %dma_wait3A_163] : memref<16400x128xf32, #tpu.memory_space<hbm>> -> memref<16x128xf32, #tpu.memory_space<hbm>>
      tpu.wait_dma2 semaphore(%arg19 : memref<!tpu.dma_semaphore, #tpu.memory_space<semaphore_mem>>) src(%dma_wait3A_164 : memref<16x128xf32, #tpu.memory_space<hbm>>) dst(%dma_wait3A_161 : memref<16x128xf32, #tpu.memory_space<vmem>>)
      %while3A_165 = arith.constant 0 : i32
      scf.yield %while3A_165 : i32
    }
    %while3A_147 = arith.constant 1 : i32
    %while3A_148 = scf.for %while3A_149 = %while3A_144 to %while3A_140 step %while3A_147 iter_args(%while3A_150 = %while3A_146) -> (i32)  : i32 {
      %rem3A = arith.constant 4 : i32
      %rem3A_151 = arith.remsi %while3A_149, %rem3A : i32
      %dma_wait3A = arith.constant 0 : i32
      %dma_wait3A_152 = arith.constant 0 : i32
      %dma_wait3A_153 = tpu.memref_slice %arg15[%rem3A_151, %dma_wait3A, %dma_wait3A_152] : memref<4x16x128xf32, #tpu.memory_space<vmem>> -> memref<1x16x128xf32, #tpu.memory_space<vmem>>
      %dma_wait3A_154 = tpu.memref_squeeze %dma_wait3A_153 : memref<1x16x128xf32, #tpu.memory_space<vmem>> -> memref<16x128xf32, #tpu.memory_space<vmem>>
      %dma_wait3A_155 = arith.constant 0 : i32
      %dma_wait3A_156 = arith.constant 0 : i32
      %dma_wait3A_157 = tpu.memref_slice %arg7[%dma_wait3A_155, %dma_wait3A_156] : memref<16400x128xf32, #tpu.memory_space<hbm>> -> memref<16x128xf32, #tpu.memory_space<hbm>>
      %dma_wait3A_158 = arith.constant 0 : i32
      %dma_wait3A_159 = arith.constant 0 : i32
      %dma_wait3A_160 = tpu.memref_slice %arg15[%rem3A_151, %dma_wait3A_158, %dma_wait3A_159] : memref<4x16x128xf32, #tpu.memory_space<vmem>> -> memref<1x16x128xf32, #tpu.memory_space<vmem>>
      %dma_wait3A_161 = tpu.memref_squeeze %dma_wait3A_160 : memref<1x16x128xf32, #tpu.memory_space<vmem>> -> memref<16x128xf32, #tpu.memory_space<vmem>>
      %dma_wait3A_162 = arith.constant 0 : i32
      %dma_wait3A_163 = arith.constant 0 : i32
      %dma_wait3A_164 = tpu.memref_slice %arg7[%dma_wait3A_162, %dma_wait3A_163] : memref<16400x128xf32, #tpu.memory_space<hbm>> -> memref<16x128xf32, #tpu.memory_space<hbm>>
      tpu.wait_dma2 semaphore(%arg19 : memref<!tpu.dma_semaphore, #tpu.memory_space<semaphore_mem>>) src(%dma_wait3A_164 : memref<16x128xf32, #tpu.memory_space<hbm>>) dst(%dma_wait3A_161 : memref<16x128xf32, #tpu.memory_space<vmem>>)
      %while3A_165 = arith.constant 0 : i32
      scf.yield %while3A_165 : i32
    }
    return
  }
}

</mosaic_0001>

<sc_bundles>
// kernel: kernel.3.cloned.1.call-start
scs
__scs_entry_jumppad:
0x0: {  	(pc) =	sbr.rel $0x88, $3  }
0x1: {  	(tag) =	ssettag $0x0;
	lr =	simm.s32 $0x1  }
0x2: {  	[smem:$0x3F9E] =	sst lr;
	_ =	strace $0xD0000000  }
0x3: {  	_ = 	snop  }
0x4: {  	_ = 	snop  }
0x5: {  	_ = 	snop  }
0x6: {  	_ = 	snop  }
0x7: {  	_ = 	snop  }
__scs_overlays_trampoline_lowered:
0x8: {  	[smem:$0x3FAD] =	sst s0  }
0x9: {  	[smem:$0x3FAE] =	sst s1  }
0xa: {  	[smem:$0x3FAF] =	sst s2  }
0xb: {  	[smem:$0x3FB0] =	sst s3  }
0xc: {  	[smem:$0x3FB1] =	sst s4  }
0xd: {  	[smem:$0x3FB2] =	sst s5  }
0xe: {  	[smem:$0x3FB3] =	sst s6  }
0xf: {  	[smem:$0x3FB4] =	sst s7  }
0x10: {  	[smem:$0x3FB5] =	sst s8  }
0x11: {  	[smem:$0x3FB6] =	sst s9;
	s0 =	simm.s32 @!p0 $0x0  }
0x12: {  	s1 =	sld [smem:$0x3F9C];
	s0 =	simm.s32 @p0 $0x1  }
0x13: {  	[smem:$0x3FB7] =	sst s0;
	s0 =	simm.s32 @!p1 $0x0  }
0x14: {  	s2 =	sld [smem:$0x3F9B];
	s0 =	simm.s32 @p1 $0x1  }
0x15: {  	[smem:$0x3FB8] =	sst s0;
	s0 =	simm.s32 @!p2 $0x0  }
0x16: {  	s3 =	sld [smem:$0x3FDB];
	s0 =	simm.s32 @p2 $0x1  }
0x17: {  	s4 =	simm.s32 $0x1BF5;
	[smem:$0x3FBA] =	sst s0  }
0x18: {  	s0 =	sld [smem:$0x3F9D];
	_ =	swait.ge [sflag:s4], $0x0  }
0x19: {  	s7 =	sld [smem:$0x3F9E]  }
0x1a: {  	s8 =	sadd.s32 $0xFFFFE003, lr  }
0x1b: {  	s9 =	sadd.s32 $0xFFFFFEF7, lr;
	s5 =	simm.s32 $0xFFFFFFFF;
	p2 =	slt.u32 s8, $0xFFFFF086  }
0x1c: {  	p1 =	slt.u32 s9, $0xF7A;
	s5 =	simm.s32 @!p2 $0x0  }
0x1d: {  	s5 =	simm.s32 @p1 $0x1;
	p0 =	seq.s32 s7, s2  }
0x1e: {  	s7 =	smul.u32 @!p0 $0xF7A, s2;
	p2 =	seq.s32 @!p0 s5, $0x0  }
0x1f: {  	s9 =	smul.u32 $0xF7A, s1;
	s8 =	simm.s32 @!p0 $0x1BF5;
	p2 =	por !p2, p0  }
0x20: {  	[sflag:s8] =	ssyncset.s32 @!p0 $0xFFFFF086;
	s6 =	sadd.s32 @!p0 s3, s7;
	s7 =	simm.s32 @!p0 $0x108  }
0x21: {  	s3 =	sadd.s32 s3, s9;
	s6 =	sadd.s32 @!p0 $0x88, s6;
	s7 =	simm.s32 @p2 $0x1082  }
0x22: {  	[simem:s7], [sflag:s8] =	dma.local @!p0 [hbm:s6], $0xF7A  }
0x23: {  	s9 =	sor.u32 $0xD0000000, s2;
	s6 =	simm.s32 $0x108;
	_ =	swait.ge @!p0 [sflag:s8], $0x0  }
0x24: {  	s3 =	sadd.s32 $0x88, s3;
	s6 =	simm.s32 @!p1 $0x1082;
	[sflag:s4] =	ssyncset.s32 $0xFFFFF086  }
0x25: {  	[simem:s6], [sflag:s4] =	dma.local [hbm:s3], $0xF7A  }
0x26: {  	[smem:$0x3F9E] =	sst s1;
	(tag) =	ssettag s2;
	_ =	strace s9  }
0x27: {  	s1 =	sld [smem:$0x3FAE]  }
0x28: {  	s2 =	sld [smem:$0x3FAF]  }
0x29: {  	s4 =	sld [smem:$0x3FB1]  }
0x2a: {  	p0 =	seq.s32 s5, $0x0;
	s5 =	sld [smem:$0x3FB2]  }
0x2b: {  	s6 =	sld [smem:$0x3FB3]  }
0x2c: {  	s7 =	sld [smem:$0x3FB4]  }
0x2d: {  	s3 =	simm.s32 $0x108;
	s8 =	sld [smem:$0x3FB5]  }
0x2e: {  	s3 =	simm.s32 @!p0 $0x1082;
	s9 =	sld [smem:$0x3FB6]  }
0x2f: {  	lr =	sadd.s32 s0, s3;
	s0 =	sld [smem:$0x3FAD]  }
0x30: {  	s3 =	sld [smem:$0x3FB0]  }
0x31: {  	[smem:$0x3FB9] =	sst s10  }
0x32: {  	s10 =	sld [smem:$0x3FB7];
	_ =	sdelay $0x3  }
0x33: {  	p0 =	seq.s32 s10, $0x1;
	s10 =	sld [smem:$0x3FB9];
	_ =	sdelay $0x3  }
0x34: {  	[smem:$0x3FB9] =	sst s10  }
0x35: {  	s10 =	sld [smem:$0x3FB8];
	_ =	sdelay $0x3  }
0x36: {  	p1 =	seq.s32 s10, $0x1;
	s10 =	sld [smem:$0x3FB9];
	_ =	sdelay $0x3  }
0x37: {  	[smem:$0x3FB9] =	sst s10  }
0x38: {  	s10 =	sld [smem:$0x3FBA]  }
0x39: {  	_ = 	snop;
	(pc) =	sbr.ind lr, $3  }
0x3a: {  	_ = 	snop  }
0x3b: {  	_ = 	snop  }
0x3c: {  	p2 =	seq.s32 s10, $0x1;
	s10 =	sld [smem:$0x3FB9]  }
0x3d: {  	_ =	shalt  }
0x3e: {  	_ =	shalt  }
0x3f: {  	_ =	shalt  }
0x40: {  	_ =	shalt  }
0x41: {  	_ =	shalt  }
0x42: {  	_ =	shalt  }
0x43: {  	_ =	shalt  }
0x44: {  	_ =	shalt  }
0x45: {  	_ =	shalt  }
0x46: {  	_ =	shalt  }
0x47: {  	_ =	shalt  }
0x48: {  	_ =	shalt  }
0x49: {  	_ =	shalt  }
0x4a: {  	_ =	shalt  }
0x4b: {  	_ =	shalt  }
0x4c: {  	_ =	shalt  }
0x4d: {  	_ =	shalt  }
0x4e: {  	_ =	shalt  }
0x4f: {  	_ =	shalt  }
0x50: {  	_ =	shalt  }
0x51: {  	_ =	shalt  }
0x52: {  	_ =	shalt  }
0x53: {  	_ =	shalt  }
0x54: {  	_ =	shalt  }
0x55: {  	_ =	shalt  }
0x56: {  	_ =	shalt  }
0x57: {  	_ =	shalt  }
0x58: {  	_ =	shalt  }
0x59: {  	_ =	shalt  }
0x5a: {  	_ =	shalt  }
0x5b: {  	_ =	shalt  }
0x5c: {  	_ =	shalt  }
0x5d: {  	_ =	shalt  }
0x5e: {  	_ =	shalt  }
0x5f: {  	_ =	shalt  }
0x60: {  	_ =	shalt  }
0x61: {  	_ =	shalt  }
0x62: {  	_ =	shalt  }
0x63: {  	_ =	shalt  }
0x64: {  	_ =	shalt  }
0x65: {  	_ =	shalt  }
0x66: {  	_ =	shalt  }
0x67: {  	_ =	shalt  }
0x68: {  	_ =	shalt  }
0x69: {  	_ =	shalt  }
0x6a: {  	_ =	shalt  }
0x6b: {  	_ =	shalt  }
0x6c: {  	_ =	shalt  }
0x6d: {  	_ =	shalt  }
0x6e: {  	_ =	shalt  }
0x6f: {  	_ =	shalt  }
0x70: {  	_ =	shalt  }
0x71: {  	_ =	shalt  }
0x72: {  	_ =	shalt  }
0x73: {  	_ =	shalt  }
0x74: {  	_ =	shalt  }
0x75: {  	_ =	shalt  }
0x76: {  	_ =	shalt  }
0x77: {  	_ =	shalt  }
0x78: {  	_ =	shalt  }
0x79: {  	_ =	shalt  }
0x7a: {  	_ =	shalt  }
0x7b: {  	_ =	shalt  }
0x7c: {  	_ =	shalt  }
0x7d: {  	_ =	shalt  }
0x7e: {  	_ =	shalt  }
0x7f: {  	_ =	shalt  }
0x80: {  	_ =	shalt  }
0x81: {  	_ =	shalt  }
0x82: {  	_ =	shalt  }
0x83: {  	_ =	shalt  }
0x84: {  	_ =	shalt  }
0x85: {  	_ =	shalt  }
0x86: {  	_ =	shalt  }
0x87: {  	_ =	shalt  }
.Lfunc_end0:
.L_simem_size_0:
called_computation_lowered:
.L_overlay_start_0:
0x88: {  	s2 =	sld [smem:$0x3FD9]  }
0x89: {  	s3 =	sld [smem:$0x3FFE];
	_ =	sdelay $0x1  }
0x8a: {  	s1 =	srdreg.scid  }
0x8b: {  	s0 =	sand.u32 $0x1, s1  }
0x8c: {  	s14 =	sshll.u32 s0, $0xA;
	s2 =	sadd.s32 s3, s2  }
0x8d: {  	s2 =	sadd.s32 s2, s14  }
0x8e: {  	[smem:$0x3FC5] =	sst s2  }
0x8f: {  	_ = 	snop  }
0x90: {  	s2 =	sld [smem:$0x3FD0]  }
0x91: {  	s15 =	sld [smem:$0x3FC9]  }
0x92: {  	s4 =	sld [smem:$0x3FC8]  }
0x93: {  	s6 =	simm.s32 $0xA;
	s7 =	simm.s32 $0x10;
	s5 =	sld [smem:$0x3FC7]  }
0x94: {  	[smem:s7], [sflag:s6] =	dma.local [hbm:s2], $0x1  }
0x95: {  	_ =	swait.eq [sflag:s6], $0x1  }
0x96: {  	[sflag:s6] =	ssyncset.done $0x0  }
0x97: {  	s16 =	sld [smem:$0x10];
	[sflag:s6] =	ssyncadd.s32 $0xFFFFFFFF  }
0x98: {  	s17 =	sld [smem:$0x11];
	(tm) =	ssettm $0x1  }
0x99: {  	s18 =	sld [smem:$0x3FFB];
	_ =	sdelay $0x3  }
0x9a: {  	_ =	strace s18  }
0x9b: {  	s7 =	sld [smem:$0x3FFC];
	_ =	sdelay $0x3  }
0x9c: {  	_ =	strace s7  }
0x9d: {  	s7 =	sld [smem:$0x3FFD];
	_ =	sdelay $0x3  }
0x9e: {  	_ =	strace s7  }
0x9f: {  	_ =	strace $0x8FFFFFFF  }
0xa0: {  	s19 =	sld [smem:$0x3FDB];
	_ =	sdelay $0x1  }
0xa1: {  	s8 =	simm.s32 $_scs_section_size  }
0xa2: {  	s9 =	simm.s32 $_size__tile_overlayer_lowered;
	s10 =	simm.s32 $_tile_overlayer_lowered  }
0xa3: {  	s22 =	simm.s32 $0x1BFF;
	s21 =	sshll.u32 s10, $0x1;
	s7 =	sadd.s32 s8, s19  }
0xa4: {  	s11 =	simm.s32 $0x0;
	s20 =	sshll.u32 s9, $0x1;
	s9 =	sadd.s32 s21, s7  }
0xa5: {  	[timem:s11], [sflag:s22] =	dma.local [hbm:s9], s20  }
0xa6: {  	_ =	swait.ge [sflag:s22], s20  }
0xa7: {  	s8 =	ssub.s32 $0x0, s20;
	[sflag:s22] =	ssyncset.done $0x0  }
0xa8: {  	[sflag:s22] =	ssyncadd.s32 s8;
	_ =	sdelay $0x1  }
0xa9: {  	s23 =	simm.s32 $0x1B8B  }
0xaa: {  	_ =	swait.ge [sflag:s23], $0x1  }
0xab: {  	[sflag:s23] =	ssyncset.done $0x0  }
0xac: {  	s25 =	simm.s32 $0x1B8E;
	s24 =	sld [smem:$0x3FFE];
	[sflag:s23] =	ssyncadd.s32 $0xFFFFFFFF  }
0xad: {  	s26 =	simm.s32 $execute0_lowered;
	[smem:$0x3FD2] =	sst s25  }
0xae: {  	s9 =	sshll.u32 s26, $0x1;
	_ =	strace $0x80000046;
	[dreg:$0x1] =	wrdreg $0xFFFFFFFF  }
0xaf: {  	s28 =	simm.s32 $_size_execute0_lowered;
	s7 =	sadd.s32 s7, s9;
	[dreg:$0x0] =	wrdreg $0x0  }
0xb0: {  	s9 =	sshll.u32 s28, $0x1;
	[dreg:$0x2] =	wrdreg s7  }
0xb1: {  	[dreg:$0x3] =	wrdreg s9  }
0xb2: {  	[dreg:$0x4] =	wrdreg $0xC0  }
0xb3: {  	_ =	task [dreg:s11], $0x5FFFF  }
0xb4: {  	[dreg:$0x1] =	wrdreg $0xFFFFFFFF  }
0xb5: {  	[dreg:$0x0] =	wrdreg $0x60  }
0xb6: {  	[dreg:$0x2] =	wrdreg s15  }
0xb7: {  	[dreg:$0x3] =	wrdreg s4  }
0xb8: {  	[dreg:$0x4] =	wrdreg s5  }
0xb9: {  	[dreg:$0x5] =	wrdreg s17  }
0xba: {  	[dreg:$0x6] =	wrdreg s16  }
0xbb: {  	[dreg:$0x7] =	wrdreg s24  }
0xbc: {  	[dreg:$0x8] =	wrdreg $0x9  }
0xbd: {  	_ =	task.clear_ibuf [dreg:s11], $0x9FFFF;
	_ =	strace $0x90000046  }
0xbe: {  	s29 =	simm.s32 $0x9;
	_ =	strace $0x80000048  }
0xbf: {  	_ =	swait.ge [sflag:s29], $0x1  }
0xc0: {  	[sflag:s29] =	ssyncadd.s32 $0xFFFFFFFF  }
0xc1: {  	_ =	strace $0x90000048  }
0xc2: {  	_ =	sfence  }
0xc3: {  	s30 =	sld [smem:$0x0];
	_ =	sdelay $0x2  }
0xc4: {  	s31 =	sshll.u32 s1, $0xD;
	s1 =	sshrl.u32 s1, $0x2  }
0xc5: {  	s3 =	sand.u32 $0x4000, s31;
	s1 =	sadd.s32 s1, s30  }
0xc6: {  	s0 =	sor.u32 s3, s0;
	s1 =	sshll.u32 s1, $0x11  }
0xc7: {  	s0 =	sor.u32 s1, s0  }
0xc8: {  	s0 =	sadd.s32 $0x8F2B, s0  }
0xc9: {  	[sflag:s0] =	ssyncadd.remote.s32 $0x1  }
0xca: {  	_ =	sfence.sel $0xFFFF  }
0xcb: {  	[dreg:$0x0] =	wrdreg $0xFFFFFFFF;
	(pc) =	sbr.abs _section_cstart, $3  }
0xcc: {  	[dreg:$0x1] =	wrdreg $0xFFFFFFFF  }
0xcd: {  	_ =	task.clear_ibuf [dreg:s11], $0x2FFFF;
	_ =	strace $0x9FFFFFFF  }
0xce: {  	(tm) =	ssettm $0x7FFFFFFF  }
0xcf: {  	_ =	shalt  }
tec
execute0_lowered:
.L_overlay_start_1:
0x0: {  	(tag) =	ssettag $0x1  }
0x1: {  	s0 =	srdreg.scid;
	s1 =	stileid.u32;
	s3 =	simm.s32 $0x1  }
0x2: {  	v0 =	vlaneseq.u32;
	s5 =	rddreg [dreg:$0x2];
	s0 =	sand.u32 $0x1, s0;
	s1 =	sshll.u32 s1, $0x1  }
0x3: {  	s4 =	simm.s32 $0x3E;
	s24 =	rddreg [dreg:$0x5];
	v62 =	vmul.u32 $0x80, v0;
	s1 =	sor.u32 s0, s1  }
0x4: {  	s9 =	simm.s32 $0x0;
	s2 =	smul.u32 $0x3D, s1;
	p0 =	sne.s32 s1, $0x0  }
0x5: {  	[smem:$0x7FF] =	sst s9;
	v3 =	vor.u32 $0x18, v62;
	s3 =	simm.s32 @!p0 $0x0;
	p0 =	seq.s32 s1, $0x0  }
0x6: {  	[tilespmem:$0x1FE60] =	vst v3;
	v3 =	vor.u32 $0x19, v62;
	s6 =	sadd.s32 s3, s2;
	s4 =	simm.s32 @!p0 $0x3D;
	s3 =	rddreg [dreg:$0x0]  }
0x7: {  	v9 =	vor.u32 $0x3, v62;
	s2 =	sadd.s32 s4, s6;
	s4 =	rddreg [dreg:$0x1];
	_ =	strace $0x80000047;
	[tilespmem:$0x1FE70] =	vst v3  }
0x8: {  	v10 =	vor.u32 $0x4, v62;
	[tilespmem:$0x1FEA0] =	vst v9  }
0x9: {  	v11 =	vor.u32 $0x5, v62;
	[tilespmem:$0x1FEB0] =	vst v10  }
0xa: {  	v12 =	vor.u32 $0x6, v62;
	[tilespmem:$0x1FEC0] =	vst v11  }
0xb: {  	v13 =	vor.u32 $0x7, v62;
	[tilespmem:$0x1FED0] =	vst v12  }
0xc: {  	v14 =	vor.u32 $0x8, v62;
	[tilespmem:$0x1FEE0] =	vst v13  }
0xd: {  	v17 =	vor.u32 $0x9, v62;
	[tilespmem:$0x1FEF0] =	vst v14  }
0xe: {  	v18 =	vor.u32 $0xA, v62;
	[tilespmem:$0x1FF10] =	vst v17  }
0xf: {  	v25 =	vor.u32 $0xB, v62;
	[tilespmem:$0x1FF20] =	vst v18  }
0x10: {  	v26 =	vor.u32 $0xC, v62;
	[tilespmem:$0x1FF30] =	vst v25  }
0x11: {  	v27 =	vor.u32 $0xD, v62;
	[tilespmem:$0x1FF40] =	vst v26  }
0x12: {  	v28 =	vor.u32 $0xE, v62;
	[tilespmem:$0x1FF50] =	vst v27  }
0x13: {  	v5 =	vimm.s32 $0x0;
	vm0 =	vmmov $0xffff;
	v29 =	vor.u32 $0xF, v62;
	[tilespmem:$0x1FF60] =	vst v28  }
0x14: {  	v15 =	vor.u32 $0x4000, v0;
	v16 =	vor.u32 $0x1, v62;
	v30 =	vor.u32 $0x10, v62;
	[tilespmem:$0x1FF70] =	vst v29  }
0x15: {  	v63 =	vor.u32 $0x2, v62;
	v31 =	vor.u32 $0x11, v62;
	v32 =	vor.u32 $0x12, v62;
	[tilespmem:$0x1FF80] =	vst v30  }
0x16: {  	s11 =	simm.s32 $0x1;
	s17 =	simm.s32 $0x1000;
	v33 =	vor.u32 $0x13, v62;
	v34 =	vor.u32 $0x14, v62;
	v35 =	vor.u32 $0x15, v62;
	[tilespmem:$0x1FF90] =	vst v31  }
0x17: {  	s18 =	simm.s32 $0x7A1400;
	s28 =	simm.s32 $0x2;
	s0 =	ssub.s32 $0x2, s0;
	v36 =	vor.u32 $0x16, v62;
	v37 =	vor.u32 $0x17, v62;
	v44 =	vor.u32 $0x1C, v62;
	[tilespmem:$0x1FFA0] =	vst v32  }
0x18: {  	s29 =	simm.s32 $0x4880;
	s30 =	simm.s32 $0x3;
	s8 =	sshrl.u32 s0, $0x1;
	v45 =	vor.u32 $0x1D, v62;
	v46 =	vor.u32 $0x1E, v62;
	v47 =	vor.u32 $0x1F, v62;
	[tilespmem:$0x1FFB0] =	vst v33  }
0x19: {  	s31 =	simm.s32 $0x0;
	s10 =	sadd.s32 $0x1000, s24;
	v48 =	vor.u32 $0x20, v62;
	v49 =	vor.u32 $0x21, v62;
	v50 =	vor.u32 $0x22, v62;
	s0 =	ssub.s32 s0, s8;
	[tilespmem:$0x1FFC0] =	vst v34  }
0x1a: {  	s24 =	simm.s32 $0x4;
	v51 =	vor.u32 $0x23, v62;
	v52 =	vor.u32 $0x24, v62;
	v53 =	vor.u32 $0x25, v62;
	p0 =	seq.s32 s1, $0x1F;
	s16 =	smax.u32 s0, $0x1;
	[tilespmem:$0x1FFD0] =	vst v35  }
.Ltmp0:
0x1b: {  	v19 =	vor.u32 $0x26, v62;
	v20 =	vor.u32 $0x27, v62;
	v21 =	vor.u32 $0x28, v62;
	s7 =	sshll.u32 s6, $0x9;
	[tilespmem:$0x1FFE0] =	vst v36;
	s1 =	sshll.u32 s2, $0x9;
	(pc) =	sbr.rel .LBB2_1-.Ltmp0, $4  }
0x1c: {  	v22 =	vor.u32 $0x29, v62;
	v23 =	vor.u32 $0x2A, v62;
	v3 =	vor.u32 $0x1A, v62;
	[tilespmem:$0x1FFF0] =	vst v37;
	s23 =	ssub.s32 $0xF4200, s7;
	s25 =	sadd.s32 s4, s7;
	s26 =	sadd.s32 $0x200, s7  }
0x1d: {  	v24 =	vor.u32 $0x2B, v62;
	v1 =	vmov s7;
	[tilespmem:$0x1FE80] =	vst v3;
	v3 =	vor.u32 $0x1B, v62;
	s7 =	sadd.s32 s5, s7;
	s1 =	simm.s32 @p0 $0xF4240;
	[dreg:$0x7] =	wrdreg s25  }
0x1e: {  	v40 =	vor.u32 $0x2C, v62;
	v41 =	vor.u32 $0x2D, v62;
	v6 =	vmov s23;
	[tilespmem:$0x1FE90] =	vst v3;
	[dreg:$0x8] =	wrdreg s7;
	s14 =	sadd.s32 s4, s26;
	s15 =	sadd.s32 s5, s26  }
0x1f: {  	v42 =	vor.u32 $0x2E, v62;
	v43 =	vor.u32 $0x2F, v62;
	s23 =	simm.s32 $0x1A900;
	s25 =	simm.s32 $0x1B100;
	s26 =	simm.s32 $0x800;
	v2 =	vmov s1;
	[tilespmem:$0x1FF00] =	vst v6  }
.LBB2_30:
0x20: {  	[sflag:s30] =	ssyncadd.s32 $0xFFFFF800  }
.LBB2_31:
0x21: {  	s31 =	sadd.s32 $0x1, s31  }
0x22: {  	p0 =	sne.s32 s31, s16  }
.Ltmp1:
0x23: {  	_ = 	snop;
	(pc) =	sbr.rel @!p0 .LBB2_32-.Ltmp1, $1  }
0x24: {  	_ =	sdelay $0x3  }
.LBB2_1:
0x25: {  	s0 =	rddreg [dreg:$0x7];
	s1 =	simm.s32 $0x8900  }
0x26: {  	[tilespmem:s1], [sflag:$0x1] =	stream.strided.gather [hbm4b:s0+s17], $0x2000, s18, s17, $0x38;
	[tilespmem:$0x1E180] =	vst v63  }
0x27: {  	s12 =	rddreg [dreg:$0x8];
	s13 =	simm.s32 $0xE900  }
0x28: {  	[tilespmem:s13], [sflag:$0x2] =	stream.strided.gather [hbm4b:s12+s17], $0x4000, s18, s17, $0x38;
	[tilespmem:$0x1E180] =	vst v63  }
0x29: {  	s19 =	simm.s32 $0xA900  }
0x2a: {  	[tilespmem:s19], [sflag:$0x1] =	stream.strided.gather [hbm4b:s14+s17], $0x2000, s18, s17, $0x38;
	[tilespmem:$0x1E180] =	vst v63  }
0x2b: {  	s20 =	simm.s32 $0x12900  }
0x2c: {  	[tilespmem:s20], [sflag:$0x2] =	stream.strided.gather [hbm4b:s15+s17], $0x4000, s18, s17, $0x38;
	[tilespmem:$0x1E180] =	vst v63  }
0x2d: {  	s21 =	rddreg [dreg:$0x3]  }
0x2e: {  	[tilespmem:s23], [sflag:$0x4] =	stream.linear.gather [hbm4b:s21+s9], $0x800, $0x38;
	[tilespmem:$0x1E180] =	vst v63  }
0x2f: {  	_ =	swait.ge [sflag:s24], $0x800  }
0x30: {  	[sflag:s24] =	ssyncset.done $0x0  }
0x31: {  	[sflag:s24] =	ssyncadd.s32 $0xFFFFF800  }
0x32: {  	s22 =	rddreg [dreg:$0x4]  }
0x33: {  	[tilespmem:s25], [sflag:$0x4] =	stream.linear.gather [hbm4b:s22+s9], $0x1000, $0x38;
	[tilespmem:$0x1E180] =	vst v63  }
0x34: {  	_ =	swait.ge [sflag:s24], $0x1000  }
0x35: {  	[sflag:s24] =	ssyncset.done $0x0  }
0x36: {  	[sflag:s24] =	ssyncadd.s32 $0xFFFFF000  }
0x37: {  	s0 =	simm.s32 $0x0;
	s1 =	simm.s32 $0x0;
	[tilespmem:$0x1E100] =	vst v5  }
.LBB2_2:
0x38: {  	s7 =	sshll.u32 s1, $0x8  }
0x39: {  	s8 =	simm.s32 $0x0;
	s7 =	sadd.s32 s3, s7  }
0x3a: {  	[tilespmem:s8], [sflag:$0x4] =	stream.linear.gather [hbm4b:s7+s8], $0x800, $0x38;
	[tilespmem:$0x1E180] =	vst v63  }
0x3b: {  	_ =	swait.ge [sflag:s24], $0x800  }
0x3c: {  	[sflag:s24] =	ssyncset.done $0x0  }
0x3d: {  	s21 =	simm.s32 $0x0;
	[sflag:s24] =	ssyncadd.s32 $0xFFFFF800  }
0x3e: {  	v54 =	vld [tilespmem:s21+$0x0];
	_ =	sdelay $0x4  }
0x3f: {  	vm1 =	vge.s32 v54, v1;
	vm2 =	vlt.s32 v54, v2  }
0x40: {  	vm1 =	vmand vm1, vm2  }
0x41: {  	v55 =	vsel vm1, $0x1, v5  }
0x42: {  	(xrf0) =	vadd.scan.msk.s32 $0xffff, v55;
	_ =	sdelay $0x1  }
0x43: {  	v60 =	vld [tilespmem:$0x1E100];
	_ =	sdelay $0x3  }
0x44: {  	v56, _, _ =	vpop (xrf0)  }
0x45: {  	v57 =	vadd.s32 v56, v60  }
0x46: {  	v57 =	vadd.s32 $0xFFFFFFFF, v57  }
0x47: {  	v54 =	vsub.s32 v54, v1  }
0x48: {  	v54 =	vshll.u32 v54, $0xE  }
0x49: {  	v54 =	vadd.s32 s0, v54;
	v56 =	vbroadcast v56, $0xF  }
0x4a: {  	v54 =	vadd.s32 v0, v54  }
0x4b: {  	v61 =	vadd.s32 v60, v56;
	[tilespmem:v57+s26+$0x0] =	vst.idx.msk vm1, v54  }
0x4c: {  	s22 =	simm.s32 $0x10;
	[tilespmem:$0x1E100] =	vst v61  }
0x4d: {  	s8 =	simm.s32 $0x80;
	s7 =	smov.u32 s0;
	v54 =	vld [tilespmem:s22+$0x0]  }
.LBB2_3:
0x4e: {  	p0 =	sne.s32 s8, $0x1FC0;
	_ =	sdelay $0x3  }
0x4f: {  	vm1 =	vge.s32 v54, v1;
	vm2 =	vlt.s32 v54, v2  }
0x50: {  	vm1 =	vmand vm1, vm2  }
0x51: {  	v55 =	vsel vm1, $0x1, v5  }
0x52: {  	(xrf0) =	vadd.scan.msk.s32 $0xffff, v55;
	_ =	sdelay $0x1  }
0x53: {  	v55 =	vld [tilespmem:$0x1E100];
	_ =	sdelay $0x3  }
0x54: {  	v56, _, _ =	vpop (xrf0)  }
0x55: {  	v57 =	vadd.s32 v56, v55;
	v56 =	vbroadcast v56, $0xF  }
0x56: {  	v57 =	vadd.s32 $0xFFFFFFFF, v57  }
0x57: {  	v54 =	vsub.s32 v54, v1  }
0x58: {  	s7 =	sadd.s32 $0x10, s7;
	v54 =	vshll.u32 v54, $0xE  }
.Ltmp2:
0x59: {  	v54 =	vadd.s32 s7, v54;
	(pc) =	sbr.rel @p0 .LBB2_3-.Ltmp2, $4  }
0x5a: {  	v54 =	vadd.s32 v0, v54  }
0x5b: {  	[tilespmem:v57+s26+$0x0] =	vst.idx.msk vm1, v54;
	v54 =	vadd.s32 v55, v56  }
0x5c: {  	s12 =	sshra.s32 s8, $0x2;
	[tilespmem:$0x1E100] =	vst v54  }
0x5d: {  	s8 =	sadd.s32 $0x40, s8;
	v54 =	vld [tilespmem:s12+$0x0]  }
0x5e: {  	_ =	sdelay $0x3  }
0x5f: {  	vm1 =	vge.s32 v54, v1;
	vm2 =	vlt.s32 v54, v2  }
0x60: {  	vm1 =	vmand vm1, vm2  }
0x61: {  	v55 =	vsel vm1, $0x1, v5  }
0x62: {  	(xrf0) =	vadd.scan.msk.s32 $0xffff, v55;
	_ =	sdelay $0x1  }
0x63: {  	v60 =	vld [tilespmem:$0x1E100];
	_ =	sdelay $0x3  }
0x64: {  	v56, _, _ =	vpop (xrf0)  }
0x65: {  	v57 =	vadd.s32 v56, v60  }
0x66: {  	s1 =	sadd.s32 $0x1, s1;
	v57 =	vadd.s32 $0xFFFFFFFF, v57  }
0x67: {  	p0 =	sne.s32 s1, $0x8;
	v61 =	vsub.s32 v54, v1  }
.Ltmp3:
0x68: {  	s7 =	sadd.s32 $0x10, s7;
	v54 =	vshll.u32 v61, $0xE;
	(pc) =	sbr.rel @p0 .LBB2_2-.Ltmp3, $4  }
0x69: {  	v54 =	vadd.s32 s7, v54;
	v56 =	vbroadcast v56, $0xF  }
0x6a: {  	v54 =	vadd.s32 v0, v54  }
0x6b: {  	[tilespmem:v57+s26+$0x0] =	vst.idx.msk vm1, v54;
	v54 =	vadd.s32 v60, v56  }
0x6c: {  	s0 =	sadd.s32 $0x800, s0;
	[tilespmem:$0x1E100] =	vst v54  }
0x6d: {  	(v2sf) =	vpush v54, $0x0;
	_ =	sdelay $0xd  }
.Ltmp4:
0x6e: {  	_ = 	snop;
	(pc) =	sbr.rel .LBB2_6-.Ltmp4, $4  }
0x6f: {  	s0 =	spop (v2sf)  }
0x70: {  	s0 =	sadd.s32 $0xF, s0  }
0x71: {  	s0 =	sshra.s32 s0, $0x4  }
0x72: {  	v54 =	vbroadcast v54, $0x0;
	s8 =	simm.s32 $0x0;
	s1 =	smov.u32 s6;
	p0 =	slt.s32 s0, $0x1  }
.LBB2_16:
0x73: {  	s1 =	sadd.s32 $0x1, s1  }
0x74: {  	p1 =	slt.u32 s1, s2  }
.Ltmp5:
0x75: {  	_ = 	snop;
	(pc) =	sbr.rel @!p1 .LBB2_17-.Ltmp5, $1  }
0x76: {  	_ =	sdelay $0x3  }
.LBB2_6:
0x77: {  	s7 =	sadd.s32 $0x2, s1  }
0x78: {  	p1 =	sge.u32 s7, s2  }
0x79: {  	s12 =	ssub.s32 @!p1 s7, s6  }
0x7a: {  	s19 =	smulhi.u32 @!p1 $0xAAAAAAAB, s12;
	_ =	sdelay $0x1  }
0x7b: {  	_ =	swait.ge [sflag:s11], $0x2000;
	s19 =	sshrl.u32 @!p1 s19, $0x1  }
0x7c: {  	[sflag:s11] =	ssyncset.done $0x0;
	s19 =	smul.u32 @!p1 $0x3, s19  }
0x7d: {  	[sflag:s11] =	ssyncadd.s32 $0xFFFFE000;
	s7 =	sshll.u32 @!p1 s7, $0x9;
	s21 =	simm.s32 @!p1 $0x1000  }
0x7e: {  	s22 =	simm.s32 @!p1 $0x7A1400;
	_ =	swait.ge [sflag:s28], $0x4000;
	s12 =	ssub.s32 @!p1 s12, s19  }
0x7f: {  	s7 =	sand.u32 @!p1 $0x1FFFFE00, s7;
	[sflag:s28] =	ssyncset.done $0x0;
	s19 =	sshll.u32 @!p1 s12, $0xD  }
0x80: {  	s20 =	sadd.s32 @!p1 s4, s7;
	[sflag:s28] =	ssyncadd.s32 $0xFFFFC000;
	s19 =	sor.u32 @!p1 $0x8900, s19  }
0x81: {  	[tilespmem:s19], [sflag:$0x1] =	stream.strided.gather @!p1 [hbm4b:s20+s21], $0x2000, s22, s21, $0x38;
	[tilespmem:$0x1E180] =	vst v63  }
.Ltmp6:
0x82: {  	s19 =	sshll.u32 @!p1 s12, $0xE;
	(pc) =	sbr.rel @p0 .LBB2_13-.Ltmp6, $4  }
0x83: {  	s7 =	sadd.s32 @!p1 s5, s7;
	s12 =	ssub.s32 s1, s6;
	s19 =	sadd.s32 @!p1 $0xE900, s19  }
0x84: {  	[tilespmem:s19], [sflag:$0x2] =	stream.strided.gather @!p1 [hbm4b:s7+s21], $0x4000, s22, s21, $0x38;
	[tilespmem:$0x1E180] =	vst v63  }
0x85: {  	v56 =	vimm.s32 $0x0;
	s22 =	sshll.u32 s12, $0x9  }
0x86: {  	[tilespmem:$0x1E100] =	vst v56;
	v55 =	vmov s22  }
0x87: {  	p2 =	sne.s32 s0, $0x1  }
.Ltmp7:
0x88: {  	_ = 	snop;
	(pc) =	sbr.rel @!p2 .LBB2_8-.Ltmp7, $3  }
0x89: {  	_ =	sdelay $0x1  }
0x8a: {  	s19 =	simm.s32 $0x800  }
0x8b: {  	v56 =	vimm.s32 $0x0;
	s7 =	simm.s32 $0x0;
	p1 =	por $0x0, $0x0;
	v57 =	vld [tilespmem:s19+$0x0];
	s19 =	sadd.s32 $0xFFFFFFFF, s0  }
0x8c: {  	_ =	sdelay $0x3  }
0x8d: {  	v58 =	vshra.s32 v57, $0xE  }
0x8e: {  	v59 =	vor.u32 s7, v0;
	v58 =	vsub.s32 v58, v55  }
0x8f: {  	vm1 =	vlt.s32 v59, v54;
	vm2 =	vlt.u32 v58, $0x200  }
0x90: {  	vm1 =	vmand vm1, vm2  }
0x91: {  	v60 =	vsel vm1, $0x1, v5  }
0x92: {  	(xrf0) =	vadd.scan.msk.s32 $0xffff, v60;
	_ =	sdelay $0x5  }
0x93: {  	v58, _, _ =	vpop (xrf0)  }
0x94: {  	v61 =	vadd.s32 v58, v56  }
0x95: {  	v59 =	vadd.s32 $0xFFFFFFFF, v61;
	_ =	sdelay $0x2  }
0x96: {  	p2 =	sne.s32 s19, $0x1;
	v58 =	vbroadcast v58, $0xF  }
.Ltmp8:
0x97: {  	_ = 	snop;
	(pc) =	sbr.rel @!p2 .LBB2_10-.Ltmp8, $4  }
0x98: {  	v56 =	vadd.s32 v56, v58;
	[tilespmem:v59+s29+$0x0] =	vst.idx.msk vm1, v57  }
0x99: {  	s20 =	simm.s32 $0x810;
	[tilespmem:$0x1E100] =	vst v56  }
0x9a: {  	v57 =	vld [tilespmem:s20+$0x0]  }
0x9b: {  	s21 =	sadd.s32 $0xFFFFFFFF, s19;
	p1 =	por $0x1, $0x1;
	s19 =	simm.s32 $0x0  }
.LBB2_11:
0x9c: {  	p2 =	sne.s32 s21, $0x1;
	_ =	sdelay $0x2  }
0x9d: {  	s19 =	sadd.s32 $0x10, s19;
	v58 =	vshra.s32 v57, $0xE  }
0x9e: {  	v59 =	vor.u32 s19, v0;
	v58 =	vsub.s32 v58, v55  }
0x9f: {  	vm1 =	vlt.s32 v59, v54;
	vm2 =	vlt.u32 v58, $0x200  }
0xa0: {  	vm1 =	vmand vm1, vm2  }
0xa1: {  	v58 =	vsel vm1, $0x1, v5  }
0xa2: {  	(xrf0) =	vadd.scan.msk.s32 $0xffff, v58;
	_ =	sdelay $0x5  }
0xa3: {  	v58, _, _ =	vpop (xrf0)  }
0xa4: {  	v59 =	vadd.s32 v58, v56  }
0xa5: {  	v59 =	vadd.s32 $0xFFFFFFFF, v59;
	_ =	sdelay $0x2  }
0xa6: {  	v58 =	vbroadcast v58, $0xF  }
.Ltmp9:
0xa7: {  	(pc) =	sbr.rel @p2 .LBB2_11-.Ltmp9, $4  }
0xa8: {  	v56 =	vadd.s32 v56, v58;
	[tilespmem:v59+s29+$0x0] =	vst.idx.msk vm1, v57  }
0xa9: {  	s20 =	sadd.s32 $0x10, s20;
	[tilespmem:$0x1E100] =	vst v56  }
0xaa: {  	v57 =	vld [tilespmem:s20+$0x0]  }
0xab: {  	s21 =	sadd.s32 $0xFFFFFFFF, s21  }
.LBB2_12:
0xac: {  	_ =	sdelay $0x1  }
0xad: {  	s19 =	sadd.s32 @p1 $0x10, s19  }
0xae: {  	s7 =	smov.u32 @p1 s19;
	v58 =	vshra.s32 v57, $0xE  }
0xaf: {  	v59 =	vor.u32 s7, v0;
	v58 =	vsub.s32 v58, v55  }
0xb0: {  	vm1 =	vlt.s32 v59, v54;
	vm2 =	vlt.u32 v58, $0x200  }
0xb1: {  	vm1 =	vmand vm1, vm2  }
0xb2: {  	v60 =	vsel vm1, $0x1, v5  }
0xb3: {  	(xrf0) =	vadd.scan.msk.s32 $0xffff, v60;
	_ =	sdelay $0x5  }
0xb4: {  	v58, _, _ =	vpop (xrf0)  }
0xb5: {  	v61 =	vadd.s32 v58, v56  }
0xb6: {  	v59 =	vadd.s32 $0xFFFFFFFF, v61;
	_ =	sdelay $0x2  }
0xb7: {  	v58 =	vbroadcast v58, $0xF;
	_ =	sdelay $0x1  }
0xb8: {  	v56 =	vadd.s32 v56, v58;
	[tilespmem:v59+s29+$0x0] =	vst.idx.msk vm1, v57  }
0xb9: {  	[tilespmem:$0x1E100] =	vst v56  }
.LBB2_13:
0xba: {  	(v2sf) =	vpush v56, $0x0;
	_ =	sdelay $0xe  }
0xbb: {  	s7 =	spop (v2sf)  }
0xbc: {  	s7 =	sadd.s32 $0xF, s7  }
0xbd: {  	s7 =	sshra.s32 s7, $0x4  }
0xbe: {  	p1 =	slt.s32 s7, $0x1  }
.Ltmp10:
0xbf: {  	_ = 	snop;
	(pc) =	sbr.rel @p1 .LBB2_16-.Ltmp10, $1  }
0xc0: {  	_ =	sdelay $0x3  }
0xc1: {  	v25 =	vld [tilespmem:$0x1FF10]  }
0xc2: {  	v26 =	vld [tilespmem:$0x1FF20]  }
0xc3: {  	v27 =	vld [tilespmem:$0x1FF30]  }
0xc4: {  	v28 =	vld [tilespmem:$0x1FF40]  }
0xc5: {  	v29 =	vld [tilespmem:$0x1FF50]  }
0xc6: {  	v30 =	vld [tilespmem:$0x1FF60]  }
0xc7: {  	v31 =	vld [tilespmem:$0x1FF70]  }
0xc8: {  	s19 =	smulhi.u32 $0xAAAAAAAB, s12;
	v32 =	vld [tilespmem:$0x1FF80]  }
0xc9: {  	v33 =	vld [tilespmem:$0x1FF90]  }
0xca: {  	v34 =	vld [tilespmem:$0x1FFA0];
	s19 =	sshrl.u32 s19, $0x1  }
0xcb: {  	v35 =	vld [tilespmem:$0x1FFB0];
	s19 =	smul.u32 $0x3, s19  }
0xcc: {  	v36 =	vld [tilespmem:$0x1FFC0]  }
0xcd: {  	v37 =	vld [tilespmem:$0x1FFD0];
	s22 =	ssub.s32 s12, s19  }
0xce: {  	s21 =	simm.s32 $0x4880;
	v38 =	vld [tilespmem:$0x1FFE0];
	s19 =	sshll.u32 s22, $0xD;
	s12 =	sshll.u32 s22, $0xE  }
0xcf: {  	v56 =	vbroadcast v56, $0x0;
	v39 =	vld [tilespmem:$0x1FFF0];
	s22 =	simm.s32 $0x0;
	s19 =	sor.u32 $0x8900, s19;
	s20 =	sadd.s32 $0xE900, s12  }
.LBB2_15:
0xd0: {  	v57 =	vld [tilespmem:s21+$0x0];
	_ =	sdelay $0x4  }
0xd1: {  	v58 =	vor.u32 s22, v0;
	v59 =	vshra.s32 v57, $0xE  }
0xd2: {  	vm1 =	vlt.s32 v58, v56;
	v60 =	vsub.s32 v59, v55  }
0xd3: {  	v58 =	vnsel vm1, $0x0, v60  }
0xd4: {  	v61 =	vshll.u32 v58, $0x3  }
0xd5: {  	v58 =	vand.u32 $0x7F, v58;
	v59 =	vand.u32 $0xFFFFFC00, v61  }
0xd6: {  	p1 =	slt.s32 s8, $0x4;
	v58 =	vor.u32 v58, v59  }
0xd7: {  	s12 =	simm.s32 @!p1 $0x3  }
0xd8: {  	_ =	swait.ge @!p1 [sflag:s12], $0x800  }
0xd9: {  	s13 =	sshra.s32 s8, $0x1F;
	[sflag:s12] =	ssyncset.done @!p1 $0x0  }
0xda: {  	s13 =	sshrl.u32 s13, $0x1E;
	[sflag:s12] =	ssyncadd.s32 @!p1 $0xFFFFF800  }
0xdb: {  	s13 =	sadd.s32 s13, s8;
	v59 =	vld.idx.msk [tilespmem:v58+s19+$0x0], vm1  }
0xdc: {  	s12 =	sand.u32 $0xFFFFFFFC, s13;
	v60 =	vor.u32 $0x80, v58  }
0xdd: {  	s12 =	ssub.s32 s8, s12  }
0xde: {  	s12 =	sshll.u32 s12, $0xD  }
0xdf: {  	s12 =	sshra.s32 s12, $0x2  }
0xe0: {  	[tilespmem:v62+s12+$0x1C100] =	vst.idx.msk vm1, v59  }
0xe1: {  	v59 =	vld.idx.msk [tilespmem:v60+s19+$0x0], vm1  }
0xe2: {  	v61 =	vor.u32 $0x100, v58;
	_ =	sdelay $0x3  }
0xe3: {  	[tilespmem:v16+s12+$0x1C100] =	vst.idx.msk vm1, v59  }
0xe4: {  	v59 =	vld.idx.msk [tilespmem:v61+s19+$0x0], vm1  }
0xe5: {  	v17 =	vmovc v16;
	v16 =	vmov v15;
	v15 =	vmov v62;
	v62 =	vor.u32 $0x180, v58;
	_ =	sdelay $0x3  }
0xe6: {  	[tilespmem:v63+s12+$0x1C100] =	vst.idx.msk vm1, v59  }
0xe7: {  	v59 =	vld.idx.msk [tilespmem:v62+s19+$0x0], vm1  }
0xe8: {  	v18 =	vmov v63;
	v63 =	vor.u32 $0x200, v58;
	_ =	sdelay $0x3  }
0xe9: {  	[tilespmem:v9+s12+$0x1C100] =	vst.idx.msk vm1, v59  }
0xea: {  	v59 =	vld.idx.msk [tilespmem:v63+s19+$0x0], vm1  }
0xeb: {  	v4 =	vor.u32 $0x280, v58;
	_ =	sdelay $0x3  }
0xec: {  	[tilespmem:v10+s12+$0x1C100] =	vst.idx.msk vm1, v59  }
0xed: {  	v59 =	vld.idx.msk [tilespmem:v4+s19+$0x0], vm1  }
0xee: {  	v3 =	vor.u32 $0x300, v58;
	_ =	sdelay $0x3  }
0xef: {  	[tilespmem:v11+s12+$0x1C100] =	vst.idx.msk vm1, v59  }
0xf0: {  	v59 =	vld.idx.msk [tilespmem:v3+s19+$0x0], vm1  }
0xf1: {  	v6 =	vor.u32 $0x380, v58;
	_ =	sdelay $0x3  }
0xf2: {  	[tilespmem:v12+s12+$0x1C100] =	vst.idx.msk vm1, v59  }
0xf3: {  	v59 =	vld.idx.msk [tilespmem:v6+s19+$0x0], vm1  }
0xf4: {  	v7 =	vadd.s32 $0x1000, v58;
	_ =	sdelay $0x3  }
0xf5: {  	[tilespmem:v13+s12+$0x1C100] =	vst.idx.msk vm1, v59  }
0xf6: {  	v59 =	vld.idx.msk [tilespmem:v7+s19+$0x0], vm1  }
0xf7: {  	v8 =	vadd.s32 $0x1080, v58;
	_ =	sdelay $0x3  }
0xf8: {  	[tilespmem:v14+s12+$0x1C100] =	vst.idx.msk vm1, v59  }
0xf9: {  	v59 =	vld.idx.msk [tilespmem:v8+s19+$0x0], vm1  }
0xfa: {  	v9 =	vadd.s32 $0x1100, v58;
	_ =	sdelay $0x3  }
0xfb: {  	[tilespmem:v25+s12+$0x1C100] =	vst.idx.msk vm1, v59  }
0xfc: {  	v59 =	vld.idx.msk [tilespmem:v9+s19+$0x0], vm1  }
0xfd: {  	v10 =	vadd.s32 $0x1180, v58;
	_ =	sdelay $0x3  }
0xfe: {  	[tilespmem:v26+s12+$0x1C100] =	vst.idx.msk vm1, v59  }
0xff: {  	v59 =	vld.idx.msk [tilespmem:v10+s19+$0x0], vm1  }
0x100: {  	v11 =	vadd.s32 $0x1200, v58;
	_ =	sdelay $0x3  }
0x101: {  	[tilespmem:v27+s12+$0x1C100] =	vst.idx.msk vm1, v59  }
0x102: {  	v59 =	vld.idx.msk [tilespmem:v11+s19+$0x0], vm1  }
0x103: {  	v12 =	vadd.s32 $0x1280, v58;
	_ =	sdelay $0x3  }
0x104: {  	[tilespmem:v28+s12+$0x1C100] =	vst.idx.msk vm1, v59  }
0x105: {  	v59 =	vld.idx.msk [tilespmem:v12+s19+$0x0], vm1  }
0x106: {  	v13 =	vadd.s32 $0x1300, v58;
	_ =	sdelay $0x3  }
0x107: {  	[tilespmem:v29+s12+$0x1C100] =	vst.idx.msk vm1, v59  }
0x108: {  	v59 =	vld.idx.msk [tilespmem:v13+s19+$0x0], vm1  }
0x109: {  	v14 =	vadd.s32 $0x1380, v58;
	_ =	sdelay $0x3  }
0x10a: {  	[tilespmem:v30+s12+$0x1C100] =	vst.idx.msk vm1, v59  }
0x10b: {  	v59 =	vld.idx.msk [tilespmem:v14+s19+$0x0], vm1;
	_ =	sdelay $0x4  }
0x10c: {  	[tilespmem:v31+s12+$0x1C100] =	vst.idx.msk vm1, v59  }
0x10d: {  	v59 =	vld.idx.msk [tilespmem:v58+s20+$0x0], vm1;
	_ =	sdelay $0x4  }
0x10e: {  	[tilespmem:v32+s12+$0x1C100] =	vst.idx.msk vm1, v59  }
0x10f: {  	v59 =	vld.idx.msk [tilespmem:v60+s20+$0x0], vm1;
	_ =	sdelay $0x4  }
0x110: {  	[tilespmem:v33+s12+$0x1C100] =	vst.idx.msk vm1, v59  }
0x111: {  	v59 =	vld.idx.msk [tilespmem:v61+s20+$0x0], vm1;
	_ =	sdelay $0x4  }
0x112: {  	[tilespmem:v34+s12+$0x1C100] =	vst.idx.msk vm1, v59  }
0x113: {  	v59 =	vld.idx.msk [tilespmem:v62+s20+$0x0], vm1;
	_ =	sdelay $0x4  }
0x114: {  	[tilespmem:v35+s12+$0x1C100] =	vst.idx.msk vm1, v59  }
0x115: {  	v59 =	vld.idx.msk [tilespmem:v63+s20+$0x0], vm1;
	_ =	sdelay $0x4  }
0x116: {  	[tilespmem:v36+s12+$0x1C100] =	vst.idx.msk vm1, v59  }
0x117: {  	v4 =	vld.idx.msk [tilespmem:v4+s20+$0x0], vm1;
	_ =	sdelay $0x4  }
0x118: {  	[tilespmem:v37+s12+$0x1C100] =	vst.idx.msk vm1, v4  }
0x119: {  	v3 =	vld.idx.msk [tilespmem:v3+s20+$0x0], vm1;
	_ =	sdelay $0x4  }
0x11a: {  	[tilespmem:v38+s12+$0x1C100] =	vst.idx.msk vm1, v3  }
0x11b: {  	v3 =	vld.idx.msk [tilespmem:v6+s20+$0x0], vm1;
	_ =	sdelay $0x2  }
0x11c: {  	v4 =	vld [tilespmem:$0x1FE60];
	_ =	sdelay $0x1  }
0x11d: {  	[tilespmem:v39+s12+$0x1C100] =	vst.idx.msk vm1, v3  }
0x11e: {  	v3 =	vld.idx.msk [tilespmem:v7+s20+$0x0], vm1;
	_ =	sdelay $0x4  }
0x11f: {  	[tilespmem:v4+s12+$0x1C100] =	vst.idx.msk vm1, v3;
	v4 =	vld [tilespmem:$0x1FE70];
	_ =	sdelay $0x2  }
0x120: {  	v3 =	vld.idx.msk [tilespmem:v8+s20+$0x0], vm1;
	_ =	sdelay $0x4  }
0x121: {  	[tilespmem:v4+s12+$0x1C100] =	vst.idx.msk vm1, v3;
	v4 =	vld [tilespmem:$0x1FE80];
	_ =	sdelay $0x2  }
0x122: {  	v3 =	vld.idx.msk [tilespmem:v9+s20+$0x0], vm1;
	_ =	sdelay $0x4  }
0x123: {  	[tilespmem:v4+s12+$0x1C100] =	vst.idx.msk vm1, v3;
	v4 =	vld [tilespmem:$0x1FE90];
	_ =	sdelay $0x2  }
0x124: {  	v3 =	vld.idx.msk [tilespmem:v10+s20+$0x0], vm1;
	_ =	sdelay $0x4  }
0x125: {  	[tilespmem:v4+s12+$0x1C100] =	vst.idx.msk vm1, v3  }
0x126: {  	v3 =	vld.idx.msk [tilespmem:v11+s20+$0x0], vm1;
	_ =	sdelay $0x4  }
0x127: {  	[tilespmem:v44+s12+$0x1C100] =	vst.idx.msk vm1, v3  }
0x128: {  	v3 =	vld.idx.msk [tilespmem:v12+s20+$0x0], vm1;
	_ =	sdelay $0x4  }
0x129: {  	[tilespmem:v45+s12+$0x1C100] =	vst.idx.msk vm1, v3  }
0x12a: {  	v3 =	vld.idx.msk [tilespmem:v13+s20+$0x0], vm1;
	_ =	sdelay $0x4  }
0x12b: {  	[tilespmem:v46+s12+$0x1C100] =	vst.idx.msk vm1, v3  }
0x12c: {  	v3 =	vld.idx.msk [tilespmem:v14+s20+$0x0], vm1  }
0x12d: {  	v4 =	vadd.s32 $0x2000, v58;
	_ =	sdelay $0x3  }
0x12e: {  	[tilespmem:v47+s12+$0x1C100] =	vst.idx.msk vm1, v3  }
0x12f: {  	v3 =	vld.idx.msk [tilespmem:v4+s20+$0x0], vm1  }
0x130: {  	v4 =	vadd.s32 $0x2080, v58;
	_ =	sdelay $0x3  }
0x131: {  	[tilespmem:v48+s12+$0x1C100] =	vst.idx.msk vm1, v3  }
0x132: {  	v3 =	vld.idx.msk [tilespmem:v4+s20+$0x0], vm1  }
0x133: {  	v4 =	vadd.s32 $0x2100, v58;
	_ =	sdelay $0x3  }
0x134: {  	[tilespmem:v49+s12+$0x1C100] =	vst.idx.msk vm1, v3  }
0x135: {  	v3 =	vld.idx.msk [tilespmem:v4+s20+$0x0], vm1  }
0x136: {  	v4 =	vadd.s32 $0x2180, v58;
	_ =	sdelay $0x3  }
0x137: {  	[tilespmem:v50+s12+$0x1C100] =	vst.idx.msk vm1, v3  }
0x138: {  	v3 =	vld.idx.msk [tilespmem:v4+s20+$0x0], vm1  }
0x139: {  	v4 =	vadd.s32 $0x2200, v58;
	_ =	sdelay $0x3  }
0x13a: {  	[tilespmem:v51+s12+$0x1C100] =	vst.idx.msk vm1, v3  }
0x13b: {  	v3 =	vld.idx.msk [tilespmem:v4+s20+$0x0], vm1  }
0x13c: {  	v4 =	vadd.s32 $0x2280, v58;
	_ =	sdelay $0x3  }
0x13d: {  	[tilespmem:v52+s12+$0x1C100] =	vst.idx.msk vm1, v3  }
0x13e: {  	v3 =	vld.idx.msk [tilespmem:v4+s20+$0x0], vm1  }
0x13f: {  	v4 =	vadd.s32 $0x2300, v58;
	_ =	sdelay $0x3  }
0x140: {  	[tilespmem:v53+s12+$0x1C100] =	vst.idx.msk vm1, v3  }
0x141: {  	v3 =	vld.idx.msk [tilespmem:v4+s20+$0x0], vm1  }
0x142: {  	v4 =	vadd.s32 $0x2380, v58;
	_ =	sdelay $0x3  }
0x143: {  	[tilespmem:v19+s12+$0x1C100] =	vst.idx.msk vm1, v3  }
0x144: {  	v3 =	vld.idx.msk [tilespmem:v4+s20+$0x0], vm1  }
0x145: {  	v4 =	vadd.s32 $0x3000, v58;
	_ =	sdelay $0x3  }
0x146: {  	[tilespmem:v20+s12+$0x1C100] =	vst.idx.msk vm1, v3  }
0x147: {  	v3 =	vld.idx.msk [tilespmem:v4+s20+$0x0], vm1  }
0x148: {  	v4 =	vadd.s32 $0x3080, v58;
	_ =	sdelay $0x3  }
0x149: {  	[tilespmem:v21+s12+$0x1C100] =	vst.idx.msk vm1, v3  }
0x14a: {  	v3 =	vld.idx.msk [tilespmem:v4+s20+$0x0], vm1  }
0x14b: {  	v4 =	vadd.s32 $0x3100, v58;
	_ =	sdelay $0x3  }
0x14c: {  	[tilespmem:v22+s12+$0x1C100] =	vst.idx.msk vm1, v3  }
0x14d: {  	v3 =	vld.idx.msk [tilespmem:v4+s20+$0x0], vm1  }
0x14e: {  	v4 =	vadd.s32 $0x3180, v58;
	_ =	sdelay $0x3  }
0x14f: {  	[tilespmem:v23+s12+$0x1C100] =	vst.idx.msk vm1, v3  }
0x150: {  	v3 =	vld.idx.msk [tilespmem:v4+s20+$0x0], vm1  }
0x151: {  	v4 =	vadd.s32 $0x3200, v58;
	_ =	sdelay $0x3  }
0x152: {  	[tilespmem:v24+s12+$0x1C100] =	vst.idx.msk vm1, v3  }
0x153: {  	v3 =	vld.idx.msk [tilespmem:v4+s20+$0x0], vm1  }
0x154: {  	v4 =	vadd.s32 $0x3280, v58;
	_ =	sdelay $0x3  }
0x155: {  	[tilespmem:v40+s12+$0x1C100] =	vst.idx.msk vm1, v3  }
0x156: {  	v3 =	vld.idx.msk [tilespmem:v4+s20+$0x0], vm1  }
0x157: {  	v4 =	vadd.s32 $0x3300, v58;
	_ =	sdelay $0x3  }
0x158: {  	[tilespmem:v41+s12+$0x1C100] =	vst.idx.msk vm1, v3  }
0x159: {  	v3 =	vld.idx.msk [tilespmem:v4+s20+$0x0], vm1  }
0x15a: {  	v4 =	vadd.s32 $0x3380, v58;
	_ =	sdelay $0x3  }
0x15b: {  	[tilespmem:v42+s12+$0x1C100] =	vst.idx.msk vm1, v3  }
0x15c: {  	s7 =	sadd.s32 $0xFFFFFFFF, s7;
	v62 =	vmov v15;
	v15 =	vmov v16;
	v3 =	vand.u32 $0x3FFF, v57;
	v4 =	vld.idx.msk [tilespmem:v4+s20+$0x0], vm1  }
0x15d: {  	p1 =	sne.s32 s7, $0x0;
	v9 =	vld [tilespmem:$0x1FEA0];
	v3 =	vsel vm1, v3, v15  }
.Ltmp11:
0x15e: {  	v10 =	vld [tilespmem:$0x1FEB0];
	(pc) =	sbr.rel @p1 .LBB2_15-.Ltmp11, $4  }
0x15f: {  	v11 =	vld [tilespmem:$0x1FEC0]  }
0x160: {  	s21 =	sadd.s32 $0x10, s21;
	v12 =	vld [tilespmem:$0x1FED0]  }
0x161: {  	s22 =	sadd.s32 $0x10, s22;
	s8 =	sadd.s32 $0x1, s8;
	v13 =	vld [tilespmem:$0x1FEE0];
	[tilespmem:v43+s12+$0x1C100] =	vst.idx.msk vm1, v4;
	s12 =	sadd.s32 $0x1C100, s12  }
0x162: {  	v16 =	vmov v17;
	v63 =	vmov v18;
	v14 =	vld [tilespmem:$0x1FEF0];
	[hbm4b:s10+s9] =	stream.indirect_vreg.scatter [tilespmem:s12], [sflag:$0x3], $0x80, v3, vm0, $0xb8  }
.Ltmp12:
0x163: {  	_ = 	snop;
	(pc) =	sbr.rel .LBB2_16-.Ltmp12, $1  }
0x164: {  	_ =	sdelay $0x3  }
.LBB2_8:
.Ltmp13:
0x165: {  	(pc) =	sbr.rel .LBB2_12-.Ltmp13, $2  }
0x166: {  	_ =	sdelay $0x2  }
0x167: {  	s19 =	simm.s32 $0x0  }
.LBB2_10:
.Ltmp14:
0x168: {  	(pc) =	sbr.rel .LBB2_12-.Ltmp14, $2  }
0x169: {  	_ =	sdelay $0x2  }
0x16a: {  	s19 =	simm.s32 $0x0  }
.LBB2_17:
.Ltmp15:
0x16b: {  	(pc) =	sbr.rel @p0 .LBB2_24-.Ltmp15, $3  }
0x16c: {  	_ =	sdelay $0x1  }
0x16d: {  	v55 =	vimm.s32 $0x0  }
0x16e: {  	v6 =	vld [tilespmem:$0x1FF00];
	[tilespmem:$0x1E100] =	vst v55  }
0x16f: {  	p1 =	sne.s32 s0, $0x1  }
.Ltmp16:
0x170: {  	_ = 	snop;
	(pc) =	sbr.rel @!p1 .LBB2_19-.Ltmp16, $3  }
0x171: {  	_ =	sdelay $0x1  }
0x172: {  	s7 =	simm.s32 $0x800  }
0x173: {  	s1 =	simm.s32 $0x0;
	s0 =	sadd.s32 $0xFFFFFFFF, s0;
	p0 =	por $0x0, $0x0;
	v56 =	vld [tilespmem:s7+$0x0]  }
0x174: {  	_ =	sdelay $0x3  }
0x175: {  	v4 =	vor.u32 s1, v0;
	v3 =	vshra.s32 v56, $0xE  }
0x176: {  	vm1 =	vlt.s32 v4, v54;
	vm2 =	vge.s32 v3, v6  }
0x177: {  	vm1 =	vmand vm1, vm2  }
0x178: {  	v3 =	vsel vm1, $0x1, v5  }
0x179: {  	(xrf0) =	vadd.scan.msk.s32 $0xffff, v3;
	_ =	sdelay $0x5  }
0x17a: {  	v3, _, _ =	vpop (xrf0)  }
0x17b: {  	v4 =	vadd.s32 v3, v55  }
0x17c: {  	v4 =	vadd.s32 $0xFFFFFFFF, v4;
	_ =	sdelay $0x2  }
0x17d: {  	p1 =	sne.s32 s0, $0x1;
	v3 =	vbroadcast v3, $0xF  }
.Ltmp17:
0x17e: {  	_ = 	snop;
	(pc) =	sbr.rel @!p1 .LBB2_21-.Ltmp17, $4  }
0x17f: {  	v55 =	vadd.s32 v55, v3;
	[tilespmem:v4+s29+$0x0] =	vst.idx.msk vm1, v56  }
0x180: {  	s7 =	simm.s32 $0x810;
	[tilespmem:$0x1E100] =	vst v55  }
0x181: {  	v56 =	vld [tilespmem:s7+$0x0]  }
0x182: {  	s12 =	sadd.s32 $0xFFFFFFFF, s0;
	p0 =	por $0x1, $0x1;
	s0 =	simm.s32 $0x0  }
.LBB2_22:
0x183: {  	p1 =	sne.s32 s12, $0x1;
	_ =	sdelay $0x1  }
0x184: {  	s0 =	sadd.s32 $0x10, s0  }
0x185: {  	v4 =	vor.u32 s0, v0;
	v3 =	vshra.s32 v56, $0xE  }
0x186: {  	vm1 =	vlt.s32 v4, v54;
	vm2 =	vge.s32 v3, v6  }
0x187: {  	vm1 =	vmand vm1, vm2  }
0x188: {  	v3 =	vsel vm1, $0x1, v5  }
0x189: {  	(xrf0) =	vadd.scan.msk.s32 $0xffff, v3;
	_ =	sdelay $0x5  }
0x18a: {  	v3, _, _ =	vpop (xrf0)  }
0x18b: {  	v4 =	vadd.s32 v3, v55  }
0x18c: {  	v4 =	vadd.s32 $0xFFFFFFFF, v4;
	_ =	sdelay $0x2  }
0x18d: {  	v3 =	vbroadcast v3, $0xF  }
.Ltmp18:
0x18e: {  	(pc) =	sbr.rel @p1 .LBB2_22-.Ltmp18, $4  }
0x18f: {  	v55 =	vadd.s32 v55, v3;
	[tilespmem:v4+s29+$0x0] =	vst.idx.msk vm1, v56  }
0x190: {  	s7 =	sadd.s32 $0x10, s7;
	[tilespmem:$0x1E100] =	vst v55  }
0x191: {  	v56 =	vld [tilespmem:s7+$0x0]  }
0x192: {  	s12 =	sadd.s32 $0xFFFFFFFF, s12  }
.LBB2_23:
0x193: {  	_ = 	snop  }
0x194: {  	s0 =	sadd.s32 @p0 $0x10, s0  }
0x195: {  	s1 =	smov.u32 @p0 s0  }
0x196: {  	v4 =	vor.u32 s1, v0;
	v3 =	vshra.s32 v56, $0xE  }
0x197: {  	vm1 =	vlt.s32 v4, v54;
	vm2 =	vge.s32 v3, v6  }
0x198: {  	vm1 =	vmand vm1, vm2  }
0x199: {  	v3 =	vsel vm1, $0x1, v5  }
0x19a: {  	(xrf0) =	vadd.scan.msk.s32 $0xffff, v3;
	_ =	sdelay $0x5  }
0x19b: {  	v3, _, _ =	vpop (xrf0)  }
0x19c: {  	v4 =	vadd.s32 v3, v55  }
0x19d: {  	v4 =	vadd.s32 $0xFFFFFFFF, v4;
	_ =	sdelay $0x2  }
0x19e: {  	v3 =	vbroadcast v3, $0xF;
	_ =	sdelay $0x1  }
0x19f: {  	v55 =	vadd.s32 v55, v3;
	[tilespmem:v4+s29+$0x0] =	vst.idx.msk vm1, v56  }
0x1a0: {  	[tilespmem:$0x1E100] =	vst v55  }
.LBB2_24:
0x1a1: {  	(v2sf) =	vpush v55, $0x0;
	_ =	sdelay $0xe  }
0x1a2: {  	s0 =	spop (v2sf)  }
0x1a3: {  	s0 =	sadd.s32 $0xF, s0  }
0x1a4: {  	s0 =	sshra.s32 s0, $0x4  }
0x1a5: {  	p0 =	slt.s32 s0, $0x1  }
.Ltmp19:
0x1a6: {  	_ = 	snop;
	(pc) =	sbr.rel @p0 .LBB2_27-.Ltmp19, $1  }
0x1a7: {  	_ =	sdelay $0x3  }
0x1a8: {  	v17 =	vld [tilespmem:$0x1FF10]  }
0x1a9: {  	v18 =	vld [tilespmem:$0x1FF20]  }
0x1aa: {  	v25 =	vld [tilespmem:$0x1FF30]  }
0x1ab: {  	v26 =	vld [tilespmem:$0x1FF40]  }
0x1ac: {  	v27 =	vld [tilespmem:$0x1FF50]  }
0x1ad: {  	v28 =	vld [tilespmem:$0x1FF60]  }
0x1ae: {  	v29 =	vld [tilespmem:$0x1FF70]  }
0x1af: {  	v30 =	vld [tilespmem:$0x1FF80]  }
0x1b0: {  	v31 =	vld [tilespmem:$0x1FF90]  }
0x1b1: {  	v32 =	vld [tilespmem:$0x1FFA0]  }
0x1b2: {  	v33 =	vld [tilespmem:$0x1FFB0]  }
0x1b3: {  	v34 =	vld [tilespmem:$0x1FFC0]  }
0x1b4: {  	v35 =	vld [tilespmem:$0x1FFD0]  }
0x1b5: {  	v36 =	vld [tilespmem:$0x1FFE0]  }
0x1b6: {  	v54 =	vbroadcast v55, $0x0;
	s1 =	simm.s32 $0x4880;
	s7 =	simm.s32 $0x0;
	v37 =	vld [tilespmem:$0x1FFF0]  }
.LBB2_26:
0x1b7: {  	v55 =	vld [tilespmem:s1+$0x0];
	_ =	sdelay $0x4  }
0x1b8: {  	v3 =	vor.u32 s7, v0;
	v4 =	vshra.s32 v55, $0xE  }
0x1b9: {  	vm1 =	vlt.s32 v3, v54;
	v3 =	vsub.s32 v4, v6  }
0x1ba: {  	p0 =	slt.s32 s8, $0x4;
	v56 =	vnsel vm1, $0x0, v3  }
0x1bb: {  	s12 =	simm.s32 @!p0 $0x3  }
0x1bc: {  	_ =	swait.ge @!p0 [sflag:s12], $0x800  }
0x1bd: {  	s13 =	sshra.s32 s8, $0x1F;
	[sflag:s12] =	ssyncset.done @!p0 $0x0  }
0x1be: {  	s13 =	sshrl.u32 s13, $0x1E;
	[sflag:s12] =	ssyncadd.s32 @!p0 $0xFFFFF800  }
0x1bf: {  	s22 =	sadd.s32 s13, s8;
	v3 =	vld.idx.msk [tilespmem:v56+s23+$0x0], vm1  }
0x1c0: {  	s12 =	sand.u32 $0xFFFFFFFC, s22;
	v4 =	vadd.s32 $0x80, v56  }
0x1c1: {  	s12 =	ssub.s32 s8, s12  }
0x1c2: {  	s12 =	sshll.u32 s12, $0xD  }
0x1c3: {  	s12 =	sshra.s32 s12, $0x2  }
0x1c4: {  	[tilespmem:v62+s12+$0x1C100] =	vst.idx.msk vm1, v3  }
0x1c5: {  	v3 =	vld.idx.msk [tilespmem:v4+s23+$0x0], vm1  }
0x1c6: {  	v6 =	vadd.s32 $0x100, v56;
	_ =	sdelay $0x3  }
0x1c7: {  	[tilespmem:v16+s12+$0x1C100] =	vst.idx.msk vm1, v3  }
0x1c8: {  	v3 =	vld.idx.msk [tilespmem:v6+s23+$0x0], vm1  }
0x1c9: {  	v7 =	vadd.s32 $0x180, v56;
	_ =	sdelay $0x3  }
0x1ca: {  	[tilespmem:v63+s12+$0x1C100] =	vst.idx.msk vm1, v3  }
0x1cb: {  	v3 =	vld.idx.msk [tilespmem:v7+s23+$0x0], vm1  }
0x1cc: {  	v8 =	vadd.s32 $0x200, v56;
	_ =	sdelay $0x3  }
0x1cd: {  	[tilespmem:v9+s12+$0x1C100] =	vst.idx.msk vm1, v3  }
0x1ce: {  	v3 =	vld.idx.msk [tilespmem:v8+s23+$0x0], vm1  }
0x1cf: {  	v9 =	vadd.s32 $0x280, v56;
	_ =	sdelay $0x3  }
0x1d0: {  	[tilespmem:v10+s12+$0x1C100] =	vst.idx.msk vm1, v3  }
0x1d1: {  	v3 =	vld.idx.msk [tilespmem:v9+s23+$0x0], vm1  }
0x1d2: {  	v10 =	vadd.s32 $0x300, v56;
	_ =	sdelay $0x3  }
0x1d3: {  	[tilespmem:v11+s12+$0x1C100] =	vst.idx.msk vm1, v3  }
0x1d4: {  	v3 =	vld.idx.msk [tilespmem:v10+s23+$0x0], vm1  }
0x1d5: {  	v11 =	vadd.s32 $0x380, v56;
	_ =	sdelay $0x3  }
0x1d6: {  	[tilespmem:v12+s12+$0x1C100] =	vst.idx.msk vm1, v3  }
0x1d7: {  	v3 =	vld.idx.msk [tilespmem:v11+s23+$0x0], vm1  }
0x1d8: {  	v12 =	vadd.s32 $0x400, v56;
	_ =	sdelay $0x3  }
0x1d9: {  	[tilespmem:v13+s12+$0x1C100] =	vst.idx.msk vm1, v3  }
0x1da: {  	v3 =	vld.idx.msk [tilespmem:v12+s23+$0x0], vm1  }
0x1db: {  	v13 =	vadd.s32 $0x480, v56;
	_ =	sdelay $0x3  }
0x1dc: {  	[tilespmem:v14+s12+$0x1C100] =	vst.idx.msk vm1, v3  }
0x1dd: {  	v3 =	vld.idx.msk [tilespmem:v13+s23+$0x0], vm1  }
0x1de: {  	v14 =	vadd.s32 $0x500, v56;
	_ =	sdelay $0x3  }
0x1df: {  	[tilespmem:v17+s12+$0x1C100] =	vst.idx.msk vm1, v3  }
0x1e0: {  	v3 =	vld.idx.msk [tilespmem:v14+s23+$0x0], vm1  }
0x1e1: {  	v57 =	vadd.s32 $0x580, v56;
	_ =	sdelay $0x3  }
0x1e2: {  	[tilespmem:v18+s12+$0x1C100] =	vst.idx.msk vm1, v3  }
0x1e3: {  	v3 =	vld.idx.msk [tilespmem:v57+s23+$0x0], vm1  }
0x1e4: {  	v58 =	vadd.s32 $0x600, v56;
	_ =	sdelay $0x3  }
0x1e5: {  	[tilespmem:v25+s12+$0x1C100] =	vst.idx.msk vm1, v3  }
0x1e6: {  	v3 =	vld.idx.msk [tilespmem:v58+s23+$0x0], vm1  }
0x1e7: {  	v59 =	vadd.s32 $0x680, v56;
	_ =	sdelay $0x3  }
0x1e8: {  	[tilespmem:v26+s12+$0x1C100] =	vst.idx.msk vm1, v3  }
0x1e9: {  	v3 =	vld.idx.msk [tilespmem:v59+s23+$0x0], vm1  }
0x1ea: {  	v60 =	vadd.s32 $0x700, v56;
	_ =	sdelay $0x3  }
0x1eb: {  	[tilespmem:v27+s12+$0x1C100] =	vst.idx.msk vm1, v3  }
0x1ec: {  	v3 =	vld.idx.msk [tilespmem:v60+s23+$0x0], vm1  }
0x1ed: {  	v61 =	vadd.s32 $0x780, v56;
	_ =	sdelay $0x3  }
0x1ee: {  	[tilespmem:v28+s12+$0x1C100] =	vst.idx.msk vm1, v3  }
0x1ef: {  	v3 =	vld.idx.msk [tilespmem:v61+s23+$0x0], vm1;
	_ =	sdelay $0x4  }
0x1f0: {  	[tilespmem:v29+s12+$0x1C100] =	vst.idx.msk vm1, v3  }
0x1f1: {  	v3 =	vld.idx.msk [tilespmem:v56+s25+$0x0], vm1;
	_ =	sdelay $0x4  }
0x1f2: {  	[tilespmem:v30+s12+$0x1C100] =	vst.idx.msk vm1, v3  }
0x1f3: {  	v3 =	vld.idx.msk [tilespmem:v4+s25+$0x0], vm1;
	_ =	sdelay $0x4  }
0x1f4: {  	[tilespmem:v31+s12+$0x1C100] =	vst.idx.msk vm1, v3  }
0x1f5: {  	v3 =	vld.idx.msk [tilespmem:v6+s25+$0x0], vm1;
	_ =	sdelay $0x4  }
0x1f6: {  	[tilespmem:v32+s12+$0x1C100] =	vst.idx.msk vm1, v3  }
0x1f7: {  	v3 =	vld.idx.msk [tilespmem:v7+s25+$0x0], vm1;
	_ =	sdelay $0x4  }
0x1f8: {  	[tilespmem:v33+s12+$0x1C100] =	vst.idx.msk vm1, v3  }
0x1f9: {  	v3 =	vld.idx.msk [tilespmem:v8+s25+$0x0], vm1;
	_ =	sdelay $0x4  }
0x1fa: {  	[tilespmem:v34+s12+$0x1C100] =	vst.idx.msk vm1, v3  }
0x1fb: {  	v3 =	vld.idx.msk [tilespmem:v9+s25+$0x0], vm1;
	_ =	sdelay $0x4  }
0x1fc: {  	[tilespmem:v35+s12+$0x1C100] =	vst.idx.msk vm1, v3  }
0x1fd: {  	v3 =	vld.idx.msk [tilespmem:v10+s25+$0x0], vm1;
	_ =	sdelay $0x4  }
0x1fe: {  	[tilespmem:v36+s12+$0x1C100] =	vst.idx.msk vm1, v3  }
0x1ff: {  	v3 =	vld.idx.msk [tilespmem:v11+s25+$0x0], vm1;
	_ =	sdelay $0x2  }
0x200: {  	v4 =	vld [tilespmem:$0x1FE60];
	_ =	sdelay $0x1  }
0x201: {  	[tilespmem:v37+s12+$0x1C100] =	vst.idx.msk vm1, v3  }
0x202: {  	v3 =	vld.idx.msk [tilespmem:v12+s25+$0x0], vm1;
	_ =	sdelay $0x4  }
0x203: {  	[tilespmem:v4+s12+$0x1C100] =	vst.idx.msk vm1, v3;
	v4 =	vld [tilespmem:$0x1FE70];
	_ =	sdelay $0x2  }
0x204: {  	v3 =	vld.idx.msk [tilespmem:v13+s25+$0x0], vm1;
	_ =	sdelay $0x4  }
0x205: {  	[tilespmem:v4+s12+$0x1C100] =	vst.idx.msk vm1, v3;
	v4 =	vld [tilespmem:$0x1FE80];
	_ =	sdelay $0x2  }
0x206: {  	v3 =	vld.idx.msk [tilespmem:v14+s25+$0x0], vm1;
	_ =	sdelay $0x4  }
0x207: {  	[tilespmem:v4+s12+$0x1C100] =	vst.idx.msk vm1, v3;
	v4 =	vld [tilespmem:$0x1FE90];
	_ =	sdelay $0x2  }
0x208: {  	v3 =	vld.idx.msk [tilespmem:v57+s25+$0x0], vm1;
	_ =	sdelay $0x4  }
0x209: {  	[tilespmem:v4+s12+$0x1C100] =	vst.idx.msk vm1, v3  }
0x20a: {  	v3 =	vld.idx.msk [tilespmem:v58+s25+$0x0], vm1;
	_ =	sdelay $0x4  }
0x20b: {  	[tilespmem:v44+s12+$0x1C100] =	vst.idx.msk vm1, v3  }
0x20c: {  	v3 =	vld.idx.msk [tilespmem:v59+s25+$0x0], vm1;
	_ =	sdelay $0x4  }
0x20d: {  	[tilespmem:v45+s12+$0x1C100] =	vst.idx.msk vm1, v3  }
0x20e: {  	v3 =	vld.idx.msk [tilespmem:v60+s25+$0x0], vm1;
	_ =	sdelay $0x4  }
0x20f: {  	[tilespmem:v46+s12+$0x1C100] =	vst.idx.msk vm1, v3  }
0x210: {  	v3 =	vld.idx.msk [tilespmem:v61+s25+$0x0], vm1  }
0x211: {  	v4 =	vadd.s32 $0x800, v56;
	_ =	sdelay $0x3  }
0x212: {  	[tilespmem:v47+s12+$0x1C100] =	vst.idx.msk vm1, v3  }
0x213: {  	v3 =	vld.idx.msk [tilespmem:v4+s25+$0x0], vm1  }
0x214: {  	v4 =	vadd.s32 $0x880, v56;
	_ =	sdelay $0x3  }
0x215: {  	[tilespmem:v48+s12+$0x1C100] =	vst.idx.msk vm1, v3  }
0x216: {  	v3 =	vld.idx.msk [tilespmem:v4+s25+$0x0], vm1  }
0x217: {  	v4 =	vadd.s32 $0x900, v56;
	_ =	sdelay $0x3  }
0x218: {  	[tilespmem:v49+s12+$0x1C100] =	vst.idx.msk vm1, v3  }
0x219: {  	v3 =	vld.idx.msk [tilespmem:v4+s25+$0x0], vm1  }
0x21a: {  	v4 =	vadd.s32 $0x980, v56;
	_ =	sdelay $0x3  }
0x21b: {  	[tilespmem:v50+s12+$0x1C100] =	vst.idx.msk vm1, v3  }
0x21c: {  	v3 =	vld.idx.msk [tilespmem:v4+s25+$0x0], vm1  }
0x21d: {  	v4 =	vadd.s32 $0xA00, v56;
	_ =	sdelay $0x3  }
0x21e: {  	[tilespmem:v51+s12+$0x1C100] =	vst.idx.msk vm1, v3  }
0x21f: {  	v3 =	vld.idx.msk [tilespmem:v4+s25+$0x0], vm1  }
0x220: {  	v4 =	vadd.s32 $0xA80, v56;
	_ =	sdelay $0x3  }
0x221: {  	[tilespmem:v52+s12+$0x1C100] =	vst.idx.msk vm1, v3  }
0x222: {  	v3 =	vld.idx.msk [tilespmem:v4+s25+$0x0], vm1  }
0x223: {  	v4 =	vadd.s32 $0xB00, v56;
	_ =	sdelay $0x3  }
0x224: {  	[tilespmem:v53+s12+$0x1C100] =	vst.idx.msk vm1, v3  }
0x225: {  	v3 =	vld.idx.msk [tilespmem:v4+s25+$0x0], vm1  }
0x226: {  	v4 =	vadd.s32 $0xB80, v56;
	_ =	sdelay $0x3  }
0x227: {  	[tilespmem:v19+s12+$0x1C100] =	vst.idx.msk vm1, v3  }
0x228: {  	v3 =	vld.idx.msk [tilespmem:v4+s25+$0x0], vm1  }
0x229: {  	v4 =	vadd.s32 $0xC00, v56;
	_ =	sdelay $0x3  }
0x22a: {  	[tilespmem:v20+s12+$0x1C100] =	vst.idx.msk vm1, v3  }
0x22b: {  	v3 =	vld.idx.msk [tilespmem:v4+s25+$0x0], vm1  }
0x22c: {  	v4 =	vadd.s32 $0xC80, v56;
	_ =	sdelay $0x3  }
0x22d: {  	[tilespmem:v21+s12+$0x1C100] =	vst.idx.msk vm1, v3  }
0x22e: {  	v3 =	vld.idx.msk [tilespmem:v4+s25+$0x0], vm1  }
0x22f: {  	v4 =	vadd.s32 $0xD00, v56;
	_ =	sdelay $0x3  }
0x230: {  	[tilespmem:v22+s12+$0x1C100] =	vst.idx.msk vm1, v3  }
0x231: {  	v3 =	vld.idx.msk [tilespmem:v4+s25+$0x0], vm1  }
0x232: {  	v4 =	vadd.s32 $0xD80, v56;
	_ =	sdelay $0x3  }
0x233: {  	[tilespmem:v23+s12+$0x1C100] =	vst.idx.msk vm1, v3  }
0x234: {  	v3 =	vld.idx.msk [tilespmem:v4+s25+$0x0], vm1  }
0x235: {  	v4 =	vadd.s32 $0xE00, v56;
	_ =	sdelay $0x3  }
0x236: {  	[tilespmem:v24+s12+$0x1C100] =	vst.idx.msk vm1, v3  }
0x237: {  	v3 =	vld.idx.msk [tilespmem:v4+s25+$0x0], vm1  }
0x238: {  	v4 =	vadd.s32 $0xE80, v56;
	_ =	sdelay $0x3  }
0x239: {  	[tilespmem:v40+s12+$0x1C100] =	vst.idx.msk vm1, v3  }
0x23a: {  	v3 =	vld.idx.msk [tilespmem:v4+s25+$0x0], vm1  }
0x23b: {  	v4 =	vadd.s32 $0xF00, v56;
	_ =	sdelay $0x3  }
0x23c: {  	[tilespmem:v41+s12+$0x1C100] =	vst.idx.msk vm1, v3  }
0x23d: {  	v3 =	vld.idx.msk [tilespmem:v4+s25+$0x0], vm1  }
0x23e: {  	v4 =	vadd.s32 $0xF80, v56;
	_ =	sdelay $0x3  }
0x23f: {  	v6 =	vld [tilespmem:$0x1FF00];
	[tilespmem:v42+s12+$0x1C100] =	vst.idx.msk vm1, v3  }
0x240: {  	s0 =	sadd.s32 $0xFFFFFFFF, s0;
	v3 =	vand.u32 $0x3FFF, v55;
	v4 =	vld.idx.msk [tilespmem:v4+s25+$0x0], vm1  }
0x241: {  	p0 =	sne.s32 s0, $0x0;
	v9 =	vld [tilespmem:$0x1FEA0];
	v3 =	vsel vm1, v3, v15  }
.Ltmp20:
0x242: {  	v10 =	vld [tilespmem:$0x1FEB0];
	(pc) =	sbr.rel @p0 .LBB2_26-.Ltmp20, $4  }
0x243: {  	v11 =	vld [tilespmem:$0x1FEC0]  }
0x244: {  	s1 =	sadd.s32 $0x10, s1;
	v12 =	vld [tilespmem:$0x1FED0]  }
0x245: {  	s7 =	sadd.s32 $0x10, s7;
	s8 =	sadd.s32 $0x1, s8;
	v13 =	vld [tilespmem:$0x1FEE0];
	[tilespmem:v43+s12+$0x1C100] =	vst.idx.msk vm1, v4;
	s12 =	sadd.s32 $0x1C100, s12  }
0x246: {  	v14 =	vld [tilespmem:$0x1FEF0];
	[hbm4b:s10+s9] =	stream.indirect_vreg.scatter [tilespmem:s12], [sflag:$0x3], $0x80, v3, vm0, $0xb8  }
.LBB2_27:
0x247: {  	p0 =	slt.s32 s8, $0x1  }
.Ltmp21:
0x248: {  	_ = 	snop;
	(pc) =	sbr.rel @p0 .LBB2_31-.Ltmp21, $1  }
0x249: {  	_ =	sdelay $0x3  }
0x24a: {  	p0 =	slt.s32 s8, $0x4  }
0x24b: {  	s8 =	simm.s32 @!p0 $0x4  }
0x24c: {  	p0 =	sne.s32 s8, $0x1  }
.Ltmp22:
0x24d: {  	_ = 	snop;
	(pc) =	sbr.rel @!p0 .LBB2_30-.Ltmp22, $3  }
0x24e: {  	_ =	sdelay $0x1  }
0x24f: {  	_ =	swait.ge [sflag:s30], $0x800  }
0x250: {  	[sflag:s30] =	ssyncset.done $0x0;
	s0 =	sadd.s32 $0xFFFFFFFF, s8  }
.LBB2_29:
0x251: {  	p0 =	sne.s32 s0, $0x1;
	s0 =	sadd.s32 $0xFFFFFFFF, s0;
	[sflag:s30] =	ssyncadd.s32 $0xFFFFF800  }
.Ltmp23:
0x252: {  	(pc) =	sbr.rel @p0 .LBB2_29-.Ltmp23, $3  }
0x253: {  	_ =	sdelay $0x1  }
0x254: {  	_ =	swait.ge [sflag:s30], $0x800  }
0x255: {  	[sflag:s30] =	ssyncset.done $0x0  }
.Ltmp24:
0x256: {  	_ = 	snop;
	(pc) =	sbr.rel .LBB2_30-.Ltmp24, $1  }
0x257: {  	_ =	sdelay $0x3  }
.LBB2_19:
.Ltmp25:
0x258: {  	(pc) =	sbr.rel .LBB2_23-.Ltmp25, $2  }
0x259: {  	_ =	sdelay $0x2  }
0x25a: {  	s0 =	simm.s32 $0x0  }
.LBB2_21:
.Ltmp26:
0x25b: {  	(pc) =	sbr.rel .LBB2_23-.Ltmp26, $2  }
0x25c: {  	_ =	sdelay $0x2  }
0x25d: {  	s0 =	simm.s32 $0x0  }
.LBB2_32:
0x25e: {  	_ =	sfence.sel $0x180000  }
0x25f: {  	[bflag:$0x0] =	sbarrier.arrive $0xFFFF  }
0x260: {  	_ =	strace $0x90000047  }
0x261: {  	s0 =	stileid.u32;
	[bflag:$0x2] =	sbarrier.arrive $0xFFFF  }
0x262: {  	p0 =	sne.s32 s0, $0x0;
	s0 =	rddreg [dreg:$0x6]  }
0x263: {  	s0 =	sadd.s32 @!p0 $0x100000, s0  }
0x264: {  	[sflag:s0] =	ssyncadd.tile.s32 @!p0 $0x1;
	_ =	shalt  }
.Lfunc_end2:
_tile_overlayer_lowered:
.L_overlay_start_2:
0x265: {  	(tag) =	ssettag $0x2  }
0x266: {  	s0 =	rddreg [dreg:$0x0];
	s2 =	stileid.u32  }
0x267: {  	s1 =	rddreg [dreg:$0x1];
	p0 =	sne.s32 s2, $0x0  }
0x268: {  	s3 =	rddreg [dreg:$0x2];
	[bflag:$0x3] =	sbarrier.arrive $0xFFFF;
	s2 =	simm.s32 @!p0 $0x1C04  }
0x269: {  	[timem:s3], [sflag:s2] =	dma.local @!p0 [hbm:s0], s1  }
0x26a: {  	s0 =	simm.s32 @!p0 $0x4  }
0x26b: {  	_ =	swait.ge @!p0 [sflag:s0], s1  }
0x26c: {  	s1 =	ssub.s32 @!p0 $0x0, s1;
	[sflag:s0] =	ssyncset.done @!p0 $0x0  }
0x26d: {  	[sflag:s0] =	ssyncadd.s32 @!p0 s1  }
0x26e: {  	[bflag:$0x3] =	sbarrier.arrive $0xFFFF  }
0x26f: {  	_ =	shalt  }

</sc_bundles>
